<compile_context>
chip_gen: v7x
topology: tpu7x:2x2x1
jax: 0.10.2.dev20260603
libtpu: 0.0.44.dev20260713+nightly
codegen_flags: <defaults>
</compile_context>

<pallas_src>
import functools

import jax
import jax.numpy as jnp
from jax import lax
from jax.experimental import pallas as pl
from jax.experimental.pallas import tpu as pltpu
from jax.experimental.pallas import tpu_sc as plsc

_B, _N, _S, _D = 8, 2048, 64, 128

_NC, _NS = 2, 16
_NW = _NC * _NS
_CH = 4


def _make_sc_body(nb, boff):
  rpw = (nb * _N) // _NW
  cpw = rpw // _CH
  wpb = _NW // nb
  ncolw = (nb * _S) // 16

  def body(dm_ref, idx_ref, rowg_ref, colg_ref,
           idx_v, idxc_v, cid_v, inbuf0, inbuf1, inbuf2, inbuf3,
           outbuf, colbuf, sem0, sem1, sem2, sem3, semc):
    c = lax.axis_index("c")
    s = lax.axis_index("s")
    wid = s * _NC + c
    b = wid // wpb
    row0 = boff * _N + wid * rpw

    pltpu.sync_copy(idx_ref.at[pl.ds((boff + b) * _S, _S)], idx_v)
    ivs = [idx_v[pl.ds(k * 16, 16)] for k in range(4)]

    @pl.when(wid < ncolw)
    def _():
      bc = wid // (_S // 16)
      pltpu.sync_copy(idx_ref.at[pl.ds((boff + bc) * _S, _S)], idxc_v)
      cid_v[...] = idxc_v[pl.ds((wid % (_S // 16)) * 16, 16)] + (
          (boff + bc) * _N)
      pltpu.async_copy(dm_ref.at[cid_v], colbuf, semc)

    bufs = (inbuf0, inbuf1, inbuf2, inbuf3)
    sems = (sem0, sem1, sem2, sem3)
    nbuf = 4

    def _start(g, t):
      pltpu.async_copy(dm_ref.at[pl.ds(row0 + g * _CH, _CH)], bufs[t],
                       sems[t])

    def _wait(g, t):
      pltpu.make_async_copy(dm_ref.at[pl.ds(row0 + g * _CH, _CH)],
                            bufs[t], sems[t]).wait()

    for g in range(nbuf - 1):
      _start(g, g)

    def chunk4(gg, carry):
      for t in range(nbuf):
        g = gg * nbuf + t

        @pl.when(g + nbuf - 1 < cpw)
        def _():
          _start(g + nbuf - 1, (t + nbuf - 1) % nbuf)

        _wait(g, t)
        for r in range(_CH):
          rvec = jnp.full((16,), r, jnp.int32)
          for k in range(4):
            outbuf[g * _CH + r, pl.ds(k * 16, 16)] = (
                plsc.load_gather(bufs[t], [rvec, ivs[k]]))
      return carry

    lax.fori_loop(0, cpw // nbuf, chunk4, 0)
    pltpu.sync_copy(outbuf, rowg_ref.at[pl.ds(wid * rpw, rpw)])

    @pl.when(wid < ncolw)
    def _():
      pltpu.make_async_copy(dm_ref.at[cid_v], colbuf, semc).wait()
      pltpu.sync_copy(colbuf, colg_ref.at[pl.ds(wid * 16, 16)])

  return body


def _sc_gather(dm2, idxflat, nb, boff):
  mesh = plsc.VectorSubcoreMesh(core_axis_name="c", subcore_axis_name="s",
                                num_cores=_NC, num_subcores=_NS)
  rpw = (nb * _N) // _NW
  f = pl.kernel(
      _make_sc_body(nb, boff),
      out_type=[
          jax.ShapeDtypeStruct((nb * _N, _S), jnp.float32),
          jax.ShapeDtypeStruct((nb * _S, _N), jnp.float32),
      ],
      mesh=mesh,
      scratch_types=[
          pltpu.VMEM((_S,), jnp.int32),
          pltpu.VMEM((_S,), jnp.int32),
          pltpu.VMEM((16,), jnp.int32),
          pltpu.VMEM((_CH, _N), jnp.float32),
          pltpu.VMEM((_CH, _N), jnp.float32),
          pltpu.VMEM((_CH, _N), jnp.float32),
          pltpu.VMEM((_CH, _N), jnp.float32),
          pltpu.VMEM((rpw, _S), jnp.float32),
          pltpu.VMEM((16, _N), jnp.float32),
          pltpu.SemaphoreType.DMA,
          pltpu.SemaphoreType.DMA,
          pltpu.SemaphoreType.DMA,
          pltpu.SemaphoreType.DMA,
          pltpu.SemaphoreType.DMA,
      ],
      compiler_params=pltpu.CompilerParams(needs_layout_passes=False),
      cost_estimate=pl.CostEstimate(
          flops=0,
          bytes_accessed=nb * _N * _N * 4 + nb * (_N + _S) * _S * 8,
          transcendentals=0,
      ),
  )
  return f(dm2, idxflat)


_RB = 2048
_PREC = lax.Precision.HIGHEST


def _xor_perm(j):
  r = lax.broadcasted_iota(jnp.int32, (_S, _S), 0)
  c = lax.broadcasted_iota(jnp.int32, (_S, _S), 1)
  return ((r ^ j) == c).astype(jnp.float32)


def _bitonic_sort_lanes(x, use_mxu):
  lane = lax.broadcasted_iota(jnp.int32, (1, _S), 1)
  k = 2
  while k <= _S:
    j = k // 2
    while j >= 1:
      lower = (lane & j) == 0
      if use_mxu:
        xp = lax.dot_general(x, _xor_perm(j), (((1,), (0,)), ((), ())),
                             preferred_element_type=jnp.float32)
      else:
        xp = jnp.where(lower,
                       pltpu.roll(x, _S - j, 1),
                       pltpu.roll(x, j, 1))
      take_min = lower == ((lane & k) == 0)
      x = jnp.where(take_min, jnp.minimum(x, xp), jnp.maximum(x, xp))
      j //= 2
    k *= 2
  return x


def _tc_body(rowg_ref, colg_ref, wr_ref, br_ref, wc_ref, bc_ref,
             row_out_ref, col_out_ref):
  cg = jnp.transpose(colg_ref[0], (1, 0))
  xs = _bitonic_sort_lanes(
      jnp.concatenate([rowg_ref[0], cg], axis=0), use_mxu=True)
  rs = xs[:_RB]
  cs = xs[_RB:]
  remb = lax.dot_general(rs, wr_ref[...], (((1,), (1,)), ((), ())),
                         preferred_element_type=jnp.float32,
                         precision=_PREC)
  row_out_ref[0] = remb + br_ref[...]
  cemb = lax.dot_general(cs, wc_ref[...], (((1,), (1,)), ((), ())),
                         preferred_element_type=jnp.float32,
                         precision=_PREC)
  col_out_ref[0] = cemb + bc_ref[...]


def _tc_sort_embed(rowg3, colg3, Wr, br2, Wc, bc2, Bv):
  grid = (Bv, _N // _RB)
  return pl.pallas_call(
      _tc_body,
      grid=grid,
      in_specs=[
          pl.BlockSpec((1, _RB, _S), lambda b, i: (b, i, 0)),
          pl.BlockSpec((1, _S, _RB), lambda b, i: (b, 0, i)),
          pl.BlockSpec((_D, _S), lambda b, i: (0, 0)),
          pl.BlockSpec((1, _D), lambda b, i: (0, 0)),
          pl.BlockSpec((_D, _S), lambda b, i: (0, 0)),
          pl.BlockSpec((1, _D), lambda b, i: (0, 0)),
      ],
      out_specs=[
          pl.BlockSpec((1, _RB, _D), lambda b, i: (b, i, 0)),
          pl.BlockSpec((1, _RB, _D), lambda b, i: (b, i, 0)),
      ],
      out_shape=[
          jax.ShapeDtypeStruct((Bv, _N, _D), jnp.float32),
          jax.ShapeDtypeStruct((Bv, _N, _D), jnp.float32),
      ],
      compiler_params=pltpu.CompilerParams(
          dimension_semantics=("arbitrary", "arbitrary"),
      ),
      cost_estimate=pl.CostEstimate(
          flops=2 * Bv * _N * _S * (21 * _S + 2 * _D),
          bytes_accessed=Bv * _N * (_S * 8 + _D * 8) * 4,
          transcendentals=0,
      ),
  )(rowg3, colg3, Wr, br2, Wc, bc2)


def kernel(distance_matrix, Wr, br, Wc, bc, phase):
  Bv = distance_matrix.shape[0]
  ikey = jax.random.key(42)
  ri = jax.random.randint(ikey, (8, 1, _S), 0, _N)
  idx = jnp.broadcast_to(ri[:, None, :, :], (8, Bv // 8, 1, _S))
  idxflat = idx.reshape(Bv * _S).astype(jnp.int32)

  dm2 = distance_matrix.reshape(Bv * _N, _N)
  br2 = br.reshape(1, _D)
  bc2 = bc.reshape(1, _D)

  nb = Bv // 4
  parts = []
  for boff in range(0, Bv, nb):
    rowg, colg = _sc_gather(dm2, idxflat, nb, boff)
    parts.append((rowg, colg))
  outs = []
  for rowg, colg in parts:
    outs.append(_tc_sort_embed(rowg.reshape(nb, _N, _S),
                               colg.reshape(nb, _S, _N),
                               Wr, br2, Wc, bc2, nb))
  row_emb = jnp.concatenate([o[0] for o in outs], axis=0)
  col_emb = jnp.concatenate([o[1] for o in outs], axis=0)
  return (row_emb, col_emb)

# --- scband reference (transcript-rebuilt; emitter-appended) ---
"""Pipeline reference for scband-distance-expert-82291573391774 (READ-ONLY COPY).

The authoritative reference and input builder live on the scoring server;
editing this copy changes nothing except your own understanding.
"""

import jax, jax.numpy as jnp
import numpy as np

B, N, S, D = 8, 2048, 64, 128

def setup_inputs(seed: int = 0) -> dict:
    key = jax.random.key(seed)
    k1, k2, k3 = jax.random.split(key, 3)
    distance_matrix = jax.random.uniform(k1, (B, N, N), dtype=jnp.float32)
    Wr = jax.random.normal(k2, (D, S), dtype=jnp.float32) * 0.05
    br = jnp.zeros((D,), dtype=jnp.float32)
    Wc = jax.random.normal(k3, (D, S), dtype=jnp.float32) * 0.05
    bc = jnp.zeros((D,), dtype=jnp.float32)
    return {"distance_matrix": distance_matrix, "Wr": Wr, "br": br, "Wc": Wc, "bc": bc, "phase": 0}

def reference(distance_matrix, Wr, br, Wc, bc, phase):
    # phase != 'train' -> eval branch of _sample_indices (sample_type='random')
    Bv, Nv, _ = distance_matrix.shape
    Sv = Wr.shape[1]
    ikey = jax.random.key(42)
    random_indices = jax.random.randint(ikey, (8, 1, Sv), 0, Nv)  # (8, 1, S)
    idx = jnp.broadcast_to(random_indices[:, None, :, :], (8, Bv // 8, Nv, Sv)).reshape(Bv, Nv, Sv)
    row_distance = jnp.take_along_axis(distance_matrix, idx, axis=2)
    col_distance = jnp.take_along_axis(jnp.transpose(distance_matrix, (0, 2, 1)), idx, axis=2)
    row_sorted = jnp.sort(row_distance, axis=-1)
    col_sorted = jnp.sort(col_distance, axis=-1)
    row_emb = row_sorted @ Wr.T + br
    col_emb = col_sorted @ Wc.T + bc
    return (row_emb, col_emb)

if __name__ == "__main__":
    import jax
    _d = setup_inputs()
    print(jax.jit(kernel)(*tuple(_d.values())))

</pallas_src>

<mosaic_0001>
#map = affine_map<(d0, d1) -> (0, 0)>
#map1 = affine_map<(d0, d1) -> (0)>
module attributes {stable_mosaic.version = 14 : i64} {
  func.func @body(%arg0: i32, %arg1: i32, %arg2: memref<16384x2048xf32, #tpu.memory_space<hbm>>, %arg3: memref<512xi32, #tpu.memory_space<hbm>>, %arg4: memref<4096x64xf32, #tpu.memory_space<hbm>>, %arg5: memref<128x2048xf32, #tpu.memory_space<hbm>>, %arg6: memref<64xi32, #tpu.memory_space<vmem>>, %arg7: memref<64xi32, #tpu.memory_space<vmem>>, %arg8: memref<16xi32, #tpu.memory_space<vmem>>, %arg9: memref<4x2048xf32, #tpu.memory_space<vmem>>, %arg10: memref<4x2048xf32, #tpu.memory_space<vmem>>, %arg11: memref<4x2048xf32, #tpu.memory_space<vmem>>, %arg12: memref<4x2048xf32, #tpu.memory_space<vmem>>, %arg13: memref<128x64xf32, #tpu.memory_space<vmem>>, %arg14: memref<16x2048xf32, #tpu.memory_space<vmem>>, %arg15: memref<!tpu.dma_semaphore, #tpu.memory_space<semaphore_mem>>, %arg16: memref<!tpu.dma_semaphore, #tpu.memory_space<semaphore_mem>>, %arg17: memref<!tpu.dma_semaphore, #tpu.memory_space<semaphore_mem>>, %arg18: memref<!tpu.dma_semaphore, #tpu.memory_space<semaphore_mem>>, %arg19: memref<!tpu.dma_semaphore, #tpu.memory_space<semaphore_mem>>) attributes {dimension_semantics = [#tpu.dimension_semantics<core_parallel>, #tpu.dimension_semantics<subcore_parallel>], iteration_bounds = array<i64: 2, 16>, scalar_prefetch = 0 : i64, scratch_operands = 14 : i64, tpu.core_type = #tpu.core_type<sc_vector_subcore>, window_params = [{transform_indices = #map}, {transform_indices = #map1}, {transform_indices = #map}, {transform_indices = #map}]} {
    %mul3A = arith.constant 2 : i32
    %mul3A_0 = arith.muli %arg1, %mul3A : i32
    %add3A = arith.addi %mul3A_0, %arg0 : i32
    %jit3A = arith.constant 16 : i32
    %div3A = arith.divsi %add3A, %jit3A : i32
    %sign3A = arith.constant 0 : i32
    %sign3A_1 = arith.cmpi sgt, %add3A, %sign3A : i32
    %sign3A_2 = arith.extui %sign3A_1 : i1 to i32
    %sign3A_3 = arith.constant 0 : i32
    %sign3A_4 = arith.cmpi slt, %add3A, %sign3A_3 : i32
    %sign3A_5 = arith.extui %sign3A_4 : i1 to i32
    %sign3A_6 = arith.subi %sign3A_2, %sign3A_5 : i32
    %sign3A_7 = arith.constant 0 : i32
    %sign3A_8 = arith.cmpi sgt, %jit3A, %sign3A_7 : i32
    %sign3A_9 = arith.extui %sign3A_8 : i1 to i32
    %sign3A_10 = arith.constant 0 : i32
    %sign3A_11 = arith.cmpi slt, %jit3A, %sign3A_10 : i32
    %sign3A_12 = arith.extui %sign3A_11 : i1 to i32
    %sign3A_13 = arith.subi %sign3A_9, %sign3A_12 : i32
    %ne3A = arith.cmpi ne, %sign3A_6, %sign3A_13 : i32
    %rem3A = arith.remsi %add3A, %jit3A : i32
    %ne3A_14 = arith.constant 0 : i32
    %ne3A_15 = arith.cmpi ne, %rem3A, %ne3A_14 : i32
    %and3A = arith.andi %ne3A, %ne3A_15 : i1
    %sub3A = arith.constant 1 : i32
    %sub3A_16 = arith.subi %div3A, %sub3A : i32
    %select_n3A = arith.select %and3A, %sub3A_16, %div3A : i32
    %mul3A_17 = arith.constant 128 : i32
    %mul3A_18 = arith.muli %add3A, %mul3A_17 : i32
    %add3A_19 = arith.constant 12288 : i32
    %add3A_20 = arith.addi %add3A_19, %mul3A_18 : i32
    %add3A_21 = arith.constant 6 : i32
    %add3A_22 = arith.addi %add3A_21, %select_n3A : i32
    %mul3A_23 = arith.constant 64 : i32
    %mul3A_24 = arith.muli %add3A_22, %mul3A_23 : i32
    "tpu.region"() ({
      %run_scoped3A = tpu.sem_alloc : memref<!tpu.dma_semaphore, #tpu.memory_space<semaphore_mem>>
      %dma_start3A_63 = tpu.memref_slice %arg3[%mul3A_24] : memref<512xi32, #tpu.memory_space<hbm>> -> memref<64xi32, #tpu.memory_space<hbm>>
      %dma_start3A_64 = tpu.memref_slice %arg3[%mul3A_24] : memref<512xi32, #tpu.memory_space<hbm>> -> memref<64xi32, #tpu.memory_space<hbm>>
      tpu.enqueue_dma source(%dma_start3A_64 : memref<64xi32, #tpu.memory_space<hbm>>) target(%arg6 : memref<64xi32, #tpu.memory_space<vmem>>) target_semaphore(%run_scoped3A : memref<!tpu.dma_semaphore, #tpu.memory_space<semaphore_mem>>)
      %dma_wait3A = tpu.memref_slice %arg3[%mul3A_24] : memref<512xi32, #tpu.memory_space<hbm>> -> memref<64xi32, #tpu.memory_space<hbm>>
      %dma_wait3A_65 = tpu.memref_slice %arg3[%mul3A_24] : memref<512xi32, #tpu.memory_space<hbm>> -> memref<64xi32, #tpu.memory_space<hbm>>
      tpu.wait_dma2 semaphore(%run_scoped3A : memref<!tpu.dma_semaphore, #tpu.memory_space<semaphore_mem>>) src(%dma_wait3A_65 : memref<64xi32, #tpu.memory_space<hbm>>) dst(%arg6 : memref<64xi32, #tpu.memory_space<vmem>>)
      tpu.yield
    }) : () -> ()
    %get3A = arith.constant 0 : index
    %get3A_25 = tpu.vector_load %arg6[%get3A] {strides = array<i32>} : memref<64xi32, #tpu.memory_space<vmem>>, vector<16xi32>,
    %get3A_26 = arith.constant 16 : index
    %get3A_27 = tpu.vector_load %arg6[%get3A_26] {strides = array<i32>} : memref<64xi32, #tpu.memory_space<vmem>>, vector<16xi32>,
    %get3A_28 = arith.constant 32 : index
    %get3A_29 = tpu.vector_load %arg6[%get3A_28] {strides = array<i32>} : memref<64xi32, #tpu.memory_space<vmem>>, vector<16xi32>,
    %get3A_30 = arith.constant 48 : index
    %get3A_31 = tpu.vector_load %arg6[%get3A_30] {strides = array<i32>} : memref<64xi32, #tpu.memory_space<vmem>>, vector<16xi32>,
    %lt3A = arith.constant 8 : i32
    %lt3A_32 = arith.cmpi slt, %add3A, %lt3A : i32
    %convert_element_type3A = arith.extui %lt3A_32 : i1 to i32
    %cond3A = arith.constant 0 : i32
    %cond3A_33 = arith.cmpi ne, %convert_element_type3A, %cond3A : i32
    scf.if %cond3A_33 {
      %jit3A_63 = arith.constant 4 : i32
      %div3A_64 = arith.divsi %add3A, %jit3A_63 : i32
      %sign3A_65 = arith.constant 0 : i32
      %sign3A_66 = arith.cmpi sgt, %add3A, %sign3A_65 : i32
      %sign3A_67 = arith.extui %sign3A_66 : i1 to i32
      %sign3A_68 = arith.constant 0 : i32
      %sign3A_69 = arith.cmpi slt, %add3A, %sign3A_68 : i32
      %sign3A_70 = arith.extui %sign3A_69 : i1 to i32
      %sign3A_71 = arith.subi %sign3A_67, %sign3A_70 : i32
      %sign3A_72 = arith.constant 0 : i32
      %sign3A_73 = arith.cmpi sgt, %jit3A_63, %sign3A_72 : i32
      %sign3A_74 = arith.extui %sign3A_73 : i1 to i32
      %sign3A_75 = arith.constant 0 : i32
      %sign3A_76 = arith.cmpi slt, %jit3A_63, %sign3A_75 : i32
      %sign3A_77 = arith.extui %sign3A_76 : i1 to i32
      %sign3A_78 = arith.subi %sign3A_74, %sign3A_77 : i32
      %ne3A_79 = arith.cmpi ne, %sign3A_71, %sign3A_78 : i32
      %rem3A_80 = arith.remsi %add3A, %jit3A_63 : i32
      %ne3A_81 = arith.constant 0 : i32
      %ne3A_82 = arith.cmpi ne, %rem3A_80, %ne3A_81 : i32
      %and3A_83 = arith.andi %ne3A_79, %ne3A_82 : i1
      %sub3A_84 = arith.constant 1 : i32
      %sub3A_85 = arith.subi %div3A_64, %sub3A_84 : i32
      %select_n3A_86 = arith.select %and3A_83, %sub3A_85, %div3A_64 : i32
      %add3A_87 = arith.constant 6 : i32
      %add3A_88 = arith.addi %add3A_87, %select_n3A_86 : i32
      %mul3A_89 = arith.constant 64 : i32
      %mul3A_90 = arith.muli %add3A_88, %mul3A_89 : i32
      "tpu.region"() ({
        %run_scoped3A = tpu.sem_alloc : memref<!tpu.dma_semaphore, #tpu.memory_space<semaphore_mem>>
        %dma_start3A_120 = tpu.memref_slice %arg3[%mul3A_90] : memref<512xi32, #tpu.memory_space<hbm>> -> memref<64xi32, #tpu.memory_space<hbm>>
        %dma_start3A_121 = tpu.memref_slice %arg3[%mul3A_90] : memref<512xi32, #tpu.memory_space<hbm>> -> memref<64xi32, #tpu.memory_space<hbm>>
        tpu.enqueue_dma source(%dma_start3A_121 : memref<64xi32, #tpu.memory_space<hbm>>) target(%arg7 : memref<64xi32, #tpu.memory_space<vmem>>) target_semaphore(%run_scoped3A : memref<!tpu.dma_semaphore, #tpu.memory_space<semaphore_mem>>)
        %dma_wait3A = tpu.memref_slice %arg3[%mul3A_90] : memref<512xi32, #tpu.memory_space<hbm>> -> memref<64xi32, #tpu.memory_space<hbm>>
        %dma_wait3A_122 = tpu.memref_slice %arg3[%mul3A_90] : memref<512xi32, #tpu.memory_space<hbm>> -> memref<64xi32, #tpu.memory_space<hbm>>
        tpu.wait_dma2 semaphore(%run_scoped3A : memref<!tpu.dma_semaphore, #tpu.memory_space<semaphore_mem>>) src(%dma_wait3A_122 : memref<64xi32, #tpu.memory_space<hbm>>) dst(%arg7 : memref<64xi32, #tpu.memory_space<vmem>>)
        tpu.yield
      }) : () -> ()
      %jit3A_91 = arith.constant 4 : i32
      %eq3A = arith.constant 0 : i32
      %eq3A_92 = arith.cmpi eq, %jit3A_91, %eq3A : i32
      %jit3A_93 = arith.constant 1 : i32
      %select_n3A_94 = arith.select %eq3A_92, %jit3A_93, %jit3A_91 : i32
      %rem3A_95 = arith.remsi %add3A, %select_n3A_94 : i32
      %ne3A_96 = arith.constant 0 : i32
      %ne3A_97 = arith.cmpi ne, %rem3A_95, %ne3A_96 : i32
      %lt3A_98 = arith.constant 0 : i32
      %lt3A_99 = arith.cmpi slt, %rem3A_95, %lt3A_98 : i32
      %lt3A_100 = arith.constant 0 : i32
      %lt3A_101 = arith.cmpi slt, %select_n3A_94, %lt3A_100 : i32
      %ne3A_102 = arith.xori %lt3A_99, %lt3A_101 : i1
      %and3A_103 = arith.andi %ne3A_102, %ne3A_97 : i1
      %add3A_104 = arith.addi %rem3A_95, %select_n3A_94 : i32
      %select_n3A_105 = arith.select %and3A_103, %add3A_104, %rem3A_95 : i32
      %mul3A_106 = arith.constant 16 : i32
      %mul3A_107 = arith.muli %select_n3A_105, %mul3A_106 : i32
      %get3A_108 = arith.index_cast %mul3A_107 : i32 to index
      %get3A_109 = tpu.vector_load %arg7[%get3A_108] {strides = array<i32>} : memref<64xi32, #tpu.memory_space<vmem>>, vector<16xi32>,
      %add3A_110 = arith.constant 6 : i32
      %add3A_111 = arith.addi %add3A_110, %select_n3A_86 : i32
      %mul3A_112 = arith.constant 2048 : i32
      %mul3A_113 = arith.muli %add3A_111, %mul3A_112 : i32
      %add3A_114 = vector.broadcast %mul3A_113 : i32 to vector<16xi32>
      %add3A_115 = arith.addi %get3A_109, %add3A_114 : vector<16xi32>
      %swap3A = arith.constant 0 : index
      %swap3A_116 = tpu.vector_load %arg8[%swap3A] {strides = array<i32>} : memref<16xi32, #tpu.memory_space<vmem>>, vector<16xi32>,
      tpu.vector_store %arg8[%swap3A], %add3A_115 {strides = array<i32>} : memref<16xi32, #tpu.memory_space<vmem>>, vector<16xi32>,
      %dma_start3A_117 = arith.constant 0 : i32
      %dma_start3A_118 = arith.constant 0 : i32
      %dma_start3A_119 = tpu.memref_slice %arg2[%dma_start3A_117, %dma_start3A_118] : memref<16384x2048xf32, #tpu.memory_space<hbm>> -> memref<16384x2048xf32, #tpu.memory_space<hbm>>
      tpu.enqueue_indirect_dma source(%dma_start3A_119 : memref<16384x2048xf32, #tpu.memory_space<hbm>>) target(%arg14 : memref<16x2048xf32, #tpu.memory_space<vmem>>) offsets(%arg8 : memref<16xi32, #tpu.memory_space<vmem>>) semaphore(%arg19 : memref<!tpu.dma_semaphore, #tpu.memory_space<semaphore_mem>>)
    } else {
    }
    %add3A_34 = arith.constant 0 : i32
    %add3A_35 = arith.addi %add3A_20, %add3A_34 : i32
    %dma_start3A = arith.constant 0 : i32
    %dma_start3A_36 = tpu.memref_slice %arg2[%add3A_35, %dma_start3A] : memref<16384x2048xf32, #tpu.memory_space<hbm>> -> memref<4x2048xf32, #tpu.memory_space<hbm>>
    %dma_start3A_37 = arith.constant 0 : i32
    %dma_start3A_38 = tpu.memref_slice %arg2[%add3A_35, %dma_start3A_37] : memref<16384x2048xf32, #tpu.memory_space<hbm>> -> memref<4x2048xf32, #tpu.memory_space<hbm>>
    tpu.enqueue_dma source(%dma_start3A_38 : memref<4x2048xf32, #tpu.memory_space<hbm>>) target(%arg9 : memref<4x2048xf32, #tpu.memory_space<vmem>>) target_semaphore(%arg15 : memref<!tpu.dma_semaphore, #tpu.memory_space<semaphore_mem>>)
    %add3A_39 = arith.constant 4 : i32
    %add3A_40 = arith.addi %add3A_20, %add3A_39 : i32
    %dma_start3A_41 = arith.constant 0 : i32
    %dma_start3A_42 = tpu.memref_slice %arg2[%add3A_40, %dma_start3A_41] : memref<16384x2048xf32, #tpu.memory_space<hbm>> -> memref<4x2048xf32, #tpu.memory_space<hbm>>
    %dma_start3A_43 = arith.constant 0 : i32
    %dma_start3A_44 = tpu.memref_slice %arg2[%add3A_40, %dma_start3A_43] : memref<16384x2048xf32, #tpu.memory_space<hbm>> -> memref<4x2048xf32, #tpu.memory_space<hbm>>
    tpu.enqueue_dma source(%dma_start3A_44 : memref<4x2048xf32, #tpu.memory_space<hbm>>) target(%arg10 : memref<4x2048xf32, #tpu.memory_space<vmem>>) target_semaphore(%arg16 : memref<!tpu.dma_semaphore, #tpu.memory_space<semaphore_mem>>)
    %add3A_45 = arith.constant 8 : i32
    %add3A_46 = arith.addi %add3A_20, %add3A_45 : i32
    %dma_start3A_47 = arith.constant 0 : i32
    %dma_start3A_48 = tpu.memref_slice %arg2[%add3A_46, %dma_start3A_47] : memref<16384x2048xf32, #tpu.memory_space<hbm>> -> memref<4x2048xf32, #tpu.memory_space<hbm>>
    %dma_start3A_49 = arith.constant 0 : i32
    %dma_start3A_50 = tpu.memref_slice %arg2[%add3A_46, %dma_start3A_49] : memref<16384x2048xf32, #tpu.memory_space<hbm>> -> memref<4x2048xf32, #tpu.memory_space<hbm>>
    tpu.enqueue_dma source(%dma_start3A_50 : memref<4x2048xf32, #tpu.memory_space<hbm>>) target(%arg11 : memref<4x2048xf32, #tpu.memory_space<vmem>>) target_semaphore(%arg17 : memref<!tpu.dma_semaphore, #tpu.memory_space<semaphore_mem>>)
    %scan3A = arith.constant 0 : i32
    %scan3A_51 = arith.constant 0 : i32
    %scan3A_52 = arith.constant 8 : i32
    %scan3A_53 = arith.addi %scan3A_51, %scan3A_52 : i32
    %scan3A_54 = arith.constant 1 : i32
    scf.for %scan3A_63 = %scan3A_51 to %scan3A_53 step %scan3A_54  : i32 {
      %mul3A_64 = arith.constant 4 : i32
      %mul3A_65 = arith.muli %scan3A_63, %mul3A_64 : i32
      %add3A_66 = arith.constant 0 : i32
      %add3A_67 = arith.addi %mul3A_65, %add3A_66 : i32
      %add3A_68 = arith.constant 4 : i32
      %add3A_69 = arith.addi %add3A_67, %add3A_68 : i32
      %sub3A_70 = arith.constant 1 : i32
      %sub3A_71 = arith.subi %add3A_69, %sub3A_70 : i32
      %lt3A_72 = arith.constant 32 : i32
      %lt3A_73 = arith.cmpi slt, %sub3A_71, %lt3A_72 : i32
      %convert_element_type3A_74 = arith.extui %lt3A_73 : i1 to i32
      %cond3A_75 = arith.constant 0 : i32
      %cond3A_76 = arith.cmpi ne, %convert_element_type3A_74, %cond3A_75 : i32
      scf.if %cond3A_76 {
        %add3A_684 = arith.constant 4 : i32
        %add3A_685 = arith.addi %add3A_67, %add3A_684 : i32
        %sub3A_686 = arith.constant 1 : i32
        %sub3A_687 = arith.subi %add3A_685, %sub3A_686 : i32
        %mul3A_688 = arith.constant 4 : i32
        %mul3A_689 = arith.muli %sub3A_687, %mul3A_688 : i32
        %add3A_690 = arith.addi %add3A_20, %mul3A_689 : i32
        %dma_start3A_691 = arith.constant 0 : i32
        %dma_start3A_692 = tpu.memref_slice %arg2[%add3A_690, %dma_start3A_691] : memref<16384x2048xf32, #tpu.memory_space<hbm>> -> memref<4x2048xf32, #tpu.memory_space<hbm>>
        %dma_start3A_693 = arith.constant 0 : i32
        %dma_start3A_694 = tpu.memref_slice %arg2[%add3A_690, %dma_start3A_693] : memref<16384x2048xf32, #tpu.memory_space<hbm>> -> memref<4x2048xf32, #tpu.memory_space<hbm>>
        tpu.enqueue_dma source(%dma_start3A_694 : memref<4x2048xf32, #tpu.memory_space<hbm>>) target(%arg12 : memref<4x2048xf32, #tpu.memory_space<vmem>>) target_semaphore(%arg18 : memref<!tpu.dma_semaphore, #tpu.memory_space<semaphore_mem>>)
      } else {
      }
      %mul3A_77 = arith.constant 4 : i32
      %mul3A_78 = arith.muli %add3A_67, %mul3A_77 : i32
      %add3A_79 = arith.addi %add3A_20, %mul3A_78 : i32
      %dma_wait3A = arith.constant 0 : i32
      %dma_wait3A_80 = tpu.memref_slice %arg2[%add3A_79, %dma_wait3A] : memref<16384x2048xf32, #tpu.memory_space<hbm>> -> memref<4x2048xf32, #tpu.memory_space<hbm>>
      %dma_wait3A_81 = arith.constant 0 : i32
      %dma_wait3A_82 = tpu.memref_slice %arg2[%add3A_79, %dma_wait3A_81] : memref<16384x2048xf32, #tpu.memory_space<hbm>> -> memref<4x2048xf32, #tpu.memory_space<hbm>>
      tpu.wait_dma2 semaphore(%arg15 : memref<!tpu.dma_semaphore, #tpu.memory_space<semaphore_mem>>) src(%dma_wait3A_82 : memref<4x2048xf32, #tpu.memory_space<hbm>>) dst(%arg9 : memref<4x2048xf32, #tpu.memory_space<vmem>>)
      %broadcast_in_dim3A = arith.constant 0 : i32
      %broadcast_in_dim3A_83 = vector.broadcast %broadcast_in_dim3A : i32 to vector<16xi32>
      %gather3A = tpu.vector_load_idx %arg9[%broadcast_in_dim3A_83, %get3A_25] : memref<4x2048xf32, #tpu.memory_space<vmem>>[vector<16xi32>, vector<16xi32>], vector<16xf32>,
      %mul3A_84 = arith.constant 4 : i32
      %mul3A_85 = arith.muli %add3A_67, %mul3A_84 : i32
      %add3A_86 = arith.constant 0 : i32
      %add3A_87 = arith.addi %mul3A_85, %add3A_86 : i32
      %swap3A = arith.index_cast %add3A_87 : i32 to index
      %swap3A_88 = arith.constant 0 : index
      %swap3A_89 = tpu.vector_load %arg13[%swap3A, %swap3A_88] {strides = array<i32>} : memref<128x64xf32, #tpu.memory_space<vmem>>, vector<16xf32>,
      tpu.vector_store %arg13[%swap3A, %swap3A_88], %gather3A {strides = array<i32>} : memref<128x64xf32, #tpu.memory_space<vmem>>, vector<16xf32>,
      %gather3A_90 = tpu.vector_load_idx %arg9[%broadcast_in_dim3A_83, %get3A_27] : memref<4x2048xf32, #tpu.memory_space<vmem>>[vector<16xi32>, vector<16xi32>], vector<16xf32>,
      %mul3A_91 = arith.constant 4 : i32
      %mul3A_92 = arith.muli %add3A_67, %mul3A_91 : i32
      %add3A_93 = arith.constant 0 : i32
      %add3A_94 = arith.addi %mul3A_92, %add3A_93 : i32
      %swap3A_95 = arith.index_cast %add3A_94 : i32 to index
      %swap3A_96 = arith.constant 16 : index
      %swap3A_97 = tpu.vector_load %arg13[%swap3A_95, %swap3A_96] {strides = array<i32>} : memref<128x64xf32, #tpu.memory_space<vmem>>, vector<16xf32>,
      tpu.vector_store %arg13[%swap3A_95, %swap3A_96], %gather3A_90 {strides = array<i32>} : memref<128x64xf32, #tpu.memory_space<vmem>>, vector<16xf32>,
      %gather3A_98 = tpu.vector_load_idx %arg9[%broadcast_in_dim3A_83, %get3A_29] : memref<4x2048xf32, #tpu.memory_space<vmem>>[vector<16xi32>, vector<16xi32>], vector<16xf32>,
      %mul3A_99 = arith.constant 4 : i32
      %mul3A_100 = arith.muli %add3A_67, %mul3A_99 : i32
      %add3A_101 = arith.constant 0 : i32
      %add3A_102 = arith.addi %mul3A_100, %add3A_101 : i32
      %swap3A_103 = arith.index_cast %add3A_102 : i32 to index
      %swap3A_104 = arith.constant 32 : index
      %swap3A_105 = tpu.vector_load %arg13[%swap3A_103, %swap3A_104] {strides = array<i32>} : memref<128x64xf32, #tpu.memory_space<vmem>>, vector<16xf32>,
      tpu.vector_store %arg13[%swap3A_103, %swap3A_104], %gather3A_98 {strides = array<i32>} : memref<128x64xf32, #tpu.memory_space<vmem>>, vector<16xf32>,
      %gather3A_106 = tpu.vector_load_idx %arg9[%broadcast_in_dim3A_83, %get3A_31] : memref<4x2048xf32, #tpu.memory_space<vmem>>[vector<16xi32>, vector<16xi32>], vector<16xf32>,
      %mul3A_107 = arith.constant 4 : i32
      %mul3A_108 = arith.muli %add3A_67, %mul3A_107 : i32
      %add3A_109 = arith.constant 0 : i32
      %add3A_110 = arith.addi %mul3A_108, %add3A_109 : i32
      %swap3A_111 = arith.index_cast %add3A_110 : i32 to index
      %swap3A_112 = arith.constant 48 : index
      %swap3A_113 = tpu.vector_load %arg13[%swap3A_111, %swap3A_112] {strides = array<i32>} : memref<128x64xf32, #tpu.memory_space<vmem>>, vector<16xf32>,
      tpu.vector_store %arg13[%swap3A_111, %swap3A_112], %gather3A_106 {strides = array<i32>} : memref<128x64xf32, #tpu.memory_space<vmem>>, vector<16xf32>,
      %broadcast_in_dim3A_114 = arith.constant 1 : i32
      %broadcast_in_dim3A_115 = vector.broadcast %broadcast_in_dim3A_114 : i32 to vector<16xi32>
      %gather3A_116 = tpu.vector_load_idx %arg9[%broadcast_in_dim3A_115, %get3A_25] : memref<4x2048xf32, #tpu.memory_space<vmem>>[vector<16xi32>, vector<16xi32>], vector<16xf32>,
      %mul3A_117 = arith.constant 4 : i32
      %mul3A_118 = arith.muli %add3A_67, %mul3A_117 : i32
      %add3A_119 = arith.constant 1 : i32
      %add3A_120 = arith.addi %mul3A_118, %add3A_119 : i32
      %swap3A_121 = arith.index_cast %add3A_120 : i32 to index
      %swap3A_122 = arith.constant 0 : index
      %swap3A_123 = tpu.vector_load %arg13[%swap3A_121, %swap3A_122] {strides = array<i32>} : memref<128x64xf32, #tpu.memory_space<vmem>>, vector<16xf32>,
      tpu.vector_store %arg13[%swap3A_121, %swap3A_122], %gather3A_116 {strides = array<i32>} : memref<128x64xf32, #tpu.memory_space<vmem>>, vector<16xf32>,
      %gather3A_124 = tpu.vector_load_idx %arg9[%broadcast_in_dim3A_115, %get3A_27] : memref<4x2048xf32, #tpu.memory_space<vmem>>[vector<16xi32>, vector<16xi32>], vector<16xf32>,
      %mul3A_125 = arith.constant 4 : i32
      %mul3A_126 = arith.muli %add3A_67, %mul3A_125 : i32
      %add3A_127 = arith.constant 1 : i32
      %add3A_128 = arith.addi %mul3A_126, %add3A_127 : i32
      %swap3A_129 = arith.index_cast %add3A_128 : i32 to index
      %swap3A_130 = arith.constant 16 : index
      %swap3A_131 = tpu.vector_load %arg13[%swap3A_129, %swap3A_130] {strides = array<i32>} : memref<128x64xf32, #tpu.memory_space<vmem>>, vector<16xf32>,
      tpu.vector_store %arg13[%swap3A_129, %swap3A_130], %gather3A_124 {strides = array<i32>} : memref<128x64xf32, #tpu.memory_space<vmem>>, vector<16xf32>,
      %gather3A_132 = tpu.vector_load_idx %arg9[%broadcast_in_dim3A_115, %get3A_29] : memref<4x2048xf32, #tpu.memory_space<vmem>>[vector<16xi32>, vector<16xi32>], vector<16xf32>,
      %mul3A_133 = arith.constant 4 : i32
      %mul3A_134 = arith.muli %add3A_67, %mul3A_133 : i32
      %add3A_135 = arith.constant 1 : i32
      %add3A_136 = arith.addi %mul3A_134, %add3A_135 : i32
      %swap3A_137 = arith.index_cast %add3A_136 : i32 to index
      %swap3A_138 = arith.constant 32 : index
      %swap3A_139 = tpu.vector_load %arg13[%swap3A_137, %swap3A_138] {strides = array<i32>} : memref<128x64xf32, #tpu.memory_space<vmem>>, vector<16xf32>,
      tpu.vector_store %arg13[%swap3A_137, %swap3A_138], %gather3A_132 {strides = array<i32>} : memref<128x64xf32, #tpu.memory_space<vmem>>, vector<16xf32>,
      %gather3A_140 = tpu.vector_load_idx %arg9[%broadcast_in_dim3A_115, %get3A_31] : memref<4x2048xf32, #tpu.memory_space<vmem>>[vector<16xi32>, vector<16xi32>], vector<16xf32>,
      %mul3A_141 = arith.constant 4 : i32
      %mul3A_142 = arith.muli %add3A_67, %mul3A_141 : i32
      %add3A_143 = arith.constant 1 : i32
      %add3A_144 = arith.addi %mul3A_142, %add3A_143 : i32
      %swap3A_145 = arith.index_cast %add3A_144 : i32 to index
      %swap3A_146 = arith.constant 48 : index
      %swap3A_147 = tpu.vector_load %arg13[%swap3A_145, %swap3A_146] {strides = array<i32>} : memref<128x64xf32, #tpu.memory_space<vmem>>, vector<16xf32>,
      tpu.vector_store %arg13[%swap3A_145, %swap3A_146], %gather3A_140 {strides = array<i32>} : memref<128x64xf32, #tpu.memory_space<vmem>>, vector<16xf32>,
      %broadcast_in_dim3A_148 = arith.constant 2 : i32
      %broadcast_in_dim3A_149 = vector.broadcast %broadcast_in_dim3A_148 : i32 to vector<16xi32>
      %gather3A_150 = tpu.vector_load_idx %arg9[%broadcast_in_dim3A_149, %get3A_25] : memref<4x2048xf32, #tpu.memory_space<vmem>>[vector<16xi32>, vector<16xi32>], vector<16xf32>,
      %mul3A_151 = arith.constant 4 : i32
      %mul3A_152 = arith.muli %add3A_67, %mul3A_151 : i32
      %add3A_153 = arith.constant 2 : i32
      %add3A_154 = arith.addi %mul3A_152, %add3A_153 : i32
      %swap3A_155 = arith.index_cast %add3A_154 : i32 to index
      %swap3A_156 = arith.constant 0 : index
      %swap3A_157 = tpu.vector_load %arg13[%swap3A_155, %swap3A_156] {strides = array<i32>} : memref<128x64xf32, #tpu.memory_space<vmem>>, vector<16xf32>,
      tpu.vector_store %arg13[%swap3A_155, %swap3A_156], %gather3A_150 {strides = array<i32>} : memref<128x64xf32, #tpu.memory_space<vmem>>, vector<16xf32>,
      %gather3A_158 = tpu.vector_load_idx %arg9[%broadcast_in_dim3A_149, %get3A_27] : memref<4x2048xf32, #tpu.memory_space<vmem>>[vector<16xi32>, vector<16xi32>], vector<16xf32>,
      %mul3A_159 = arith.constant 4 : i32
      %mul3A_160 = arith.muli %add3A_67, %mul3A_159 : i32
      %add3A_161 = arith.constant 2 : i32
      %add3A_162 = arith.addi %mul3A_160, %add3A_161 : i32
      %swap3A_163 = arith.index_cast %add3A_162 : i32 to index
      %swap3A_164 = arith.constant 16 : index
      %swap3A_165 = tpu.vector_load %arg13[%swap3A_163, %swap3A_164] {strides = array<i32>} : memref<128x64xf32, #tpu.memory_space<vmem>>, vector<16xf32>,
      tpu.vector_store %arg13[%swap3A_163, %swap3A_164], %gather3A_158 {strides = array<i32>} : memref<128x64xf32, #tpu.memory_space<vmem>>, vector<16xf32>,
      %gather3A_166 = tpu.vector_load_idx %arg9[%broadcast_in_dim3A_149, %get3A_29] : memref<4x2048xf32, #tpu.memory_space<vmem>>[vector<16xi32>, vector<16xi32>], vector<16xf32>,
      %mul3A_167 = arith.constant 4 : i32
      %mul3A_168 = arith.muli %add3A_67, %mul3A_167 : i32
      %add3A_169 = arith.constant 2 : i32
      %add3A_170 = arith.addi %mul3A_168, %add3A_169 : i32
      %swap3A_171 = arith.index_cast %add3A_170 : i32 to index
      %swap3A_172 = arith.constant 32 : index
      %swap3A_173 = tpu.vector_load %arg13[%swap3A_171, %swap3A_172] {strides = array<i32>} : memref<128x64xf32, #tpu.memory_space<vmem>>, vector<16xf32>,
      tpu.vector_store %arg13[%swap3A_171, %swap3A_172], %gather3A_166 {strides = array<i32>} : memref<128x64xf32, #tpu.memory_space<vmem>>, vector<16xf32>,
      %gather3A_174 = tpu.vector_load_idx %arg9[%broadcast_in_dim3A_149, %get3A_31] : memref<4x2048xf32, #tpu.memory_space<vmem>>[vector<16xi32>, vector<16xi32>], vector<16xf32>,
      %mul3A_175 = arith.constant 4 : i32
      %mul3A_176 = arith.muli %add3A_67, %mul3A_175 : i32
      %add3A_177 = arith.constant 2 : i32
      %add3A_178 = arith.addi %mul3A_176, %add3A_177 : i32
      %swap3A_179 = arith.index_cast %add3A_178 : i32 to index
      %swap3A_180 = arith.constant 48 : index
      %swap3A_181 = tpu.vector_load %arg13[%swap3A_179, %swap3A_180] {strides = array<i32>} : memref<128x64xf32, #tpu.memory_space<vmem>>, vector<16xf32>,
      tpu.vector_store %arg13[%swap3A_179, %swap3A_180], %gather3A_174 {strides = array<i32>} : memref<128x64xf32, #tpu.memory_space<vmem>>, vector<16xf32>,
      %broadcast_in_dim3A_182 = arith.constant 3 : i32
      %broadcast_in_dim3A_183 = vector.broadcast %broadcast_in_dim3A_182 : i32 to vector<16xi32>
      %gather3A_184 = tpu.vector_load_idx %arg9[%broadcast_in_dim3A_183, %get3A_25] : memref<4x2048xf32, #tpu.memory_space<vmem>>[vector<16xi32>, vector<16xi32>], vector<16xf32>,
      %mul3A_185 = arith.constant 4 : i32
      %mul3A_186 = arith.muli %add3A_67, %mul3A_185 : i32
      %add3A_187 = arith.constant 3 : i32
      %add3A_188 = arith.addi %mul3A_186, %add3A_187 : i32
      %swap3A_189 = arith.index_cast %add3A_188 : i32 to index
      %swap3A_190 = arith.constant 0 : index
      %swap3A_191 = tpu.vector_load %arg13[%swap3A_189, %swap3A_190] {strides = array<i32>} : memref<128x64xf32, #tpu.memory_space<vmem>>, vector<16xf32>,
      tpu.vector_store %arg13[%swap3A_189, %swap3A_190], %gather3A_184 {strides = array<i32>} : memref<128x64xf32, #tpu.memory_space<vmem>>, vector<16xf32>,
      %gather3A_192 = tpu.vector_load_idx %arg9[%broadcast_in_dim3A_183, %get3A_27] : memref<4x2048xf32, #tpu.memory_space<vmem>>[vector<16xi32>, vector<16xi32>], vector<16xf32>,
      %mul3A_193 = arith.constant 4 : i32
      %mul3A_194 = arith.muli %add3A_67, %mul3A_193 : i32
      %add3A_195 = arith.constant 3 : i32
      %add3A_196 = arith.addi %mul3A_194, %add3A_195 : i32
      %swap3A_197 = arith.index_cast %add3A_196 : i32 to index
      %swap3A_198 = arith.constant 16 : index
      %swap3A_199 = tpu.vector_load %arg13[%swap3A_197, %swap3A_198] {strides = array<i32>} : memref<128x64xf32, #tpu.memory_space<vmem>>, vector<16xf32>,
      tpu.vector_store %arg13[%swap3A_197, %swap3A_198], %gather3A_192 {strides = array<i32>} : memref<128x64xf32, #tpu.memory_space<vmem>>, vector<16xf32>,
      %gather3A_200 = tpu.vector_load_idx %arg9[%broadcast_in_dim3A_183, %get3A_29] : memref<4x2048xf32, #tpu.memory_space<vmem>>[vector<16xi32>, vector<16xi32>], vector<16xf32>,
      %mul3A_201 = arith.constant 4 : i32
      %mul3A_202 = arith.muli %add3A_67, %mul3A_201 : i32
      %add3A_203 = arith.constant 3 : i32
      %add3A_204 = arith.addi %mul3A_202, %add3A_203 : i32
      %swap3A_205 = arith.index_cast %add3A_204 : i32 to index
      %swap3A_206 = arith.constant 32 : index
      %swap3A_207 = tpu.vector_load %arg13[%swap3A_205, %swap3A_206] {strides = array<i32>} : memref<128x64xf32, #tpu.memory_space<vmem>>, vector<16xf32>,
      tpu.vector_store %arg13[%swap3A_205, %swap3A_206], %gather3A_200 {strides = array<i32>} : memref<128x64xf32, #tpu.memory_space<vmem>>, vector<16xf32>,
      %gather3A_208 = tpu.vector_load_idx %arg9[%broadcast_in_dim3A_183, %get3A_31] : memref<4x2048xf32, #tpu.memory_space<vmem>>[vector<16xi32>, vector<16xi32>], vector<16xf32>,
      %mul3A_209 = arith.constant 4 : i32
      %mul3A_210 = arith.muli %add3A_67, %mul3A_209 : i32
      %add3A_211 = arith.constant 3 : i32
      %add3A_212 = arith.addi %mul3A_210, %add3A_211 : i32
      %swap3A_213 = arith.index_cast %add3A_212 : i32 to index
      %swap3A_214 = arith.constant 48 : index
      %swap3A_215 = tpu.vector_load %arg13[%swap3A_213, %swap3A_214] {strides = array<i32>} : memref<128x64xf32, #tpu.memory_space<vmem>>, vector<16xf32>,
      tpu.vector_store %arg13[%swap3A_213, %swap3A_214], %gather3A_208 {strides = array<i32>} : memref<128x64xf32, #tpu.memory_space<vmem>>, vector<16xf32>,
      %mul3A_216 = arith.constant 4 : i32
      %mul3A_217 = arith.muli %scan3A_63, %mul3A_216 : i32
      %add3A_218 = arith.constant 1 : i32
      %add3A_219 = arith.addi %mul3A_217, %add3A_218 : i32
      %add3A_220 = arith.constant 4 : i32
      %add3A_221 = arith.addi %add3A_219, %add3A_220 : i32
      %sub3A_222 = arith.constant 1 : i32
      %sub3A_223 = arith.subi %add3A_221, %sub3A_222 : i32
      %lt3A_224 = arith.constant 32 : i32
      %lt3A_225 = arith.cmpi slt, %sub3A_223, %lt3A_224 : i32
      %convert_element_type3A_226 = arith.extui %lt3A_225 : i1 to i32
      %cond3A_227 = arith.constant 0 : i32
      %cond3A_228 = arith.cmpi ne, %convert_element_type3A_226, %cond3A_227 : i32
      scf.if %cond3A_228 {
        %add3A_684 = arith.constant 4 : i32
        %add3A_685 = arith.addi %add3A_219, %add3A_684 : i32
        %sub3A_686 = arith.constant 1 : i32
        %sub3A_687 = arith.subi %add3A_685, %sub3A_686 : i32
        %mul3A_688 = arith.constant 4 : i32
        %mul3A_689 = arith.muli %sub3A_687, %mul3A_688 : i32
        %add3A_690 = arith.addi %add3A_20, %mul3A_689 : i32
        %dma_start3A_691 = arith.constant 0 : i32
        %dma_start3A_692 = tpu.memref_slice %arg2[%add3A_690, %dma_start3A_691] : memref<16384x2048xf32, #tpu.memory_space<hbm>> -> memref<4x2048xf32, #tpu.memory_space<hbm>>
        %dma_start3A_693 = arith.constant 0 : i32
        %dma_start3A_694 = tpu.memref_slice %arg2[%add3A_690, %dma_start3A_693] : memref<16384x2048xf32, #tpu.memory_space<hbm>> -> memref<4x2048xf32, #tpu.memory_space<hbm>>
        tpu.enqueue_dma source(%dma_start3A_694 : memref<4x2048xf32, #tpu.memory_space<hbm>>) target(%arg9 : memref<4x2048xf32, #tpu.memory_space<vmem>>) target_semaphore(%arg15 : memref<!tpu.dma_semaphore, #tpu.memory_space<semaphore_mem>>)
      } else {
      }
      %mul3A_229 = arith.constant 4 : i32
      %mul3A_230 = arith.muli %add3A_219, %mul3A_229 : i32
      %add3A_231 = arith.addi %add3A_20, %mul3A_230 : i32
      %dma_wait3A_232 = arith.constant 0 : i32
      %dma_wait3A_233 = tpu.memref_slice %arg2[%add3A_231, %dma_wait3A_232] : memref<16384x2048xf32, #tpu.memory_space<hbm>> -> memref<4x2048xf32, #tpu.memory_space<hbm>>
      %dma_wait3A_234 = arith.constant 0 : i32
      %dma_wait3A_235 = tpu.memref_slice %arg2[%add3A_231, %dma_wait3A_234] : memref<16384x2048xf32, #tpu.memory_space<hbm>> -> memref<4x2048xf32, #tpu.memory_space<hbm>>
      tpu.wait_dma2 semaphore(%arg16 : memref<!tpu.dma_semaphore, #tpu.memory_space<semaphore_mem>>) src(%dma_wait3A_235 : memref<4x2048xf32, #tpu.memory_space<hbm>>) dst(%arg10 : memref<4x2048xf32, #tpu.memory_space<vmem>>)
      %broadcast_in_dim3A_236 = arith.constant 0 : i32
      %broadcast_in_dim3A_237 = vector.broadcast %broadcast_in_dim3A_236 : i32 to vector<16xi32>
      %gather3A_238 = tpu.vector_load_idx %arg10[%broadcast_in_dim3A_237, %get3A_25] : memref<4x2048xf32, #tpu.memory_space<vmem>>[vector<16xi32>, vector<16xi32>], vector<16xf32>,
      %mul3A_239 = arith.constant 4 : i32
      %mul3A_240 = arith.muli %add3A_219, %mul3A_239 : i32
      %add3A_241 = arith.constant 0 : i32
      %add3A_242 = arith.addi %mul3A_240, %add3A_241 : i32
      %swap3A_243 = arith.index_cast %add3A_242 : i32 to index
      %swap3A_244 = arith.constant 0 : index
      %swap3A_245 = tpu.vector_load %arg13[%swap3A_243, %swap3A_244] {strides = array<i32>} : memref<128x64xf32, #tpu.memory_space<vmem>>, vector<16xf32>,
      tpu.vector_store %arg13[%swap3A_243, %swap3A_244], %gather3A_238 {strides = array<i32>} : memref<128x64xf32, #tpu.memory_space<vmem>>, vector<16xf32>,
      %gather3A_246 = tpu.vector_load_idx %arg10[%broadcast_in_dim3A_237, %get3A_27] : memref<4x2048xf32, #tpu.memory_space<vmem>>[vector<16xi32>, vector<16xi32>], vector<16xf32>,
      %mul3A_247 = arith.constant 4 : i32
      %mul3A_248 = arith.muli %add3A_219, %mul3A_247 : i32
      %add3A_249 = arith.constant 0 : i32
      %add3A_250 = arith.addi %mul3A_248, %add3A_249 : i32
      %swap3A_251 = arith.index_cast %add3A_250 : i32 to index
      %swap3A_252 = arith.constant 16 : index
      %swap3A_253 = tpu.vector_load %arg13[%swap3A_251, %swap3A_252] {strides = array<i32>} : memref<128x64xf32, #tpu.memory_space<vmem>>, vector<16xf32>,
      tpu.vector_store %arg13[%swap3A_251, %swap3A_252], %gather3A_246 {strides = array<i32>} : memref<128x64xf32, #tpu.memory_space<vmem>>, vector<16xf32>,
      %gather3A_254 = tpu.vector_load_idx %arg10[%broadcast_in_dim3A_237, %get3A_29] : memref<4x2048xf32, #tpu.memory_space<vmem>>[vector<16xi32>, vector<16xi32>], vector<16xf32>,
      %mul3A_255 = arith.constant 4 : i32
      %mul3A_256 = arith.muli %add3A_219, %mul3A_255 : i32
      %add3A_257 = arith.constant 0 : i32
      %add3A_258 = arith.addi %mul3A_256, %add3A_257 : i32
      %swap3A_259 = arith.index_cast %add3A_258 : i32 to index
      %swap3A_260 = arith.constant 32 : index
      %swap3A_261 = tpu.vector_load %arg13[%swap3A_259, %swap3A_260] {strides = array<i32>} : memref<128x64xf32, #tpu.memory_space<vmem>>, vector<16xf32>,
      tpu.vector_store %arg13[%swap3A_259, %swap3A_260], %gather3A_254 {strides = array<i32>} : memref<128x64xf32, #tpu.memory_space<vmem>>, vector<16xf32>,
      %gather3A_262 = tpu.vector_load_idx %arg10[%broadcast_in_dim3A_237, %get3A_31] : memref<4x2048xf32, #tpu.memory_space<vmem>>[vector<16xi32>, vector<16xi32>], vector<16xf32>,
      %mul3A_263 = arith.constant 4 : i32
      %mul3A_264 = arith.muli %add3A_219, %mul3A_263 : i32
      %add3A_265 = arith.constant 0 : i32
      %add3A_266 = arith.addi %mul3A_264, %add3A_265 : i32
      %swap3A_267 = arith.index_cast %add3A_266 : i32 to index
      %swap3A_268 = arith.constant 48 : index
      %swap3A_269 = tpu.vector_load %arg13[%swap3A_267, %swap3A_268] {strides = array<i32>} : memref<128x64xf32, #tpu.memory_space<vmem>>, vector<16xf32>,
      tpu.vector_store %arg13[%swap3A_267, %swap3A_268], %gather3A_262 {strides = array<i32>} : memref<128x64xf32, #tpu.memory_space<vmem>>, vector<16xf32>,
      %broadcast_in_dim3A_270 = arith.constant 1 : i32
      %broadcast_in_dim3A_271 = vector.broadcast %broadcast_in_dim3A_270 : i32 to vector<16xi32>
      %gather3A_272 = tpu.vector_load_idx %arg10[%broadcast_in_dim3A_271, %get3A_25] : memref<4x2048xf32, #tpu.memory_space<vmem>>[vector<16xi32>, vector<16xi32>], vector<16xf32>,
      %mul3A_273 = arith.constant 4 : i32
      %mul3A_274 = arith.muli %add3A_219, %mul3A_273 : i32
      %add3A_275 = arith.constant 1 : i32
      %add3A_276 = arith.addi %mul3A_274, %add3A_275 : i32
      %swap3A_277 = arith.index_cast %add3A_276 : i32 to index
      %swap3A_278 = arith.constant 0 : index
      %swap3A_279 = tpu.vector_load %arg13[%swap3A_277, %swap3A_278] {strides = array<i32>} : memref<128x64xf32, #tpu.memory_space<vmem>>, vector<16xf32>,
      tpu.vector_store %arg13[%swap3A_277, %swap3A_278], %gather3A_272 {strides = array<i32>} : memref<128x64xf32, #tpu.memory_space<vmem>>, vector<16xf32>,
      %gather3A_280 = tpu.vector_load_idx %arg10[%broadcast_in_dim3A_271, %get3A_27] : memref<4x2048xf32, #tpu.memory_space<vmem>>[vector<16xi32>, vector<16xi32>], vector<16xf32>,
      %mul3A_281 = arith.constant 4 : i32
      %mul3A_282 = arith.muli %add3A_219, %mul3A_281 : i32
      %add3A_283 = arith.constant 1 : i32
      %add3A_284 = arith.addi %mul3A_282, %add3A_283 : i32
      %swap3A_285 = arith.index_cast %add3A_284 : i32 to index
      %swap3A_286 = arith.constant 16 : index
      %swap3A_287 = tpu.vector_load %arg13[%swap3A_285, %swap3A_286] {strides = array<i32>} : memref<128x64xf32, #tpu.memory_space<vmem>>, vector<16xf32>,
      tpu.vector_store %arg13[%swap3A_285, %swap3A_286], %gather3A_280 {strides = array<i32>} : memref<128x64xf32, #tpu.memory_space<vmem>>, vector<16xf32>,
      %gather3A_288 = tpu.vector_load_idx %arg10[%broadcast_in_dim3A_271, %get3A_29] : memref<4x2048xf32, #tpu.memory_space<vmem>>[vector<16xi32>, vector<16xi32>], vector<16xf32>,
      %mul3A_289 = arith.constant 4 : i32
      %mul3A_290 = arith.muli %add3A_219, %mul3A_289 : i32
      %add3A_291 = arith.constant 1 : i32
      %add3A_292 = arith.addi %mul3A_290, %add3A_291 : i32
      %swap3A_293 = arith.index_cast %add3A_292 : i32 to index
      %swap3A_294 = arith.constant 32 : index
      %swap3A_295 = tpu.vector_load %arg13[%swap3A_293, %swap3A_294] {strides = array<i32>} : memref<128x64xf32, #tpu.memory_space<vmem>>, vector<16xf32>,
      tpu.vector_store %arg13[%swap3A_293, %swap3A_294], %gather3A_288 {strides = array<i32>} : memref<128x64xf32, #tpu.memory_space<vmem>>, vector<16xf32>,
      %gather3A_296 = tpu.vector_load_idx %arg10[%broadcast_in_dim3A_271, %get3A_31] : memref<4x2048xf32, #tpu.memory_space<vmem>>[vector<16xi32>, vector<16xi32>], vector<16xf32>,
      %mul3A_297 = arith.constant 4 : i32
      %mul3A_298 = arith.muli %add3A_219, %mul3A_297 : i32
      %add3A_299 = arith.constant 1 : i32
      %add3A_300 = arith.addi %mul3A_298, %add3A_299 : i32
      %swap3A_301 = arith.index_cast %add3A_300 : i32 to index
      %swap3A_302 = arith.constant 48 : index
      %swap3A_303 = tpu.vector_load %arg13[%swap3A_301, %swap3A_302] {strides = array<i32>} : memref<128x64xf32, #tpu.memory_space<vmem>>, vector<16xf32>,
      tpu.vector_store %arg13[%swap3A_301, %swap3A_302], %gather3A_296 {strides = array<i32>} : memref<128x64xf32, #tpu.memory_space<vmem>>, vector<16xf32>,
      %broadcast_in_dim3A_304 = arith.constant 2 : i32
      %broadcast_in_dim3A_305 = vector.broadcast %broadcast_in_dim3A_304 : i32 to vector<16xi32>
      %gather3A_306 = tpu.vector_load_idx %arg10[%broadcast_in_dim3A_305, %get3A_25] : memref<4x2048xf32, #tpu.memory_space<vmem>>[vector<16xi32>, vector<16xi32>], vector<16xf32>,
      %mul3A_307 = arith.constant 4 : i32
      %mul3A_308 = arith.muli %add3A_219, %mul3A_307 : i32
      %add3A_309 = arith.constant 2 : i32
      %add3A_310 = arith.addi %mul3A_308, %add3A_309 : i32
      %swap3A_311 = arith.index_cast %add3A_310 : i32 to index
      %swap3A_312 = arith.constant 0 : index
      %swap3A_313 = tpu.vector_load %arg13[%swap3A_311, %swap3A_312] {strides = array<i32>} : memref<128x64xf32, #tpu.memory_space<vmem>>, vector<16xf32>,
      tpu.vector_store %arg13[%swap3A_311, %swap3A_312], %gather3A_306 {strides = array<i32>} : memref<128x64xf32, #tpu.memory_space<vmem>>, vector<16xf32>,
      %gather3A_314 = tpu.vector_load_idx %arg10[%broadcast_in_dim3A_305, %get3A_27] : memref<4x2048xf32, #tpu.memory_space<vmem>>[vector<16xi32>, vector<16xi32>], vector<16xf32>,
      %mul3A_315 = arith.constant 4 : i32
      %mul3A_316 = arith.muli %add3A_219, %mul3A_315 : i32
      %add3A_317 = arith.constant 2 : i32
      %add3A_318 = arith.addi %mul3A_316, %add3A_317 : i32
      %swap3A_319 = arith.index_cast %add3A_318 : i32 to index
      %swap3A_320 = arith.constant 16 : index
      %swap3A_321 = tpu.vector_load %arg13[%swap3A_319, %swap3A_320] {strides = array<i32>} : memref<128x64xf32, #tpu.memory_space<vmem>>, vector<16xf32>,
      tpu.vector_store %arg13[%swap3A_319, %swap3A_320], %gather3A_314 {strides = array<i32>} : memref<128x64xf32, #tpu.memory_space<vmem>>, vector<16xf32>,
      %gather3A_322 = tpu.vector_load_idx %arg10[%broadcast_in_dim3A_305, %get3A_29] : memref<4x2048xf32, #tpu.memory_space<vmem>>[vector<16xi32>, vector<16xi32>], vector<16xf32>,
      %mul3A_323 = arith.constant 4 : i32
      %mul3A_324 = arith.muli %add3A_219, %mul3A_323 : i32
      %add3A_325 = arith.constant 2 : i32
      %add3A_326 = arith.addi %mul3A_324, %add3A_325 : i32
      %swap3A_327 = arith.index_cast %add3A_326 : i32 to index
      %swap3A_328 = arith.constant 32 : index
      %swap3A_329 = tpu.vector_load %arg13[%swap3A_327, %swap3A_328] {strides = array<i32>} : memref<128x64xf32, #tpu.memory_space<vmem>>, vector<16xf32>,
      tpu.vector_store %arg13[%swap3A_327, %swap3A_328], %gather3A_322 {strides = array<i32>} : memref<128x64xf32, #tpu.memory_space<vmem>>, vector<16xf32>,
      %gather3A_330 = tpu.vector_load_idx %arg10[%broadcast_in_dim3A_305, %get3A_31] : memref<4x2048xf32, #tpu.memory_space<vmem>>[vector<16xi32>, vector<16xi32>], vector<16xf32>,
      %mul3A_331 = arith.constant 4 : i32
      %mul3A_332 = arith.muli %add3A_219, %mul3A_331 : i32
      %add3A_333 = arith.constant 2 : i32
      %add3A_334 = arith.addi %mul3A_332, %add3A_333 : i32
      %swap3A_335 = arith.index_cast %add3A_334 : i32 to index
      %swap3A_336 = arith.constant 48 : index
      %swap3A_337 = tpu.vector_load %arg13[%swap3A_335, %swap3A_336] {strides = array<i32>} : memref<128x64xf32, #tpu.memory_space<vmem>>, vector<16xf32>,
      tpu.vector_store %arg13[%swap3A_335, %swap3A_336], %gather3A_330 {strides = array<i32>} : memref<128x64xf32, #tpu.memory_space<vmem>>, vector<16xf32>,
      %broadcast_in_dim3A_338 = arith.constant 3 : i32
      %broadcast_in_dim3A_339 = vector.broadcast %broadcast_in_dim3A_338 : i32 to vector<16xi32>
      %gather3A_340 = tpu.vector_load_idx %arg10[%broadcast_in_dim3A_339, %get3A_25] : memref<4x2048xf32, #tpu.memory_space<vmem>>[vector<16xi32>, vector<16xi32>], vector<16xf32>,
      %mul3A_341 = arith.constant 4 : i32
      %mul3A_342 = arith.muli %add3A_219, %mul3A_341 : i32
      %add3A_343 = arith.constant 3 : i32
      %add3A_344 = arith.addi %mul3A_342, %add3A_343 : i32
      %swap3A_345 = arith.index_cast %add3A_344 : i32 to index
      %swap3A_346 = arith.constant 0 : index
      %swap3A_347 = tpu.vector_load %arg13[%swap3A_345, %swap3A_346] {strides = array<i32>} : memref<128x64xf32, #tpu.memory_space<vmem>>, vector<16xf32>,
      tpu.vector_store %arg13[%swap3A_345, %swap3A_346], %gather3A_340 {strides = array<i32>} : memref<128x64xf32, #tpu.memory_space<vmem>>, vector<16xf32>,
      %gather3A_348 = tpu.vector_load_idx %arg10[%broadcast_in_dim3A_339, %get3A_27] : memref<4x2048xf32, #tpu.memory_space<vmem>>[vector<16xi32>, vector<16xi32>], vector<16xf32>,
      %mul3A_349 = arith.constant 4 : i32
      %mul3A_350 = arith.muli %add3A_219, %mul3A_349 : i32
      %add3A_351 = arith.constant 3 : i32
      %add3A_352 = arith.addi %mul3A_350, %add3A_351 : i32
      %swap3A_353 = arith.index_cast %add3A_352 : i32 to index
      %swap3A_354 = arith.constant 16 : index
      %swap3A_355 = tpu.vector_load %arg13[%swap3A_353, %swap3A_354] {strides = array<i32>} : memref<128x64xf32, #tpu.memory_space<vmem>>, vector<16xf32>,
      tpu.vector_store %arg13[%swap3A_353, %swap3A_354], %gather3A_348 {strides = array<i32>} : memref<128x64xf32, #tpu.memory_space<vmem>>, vector<16xf32>,
      %gather3A_356 = tpu.vector_load_idx %arg10[%broadcast_in_dim3A_339, %get3A_29] : memref<4x2048xf32, #tpu.memory_space<vmem>>[vector<16xi32>, vector<16xi32>], vector<16xf32>,
      %mul3A_357 = arith.constant 4 : i32
      %mul3A_358 = arith.muli %add3A_219, %mul3A_357 : i32
      %add3A_359 = arith.constant 3 : i32
      %add3A_360 = arith.addi %mul3A_358, %add3A_359 : i32
      %swap3A_361 = arith.index_cast %add3A_360 : i32 to index
      %swap3A_362 = arith.constant 32 : index
      %swap3A_363 = tpu.vector_load %arg13[%swap3A_361, %swap3A_362] {strides = array<i32>} : memref<128x64xf32, #tpu.memory_space<vmem>>, vector<16xf32>,
      tpu.vector_store %arg13[%swap3A_361, %swap3A_362], %gather3A_356 {strides = array<i32>} : memref<128x64xf32, #tpu.memory_space<vmem>>, vector<16xf32>,
      %gather3A_364 = tpu.vector_load_idx %arg10[%broadcast_in_dim3A_339, %get3A_31] : memref<4x2048xf32, #tpu.memory_space<vmem>>[vector<16xi32>, vector<16xi32>], vector<16xf32>,
      %mul3A_365 = arith.constant 4 : i32
      %mul3A_366 = arith.muli %add3A_219, %mul3A_365 : i32
      %add3A_367 = arith.constant 3 : i32
      %add3A_368 = arith.addi %mul3A_366, %add3A_367 : i32
      %swap3A_369 = arith.index_cast %add3A_368 : i32 to index
      %swap3A_370 = arith.constant 48 : index
      %swap3A_371 = tpu.vector_load %arg13[%swap3A_369, %swap3A_370] {strides = array<i32>} : memref<128x64xf32, #tpu.memory_space<vmem>>, vector<16xf32>,
      tpu.vector_store %arg13[%swap3A_369, %swap3A_370], %gather3A_364 {strides = array<i32>} : memref<128x64xf32, #tpu.memory_space<vmem>>, vector<16xf32>,
      %mul3A_372 = arith.constant 4 : i32
      %mul3A_373 = arith.muli %scan3A_63, %mul3A_372 : i32
      %add3A_374 = arith.constant 2 : i32
      %add3A_375 = arith.addi %mul3A_373, %add3A_374 : i32
      %add3A_376 = arith.constant 4 : i32
      %add3A_377 = arith.addi %add3A_375, %add3A_376 : i32
      %sub3A_378 = arith.constant 1 : i32
      %sub3A_379 = arith.subi %add3A_377, %sub3A_378 : i32
      %lt3A_380 = arith.constant 32 : i32
      %lt3A_381 = arith.cmpi slt, %sub3A_379, %lt3A_380 : i32
      %convert_element_type3A_382 = arith.extui %lt3A_381 : i1 to i32
      %cond3A_383 = arith.constant 0 : i32
      %cond3A_384 = arith.cmpi ne, %convert_element_type3A_382, %cond3A_383 : i32
      scf.if %cond3A_384 {
        %add3A_684 = arith.constant 4 : i32
        %add3A_685 = arith.addi %add3A_375, %add3A_684 : i32
        %sub3A_686 = arith.constant 1 : i32
        %sub3A_687 = arith.subi %add3A_685, %sub3A_686 : i32
        %mul3A_688 = arith.constant 4 : i32
        %mul3A_689 = arith.muli %sub3A_687, %mul3A_688 : i32
        %add3A_690 = arith.addi %add3A_20, %mul3A_689 : i32
        %dma_start3A_691 = arith.constant 0 : i32
        %dma_start3A_692 = tpu.memref_slice %arg2[%add3A_690, %dma_start3A_691] : memref<16384x2048xf32, #tpu.memory_space<hbm>> -> memref<4x2048xf32, #tpu.memory_space<hbm>>
        %dma_start3A_693 = arith.constant 0 : i32
        %dma_start3A_694 = tpu.memref_slice %arg2[%add3A_690, %dma_start3A_693] : memref<16384x2048xf32, #tpu.memory_space<hbm>> -> memref<4x2048xf32, #tpu.memory_space<hbm>>
        tpu.enqueue_dma source(%dma_start3A_694 : memref<4x2048xf32, #tpu.memory_space<hbm>>) target(%arg10 : memref<4x2048xf32, #tpu.memory_space<vmem>>) target_semaphore(%arg16 : memref<!tpu.dma_semaphore, #tpu.memory_space<semaphore_mem>>)
      } else {
      }
      %mul3A_385 = arith.constant 4 : i32
      %mul3A_386 = arith.muli %add3A_375, %mul3A_385 : i32
      %add3A_387 = arith.addi %add3A_20, %mul3A_386 : i32
      %dma_wait3A_388 = arith.constant 0 : i32
      %dma_wait3A_389 = tpu.memref_slice %arg2[%add3A_387, %dma_wait3A_388] : memref<16384x2048xf32, #tpu.memory_space<hbm>> -> memref<4x2048xf32, #tpu.memory_space<hbm>>
      %dma_wait3A_390 = arith.constant 0 : i32
      %dma_wait3A_391 = tpu.memref_slice %arg2[%add3A_387, %dma_wait3A_390] : memref<16384x2048xf32, #tpu.memory_space<hbm>> -> memref<4x2048xf32, #tpu.memory_space<hbm>>
      tpu.wait_dma2 semaphore(%arg17 : memref<!tpu.dma_semaphore, #tpu.memory_space<semaphore_mem>>) src(%dma_wait3A_391 : memref<4x2048xf32, #tpu.memory_space<hbm>>) dst(%arg11 : memref<4x2048xf32, #tpu.memory_space<vmem>>)
      %broadcast_in_dim3A_392 = arith.constant 0 : i32
      %broadcast_in_dim3A_393 = vector.broadcast %broadcast_in_dim3A_392 : i32 to vector<16xi32>
      %gather3A_394 = tpu.vector_load_idx %arg11[%broadcast_in_dim3A_393, %get3A_25] : memref<4x2048xf32, #tpu.memory_space<vmem>>[vector<16xi32>, vector<16xi32>], vector<16xf32>,
      %mul3A_395 = arith.constant 4 : i32
      %mul3A_396 = arith.muli %add3A_375, %mul3A_395 : i32
      %add3A_397 = arith.constant 0 : i32
      %add3A_398 = arith.addi %mul3A_396, %add3A_397 : i32
      %swap3A_399 = arith.index_cast %add3A_398 : i32 to index
      %swap3A_400 = arith.constant 0 : index
      %swap3A_401 = tpu.vector_load %arg13[%swap3A_399, %swap3A_400] {strides = array<i32>} : memref<128x64xf32, #tpu.memory_space<vmem>>, vector<16xf32>,
      tpu.vector_store %arg13[%swap3A_399, %swap3A_400], %gather3A_394 {strides = array<i32>} : memref<128x64xf32, #tpu.memory_space<vmem>>, vector<16xf32>,
      %gather3A_402 = tpu.vector_load_idx %arg11[%broadcast_in_dim3A_393, %get3A_27] : memref<4x2048xf32, #tpu.memory_space<vmem>>[vector<16xi32>, vector<16xi32>], vector<16xf32>,
      %mul3A_403 = arith.constant 4 : i32
      %mul3A_404 = arith.muli %add3A_375, %mul3A_403 : i32
      %add3A_405 = arith.constant 0 : i32
      %add3A_406 = arith.addi %mul3A_404, %add3A_405 : i32
      %swap3A_407 = arith.index_cast %add3A_406 : i32 to index
      %swap3A_408 = arith.constant 16 : index
      %swap3A_409 = tpu.vector_load %arg13[%swap3A_407, %swap3A_408] {strides = array<i32>} : memref<128x64xf32, #tpu.memory_space<vmem>>, vector<16xf32>,
      tpu.vector_store %arg13[%swap3A_407, %swap3A_408], %gather3A_402 {strides = array<i32>} : memref<128x64xf32, #tpu.memory_space<vmem>>, vector<16xf32>,
      %gather3A_410 = tpu.vector_load_idx %arg11[%broadcast_in_dim3A_393, %get3A_29] : memref<4x2048xf32, #tpu.memory_space<vmem>>[vector<16xi32>, vector<16xi32>], vector<16xf32>,
      %mul3A_411 = arith.constant 4 : i32
      %mul3A_412 = arith.muli %add3A_375, %mul3A_411 : i32
      %add3A_413 = arith.constant 0 : i32
      %add3A_414 = arith.addi %mul3A_412, %add3A_413 : i32
      %swap3A_415 = arith.index_cast %add3A_414 : i32 to index
      %swap3A_416 = arith.constant 32 : index
      %swap3A_417 = tpu.vector_load %arg13[%swap3A_415, %swap3A_416] {strides = array<i32>} : memref<128x64xf32, #tpu.memory_space<vmem>>, vector<16xf32>,
      tpu.vector_store %arg13[%swap3A_415, %swap3A_416], %gather3A_410 {strides = array<i32>} : memref<128x64xf32, #tpu.memory_space<vmem>>, vector<16xf32>,
      %gather3A_418 = tpu.vector_load_idx %arg11[%broadcast_in_dim3A_393, %get3A_31] : memref<4x2048xf32, #tpu.memory_space<vmem>>[vector<16xi32>, vector<16xi32>], vector<16xf32>,
      %mul3A_419 = arith.constant 4 : i32
      %mul3A_420 = arith.muli %add3A_375, %mul3A_419 : i32
      %add3A_421 = arith.constant 0 : i32
      %add3A_422 = arith.addi %mul3A_420, %add3A_421 : i32
      %swap3A_423 = arith.index_cast %add3A_422 : i32 to index
      %swap3A_424 = arith.constant 48 : index
      %swap3A_425 = tpu.vector_load %arg13[%swap3A_423, %swap3A_424] {strides = array<i32>} : memref<128x64xf32, #tpu.memory_space<vmem>>, vector<16xf32>,
      tpu.vector_store %arg13[%swap3A_423, %swap3A_424], %gather3A_418 {strides = array<i32>} : memref<128x64xf32, #tpu.memory_space<vmem>>, vector<16xf32>,
      %broadcast_in_dim3A_426 = arith.constant 1 : i32
      %broadcast_in_dim3A_427 = vector.broadcast %broadcast_in_dim3A_426 : i32 to vector<16xi32>
      %gather3A_428 = tpu.vector_load_idx %arg11[%broadcast_in_dim3A_427, %get3A_25] : memref<4x2048xf32, #tpu.memory_space<vmem>>[vector<16xi32>, vector<16xi32>], vector<16xf32>,
      %mul3A_429 = arith.constant 4 : i32
      %mul3A_430 = arith.muli %add3A_375, %mul3A_429 : i32
      %add3A_431 = arith.constant 1 : i32
      %add3A_432 = arith.addi %mul3A_430, %add3A_431 : i32
      %swap3A_433 = arith.index_cast %add3A_432 : i32 to index
      %swap3A_434 = arith.constant 0 : index
      %swap3A_435 = tpu.vector_load %arg13[%swap3A_433, %swap3A_434] {strides = array<i32>} : memref<128x64xf32, #tpu.memory_space<vmem>>, vector<16xf32>,
      tpu.vector_store %arg13[%swap3A_433, %swap3A_434], %gather3A_428 {strides = array<i32>} : memref<128x64xf32, #tpu.memory_space<vmem>>, vector<16xf32>,
      %gather3A_436 = tpu.vector_load_idx %arg11[%broadcast_in_dim3A_427, %get3A_27] : memref<4x2048xf32, #tpu.memory_space<vmem>>[vector<16xi32>, vector<16xi32>], vector<16xf32>,
      %mul3A_437 = arith.constant 4 : i32
      %mul3A_438 = arith.muli %add3A_375, %mul3A_437 : i32
      %add3A_439 = arith.constant 1 : i32
      %add3A_440 = arith.addi %mul3A_438, %add3A_439 : i32
      %swap3A_441 = arith.index_cast %add3A_440 : i32 to index
      %swap3A_442 = arith.constant 16 : index
      %swap3A_443 = tpu.vector_load %arg13[%swap3A_441, %swap3A_442] {strides = array<i32>} : memref<128x64xf32, #tpu.memory_space<vmem>>, vector<16xf32>,
      tpu.vector_store %arg13[%swap3A_441, %swap3A_442], %gather3A_436 {strides = array<i32>} : memref<128x64xf32, #tpu.memory_space<vmem>>, vector<16xf32>,
      %gather3A_444 = tpu.vector_load_idx %arg11[%broadcast_in_dim3A_427, %get3A_29] : memref<4x2048xf32, #tpu.memory_space<vmem>>[vector<16xi32>, vector<16xi32>], vector<16xf32>,
      %mul3A_445 = arith.constant 4 : i32
      %mul3A_446 = arith.muli %add3A_375, %mul3A_445 : i32
      %add3A_447 = arith.constant 1 : i32
      %add3A_448 = arith.addi %mul3A_446, %add3A_447 : i32
      %swap3A_449 = arith.index_cast %add3A_448 : i32 to index
      %swap3A_450 = arith.constant 32 : index
      %swap3A_451 = tpu.vector_load %arg13[%swap3A_449, %swap3A_450] {strides = array<i32>} : memref<128x64xf32, #tpu.memory_space<vmem>>, vector<16xf32>,
      tpu.vector_store %arg13[%swap3A_449, %swap3A_450], %gather3A_444 {strides = array<i32>} : memref<128x64xf32, #tpu.memory_space<vmem>>, vector<16xf32>,
      %gather3A_452 = tpu.vector_load_idx %arg11[%broadcast_in_dim3A_427, %get3A_31] : memref<4x2048xf32, #tpu.memory_space<vmem>>[vector<16xi32>, vector<16xi32>], vector<16xf32>,
      %mul3A_453 = arith.constant 4 : i32
      %mul3A_454 = arith.muli %add3A_375, %mul3A_453 : i32
      %add3A_455 = arith.constant 1 : i32
      %add3A_456 = arith.addi %mul3A_454, %add3A_455 : i32
      %swap3A_457 = arith.index_cast %add3A_456 : i32 to index
      %swap3A_458 = arith.constant 48 : index
      %swap3A_459 = tpu.vector_load %arg13[%swap3A_457, %swap3A_458] {strides = array<i32>} : memref<128x64xf32, #tpu.memory_space<vmem>>, vector<16xf32>,
      tpu.vector_store %arg13[%swap3A_457, %swap3A_458], %gather3A_452 {strides = array<i32>} : memref<128x64xf32, #tpu.memory_space<vmem>>, vector<16xf32>,
      %broadcast_in_dim3A_460 = arith.constant 2 : i32
      %broadcast_in_dim3A_461 = vector.broadcast %broadcast_in_dim3A_460 : i32 to vector<16xi32>
      %gather3A_462 = tpu.vector_load_idx %arg11[%broadcast_in_dim3A_461, %get3A_25] : memref<4x2048xf32, #tpu.memory_space<vmem>>[vector<16xi32>, vector<16xi32>], vector<16xf32>,
      %mul3A_463 = arith.constant 4 : i32
      %mul3A_464 = arith.muli %add3A_375, %mul3A_463 : i32
      %add3A_465 = arith.constant 2 : i32
      %add3A_466 = arith.addi %mul3A_464, %add3A_465 : i32
      %swap3A_467 = arith.index_cast %add3A_466 : i32 to index
      %swap3A_468 = arith.constant 0 : index
      %swap3A_469 = tpu.vector_load %arg13[%swap3A_467, %swap3A_468] {strides = array<i32>} : memref<128x64xf32, #tpu.memory_space<vmem>>, vector<16xf32>,
      tpu.vector_store %arg13[%swap3A_467, %swap3A_468], %gather3A_462 {strides = array<i32>} : memref<128x64xf32, #tpu.memory_space<vmem>>, vector<16xf32>,
      %gather3A_470 = tpu.vector_load_idx %arg11[%broadcast_in_dim3A_461, %get3A_27] : memref<4x2048xf32, #tpu.memory_space<vmem>>[vector<16xi32>, vector<16xi32>], vector<16xf32>,
      %mul3A_471 = arith.constant 4 : i32
      %mul3A_472 = arith.muli %add3A_375, %mul3A_471 : i32
      %add3A_473 = arith.constant 2 : i32
      %add3A_474 = arith.addi %mul3A_472, %add3A_473 : i32
      %swap3A_475 = arith.index_cast %add3A_474 : i32 to index
      %swap3A_476 = arith.constant 16 : index
      %swap3A_477 = tpu.vector_load %arg13[%swap3A_475, %swap3A_476] {strides = array<i32>} : memref<128x64xf32, #tpu.memory_space<vmem>>, vector<16xf32>,
      tpu.vector_store %arg13[%swap3A_475, %swap3A_476], %gather3A_470 {strides = array<i32>} : memref<128x64xf32, #tpu.memory_space<vmem>>, vector<16xf32>,
      %gather3A_478 = tpu.vector_load_idx %arg11[%broadcast_in_dim3A_461, %get3A_29] : memref<4x2048xf32, #tpu.memory_space<vmem>>[vector<16xi32>, vector<16xi32>], vector<16xf32>,
      %mul3A_479 = arith.constant 4 : i32
      %mul3A_480 = arith.muli %add3A_375, %mul3A_479 : i32
      %add3A_481 = arith.constant 2 : i32
      %add3A_482 = arith.addi %mul3A_480, %add3A_481 : i32
      %swap3A_483 = arith.index_cast %add3A_482 : i32 to index
      %swap3A_484 = arith.constant 32 : index
      %swap3A_485 = tpu.vector_load %arg13[%swap3A_483, %swap3A_484] {strides = array<i32>} : memref<128x64xf32, #tpu.memory_space<vmem>>, vector<16xf32>,
      tpu.vector_store %arg13[%swap3A_483, %swap3A_484], %gather3A_478 {strides = array<i32>} : memref<128x64xf32, #tpu.memory_space<vmem>>, vector<16xf32>,
      %gather3A_486 = tpu.vector_load_idx %arg11[%broadcast_in_dim3A_461, %get3A_31] : memref<4x2048xf32, #tpu.memory_space<vmem>>[vector<16xi32>, vector<16xi32>], vector<16xf32>,
      %mul3A_487 = arith.constant 4 : i32
      %mul3A_488 = arith.muli %add3A_375, %mul3A_487 : i32
      %add3A_489 = arith.constant 2 : i32
      %add3A_490 = arith.addi %mul3A_488, %add3A_489 : i32
      %swap3A_491 = arith.index_cast %add3A_490 : i32 to index
      %swap3A_492 = arith.constant 48 : index
      %swap3A_493 = tpu.vector_load %arg13[%swap3A_491, %swap3A_492] {strides = array<i32>} : memref<128x64xf32, #tpu.memory_space<vmem>>, vector<16xf32>,
      tpu.vector_store %arg13[%swap3A_491, %swap3A_492], %gather3A_486 {strides = array<i32>} : memref<128x64xf32, #tpu.memory_space<vmem>>, vector<16xf32>,
      %broadcast_in_dim3A_494 = arith.constant 3 : i32
      %broadcast_in_dim3A_495 = vector.broadcast %broadcast_in_dim3A_494 : i32 to vector<16xi32>
      %gather3A_496 = tpu.vector_load_idx %arg11[%broadcast_in_dim3A_495, %get3A_25] : memref<4x2048xf32, #tpu.memory_space<vmem>>[vector<16xi32>, vector<16xi32>], vector<16xf32>,
      %mul3A_497 = arith.constant 4 : i32
      %mul3A_498 = arith.muli %add3A_375, %mul3A_497 : i32
      %add3A_499 = arith.constant 3 : i32
      %add3A_500 = arith.addi %mul3A_498, %add3A_499 : i32
      %swap3A_501 = arith.index_cast %add3A_500 : i32 to index
      %swap3A_502 = arith.constant 0 : index
      %swap3A_503 = tpu.vector_load %arg13[%swap3A_501, %swap3A_502] {strides = array<i32>} : memref<128x64xf32, #tpu.memory_space<vmem>>, vector<16xf32>,
      tpu.vector_store %arg13[%swap3A_501, %swap3A_502], %gather3A_496 {strides = array<i32>} : memref<128x64xf32, #tpu.memory_space<vmem>>, vector<16xf32>,
      %gather3A_504 = tpu.vector_load_idx %arg11[%broadcast_in_dim3A_495, %get3A_27] : memref<4x2048xf32, #tpu.memory_space<vmem>>[vector<16xi32>, vector<16xi32>], vector<16xf32>,
      %mul3A_505 = arith.constant 4 : i32
      %mul3A_506 = arith.muli %add3A_375, %mul3A_505 : i32
      %add3A_507 = arith.constant 3 : i32
      %add3A_508 = arith.addi %mul3A_506, %add3A_507 : i32
      %swap3A_509 = arith.index_cast %add3A_508 : i32 to index
      %swap3A_510 = arith.constant 16 : index
      %swap3A_511 = tpu.vector_load %arg13[%swap3A_509, %swap3A_510] {strides = array<i32>} : memref<128x64xf32, #tpu.memory_space<vmem>>, vector<16xf32>,
      tpu.vector_store %arg13[%swap3A_509, %swap3A_510], %gather3A_504 {strides = array<i32>} : memref<128x64xf32, #tpu.memory_space<vmem>>, vector<16xf32>,
      %gather3A_512 = tpu.vector_load_idx %arg11[%broadcast_in_dim3A_495, %get3A_29] : memref<4x2048xf32, #tpu.memory_space<vmem>>[vector<16xi32>, vector<16xi32>], vector<16xf32>,
      %mul3A_513 = arith.constant 4 : i32
      %mul3A_514 = arith.muli %add3A_375, %mul3A_513 : i32
      %add3A_515 = arith.constant 3 : i32
      %add3A_516 = arith.addi %mul3A_514, %add3A_515 : i32
      %swap3A_517 = arith.index_cast %add3A_516 : i32 to index
      %swap3A_518 = arith.constant 32 : index
      %swap3A_519 = tpu.vector_load %arg13[%swap3A_517, %swap3A_518] {strides = array<i32>} : memref<128x64xf32, #tpu.memory_space<vmem>>, vector<16xf32>,
      tpu.vector_store %arg13[%swap3A_517, %swap3A_518], %gather3A_512 {strides = array<i32>} : memref<128x64xf32, #tpu.memory_space<vmem>>, vector<16xf32>,
      %gather3A_520 = tpu.vector_load_idx %arg11[%broadcast_in_dim3A_495, %get3A_31] : memref<4x2048xf32, #tpu.memory_space<vmem>>[vector<16xi32>, vector<16xi32>], vector<16xf32>,
      %mul3A_521 = arith.constant 4 : i32
      %mul3A_522 = arith.muli %add3A_375, %mul3A_521 : i32
      %add3A_523 = arith.constant 3 : i32
      %add3A_524 = arith.addi %mul3A_522, %add3A_523 : i32
      %swap3A_525 = arith.index_cast %add3A_524 : i32 to index
      %swap3A_526 = arith.constant 48 : index
      %swap3A_527 = tpu.vector_load %arg13[%swap3A_525, %swap3A_526] {strides = array<i32>} : memref<128x64xf32, #tpu.memory_space<vmem>>, vector<16xf32>,
      tpu.vector_store %arg13[%swap3A_525, %swap3A_526], %gather3A_520 {strides = array<i32>} : memref<128x64xf32, #tpu.memory_space<vmem>>, vector<16xf32>,
      %mul3A_528 = arith.constant 4 : i32
      %mul3A_529 = arith.muli %scan3A_63, %mul3A_528 : i32
      %add3A_530 = arith.constant 3 : i32
      %add3A_531 = arith.addi %mul3A_529, %add3A_530 : i32
      %add3A_532 = arith.constant 4 : i32
      %add3A_533 = arith.addi %add3A_531, %add3A_532 : i32
      %sub3A_534 = arith.constant 1 : i32
      %sub3A_535 = arith.subi %add3A_533, %sub3A_534 : i32
      %lt3A_536 = arith.constant 32 : i32
      %lt3A_537 = arith.cmpi slt, %sub3A_535, %lt3A_536 : i32
      %convert_element_type3A_538 = arith.extui %lt3A_537 : i1 to i32
      %cond3A_539 = arith.constant 0 : i32
      %cond3A_540 = arith.cmpi ne, %convert_element_type3A_538, %cond3A_539 : i32
      scf.if %cond3A_540 {
        %add3A_684 = arith.constant 4 : i32
        %add3A_685 = arith.addi %add3A_531, %add3A_684 : i32
        %sub3A_686 = arith.constant 1 : i32
        %sub3A_687 = arith.subi %add3A_685, %sub3A_686 : i32
        %mul3A_688 = arith.constant 4 : i32
        %mul3A_689 = arith.muli %sub3A_687, %mul3A_688 : i32
        %add3A_690 = arith.addi %add3A_20, %mul3A_689 : i32
        %dma_start3A_691 = arith.constant 0 : i32
        %dma_start3A_692 = tpu.memref_slice %arg2[%add3A_690, %dma_start3A_691] : memref<16384x2048xf32, #tpu.memory_space<hbm>> -> memref<4x2048xf32, #tpu.memory_space<hbm>>
        %dma_start3A_693 = arith.constant 0 : i32
        %dma_start3A_694 = tpu.memref_slice %arg2[%add3A_690, %dma_start3A_693] : memref<16384x2048xf32, #tpu.memory_space<hbm>> -> memref<4x2048xf32, #tpu.memory_space<hbm>>
        tpu.enqueue_dma source(%dma_start3A_694 : memref<4x2048xf32, #tpu.memory_space<hbm>>) target(%arg11 : memref<4x2048xf32, #tpu.memory_space<vmem>>) target_semaphore(%arg17 : memref<!tpu.dma_semaphore, #tpu.memory_space<semaphore_mem>>)
      } else {
      }
      %mul3A_541 = arith.constant 4 : i32
      %mul3A_542 = arith.muli %add3A_531, %mul3A_541 : i32
      %add3A_543 = arith.addi %add3A_20, %mul3A_542 : i32
      %dma_wait3A_544 = arith.constant 0 : i32
      %dma_wait3A_545 = tpu.memref_slice %arg2[%add3A_543, %dma_wait3A_544] : memref<16384x2048xf32, #tpu.memory_space<hbm>> -> memref<4x2048xf32, #tpu.memory_space<hbm>>
      %dma_wait3A_546 = arith.constant 0 : i32
      %dma_wait3A_547 = tpu.memref_slice %arg2[%add3A_543, %dma_wait3A_546] : memref<16384x2048xf32, #tpu.memory_space<hbm>> -> memref<4x2048xf32, #tpu.memory_space<hbm>>
      tpu.wait_dma2 semaphore(%arg18 : memref<!tpu.dma_semaphore, #tpu.memory_space<semaphore_mem>>) src(%dma_wait3A_547 : memref<4x2048xf32, #tpu.memory_space<hbm>>) dst(%arg12 : memref<4x2048xf32, #tpu.memory_space<vmem>>)
      %broadcast_in_dim3A_548 = arith.constant 0 : i32
      %broadcast_in_dim3A_549 = vector.broadcast %broadcast_in_dim3A_548 : i32 to vector<16xi32>
      %gather3A_550 = tpu.vector_load_idx %arg12[%broadcast_in_dim3A_549, %get3A_25] : memref<4x2048xf32, #tpu.memory_space<vmem>>[vector<16xi32>, vector<16xi32>], vector<16xf32>,
      %mul3A_551 = arith.constant 4 : i32
      %mul3A_552 = arith.muli %add3A_531, %mul3A_551 : i32
      %add3A_553 = arith.constant 0 : i32
      %add3A_554 = arith.addi %mul3A_552, %add3A_553 : i32
      %swap3A_555 = arith.index_cast %add3A_554 : i32 to index
      %swap3A_556 = arith.constant 0 : index
      %swap3A_557 = tpu.vector_load %arg13[%swap3A_555, %swap3A_556] {strides = array<i32>} : memref<128x64xf32, #tpu.memory_space<vmem>>, vector<16xf32>,
      tpu.vector_store %arg13[%swap3A_555, %swap3A_556], %gather3A_550 {strides = array<i32>} : memref<128x64xf32, #tpu.memory_space<vmem>>, vector<16xf32>,
      %gather3A_558 = tpu.vector_load_idx %arg12[%broadcast_in_dim3A_549, %get3A_27] : memref<4x2048xf32, #tpu.memory_space<vmem>>[vector<16xi32>, vector<16xi32>], vector<16xf32>,
      %mul3A_559 = arith.constant 4 : i32
      %mul3A_560 = arith.muli %add3A_531, %mul3A_559 : i32
      %add3A_561 = arith.constant 0 : i32
      %add3A_562 = arith.addi %mul3A_560, %add3A_561 : i32
      %swap3A_563 = arith.index_cast %add3A_562 : i32 to index
      %swap3A_564 = arith.constant 16 : index
      %swap3A_565 = tpu.vector_load %arg13[%swap3A_563, %swap3A_564] {strides = array<i32>} : memref<128x64xf32, #tpu.memory_space<vmem>>, vector<16xf32>,
      tpu.vector_store %arg13[%swap3A_563, %swap3A_564], %gather3A_558 {strides = array<i32>} : memref<128x64xf32, #tpu.memory_space<vmem>>, vector<16xf32>,
      %gather3A_566 = tpu.vector_load_idx %arg12[%broadcast_in_dim3A_549, %get3A_29] : memref<4x2048xf32, #tpu.memory_space<vmem>>[vector<16xi32>, vector<16xi32>], vector<16xf32>,
      %mul3A_567 = arith.constant 4 : i32
      %mul3A_568 = arith.muli %add3A_531, %mul3A_567 : i32
      %add3A_569 = arith.constant 0 : i32
      %add3A_570 = arith.addi %mul3A_568, %add3A_569 : i32
      %swap3A_571 = arith.index_cast %add3A_570 : i32 to index
      %swap3A_572 = arith.constant 32 : index
      %swap3A_573 = tpu.vector_load %arg13[%swap3A_571, %swap3A_572] {strides = array<i32>} : memref<128x64xf32, #tpu.memory_space<vmem>>, vector<16xf32>,
      tpu.vector_store %arg13[%swap3A_571, %swap3A_572], %gather3A_566 {strides = array<i32>} : memref<128x64xf32, #tpu.memory_space<vmem>>, vector<16xf32>,
      %gather3A_574 = tpu.vector_load_idx %arg12[%broadcast_in_dim3A_549, %get3A_31] : memref<4x2048xf32, #tpu.memory_space<vmem>>[vector<16xi32>, vector<16xi32>], vector<16xf32>,
      %mul3A_575 = arith.constant 4 : i32
      %mul3A_576 = arith.muli %add3A_531, %mul3A_575 : i32
      %add3A_577 = arith.constant 0 : i32
      %add3A_578 = arith.addi %mul3A_576, %add3A_577 : i32
      %swap3A_579 = arith.index_cast %add3A_578 : i32 to index
      %swap3A_580 = arith.constant 48 : index
      %swap3A_581 = tpu.vector_load %arg13[%swap3A_579, %swap3A_580] {strides = array<i32>} : memref<128x64xf32, #tpu.memory_space<vmem>>, vector<16xf32>,
      tpu.vector_store %arg13[%swap3A_579, %swap3A_580], %gather3A_574 {strides = array<i32>} : memref<128x64xf32, #tpu.memory_space<vmem>>, vector<16xf32>,
      %broadcast_in_dim3A_582 = arith.constant 1 : i32
      %broadcast_in_dim3A_583 = vector.broadcast %broadcast_in_dim3A_582 : i32 to vector<16xi32>
      %gather3A_584 = tpu.vector_load_idx %arg12[%broadcast_in_dim3A_583, %get3A_25] : memref<4x2048xf32, #tpu.memory_space<vmem>>[vector<16xi32>, vector<16xi32>], vector<16xf32>,
      %mul3A_585 = arith.constant 4 : i32
      %mul3A_586 = arith.muli %add3A_531, %mul3A_585 : i32
      %add3A_587 = arith.constant 1 : i32
      %add3A_588 = arith.addi %mul3A_586, %add3A_587 : i32
      %swap3A_589 = arith.index_cast %add3A_588 : i32 to index
      %swap3A_590 = arith.constant 0 : index
      %swap3A_591 = tpu.vector_load %arg13[%swap3A_589, %swap3A_590] {strides = array<i32>} : memref<128x64xf32, #tpu.memory_space<vmem>>, vector<16xf32>,
      tpu.vector_store %arg13[%swap3A_589, %swap3A_590], %gather3A_584 {strides = array<i32>} : memref<128x64xf32, #tpu.memory_space<vmem>>, vector<16xf32>,
      %gather3A_592 = tpu.vector_load_idx %arg12[%broadcast_in_dim3A_583, %get3A_27] : memref<4x2048xf32, #tpu.memory_space<vmem>>[vector<16xi32>, vector<16xi32>], vector<16xf32>,
      %mul3A_593 = arith.constant 4 : i32
      %mul3A_594 = arith.muli %add3A_531, %mul3A_593 : i32
      %add3A_595 = arith.constant 1 : i32
      %add3A_596 = arith.addi %mul3A_594, %add3A_595 : i32
      %swap3A_597 = arith.index_cast %add3A_596 : i32 to index
      %swap3A_598 = arith.constant 16 : index
      %swap3A_599 = tpu.vector_load %arg13[%swap3A_597, %swap3A_598] {strides = array<i32>} : memref<128x64xf32, #tpu.memory_space<vmem>>, vector<16xf32>,
      tpu.vector_store %arg13[%swap3A_597, %swap3A_598], %gather3A_592 {strides = array<i32>} : memref<128x64xf32, #tpu.memory_space<vmem>>, vector<16xf32>,
      %gather3A_600 = tpu.vector_load_idx %arg12[%broadcast_in_dim3A_583, %get3A_29] : memref<4x2048xf32, #tpu.memory_space<vmem>>[vector<16xi32>, vector<16xi32>], vector<16xf32>,
      %mul3A_601 = arith.constant 4 : i32
      %mul3A_602 = arith.muli %add3A_531, %mul3A_601 : i32
      %add3A_603 = arith.constant 1 : i32
      %add3A_604 = arith.addi %mul3A_602, %add3A_603 : i32
      %swap3A_605 = arith.index_cast %add3A_604 : i32 to index
      %swap3A_606 = arith.constant 32 : index
      %swap3A_607 = tpu.vector_load %arg13[%swap3A_605, %swap3A_606] {strides = array<i32>} : memref<128x64xf32, #tpu.memory_space<vmem>>, vector<16xf32>,
      tpu.vector_store %arg13[%swap3A_605, %swap3A_606], %gather3A_600 {strides = array<i32>} : memref<128x64xf32, #tpu.memory_space<vmem>>, vector<16xf32>,
      %gather3A_608 = tpu.vector_load_idx %arg12[%broadcast_in_dim3A_583, %get3A_31] : memref<4x2048xf32, #tpu.memory_space<vmem>>[vector<16xi32>, vector<16xi32>], vector<16xf32>,
      %mul3A_609 = arith.constant 4 : i32
      %mul3A_610 = arith.muli %add3A_531, %mul3A_609 : i32
      %add3A_611 = arith.constant 1 : i32
      %add3A_612 = arith.addi %mul3A_610, %add3A_611 : i32
      %swap3A_613 = arith.index_cast %add3A_612 : i32 to index
      %swap3A_614 = arith.constant 48 : index
      %swap3A_615 = tpu.vector_load %arg13[%swap3A_613, %swap3A_614] {strides = array<i32>} : memref<128x64xf32, #tpu.memory_space<vmem>>, vector<16xf32>,
      tpu.vector_store %arg13[%swap3A_613, %swap3A_614], %gather3A_608 {strides = array<i32>} : memref<128x64xf32, #tpu.memory_space<vmem>>, vector<16xf32>,
      %broadcast_in_dim3A_616 = arith.constant 2 : i32
      %broadcast_in_dim3A_617 = vector.broadcast %broadcast_in_dim3A_616 : i32 to vector<16xi32>
      %gather3A_618 = tpu.vector_load_idx %arg12[%broadcast_in_dim3A_617, %get3A_25] : memref<4x2048xf32, #tpu.memory_space<vmem>>[vector<16xi32>, vector<16xi32>], vector<16xf32>,
      %mul3A_619 = arith.constant 4 : i32
      %mul3A_620 = arith.muli %add3A_531, %mul3A_619 : i32
      %add3A_621 = arith.constant 2 : i32
      %add3A_622 = arith.addi %mul3A_620, %add3A_621 : i32
      %swap3A_623 = arith.index_cast %add3A_622 : i32 to index
      %swap3A_624 = arith.constant 0 : index
      %swap3A_625 = tpu.vector_load %arg13[%swap3A_623, %swap3A_624] {strides = array<i32>} : memref<128x64xf32, #tpu.memory_space<vmem>>, vector<16xf32>,
      tpu.vector_store %arg13[%swap3A_623, %swap3A_624], %gather3A_618 {strides = array<i32>} : memref<128x64xf32, #tpu.memory_space<vmem>>, vector<16xf32>,
      %gather3A_626 = tpu.vector_load_idx %arg12[%broadcast_in_dim3A_617, %get3A_27] : memref<4x2048xf32, #tpu.memory_space<vmem>>[vector<16xi32>, vector<16xi32>], vector<16xf32>,
      %mul3A_627 = arith.constant 4 : i32
      %mul3A_628 = arith.muli %add3A_531, %mul3A_627 : i32
      %add3A_629 = arith.constant 2 : i32
      %add3A_630 = arith.addi %mul3A_628, %add3A_629 : i32
      %swap3A_631 = arith.index_cast %add3A_630 : i32 to index
      %swap3A_632 = arith.constant 16 : index
      %swap3A_633 = tpu.vector_load %arg13[%swap3A_631, %swap3A_632] {strides = array<i32>} : memref<128x64xf32, #tpu.memory_space<vmem>>, vector<16xf32>,
      tpu.vector_store %arg13[%swap3A_631, %swap3A_632], %gather3A_626 {strides = array<i32>} : memref<128x64xf32, #tpu.memory_space<vmem>>, vector<16xf32>,
      %gather3A_634 = tpu.vector_load_idx %arg12[%broadcast_in_dim3A_617, %get3A_29] : memref<4x2048xf32, #tpu.memory_space<vmem>>[vector<16xi32>, vector<16xi32>], vector<16xf32>,
      %mul3A_635 = arith.constant 4 : i32
      %mul3A_636 = arith.muli %add3A_531, %mul3A_635 : i32
      %add3A_637 = arith.constant 2 : i32
      %add3A_638 = arith.addi %mul3A_636, %add3A_637 : i32
      %swap3A_639 = arith.index_cast %add3A_638 : i32 to index
      %swap3A_640 = arith.constant 32 : index
      %swap3A_641 = tpu.vector_load %arg13[%swap3A_639, %swap3A_640] {strides = array<i32>} : memref<128x64xf32, #tpu.memory_space<vmem>>, vector<16xf32>,
      tpu.vector_store %arg13[%swap3A_639, %swap3A_640], %gather3A_634 {strides = array<i32>} : memref<128x64xf32, #tpu.memory_space<vmem>>, vector<16xf32>,
      %gather3A_642 = tpu.vector_load_idx %arg12[%broadcast_in_dim3A_617, %get3A_31] : memref<4x2048xf32, #tpu.memory_space<vmem>>[vector<16xi32>, vector<16xi32>], vector<16xf32>,
      %mul3A_643 = arith.constant 4 : i32
      %mul3A_644 = arith.muli %add3A_531, %mul3A_643 : i32
      %add3A_645 = arith.constant 2 : i32
      %add3A_646 = arith.addi %mul3A_644, %add3A_645 : i32
      %swap3A_647 = arith.index_cast %add3A_646 : i32 to index
      %swap3A_648 = arith.constant 48 : index
      %swap3A_649 = tpu.vector_load %arg13[%swap3A_647, %swap3A_648] {strides = array<i32>} : memref<128x64xf32, #tpu.memory_space<vmem>>, vector<16xf32>,
      tpu.vector_store %arg13[%swap3A_647, %swap3A_648], %gather3A_642 {strides = array<i32>} : memref<128x64xf32, #tpu.memory_space<vmem>>, vector<16xf32>,
      %broadcast_in_dim3A_650 = arith.constant 3 : i32
      %broadcast_in_dim3A_651 = vector.broadcast %broadcast_in_dim3A_650 : i32 to vector<16xi32>
      %gather3A_652 = tpu.vector_load_idx %arg12[%broadcast_in_dim3A_651, %get3A_25] : memref<4x2048xf32, #tpu.memory_space<vmem>>[vector<16xi32>, vector<16xi32>], vector<16xf32>,
      %mul3A_653 = arith.constant 4 : i32
      %mul3A_654 = arith.muli %add3A_531, %mul3A_653 : i32
      %add3A_655 = arith.constant 3 : i32
      %add3A_656 = arith.addi %mul3A_654, %add3A_655 : i32
      %swap3A_657 = arith.index_cast %add3A_656 : i32 to index
      %swap3A_658 = arith.constant 0 : index
      %swap3A_659 = tpu.vector_load %arg13[%swap3A_657, %swap3A_658] {strides = array<i32>} : memref<128x64xf32, #tpu.memory_space<vmem>>, vector<16xf32>,
      tpu.vector_store %arg13[%swap3A_657, %swap3A_658], %gather3A_652 {strides = array<i32>} : memref<128x64xf32, #tpu.memory_space<vmem>>, vector<16xf32>,
      %gather3A_660 = tpu.vector_load_idx %arg12[%broadcast_in_dim3A_651, %get3A_27] : memref<4x2048xf32, #tpu.memory_space<vmem>>[vector<16xi32>, vector<16xi32>], vector<16xf32>,
      %mul3A_661 = arith.constant 4 : i32
      %mul3A_662 = arith.muli %add3A_531, %mul3A_661 : i32
      %add3A_663 = arith.constant 3 : i32
      %add3A_664 = arith.addi %mul3A_662, %add3A_663 : i32
      %swap3A_665 = arith.index_cast %add3A_664 : i32 to index
      %swap3A_666 = arith.constant 16 : index
      %swap3A_667 = tpu.vector_load %arg13[%swap3A_665, %swap3A_666] {strides = array<i32>} : memref<128x64xf32, #tpu.memory_space<vmem>>, vector<16xf32>,
      tpu.vector_store %arg13[%swap3A_665, %swap3A_666], %gather3A_660 {strides = array<i32>} : memref<128x64xf32, #tpu.memory_space<vmem>>, vector<16xf32>,
      %gather3A_668 = tpu.vector_load_idx %arg12[%broadcast_in_dim3A_651, %get3A_29] : memref<4x2048xf32, #tpu.memory_space<vmem>>[vector<16xi32>, vector<16xi32>], vector<16xf32>,
      %mul3A_669 = arith.constant 4 : i32
      %mul3A_670 = arith.muli %add3A_531, %mul3A_669 : i32
      %add3A_671 = arith.constant 3 : i32
      %add3A_672 = arith.addi %mul3A_670, %add3A_671 : i32
      %swap3A_673 = arith.index_cast %add3A_672 : i32 to index
      %swap3A_674 = arith.constant 32 : index
      %swap3A_675 = tpu.vector_load %arg13[%swap3A_673, %swap3A_674] {strides = array<i32>} : memref<128x64xf32, #tpu.memory_space<vmem>>, vector<16xf32>,
      tpu.vector_store %arg13[%swap3A_673, %swap3A_674], %gather3A_668 {strides = array<i32>} : memref<128x64xf32, #tpu.memory_space<vmem>>, vector<16xf32>,
      %gather3A_676 = tpu.vector_load_idx %arg12[%broadcast_in_dim3A_651, %get3A_31] : memref<4x2048xf32, #tpu.memory_space<vmem>>[vector<16xi32>, vector<16xi32>], vector<16xf32>,
      %mul3A_677 = arith.constant 4 : i32
      %mul3A_678 = arith.muli %add3A_531, %mul3A_677 : i32
      %add3A_679 = arith.constant 3 : i32
      %add3A_680 = arith.addi %mul3A_678, %add3A_679 : i32
      %swap3A_681 = arith.index_cast %add3A_680 : i32 to index
      %swap3A_682 = arith.constant 48 : index
      %swap3A_683 = tpu.vector_load %arg13[%swap3A_681, %swap3A_682] {strides = array<i32>} : memref<128x64xf32, #tpu.memory_space<vmem>>, vector<16xf32>,
      tpu.vector_store %arg13[%swap3A_681, %swap3A_682], %gather3A_676 {strides = array<i32>} : memref<128x64xf32, #tpu.memory_space<vmem>>, vector<16xf32>,
    }
    %scan3A_55 = arith.constant 8 : i32
    %mul3A_56 = arith.constant 128 : i32
    %mul3A_57 = arith.muli %add3A, %mul3A_56 : i32
    "tpu.region"() ({
      %run_scoped3A = tpu.sem_alloc : memref<!tpu.dma_semaphore, #tpu.memory_space<semaphore_mem>>
      %dma_start3A_63 = arith.constant 0 : i32
      %dma_start3A_64 = tpu.memref_slice %arg4[%mul3A_57, %dma_start3A_63] : memref<4096x64xf32, #tpu.memory_space<hbm>> -> memref<128x64xf32, #tpu.memory_space<hbm>>
      %dma_start3A_65 = arith.constant 0 : i32
      %dma_start3A_66 = tpu.memref_slice %arg4[%mul3A_57, %dma_start3A_65] : memref<4096x64xf32, #tpu.memory_space<hbm>> -> memref<128x64xf32, #tpu.memory_space<hbm>>
      tpu.enqueue_dma source(%arg13 : memref<128x64xf32, #tpu.memory_space<vmem>>) target(%dma_start3A_66 : memref<128x64xf32, #tpu.memory_space<hbm>>) target_semaphore(%run_scoped3A : memref<!tpu.dma_semaphore, #tpu.memory_space<semaphore_mem>>)
      %dma_wait3A = arith.constant 0 : i32
      %dma_wait3A_67 = tpu.memref_slice %arg4[%mul3A_57, %dma_wait3A] : memref<4096x64xf32, #tpu.memory_space<hbm>> -> memref<128x64xf32, #tpu.memory_space<hbm>>
      %dma_wait3A_68 = arith.constant 0 : i32
      %dma_wait3A_69 = tpu.memref_slice %arg4[%mul3A_57, %dma_wait3A_68] : memref<4096x64xf32, #tpu.memory_space<hbm>> -> memref<128x64xf32, #tpu.memory_space<hbm>>
      tpu.wait_dma2 semaphore(%run_scoped3A : memref<!tpu.dma_semaphore, #tpu.memory_space<semaphore_mem>>) src(%arg13 : memref<128x64xf32, #tpu.memory_space<vmem>>) dst(%dma_wait3A_69 : memref<128x64xf32, #tpu.memory_space<hbm>>)
      tpu.yield
    }) : () -> ()
    %lt3A_58 = arith.constant 8 : i32
    %lt3A_59 = arith.cmpi slt, %add3A, %lt3A_58 : i32
    %convert_element_type3A_60 = arith.extui %lt3A_59 : i1 to i32
    %cond3A_61 = arith.constant 0 : i32
    %cond3A_62 = arith.cmpi ne, %convert_element_type3A_60, %cond3A_61 : i32
    scf.if %cond3A_62 {
      %dma_wait3A = arith.constant 0 : i32
      %dma_wait3A_63 = arith.constant 0 : i32
      %dma_wait3A_64 = tpu.memref_slice %arg2[%dma_wait3A, %dma_wait3A_63] : memref<16384x2048xf32, #tpu.memory_space<hbm>> -> memref<16384x2048xf32, #tpu.memory_space<hbm>>
      tpu.wait_indirect_dma semaphore(%arg19 : memref<!tpu.dma_semaphore, #tpu.memory_space<semaphore_mem>>) src(%dma_wait3A_64 : memref<16384x2048xf32, #tpu.memory_space<hbm>>) dst(%arg14 : memref<16x2048xf32, #tpu.memory_space<vmem>>)
      %mul3A_65 = arith.constant 16 : i32
      %mul3A_66 = arith.muli %add3A, %mul3A_65 : i32
      "tpu.region"() ({
        %run_scoped3A = tpu.sem_alloc : memref<!tpu.dma_semaphore, #tpu.memory_space<semaphore_mem>>
        %dma_start3A_67 = arith.constant 0 : i32
        %dma_start3A_68 = tpu.memref_slice %arg5[%mul3A_66, %dma_start3A_67] : memref<128x2048xf32, #tpu.memory_space<hbm>> -> memref<16x2048xf32, #tpu.memory_space<hbm>>
        %dma_start3A_69 = arith.constant 0 : i32
        %dma_start3A_70 = tpu.memref_slice %arg5[%mul3A_66, %dma_start3A_69] : memref<128x2048xf32, #tpu.memory_space<hbm>> -> memref<16x2048xf32, #tpu.memory_space<hbm>>
        tpu.enqueue_dma source(%arg14 : memref<16x2048xf32, #tpu.memory_space<vmem>>) target(%dma_start3A_70 : memref<16x2048xf32, #tpu.memory_space<hbm>>) target_semaphore(%run_scoped3A : memref<!tpu.dma_semaphore, #tpu.memory_space<semaphore_mem>>)
        %dma_wait3A_71 = arith.constant 0 : i32
        %dma_wait3A_72 = tpu.memref_slice %arg5[%mul3A_66, %dma_wait3A_71] : memref<128x2048xf32, #tpu.memory_space<hbm>> -> memref<16x2048xf32, #tpu.memory_space<hbm>>
        %dma_wait3A_73 = arith.constant 0 : i32
        %dma_wait3A_74 = tpu.memref_slice %arg5[%mul3A_66, %dma_wait3A_73] : memref<128x2048xf32, #tpu.memory_space<hbm>> -> memref<16x2048xf32, #tpu.memory_space<hbm>>
        tpu.wait_dma2 semaphore(%run_scoped3A : memref<!tpu.dma_semaphore, #tpu.memory_space<semaphore_mem>>) src(%arg14 : memref<16x2048xf32, #tpu.memory_space<vmem>>) dst(%dma_wait3A_74 : memref<16x2048xf32, #tpu.memory_space<hbm>>)
        tpu.yield
      }) : () -> ()
    } else {
    }
    return
  }
}

#map = affine_map<(d0, d1) -> (0, 0)>
#map1 = affine_map<(d0, d1) -> (0)>
module attributes {stable_mosaic.version = 14 : i64} {
  func.func @body(%arg0: i32, %arg1: i32, %arg2: memref<16384x2048xf32, #tpu.memory_space<hbm>>, %arg3: memref<512xi32, #tpu.memory_space<hbm>>, %arg4: memref<4096x64xf32, #tpu.memory_space<hbm>>, %arg5: memref<128x2048xf32, #tpu.memory_space<hbm>>, %arg6: memref<64xi32, #tpu.memory_space<vmem>>, %arg7: memref<64xi32, #tpu.memory_space<vmem>>, %arg8: memref<16xi32, #tpu.memory_space<vmem>>, %arg9: memref<4x2048xf32, #tpu.memory_space<vmem>>, %arg10: memref<4x2048xf32, #tpu.memory_space<vmem>>, %arg11: memref<4x2048xf32, #tpu.memory_space<vmem>>, %arg12: memref<4x2048xf32, #tpu.memory_space<vmem>>, %arg13: memref<128x64xf32, #tpu.memory_space<vmem>>, %arg14: memref<16x2048xf32, #tpu.memory_space<vmem>>, %arg15: memref<!tpu.dma_semaphore, #tpu.memory_space<semaphore_mem>>, %arg16: memref<!tpu.dma_semaphore, #tpu.memory_space<semaphore_mem>>, %arg17: memref<!tpu.dma_semaphore, #tpu.memory_space<semaphore_mem>>, %arg18: memref<!tpu.dma_semaphore, #tpu.memory_space<semaphore_mem>>, %arg19: memref<!tpu.dma_semaphore, #tpu.memory_space<semaphore_mem>>) attributes {dimension_semantics = [#tpu.dimension_semantics<core_parallel>, #tpu.dimension_semantics<subcore_parallel>], iteration_bounds = array<i64: 2, 16>, scalar_prefetch = 0 : i64, scratch_operands = 14 : i64, tpu.core_type = #tpu.core_type<sc_vector_subcore>, window_params = [{transform_indices = #map}, {transform_indices = #map1}, {transform_indices = #map}, {transform_indices = #map}]} {
    %mul3A = arith.constant 2 : i32
    %mul3A_0 = arith.muli %arg1, %mul3A : i32
    %add3A = arith.addi %mul3A_0, %arg0 : i32
    %jit3A = arith.constant 16 : i32
    %div3A = arith.divsi %add3A, %jit3A : i32
    %sign3A = arith.constant 0 : i32
    %sign3A_1 = arith.cmpi sgt, %add3A, %sign3A : i32
    %sign3A_2 = arith.extui %sign3A_1 : i1 to i32
    %sign3A_3 = arith.constant 0 : i32
    %sign3A_4 = arith.cmpi slt, %add3A, %sign3A_3 : i32
    %sign3A_5 = arith.extui %sign3A_4 : i1 to i32
    %sign3A_6 = arith.subi %sign3A_2, %sign3A_5 : i32
    %sign3A_7 = arith.constant 0 : i32
    %sign3A_8 = arith.cmpi sgt, %jit3A, %sign3A_7 : i32
    %sign3A_9 = arith.extui %sign3A_8 : i1 to i32
    %sign3A_10 = arith.constant 0 : i32
    %sign3A_11 = arith.cmpi slt, %jit3A, %sign3A_10 : i32
    %sign3A_12 = arith.extui %sign3A_11 : i1 to i32
    %sign3A_13 = arith.subi %sign3A_9, %sign3A_12 : i32
    %ne3A = arith.cmpi ne, %sign3A_6, %sign3A_13 : i32
    %rem3A = arith.remsi %add3A, %jit3A : i32
    %ne3A_14 = arith.constant 0 : i32
    %ne3A_15 = arith.cmpi ne, %rem3A, %ne3A_14 : i32
    %and3A = arith.andi %ne3A, %ne3A_15 : i1
    %sub3A = arith.constant 1 : i32
    %sub3A_16 = arith.subi %div3A, %sub3A : i32
    %select_n3A = arith.select %and3A, %sub3A_16, %div3A : i32
    %mul3A_17 = arith.constant 128 : i32
    %mul3A_18 = arith.muli %add3A, %mul3A_17 : i32
    %add3A_19 = arith.constant 8192 : i32
    %add3A_20 = arith.addi %add3A_19, %mul3A_18 : i32
    %add3A_21 = arith.constant 4 : i32
    %add3A_22 = arith.addi %add3A_21, %select_n3A : i32
    %mul3A_23 = arith.constant 64 : i32
    %mul3A_24 = arith.muli %add3A_22, %mul3A_23 : i32
    "tpu.region"() ({
      %run_scoped3A = tpu.sem_alloc : memref<!tpu.dma_semaphore, #tpu.memory_space<semaphore_mem>>
      %dma_start3A_63 = tpu.memref_slice %arg3[%mul3A_24] : memref<512xi32, #tpu.memory_space<hbm>> -> memref<64xi32, #tpu.memory_space<hbm>>
      %dma_start3A_64 = tpu.memref_slice %arg3[%mul3A_24] : memref<512xi32, #tpu.memory_space<hbm>> -> memref<64xi32, #tpu.memory_space<hbm>>
      tpu.enqueue_dma source(%dma_start3A_64 : memref<64xi32, #tpu.memory_space<hbm>>) target(%arg6 : memref<64xi32, #tpu.memory_space<vmem>>) target_semaphore(%run_scoped3A : memref<!tpu.dma_semaphore, #tpu.memory_space<semaphore_mem>>)
      %dma_wait3A = tpu.memref_slice %arg3[%mul3A_24] : memref<512xi32, #tpu.memory_space<hbm>> -> memref<64xi32, #tpu.memory_space<hbm>>
      %dma_wait3A_65 = tpu.memref_slice %arg3[%mul3A_24] : memref<512xi32, #tpu.memory_space<hbm>> -> memref<64xi32, #tpu.memory_space<hbm>>
      tpu.wait_dma2 semaphore(%run_scoped3A : memref<!tpu.dma_semaphore, #tpu.memory_space<semaphore_mem>>) src(%dma_wait3A_65 : memref<64xi32, #tpu.memory_space<hbm>>) dst(%arg6 : memref<64xi32, #tpu.memory_space<vmem>>)
      tpu.yield
    }) : () -> ()
    %get3A = arith.constant 0 : index
    %get3A_25 = tpu.vector_load %arg6[%get3A] {strides = array<i32>} : memref<64xi32, #tpu.memory_space<vmem>>, vector<16xi32>,
    %get3A_26 = arith.constant 16 : index
    %get3A_27 = tpu.vector_load %arg6[%get3A_26] {strides = array<i32>} : memref<64xi32, #tpu.memory_space<vmem>>, vector<16xi32>,
    %get3A_28 = arith.constant 32 : index
    %get3A_29 = tpu.vector_load %arg6[%get3A_28] {strides = array<i32>} : memref<64xi32, #tpu.memory_space<vmem>>, vector<16xi32>,
    %get3A_30 = arith.constant 48 : index
    %get3A_31 = tpu.vector_load %arg6[%get3A_30] {strides = array<i32>} : memref<64xi32, #tpu.memory_space<vmem>>, vector<16xi32>,
    %lt3A = arith.constant 8 : i32
    %lt3A_32 = arith.cmpi slt, %add3A, %lt3A : i32
    %convert_element_type3A = arith.extui %lt3A_32 : i1 to i32
    %cond3A = arith.constant 0 : i32
    %cond3A_33 = arith.cmpi ne, %convert_element_type3A, %cond3A : i32
    scf.if %cond3A_33 {
      %jit3A_63 = arith.constant 4 : i32
      %div3A_64 = arith.divsi %add3A, %jit3A_63 : i32
      %sign3A_65 = arith.constant 0 : i32
      %sign3A_66 = arith.cmpi sgt, %add3A, %sign3A_65 : i32
      %sign3A_67 = arith.extui %sign3A_66 : i1 to i32
      %sign3A_68 = arith.constant 0 : i32
      %sign3A_69 = arith.cmpi slt, %add3A, %sign3A_68 : i32
      %sign3A_70 = arith.extui %sign3A_69 : i1 to i32
      %sign3A_71 = arith.subi %sign3A_67, %sign3A_70 : i32
      %sign3A_72 = arith.constant 0 : i32
      %sign3A_73 = arith.cmpi sgt, %jit3A_63, %sign3A_72 : i32
      %sign3A_74 = arith.extui %sign3A_73 : i1 to i32
      %sign3A_75 = arith.constant 0 : i32
      %sign3A_76 = arith.cmpi slt, %jit3A_63, %sign3A_75 : i32
      %sign3A_77 = arith.extui %sign3A_76 : i1 to i32
      %sign3A_78 = arith.subi %sign3A_74, %sign3A_77 : i32
      %ne3A_79 = arith.cmpi ne, %sign3A_71, %sign3A_78 : i32
      %rem3A_80 = arith.remsi %add3A, %jit3A_63 : i32
      %ne3A_81 = arith.constant 0 : i32
      %ne3A_82 = arith.cmpi ne, %rem3A_80, %ne3A_81 : i32
      %and3A_83 = arith.andi %ne3A_79, %ne3A_82 : i1
      %sub3A_84 = arith.constant 1 : i32
      %sub3A_85 = arith.subi %div3A_64, %sub3A_84 : i32
      %select_n3A_86 = arith.select %and3A_83, %sub3A_85, %div3A_64 : i32
      %add3A_87 = arith.constant 4 : i32
      %add3A_88 = arith.addi %add3A_87, %select_n3A_86 : i32
      %mul3A_89 = arith.constant 64 : i32
      %mul3A_90 = arith.muli %add3A_88, %mul3A_89 : i32
      "tpu.region"() ({
        %run_scoped3A = tpu.sem_alloc : memref<!tpu.dma_semaphore, #tpu.memory_space<semaphore_mem>>
        %dma_start3A_120 = tpu.memref_slice %arg3[%mul3A_90] : memref<512xi32, #tpu.memory_space<hbm>> -> memref<64xi32, #tpu.memory_space<hbm>>
        %dma_start3A_121 = tpu.memref_slice %arg3[%mul3A_90] : memref<512xi32, #tpu.memory_space<hbm>> -> memref<64xi32, #tpu.memory_space<hbm>>
        tpu.enqueue_dma source(%dma_start3A_121 : memref<64xi32, #tpu.memory_space<hbm>>) target(%arg7 : memref<64xi32, #tpu.memory_space<vmem>>) target_semaphore(%run_scoped3A : memref<!tpu.dma_semaphore, #tpu.memory_space<semaphore_mem>>)
        %dma_wait3A = tpu.memref_slice %arg3[%mul3A_90] : memref<512xi32, #tpu.memory_space<hbm>> -> memref<64xi32, #tpu.memory_space<hbm>>
        %dma_wait3A_122 = tpu.memref_slice %arg3[%mul3A_90] : memref<512xi32, #tpu.memory_space<hbm>> -> memref<64xi32, #tpu.memory_space<hbm>>
        tpu.wait_dma2 semaphore(%run_scoped3A : memref<!tpu.dma_semaphore, #tpu.memory_space<semaphore_mem>>) src(%dma_wait3A_122 : memref<64xi32, #tpu.memory_space<hbm>>) dst(%arg7 : memref<64xi32, #tpu.memory_space<vmem>>)
        tpu.yield
      }) : () -> ()
      %jit3A_91 = arith.constant 4 : i32
      %eq3A = arith.constant 0 : i32
      %eq3A_92 = arith.cmpi eq, %jit3A_91, %eq3A : i32
      %jit3A_93 = arith.constant 1 : i32
      %select_n3A_94 = arith.select %eq3A_92, %jit3A_93, %jit3A_91 : i32
      %rem3A_95 = arith.remsi %add3A, %select_n3A_94 : i32
      %ne3A_96 = arith.constant 0 : i32
      %ne3A_97 = arith.cmpi ne, %rem3A_95, %ne3A_96 : i32
      %lt3A_98 = arith.constant 0 : i32
      %lt3A_99 = arith.cmpi slt, %rem3A_95, %lt3A_98 : i32
      %lt3A_100 = arith.constant 0 : i32
      %lt3A_101 = arith.cmpi slt, %select_n3A_94, %lt3A_100 : i32
      %ne3A_102 = arith.xori %lt3A_99, %lt3A_101 : i1
      %and3A_103 = arith.andi %ne3A_102, %ne3A_97 : i1
      %add3A_104 = arith.addi %rem3A_95, %select_n3A_94 : i32
      %select_n3A_105 = arith.select %and3A_103, %add3A_104, %rem3A_95 : i32
      %mul3A_106 = arith.constant 16 : i32
      %mul3A_107 = arith.muli %select_n3A_105, %mul3A_106 : i32
      %get3A_108 = arith.index_cast %mul3A_107 : i32 to index
      %get3A_109 = tpu.vector_load %arg7[%get3A_108] {strides = array<i32>} : memref<64xi32, #tpu.memory_space<vmem>>, vector<16xi32>,
      %add3A_110 = arith.constant 4 : i32
      %add3A_111 = arith.addi %add3A_110, %select_n3A_86 : i32
      %mul3A_112 = arith.constant 2048 : i32
      %mul3A_113 = arith.muli %add3A_111, %mul3A_112 : i32
      %add3A_114 = vector.broadcast %mul3A_113 : i32 to vector<16xi32>
      %add3A_115 = arith.addi %get3A_109, %add3A_114 : vector<16xi32>
      %swap3A = arith.constant 0 : index
      %swap3A_116 = tpu.vector_load %arg8[%swap3A] {strides = array<i32>} : memref<16xi32, #tpu.memory_space<vmem>>, vector<16xi32>,
      tpu.vector_store %arg8[%swap3A], %add3A_115 {strides = array<i32>} : memref<16xi32, #tpu.memory_space<vmem>>, vector<16xi32>,
      %dma_start3A_117 = arith.constant 0 : i32
      %dma_start3A_118 = arith.constant 0 : i32
      %dma_start3A_119 = tpu.memref_slice %arg2[%dma_start3A_117, %dma_start3A_118] : memref<16384x2048xf32, #tpu.memory_space<hbm>> -> memref<16384x2048xf32, #tpu.memory_space<hbm>>
      tpu.enqueue_indirect_dma source(%dma_start3A_119 : memref<16384x2048xf32, #tpu.memory_space<hbm>>) target(%arg14 : memref<16x2048xf32, #tpu.memory_space<vmem>>) offsets(%arg8 : memref<16xi32, #tpu.memory_space<vmem>>) semaphore(%arg19 : memref<!tpu.dma_semaphore, #tpu.memory_space<semaphore_mem>>)
    } else {
    }
    %add3A_34 = arith.constant 0 : i32
    %add3A_35 = arith.addi %add3A_20, %add3A_34 : i32
    %dma_start3A = arith.constant 0 : i32
    %dma_start3A_36 = tpu.memref_slice %arg2[%add3A_35, %dma_start3A] : memref<16384x2048xf32, #tpu.memory_space<hbm>> -> memref<4x2048xf32, #tpu.memory_space<hbm>>
    %dma_start3A_37 = arith.constant 0 : i32
    %dma_start3A_38 = tpu.memref_slice %arg2[%add3A_35, %dma_start3A_37] : memref<16384x2048xf32, #tpu.memory_space<hbm>> -> memref<4x2048xf32, #tpu.memory_space<hbm>>
    tpu.enqueue_dma source(%dma_start3A_38 : memref<4x2048xf32, #tpu.memory_space<hbm>>) target(%arg9 : memref<4x2048xf32, #tpu.memory_space<vmem>>) target_semaphore(%arg15 : memref<!tpu.dma_semaphore, #tpu.memory_space<semaphore_mem>>)
    %add3A_39 = arith.constant 4 : i32
    %add3A_40 = arith.addi %add3A_20, %add3A_39 : i32
    %dma_start3A_41 = arith.constant 0 : i32
    %dma_start3A_42 = tpu.memref_slice %arg2[%add3A_40, %dma_start3A_41] : memref<16384x2048xf32, #tpu.memory_space<hbm>> -> memref<4x2048xf32, #tpu.memory_space<hbm>>
    %dma_start3A_43 = arith.constant 0 : i32
    %dma_start3A_44 = tpu.memref_slice %arg2[%add3A_40, %dma_start3A_43] : memref<16384x2048xf32, #tpu.memory_space<hbm>> -> memref<4x2048xf32, #tpu.memory_space<hbm>>
    tpu.enqueue_dma source(%dma_start3A_44 : memref<4x2048xf32, #tpu.memory_space<hbm>>) target(%arg10 : memref<4x2048xf32, #tpu.memory_space<vmem>>) target_semaphore(%arg16 : memref<!tpu.dma_semaphore, #tpu.memory_space<semaphore_mem>>)
    %add3A_45 = arith.constant 8 : i32
    %add3A_46 = arith.addi %add3A_20, %add3A_45 : i32
    %dma_start3A_47 = arith.constant 0 : i32
    %dma_start3A_48 = tpu.memref_slice %arg2[%add3A_46, %dma_start3A_47] : memref<16384x2048xf32, #tpu.memory_space<hbm>> -> memref<4x2048xf32, #tpu.memory_space<hbm>>
    %dma_start3A_49 = arith.constant 0 : i32
    %dma_start3A_50 = tpu.memref_slice %arg2[%add3A_46, %dma_start3A_49] : memref<16384x2048xf32, #tpu.memory_space<hbm>> -> memref<4x2048xf32, #tpu.memory_space<hbm>>
    tpu.enqueue_dma source(%dma_start3A_50 : memref<4x2048xf32, #tpu.memory_space<hbm>>) target(%arg11 : memref<4x2048xf32, #tpu.memory_space<vmem>>) target_semaphore(%arg17 : memref<!tpu.dma_semaphore, #tpu.memory_space<semaphore_mem>>)
    %scan3A = arith.constant 0 : i32
    %scan3A_51 = arith.constant 0 : i32
    %scan3A_52 = arith.constant 8 : i32
    %scan3A_53 = arith.addi %scan3A_51, %scan3A_52 : i32
    %scan3A_54 = arith.constant 1 : i32
    scf.for %scan3A_63 = %scan3A_51 to %scan3A_53 step %scan3A_54  : i32 {
      %mul3A_64 = arith.constant 4 : i32
      %mul3A_65 = arith.muli %scan3A_63, %mul3A_64 : i32
      %add3A_66 = arith.constant 0 : i32
      %add3A_67 = arith.addi %mul3A_65, %add3A_66 : i32
      %add3A_68 = arith.constant 4 : i32
      %add3A_69 = arith.addi %add3A_67, %add3A_68 : i32
      %sub3A_70 = arith.constant 1 : i32
      %sub3A_71 = arith.subi %add3A_69, %sub3A_70 : i32
      %lt3A_72 = arith.constant 32 : i32
      %lt3A_73 = arith.cmpi slt, %sub3A_71, %lt3A_72 : i32
      %convert_element_type3A_74 = arith.extui %lt3A_73 : i1 to i32
      %cond3A_75 = arith.constant 0 : i32
      %cond3A_76 = arith.cmpi ne, %convert_element_type3A_74, %cond3A_75 : i32
      scf.if %cond3A_76 {
        %add3A_684 = arith.constant 4 : i32
        %add3A_685 = arith.addi %add3A_67, %add3A_684 : i32
        %sub3A_686 = arith.constant 1 : i32
        %sub3A_687 = arith.subi %add3A_685, %sub3A_686 : i32
        %mul3A_688 = arith.constant 4 : i32
        %mul3A_689 = arith.muli %sub3A_687, %mul3A_688 : i32
        %add3A_690 = arith.addi %add3A_20, %mul3A_689 : i32
        %dma_start3A_691 = arith.constant 0 : i32
        %dma_start3A_692 = tpu.memref_slice %arg2[%add3A_690, %dma_start3A_691] : memref<16384x2048xf32, #tpu.memory_space<hbm>> -> memref<4x2048xf32, #tpu.memory_space<hbm>>
        %dma_start3A_693 = arith.constant 0 : i32
        %dma_start3A_694 = tpu.memref_slice %arg2[%add3A_690, %dma_start3A_693] : memref<16384x2048xf32, #tpu.memory_space<hbm>> -> memref<4x2048xf32, #tpu.memory_space<hbm>>
        tpu.enqueue_dma source(%dma_start3A_694 : memref<4x2048xf32, #tpu.memory_space<hbm>>) target(%arg12 : memref<4x2048xf32, #tpu.memory_space<vmem>>) target_semaphore(%arg18 : memref<!tpu.dma_semaphore, #tpu.memory_space<semaphore_mem>>)
      } else {
      }
      %mul3A_77 = arith.constant 4 : i32
      %mul3A_78 = arith.muli %add3A_67, %mul3A_77 : i32
      %add3A_79 = arith.addi %add3A_20, %mul3A_78 : i32
      %dma_wait3A = arith.constant 0 : i32
      %dma_wait3A_80 = tpu.memref_slice %arg2[%add3A_79, %dma_wait3A] : memref<16384x2048xf32, #tpu.memory_space<hbm>> -> memref<4x2048xf32, #tpu.memory_space<hbm>>
      %dma_wait3A_81 = arith.constant 0 : i32
      %dma_wait3A_82 = tpu.memref_slice %arg2[%add3A_79, %dma_wait3A_81] : memref<16384x2048xf32, #tpu.memory_space<hbm>> -> memref<4x2048xf32, #tpu.memory_space<hbm>>
      tpu.wait_dma2 semaphore(%arg15 : memref<!tpu.dma_semaphore, #tpu.memory_space<semaphore_mem>>) src(%dma_wait3A_82 : memref<4x2048xf32, #tpu.memory_space<hbm>>) dst(%arg9 : memref<4x2048xf32, #tpu.memory_space<vmem>>)
      %broadcast_in_dim3A = arith.constant 0 : i32
      %broadcast_in_dim3A_83 = vector.broadcast %broadcast_in_dim3A : i32 to vector<16xi32>
      %gather3A = tpu.vector_load_idx %arg9[%broadcast_in_dim3A_83, %get3A_25] : memref<4x2048xf32, #tpu.memory_space<vmem>>[vector<16xi32>, vector<16xi32>], vector<16xf32>,
      %mul3A_84 = arith.constant 4 : i32
      %mul3A_85 = arith.muli %add3A_67, %mul3A_84 : i32
      %add3A_86 = arith.constant 0 : i32
      %add3A_87 = arith.addi %mul3A_85, %add3A_86 : i32
      %swap3A = arith.index_cast %add3A_87 : i32 to index
      %swap3A_88 = arith.constant 0 : index
      %swap3A_89 = tpu.vector_load %arg13[%swap3A, %swap3A_88] {strides = array<i32>} : memref<128x64xf32, #tpu.memory_space<vmem>>, vector<16xf32>,
      tpu.vector_store %arg13[%swap3A, %swap3A_88], %gather3A {strides = array<i32>} : memref<128x64xf32, #tpu.memory_space<vmem>>, vector<16xf32>,
      %gather3A_90 = tpu.vector_load_idx %arg9[%broadcast_in_dim3A_83, %get3A_27] : memref<4x2048xf32, #tpu.memory_space<vmem>>[vector<16xi32>, vector<16xi32>], vector<16xf32>,
      %mul3A_91 = arith.constant 4 : i32
      %mul3A_92 = arith.muli %add3A_67, %mul3A_91 : i32
      %add3A_93 = arith.constant 0 : i32
      %add3A_94 = arith.addi %mul3A_92, %add3A_93 : i32
      %swap3A_95 = arith.index_cast %add3A_94 : i32 to index
      %swap3A_96 = arith.constant 16 : index
      %swap3A_97 = tpu.vector_load %arg13[%swap3A_95, %swap3A_96] {strides = array<i32>} : memref<128x64xf32, #tpu.memory_space<vmem>>, vector<16xf32>,
      tpu.vector_store %arg13[%swap3A_95, %swap3A_96], %gather3A_90 {strides = array<i32>} : memref<128x64xf32, #tpu.memory_space<vmem>>, vector<16xf32>,
      %gather3A_98 = tpu.vector_load_idx %arg9[%broadcast_in_dim3A_83, %get3A_29] : memref<4x2048xf32, #tpu.memory_space<vmem>>[vector<16xi32>, vector<16xi32>], vector<16xf32>,
      %mul3A_99 = arith.constant 4 : i32
      %mul3A_100 = arith.muli %add3A_67, %mul3A_99 : i32
      %add3A_101 = arith.constant 0 : i32
      %add3A_102 = arith.addi %mul3A_100, %add3A_101 : i32
      %swap3A_103 = arith.index_cast %add3A_102 : i32 to index
      %swap3A_104 = arith.constant 32 : index
      %swap3A_105 = tpu.vector_load %arg13[%swap3A_103, %swap3A_104] {strides = array<i32>} : memref<128x64xf32, #tpu.memory_space<vmem>>, vector<16xf32>,
      tpu.vector_store %arg13[%swap3A_103, %swap3A_104], %gather3A_98 {strides = array<i32>} : memref<128x64xf32, #tpu.memory_space<vmem>>, vector<16xf32>,
      %gather3A_106 = tpu.vector_load_idx %arg9[%broadcast_in_dim3A_83, %get3A_31] : memref<4x2048xf32, #tpu.memory_space<vmem>>[vector<16xi32>, vector<16xi32>], vector<16xf32>,
      %mul3A_107 = arith.constant 4 : i32
      %mul3A_108 = arith.muli %add3A_67, %mul3A_107 : i32
      %add3A_109 = arith.constant 0 : i32
      %add3A_110 = arith.addi %mul3A_108, %add3A_109 : i32
      %swap3A_111 = arith.index_cast %add3A_110 : i32 to index
      %swap3A_112 = arith.constant 48 : index
      %swap3A_113 = tpu.vector_load %arg13[%swap3A_111, %swap3A_112] {strides = array<i32>} : memref<128x64xf32, #tpu.memory_space<vmem>>, vector<16xf32>,
      tpu.vector_store %arg13[%swap3A_111, %swap3A_112], %gather3A_106 {strides = array<i32>} : memref<128x64xf32, #tpu.memory_space<vmem>>, vector<16xf32>,
      %broadcast_in_dim3A_114 = arith.constant 1 : i32
      %broadcast_in_dim3A_115 = vector.broadcast %broadcast_in_dim3A_114 : i32 to vector<16xi32>
      %gather3A_116 = tpu.vector_load_idx %arg9[%broadcast_in_dim3A_115, %get3A_25] : memref<4x2048xf32, #tpu.memory_space<vmem>>[vector<16xi32>, vector<16xi32>], vector<16xf32>,
      %mul3A_117 = arith.constant 4 : i32
      %mul3A_118 = arith.muli %add3A_67, %mul3A_117 : i32
      %add3A_119 = arith.constant 1 : i32
      %add3A_120 = arith.addi %mul3A_118, %add3A_119 : i32
      %swap3A_121 = arith.index_cast %add3A_120 : i32 to index
      %swap3A_122 = arith.constant 0 : index
      %swap3A_123 = tpu.vector_load %arg13[%swap3A_121, %swap3A_122] {strides = array<i32>} : memref<128x64xf32, #tpu.memory_space<vmem>>, vector<16xf32>,
      tpu.vector_store %arg13[%swap3A_121, %swap3A_122], %gather3A_116 {strides = array<i32>} : memref<128x64xf32, #tpu.memory_space<vmem>>, vector<16xf32>,
      %gather3A_124 = tpu.vector_load_idx %arg9[%broadcast_in_dim3A_115, %get3A_27] : memref<4x2048xf32, #tpu.memory_space<vmem>>[vector<16xi32>, vector<16xi32>], vector<16xf32>,
      %mul3A_125 = arith.constant 4 : i32
      %mul3A_126 = arith.muli %add3A_67, %mul3A_125 : i32
      %add3A_127 = arith.constant 1 : i32
      %add3A_128 = arith.addi %mul3A_126, %add3A_127 : i32
      %swap3A_129 = arith.index_cast %add3A_128 : i32 to index
      %swap3A_130 = arith.constant 16 : index
      %swap3A_131 = tpu.vector_load %arg13[%swap3A_129, %swap3A_130] {strides = array<i32>} : memref<128x64xf32, #tpu.memory_space<vmem>>, vector<16xf32>,
      tpu.vector_store %arg13[%swap3A_129, %swap3A_130], %gather3A_124 {strides = array<i32>} : memref<128x64xf32, #tpu.memory_space<vmem>>, vector<16xf32>,
      %gather3A_132 = tpu.vector_load_idx %arg9[%broadcast_in_dim3A_115, %get3A_29] : memref<4x2048xf32, #tpu.memory_space<vmem>>[vector<16xi32>, vector<16xi32>], vector<16xf32>,
      %mul3A_133 = arith.constant 4 : i32
      %mul3A_134 = arith.muli %add3A_67, %mul3A_133 : i32
      %add3A_135 = arith.constant 1 : i32
      %add3A_136 = arith.addi %mul3A_134, %add3A_135 : i32
      %swap3A_137 = arith.index_cast %add3A_136 : i32 to index
      %swap3A_138 = arith.constant 32 : index
      %swap3A_139 = tpu.vector_load %arg13[%swap3A_137, %swap3A_138] {strides = array<i32>} : memref<128x64xf32, #tpu.memory_space<vmem>>, vector<16xf32>,
      tpu.vector_store %arg13[%swap3A_137, %swap3A_138], %gather3A_132 {strides = array<i32>} : memref<128x64xf32, #tpu.memory_space<vmem>>, vector<16xf32>,
      %gather3A_140 = tpu.vector_load_idx %arg9[%broadcast_in_dim3A_115, %get3A_31] : memref<4x2048xf32, #tpu.memory_space<vmem>>[vector<16xi32>, vector<16xi32>], vector<16xf32>,
      %mul3A_141 = arith.constant 4 : i32
      %mul3A_142 = arith.muli %add3A_67, %mul3A_141 : i32
      %add3A_143 = arith.constant 1 : i32
      %add3A_144 = arith.addi %mul3A_142, %add3A_143 : i32
      %swap3A_145 = arith.index_cast %add3A_144 : i32 to index
      %swap3A_146 = arith.constant 48 : index
      %swap3A_147 = tpu.vector_load %arg13[%swap3A_145, %swap3A_146] {strides = array<i32>} : memref<128x64xf32, #tpu.memory_space<vmem>>, vector<16xf32>,
      tpu.vector_store %arg13[%swap3A_145, %swap3A_146], %gather3A_140 {strides = array<i32>} : memref<128x64xf32, #tpu.memory_space<vmem>>, vector<16xf32>,
      %broadcast_in_dim3A_148 = arith.constant 2 : i32
      %broadcast_in_dim3A_149 = vector.broadcast %broadcast_in_dim3A_148 : i32 to vector<16xi32>
      %gather3A_150 = tpu.vector_load_idx %arg9[%broadcast_in_dim3A_149, %get3A_25] : memref<4x2048xf32, #tpu.memory_space<vmem>>[vector<16xi32>, vector<16xi32>], vector<16xf32>,
      %mul3A_151 = arith.constant 4 : i32
      %mul3A_152 = arith.muli %add3A_67, %mul3A_151 : i32
      %add3A_153 = arith.constant 2 : i32
      %add3A_154 = arith.addi %mul3A_152, %add3A_153 : i32
      %swap3A_155 = arith.index_cast %add3A_154 : i32 to index
      %swap3A_156 = arith.constant 0 : index
      %swap3A_157 = tpu.vector_load %arg13[%swap3A_155, %swap3A_156] {strides = array<i32>} : memref<128x64xf32, #tpu.memory_space<vmem>>, vector<16xf32>,
      tpu.vector_store %arg13[%swap3A_155, %swap3A_156], %gather3A_150 {strides = array<i32>} : memref<128x64xf32, #tpu.memory_space<vmem>>, vector<16xf32>,
      %gather3A_158 = tpu.vector_load_idx %arg9[%broadcast_in_dim3A_149, %get3A_27] : memref<4x2048xf32, #tpu.memory_space<vmem>>[vector<16xi32>, vector<16xi32>], vector<16xf32>,
      %mul3A_159 = arith.constant 4 : i32
      %mul3A_160 = arith.muli %add3A_67, %mul3A_159 : i32
      %add3A_161 = arith.constant 2 : i32
      %add3A_162 = arith.addi %mul3A_160, %add3A_161 : i32
      %swap3A_163 = arith.index_cast %add3A_162 : i32 to index
      %swap3A_164 = arith.constant 16 : index
      %swap3A_165 = tpu.vector_load %arg13[%swap3A_163, %swap3A_164] {strides = array<i32>} : memref<128x64xf32, #tpu.memory_space<vmem>>, vector<16xf32>,
      tpu.vector_store %arg13[%swap3A_163, %swap3A_164], %gather3A_158 {strides = array<i32>} : memref<128x64xf32, #tpu.memory_space<vmem>>, vector<16xf32>,
      %gather3A_166 = tpu.vector_load_idx %arg9[%broadcast_in_dim3A_149, %get3A_29] : memref<4x2048xf32, #tpu.memory_space<vmem>>[vector<16xi32>, vector<16xi32>], vector<16xf32>,
      %mul3A_167 = arith.constant 4 : i32
      %mul3A_168 = arith.muli %add3A_67, %mul3A_167 : i32
      %add3A_169 = arith.constant 2 : i32
      %add3A_170 = arith.addi %mul3A_168, %add3A_169 : i32
      %swap3A_171 = arith.index_cast %add3A_170 : i32 to index
      %swap3A_172 = arith.constant 32 : index
      %swap3A_173 = tpu.vector_load %arg13[%swap3A_171, %swap3A_172] {strides = array<i32>} : memref<128x64xf32, #tpu.memory_space<vmem>>, vector<16xf32>,
      tpu.vector_store %arg13[%swap3A_171, %swap3A_172], %gather3A_166 {strides = array<i32>} : memref<128x64xf32, #tpu.memory_space<vmem>>, vector<16xf32>,
      %gather3A_174 = tpu.vector_load_idx %arg9[%broadcast_in_dim3A_149, %get3A_31] : memref<4x2048xf32, #tpu.memory_space<vmem>>[vector<16xi32>, vector<16xi32>], vector<16xf32>,
      %mul3A_175 = arith.constant 4 : i32
      %mul3A_176 = arith.muli %add3A_67, %mul3A_175 : i32
      %add3A_177 = arith.constant 2 : i32
      %add3A_178 = arith.addi %mul3A_176, %add3A_177 : i32
      %swap3A_179 = arith.index_cast %add3A_178 : i32 to index
      %swap3A_180 = arith.constant 48 : index
      %swap3A_181 = tpu.vector_load %arg13[%swap3A_179, %swap3A_180] {strides = array<i32>} : memref<128x64xf32, #tpu.memory_space<vmem>>, vector<16xf32>,
      tpu.vector_store %arg13[%swap3A_179, %swap3A_180], %gather3A_174 {strides = array<i32>} : memref<128x64xf32, #tpu.memory_space<vmem>>, vector<16xf32>,
      %broadcast_in_dim3A_182 = arith.constant 3 : i32
      %broadcast_in_dim3A_183 = vector.broadcast %broadcast_in_dim3A_182 : i32 to vector<16xi32>
      %gather3A_184 = tpu.vector_load_idx %arg9[%broadcast_in_dim3A_183, %get3A_25] : memref<4x2048xf32, #tpu.memory_space<vmem>>[vector<16xi32>, vector<16xi32>], vector<16xf32>,
      %mul3A_185 = arith.constant 4 : i32
      %mul3A_186 = arith.muli %add3A_67, %mul3A_185 : i32
      %add3A_187 = arith.constant 3 : i32
      %add3A_188 = arith.addi %mul3A_186, %add3A_187 : i32
      %swap3A_189 = arith.index_cast %add3A_188 : i32 to index
      %swap3A_190 = arith.constant 0 : index
      %swap3A_191 = tpu.vector_load %arg13[%swap3A_189, %swap3A_190] {strides = array<i32>} : memref<128x64xf32, #tpu.memory_space<vmem>>, vector<16xf32>,
      tpu.vector_store %arg13[%swap3A_189, %swap3A_190], %gather3A_184 {strides = array<i32>} : memref<128x64xf32, #tpu.memory_space<vmem>>, vector<16xf32>,
      %gather3A_192 = tpu.vector_load_idx %arg9[%broadcast_in_dim3A_183, %get3A_27] : memref<4x2048xf32, #tpu.memory_space<vmem>>[vector<16xi32>, vector<16xi32>], vector<16xf32>,
      %mul3A_193 = arith.constant 4 : i32
      %mul3A_194 = arith.muli %add3A_67, %mul3A_193 : i32
      %add3A_195 = arith.constant 3 : i32
      %add3A_196 = arith.addi %mul3A_194, %add3A_195 : i32
      %swap3A_197 = arith.index_cast %add3A_196 : i32 to index
      %swap3A_198 = arith.constant 16 : index
      %swap3A_199 = tpu.vector_load %arg13[%swap3A_197, %swap3A_198] {strides = array<i32>} : memref<128x64xf32, #tpu.memory_space<vmem>>, vector<16xf32>,
      tpu.vector_store %arg13[%swap3A_197, %swap3A_198], %gather3A_192 {strides = array<i32>} : memref<128x64xf32, #tpu.memory_space<vmem>>, vector<16xf32>,
      %gather3A_200 = tpu.vector_load_idx %arg9[%broadcast_in_dim3A_183, %get3A_29] : memref<4x2048xf32, #tpu.memory_space<vmem>>[vector<16xi32>, vector<16xi32>], vector<16xf32>,
      %mul3A_201 = arith.constant 4 : i32
      %mul3A_202 = arith.muli %add3A_67, %mul3A_201 : i32
      %add3A_203 = arith.constant 3 : i32
      %add3A_204 = arith.addi %mul3A_202, %add3A_203 : i32
      %swap3A_205 = arith.index_cast %add3A_204 : i32 to index
      %swap3A_206 = arith.constant 32 : index
      %swap3A_207 = tpu.vector_load %arg13[%swap3A_205, %swap3A_206] {strides = array<i32>} : memref<128x64xf32, #tpu.memory_space<vmem>>, vector<16xf32>,
      tpu.vector_store %arg13[%swap3A_205, %swap3A_206], %gather3A_200 {strides = array<i32>} : memref<128x64xf32, #tpu.memory_space<vmem>>, vector<16xf32>,
      %gather3A_208 = tpu.vector_load_idx %arg9[%broadcast_in_dim3A_183, %get3A_31] : memref<4x2048xf32, #tpu.memory_space<vmem>>[vector<16xi32>, vector<16xi32>], vector<16xf32>,
      %mul3A_209 = arith.constant 4 : i32
      %mul3A_210 = arith.muli %add3A_67, %mul3A_209 : i32
      %add3A_211 = arith.constant 3 : i32
      %add3A_212 = arith.addi %mul3A_210, %add3A_211 : i32
      %swap3A_213 = arith.index_cast %add3A_212 : i32 to index
      %swap3A_214 = arith.constant 48 : index
      %swap3A_215 = tpu.vector_load %arg13[%swap3A_213, %swap3A_214] {strides = array<i32>} : memref<128x64xf32, #tpu.memory_space<vmem>>, vector<16xf32>,
      tpu.vector_store %arg13[%swap3A_213, %swap3A_214], %gather3A_208 {strides = array<i32>} : memref<128x64xf32, #tpu.memory_space<vmem>>, vector<16xf32>,
      %mul3A_216 = arith.constant 4 : i32
      %mul3A_217 = arith.muli %scan3A_63, %mul3A_216 : i32
      %add3A_218 = arith.constant 1 : i32
      %add3A_219 = arith.addi %mul3A_217, %add3A_218 : i32
      %add3A_220 = arith.constant 4 : i32
      %add3A_221 = arith.addi %add3A_219, %add3A_220 : i32
      %sub3A_222 = arith.constant 1 : i32
      %sub3A_223 = arith.subi %add3A_221, %sub3A_222 : i32
      %lt3A_224 = arith.constant 32 : i32
      %lt3A_225 = arith.cmpi slt, %sub3A_223, %lt3A_224 : i32
      %convert_element_type3A_226 = arith.extui %lt3A_225 : i1 to i32
      %cond3A_227 = arith.constant 0 : i32
      %cond3A_228 = arith.cmpi ne, %convert_element_type3A_226, %cond3A_227 : i32
      scf.if %cond3A_228 {
        %add3A_684 = arith.constant 4 : i32
        %add3A_685 = arith.addi %add3A_219, %add3A_684 : i32
        %sub3A_686 = arith.constant 1 : i32
        %sub3A_687 = arith.subi %add3A_685, %sub3A_686 : i32
        %mul3A_688 = arith.constant 4 : i32
        %mul3A_689 = arith.muli %sub3A_687, %mul3A_688 : i32
        %add3A_690 = arith.addi %add3A_20, %mul3A_689 : i32
        %dma_start3A_691 = arith.constant 0 : i32
        %dma_start3A_692 = tpu.memref_slice %arg2[%add3A_690, %dma_start3A_691] : memref<16384x2048xf32, #tpu.memory_space<hbm>> -> memref<4x2048xf32, #tpu.memory_space<hbm>>
        %dma_start3A_693 = arith.constant 0 : i32
        %dma_start3A_694 = tpu.memref_slice %arg2[%add3A_690, %dma_start3A_693] : memref<16384x2048xf32, #tpu.memory_space<hbm>> -> memref<4x2048xf32, #tpu.memory_space<hbm>>
        tpu.enqueue_dma source(%dma_start3A_694 : memref<4x2048xf32, #tpu.memory_space<hbm>>) target(%arg9 : memref<4x2048xf32, #tpu.memory_space<vmem>>) target_semaphore(%arg15 : memref<!tpu.dma_semaphore, #tpu.memory_space<semaphore_mem>>)
      } else {
      }
      %mul3A_229 = arith.constant 4 : i32
      %mul3A_230 = arith.muli %add3A_219, %mul3A_229 : i32
      %add3A_231 = arith.addi %add3A_20, %mul3A_230 : i32
      %dma_wait3A_232 = arith.constant 0 : i32
      %dma_wait3A_233 = tpu.memref_slice %arg2[%add3A_231, %dma_wait3A_232] : memref<16384x2048xf32, #tpu.memory_space<hbm>> -> memref<4x2048xf32, #tpu.memory_space<hbm>>
      %dma_wait3A_234 = arith.constant 0 : i32
      %dma_wait3A_235 = tpu.memref_slice %arg2[%add3A_231, %dma_wait3A_234] : memref<16384x2048xf32, #tpu.memory_space<hbm>> -> memref<4x2048xf32, #tpu.memory_space<hbm>>
      tpu.wait_dma2 semaphore(%arg16 : memref<!tpu.dma_semaphore, #tpu.memory_space<semaphore_mem>>) src(%dma_wait3A_235 : memref<4x2048xf32, #tpu.memory_space<hbm>>) dst(%arg10 : memref<4x2048xf32, #tpu.memory_space<vmem>>)
      %broadcast_in_dim3A_236 = arith.constant 0 : i32
      %broadcast_in_dim3A_237 = vector.broadcast %broadcast_in_dim3A_236 : i32 to vector<16xi32>
      %gather3A_238 = tpu.vector_load_idx %arg10[%broadcast_in_dim3A_237, %get3A_25] : memref<4x2048xf32, #tpu.memory_space<vmem>>[vector<16xi32>, vector<16xi32>], vector<16xf32>,
      %mul3A_239 = arith.constant 4 : i32
      %mul3A_240 = arith.muli %add3A_219, %mul3A_239 : i32
      %add3A_241 = arith.constant 0 : i32
      %add3A_242 = arith.addi %mul3A_240, %add3A_241 : i32
      %swap3A_243 = arith.index_cast %add3A_242 : i32 to index
      %swap3A_244 = arith.constant 0 : index
      %swap3A_245 = tpu.vector_load %arg13[%swap3A_243, %swap3A_244] {strides = array<i32>} : memref<128x64xf32, #tpu.memory_space<vmem>>, vector<16xf32>,
      tpu.vector_store %arg13[%swap3A_243, %swap3A_244], %gather3A_238 {strides = array<i32>} : memref<128x64xf32, #tpu.memory_space<vmem>>, vector<16xf32>,
      %gather3A_246 = tpu.vector_load_idx %arg10[%broadcast_in_dim3A_237, %get3A_27] : memref<4x2048xf32, #tpu.memory_space<vmem>>[vector<16xi32>, vector<16xi32>], vector<16xf32>,
      %mul3A_247 = arith.constant 4 : i32
      %mul3A_248 = arith.muli %add3A_219, %mul3A_247 : i32
      %add3A_249 = arith.constant 0 : i32
      %add3A_250 = arith.addi %mul3A_248, %add3A_249 : i32
      %swap3A_251 = arith.index_cast %add3A_250 : i32 to index
      %swap3A_252 = arith.constant 16 : index
      %swap3A_253 = tpu.vector_load %arg13[%swap3A_251, %swap3A_252] {strides = array<i32>} : memref<128x64xf32, #tpu.memory_space<vmem>>, vector<16xf32>,
      tpu.vector_store %arg13[%swap3A_251, %swap3A_252], %gather3A_246 {strides = array<i32>} : memref<128x64xf32, #tpu.memory_space<vmem>>, vector<16xf32>,
      %gather3A_254 = tpu.vector_load_idx %arg10[%broadcast_in_dim3A_237, %get3A_29] : memref<4x2048xf32, #tpu.memory_space<vmem>>[vector<16xi32>, vector<16xi32>], vector<16xf32>,
      %mul3A_255 = arith.constant 4 : i32
      %mul3A_256 = arith.muli %add3A_219, %mul3A_255 : i32
      %add3A_257 = arith.constant 0 : i32
      %add3A_258 = arith.addi %mul3A_256, %add3A_257 : i32
      %swap3A_259 = arith.index_cast %add3A_258 : i32 to index
      %swap3A_260 = arith.constant 32 : index
      %swap3A_261 = tpu.vector_load %arg13[%swap3A_259, %swap3A_260] {strides = array<i32>} : memref<128x64xf32, #tpu.memory_space<vmem>>, vector<16xf32>,
      tpu.vector_store %arg13[%swap3A_259, %swap3A_260], %gather3A_254 {strides = array<i32>} : memref<128x64xf32, #tpu.memory_space<vmem>>, vector<16xf32>,
      %gather3A_262 = tpu.vector_load_idx %arg10[%broadcast_in_dim3A_237, %get3A_31] : memref<4x2048xf32, #tpu.memory_space<vmem>>[vector<16xi32>, vector<16xi32>], vector<16xf32>,
      %mul3A_263 = arith.constant 4 : i32
      %mul3A_264 = arith.muli %add3A_219, %mul3A_263 : i32
      %add3A_265 = arith.constant 0 : i32
      %add3A_266 = arith.addi %mul3A_264, %add3A_265 : i32
      %swap3A_267 = arith.index_cast %add3A_266 : i32 to index
      %swap3A_268 = arith.constant 48 : index
      %swap3A_269 = tpu.vector_load %arg13[%swap3A_267, %swap3A_268] {strides = array<i32>} : memref<128x64xf32, #tpu.memory_space<vmem>>, vector<16xf32>,
      tpu.vector_store %arg13[%swap3A_267, %swap3A_268], %gather3A_262 {strides = array<i32>} : memref<128x64xf32, #tpu.memory_space<vmem>>, vector<16xf32>,
      %broadcast_in_dim3A_270 = arith.constant 1 : i32
      %broadcast_in_dim3A_271 = vector.broadcast %broadcast_in_dim3A_270 : i32 to vector<16xi32>
      %gather3A_272 = tpu.vector_load_idx %arg10[%broadcast_in_dim3A_271, %get3A_25] : memref<4x2048xf32, #tpu.memory_space<vmem>>[vector<16xi32>, vector<16xi32>], vector<16xf32>,
      %mul3A_273 = arith.constant 4 : i32
      %mul3A_274 = arith.muli %add3A_219, %mul3A_273 : i32
      %add3A_275 = arith.constant 1 : i32
      %add3A_276 = arith.addi %mul3A_274, %add3A_275 : i32
      %swap3A_277 = arith.index_cast %add3A_276 : i32 to index
      %swap3A_278 = arith.constant 0 : index
      %swap3A_279 = tpu.vector_load %arg13[%swap3A_277, %swap3A_278] {strides = array<i32>} : memref<128x64xf32, #tpu.memory_space<vmem>>, vector<16xf32>,
      tpu.vector_store %arg13[%swap3A_277, %swap3A_278], %gather3A_272 {strides = array<i32>} : memref<128x64xf32, #tpu.memory_space<vmem>>, vector<16xf32>,
      %gather3A_280 = tpu.vector_load_idx %arg10[%broadcast_in_dim3A_271, %get3A_27] : memref<4x2048xf32, #tpu.memory_space<vmem>>[vector<16xi32>, vector<16xi32>], vector<16xf32>,
      %mul3A_281 = arith.constant 4 : i32
      %mul3A_282 = arith.muli %add3A_219, %mul3A_281 : i32
      %add3A_283 = arith.constant 1 : i32
      %add3A_284 = arith.addi %mul3A_282, %add3A_283 : i32
      %swap3A_285 = arith.index_cast %add3A_284 : i32 to index
      %swap3A_286 = arith.constant 16 : index
      %swap3A_287 = tpu.vector_load %arg13[%swap3A_285, %swap3A_286] {strides = array<i32>} : memref<128x64xf32, #tpu.memory_space<vmem>>, vector<16xf32>,
      tpu.vector_store %arg13[%swap3A_285, %swap3A_286], %gather3A_280 {strides = array<i32>} : memref<128x64xf32, #tpu.memory_space<vmem>>, vector<16xf32>,
      %gather3A_288 = tpu.vector_load_idx %arg10[%broadcast_in_dim3A_271, %get3A_29] : memref<4x2048xf32, #tpu.memory_space<vmem>>[vector<16xi32>, vector<16xi32>], vector<16xf32>,
      %mul3A_289 = arith.constant 4 : i32
      %mul3A_290 = arith.muli %add3A_219, %mul3A_289 : i32
      %add3A_291 = arith.constant 1 : i32
      %add3A_292 = arith.addi %mul3A_290, %add3A_291 : i32
      %swap3A_293 = arith.index_cast %add3A_292 : i32 to index
      %swap3A_294 = arith.constant 32 : index
      %swap3A_295 = tpu.vector_load %arg13[%swap3A_293, %swap3A_294] {strides = array<i32>} : memref<128x64xf32, #tpu.memory_space<vmem>>, vector<16xf32>,
      tpu.vector_store %arg13[%swap3A_293, %swap3A_294], %gather3A_288 {strides = array<i32>} : memref<128x64xf32, #tpu.memory_space<vmem>>, vector<16xf32>,
      %gather3A_296 = tpu.vector_load_idx %arg10[%broadcast_in_dim3A_271, %get3A_31] : memref<4x2048xf32, #tpu.memory_space<vmem>>[vector<16xi32>, vector<16xi32>], vector<16xf32>,
      %mul3A_297 = arith.constant 4 : i32
      %mul3A_298 = arith.muli %add3A_219, %mul3A_297 : i32
      %add3A_299 = arith.constant 1 : i32
      %add3A_300 = arith.addi %mul3A_298, %add3A_299 : i32
      %swap3A_301 = arith.index_cast %add3A_300 : i32 to index
      %swap3A_302 = arith.constant 48 : index
      %swap3A_303 = tpu.vector_load %arg13[%swap3A_301, %swap3A_302] {strides = array<i32>} : memref<128x64xf32, #tpu.memory_space<vmem>>, vector<16xf32>,
      tpu.vector_store %arg13[%swap3A_301, %swap3A_302], %gather3A_296 {strides = array<i32>} : memref<128x64xf32, #tpu.memory_space<vmem>>, vector<16xf32>,
      %broadcast_in_dim3A_304 = arith.constant 2 : i32
      %broadcast_in_dim3A_305 = vector.broadcast %broadcast_in_dim3A_304 : i32 to vector<16xi32>
      %gather3A_306 = tpu.vector_load_idx %arg10[%broadcast_in_dim3A_305, %get3A_25] : memref<4x2048xf32, #tpu.memory_space<vmem>>[vector<16xi32>, vector<16xi32>], vector<16xf32>,
      %mul3A_307 = arith.constant 4 : i32
      %mul3A_308 = arith.muli %add3A_219, %mul3A_307 : i32
      %add3A_309 = arith.constant 2 : i32
      %add3A_310 = arith.addi %mul3A_308, %add3A_309 : i32
      %swap3A_311 = arith.index_cast %add3A_310 : i32 to index
      %swap3A_312 = arith.constant 0 : index
      %swap3A_313 = tpu.vector_load %arg13[%swap3A_311, %swap3A_312] {strides = array<i32>} : memref<128x64xf32, #tpu.memory_space<vmem>>, vector<16xf32>,
      tpu.vector_store %arg13[%swap3A_311, %swap3A_312], %gather3A_306 {strides = array<i32>} : memref<128x64xf32, #tpu.memory_space<vmem>>, vector<16xf32>,
      %gather3A_314 = tpu.vector_load_idx %arg10[%broadcast_in_dim3A_305, %get3A_27] : memref<4x2048xf32, #tpu.memory_space<vmem>>[vector<16xi32>, vector<16xi32>], vector<16xf32>,
      %mul3A_315 = arith.constant 4 : i32
      %mul3A_316 = arith.muli %add3A_219, %mul3A_315 : i32
      %add3A_317 = arith.constant 2 : i32
      %add3A_318 = arith.addi %mul3A_316, %add3A_317 : i32
      %swap3A_319 = arith.index_cast %add3A_318 : i32 to index
      %swap3A_320 = arith.constant 16 : index
      %swap3A_321 = tpu.vector_load %arg13[%swap3A_319, %swap3A_320] {strides = array<i32>} : memref<128x64xf32, #tpu.memory_space<vmem>>, vector<16xf32>,
      tpu.vector_store %arg13[%swap3A_319, %swap3A_320], %gather3A_314 {strides = array<i32>} : memref<128x64xf32, #tpu.memory_space<vmem>>, vector<16xf32>,
      %gather3A_322 = tpu.vector_load_idx %arg10[%broadcast_in_dim3A_305, %get3A_29] : memref<4x2048xf32, #tpu.memory_space<vmem>>[vector<16xi32>, vector<16xi32>], vector<16xf32>,
      %mul3A_323 = arith.constant 4 : i32
      %mul3A_324 = arith.muli %add3A_219, %mul3A_323 : i32
      %add3A_325 = arith.constant 2 : i32
      %add3A_326 = arith.addi %mul3A_324, %add3A_325 : i32
      %swap3A_327 = arith.index_cast %add3A_326 : i32 to index
      %swap3A_328 = arith.constant 32 : index
      %swap3A_329 = tpu.vector_load %arg13[%swap3A_327, %swap3A_328] {strides = array<i32>} : memref<128x64xf32, #tpu.memory_space<vmem>>, vector<16xf32>,
      tpu.vector_store %arg13[%swap3A_327, %swap3A_328], %gather3A_322 {strides = array<i32>} : memref<128x64xf32, #tpu.memory_space<vmem>>, vector<16xf32>,
      %gather3A_330 = tpu.vector_load_idx %arg10[%broadcast_in_dim3A_305, %get3A_31] : memref<4x2048xf32, #tpu.memory_space<vmem>>[vector<16xi32>, vector<16xi32>], vector<16xf32>,
      %mul3A_331 = arith.constant 4 : i32
      %mul3A_332 = arith.muli %add3A_219, %mul3A_331 : i32
      %add3A_333 = arith.constant 2 : i32
      %add3A_334 = arith.addi %mul3A_332, %add3A_333 : i32
      %swap3A_335 = arith.index_cast %add3A_334 : i32 to index
      %swap3A_336 = arith.constant 48 : index
      %swap3A_337 = tpu.vector_load %arg13[%swap3A_335, %swap3A_336] {strides = array<i32>} : memref<128x64xf32, #tpu.memory_space<vmem>>, vector<16xf32>,
      tpu.vector_store %arg13[%swap3A_335, %swap3A_336], %gather3A_330 {strides = array<i32>} : memref<128x64xf32, #tpu.memory_space<vmem>>, vector<16xf32>,
      %broadcast_in_dim3A_338 = arith.constant 3 : i32
      %broadcast_in_dim3A_339 = vector.broadcast %broadcast_in_dim3A_338 : i32 to vector<16xi32>
      %gather3A_340 = tpu.vector_load_idx %arg10[%broadcast_in_dim3A_339, %get3A_25] : memref<4x2048xf32, #tpu.memory_space<vmem>>[vector<16xi32>, vector<16xi32>], vector<16xf32>,
      %mul3A_341 = arith.constant 4 : i32
      %mul3A_342 = arith.muli %add3A_219, %mul3A_341 : i32
      %add3A_343 = arith.constant 3 : i32
      %add3A_344 = arith.addi %mul3A_342, %add3A_343 : i32
      %swap3A_345 = arith.index_cast %add3A_344 : i32 to index
      %swap3A_346 = arith.constant 0 : index
      %swap3A_347 = tpu.vector_load %arg13[%swap3A_345, %swap3A_346] {strides = array<i32>} : memref<128x64xf32, #tpu.memory_space<vmem>>, vector<16xf32>,
      tpu.vector_store %arg13[%swap3A_345, %swap3A_346], %gather3A_340 {strides = array<i32>} : memref<128x64xf32, #tpu.memory_space<vmem>>, vector<16xf32>,
      %gather3A_348 = tpu.vector_load_idx %arg10[%broadcast_in_dim3A_339, %get3A_27] : memref<4x2048xf32, #tpu.memory_space<vmem>>[vector<16xi32>, vector<16xi32>], vector<16xf32>,
      %mul3A_349 = arith.constant 4 : i32
      %mul3A_350 = arith.muli %add3A_219, %mul3A_349 : i32
      %add3A_351 = arith.constant 3 : i32
      %add3A_352 = arith.addi %mul3A_350, %add3A_351 : i32
      %swap3A_353 = arith.index_cast %add3A_352 : i32 to index
      %swap3A_354 = arith.constant 16 : index
      %swap3A_355 = tpu.vector_load %arg13[%swap3A_353, %swap3A_354] {strides = array<i32>} : memref<128x64xf32, #tpu.memory_space<vmem>>, vector<16xf32>,
      tpu.vector_store %arg13[%swap3A_353, %swap3A_354], %gather3A_348 {strides = array<i32>} : memref<128x64xf32, #tpu.memory_space<vmem>>, vector<16xf32>,
      %gather3A_356 = tpu.vector_load_idx %arg10[%broadcast_in_dim3A_339, %get3A_29] : memref<4x2048xf32, #tpu.memory_space<vmem>>[vector<16xi32>, vector<16xi32>], vector<16xf32>,
      %mul3A_357 = arith.constant 4 : i32
      %mul3A_358 = arith.muli %add3A_219, %mul3A_357 : i32
      %add3A_359 = arith.constant 3 : i32
      %add3A_360 = arith.addi %mul3A_358, %add3A_359 : i32
      %swap3A_361 = arith.index_cast %add3A_360 : i32 to index
      %swap3A_362 = arith.constant 32 : index
      %swap3A_363 = tpu.vector_load %arg13[%swap3A_361, %swap3A_362] {strides = array<i32>} : memref<128x64xf32, #tpu.memory_space<vmem>>, vector<16xf32>,
      tpu.vector_store %arg13[%swap3A_361, %swap3A_362], %gather3A_356 {strides = array<i32>} : memref<128x64xf32, #tpu.memory_space<vmem>>, vector<16xf32>,
      %gather3A_364 = tpu.vector_load_idx %arg10[%broadcast_in_dim3A_339, %get3A_31] : memref<4x2048xf32, #tpu.memory_space<vmem>>[vector<16xi32>, vector<16xi32>], vector<16xf32>,
      %mul3A_365 = arith.constant 4 : i32
      %mul3A_366 = arith.muli %add3A_219, %mul3A_365 : i32
      %add3A_367 = arith.constant 3 : i32
      %add3A_368 = arith.addi %mul3A_366, %add3A_367 : i32
      %swap3A_369 = arith.index_cast %add3A_368 : i32 to index
      %swap3A_370 = arith.constant 48 : index
      %swap3A_371 = tpu.vector_load %arg13[%swap3A_369, %swap3A_370] {strides = array<i32>} : memref<128x64xf32, #tpu.memory_space<vmem>>, vector<16xf32>,
      tpu.vector_store %arg13[%swap3A_369, %swap3A_370], %gather3A_364 {strides = array<i32>} : memref<128x64xf32, #tpu.memory_space<vmem>>, vector<16xf32>,
      %mul3A_372 = arith.constant 4 : i32
      %mul3A_373 = arith.muli %scan3A_63, %mul3A_372 : i32
      %add3A_374 = arith.constant 2 : i32
      %add3A_375 = arith.addi %mul3A_373, %add3A_374 : i32
      %add3A_376 = arith.constant 4 : i32
      %add3A_377 = arith.addi %add3A_375, %add3A_376 : i32
      %sub3A_378 = arith.constant 1 : i32
      %sub3A_379 = arith.subi %add3A_377, %sub3A_378 : i32
      %lt3A_380 = arith.constant 32 : i32
      %lt3A_381 = arith.cmpi slt, %sub3A_379, %lt3A_380 : i32
      %convert_element_type3A_382 = arith.extui %lt3A_381 : i1 to i32
      %cond3A_383 = arith.constant 0 : i32
      %cond3A_384 = arith.cmpi ne, %convert_element_type3A_382, %cond3A_383 : i32
      scf.if %cond3A_384 {
        %add3A_684 = arith.constant 4 : i32
        %add3A_685 = arith.addi %add3A_375, %add3A_684 : i32
        %sub3A_686 = arith.constant 1 : i32
        %sub3A_687 = arith.subi %add3A_685, %sub3A_686 : i32
        %mul3A_688 = arith.constant 4 : i32
        %mul3A_689 = arith.muli %sub3A_687, %mul3A_688 : i32
        %add3A_690 = arith.addi %add3A_20, %mul3A_689 : i32
        %dma_start3A_691 = arith.constant 0 : i32
        %dma_start3A_692 = tpu.memref_slice %arg2[%add3A_690, %dma_start3A_691] : memref<16384x2048xf32, #tpu.memory_space<hbm>> -> memref<4x2048xf32, #tpu.memory_space<hbm>>
        %dma_start3A_693 = arith.constant 0 : i32
        %dma_start3A_694 = tpu.memref_slice %arg2[%add3A_690, %dma_start3A_693] : memref<16384x2048xf32, #tpu.memory_space<hbm>> -> memref<4x2048xf32, #tpu.memory_space<hbm>>
        tpu.enqueue_dma source(%dma_start3A_694 : memref<4x2048xf32, #tpu.memory_space<hbm>>) target(%arg10 : memref<4x2048xf32, #tpu.memory_space<vmem>>) target_semaphore(%arg16 : memref<!tpu.dma_semaphore, #tpu.memory_space<semaphore_mem>>)
      } else {
      }
      %mul3A_385 = arith.constant 4 : i32
      %mul3A_386 = arith.muli %add3A_375, %mul3A_385 : i32
      %add3A_387 = arith.addi %add3A_20, %mul3A_386 : i32
      %dma_wait3A_388 = arith.constant 0 : i32
      %dma_wait3A_389 = tpu.memref_slice %arg2[%add3A_387, %dma_wait3A_388] : memref<16384x2048xf32, #tpu.memory_space<hbm>> -> memref<4x2048xf32, #tpu.memory_space<hbm>>
      %dma_wait3A_390 = arith.constant 0 : i32
      %dma_wait3A_391 = tpu.memref_slice %arg2[%add3A_387, %dma_wait3A_390] : memref<16384x2048xf32, #tpu.memory_space<hbm>> -> memref<4x2048xf32, #tpu.memory_space<hbm>>
      tpu.wait_dma2 semaphore(%arg17 : memref<!tpu.dma_semaphore, #tpu.memory_space<semaphore_mem>>) src(%dma_wait3A_391 : memref<4x2048xf32, #tpu.memory_space<hbm>>) dst(%arg11 : memref<4x2048xf32, #tpu.memory_space<vmem>>)
      %broadcast_in_dim3A_392 = arith.constant 0 : i32
      %broadcast_in_dim3A_393 = vector.broadcast %broadcast_in_dim3A_392 : i32 to vector<16xi32>
      %gather3A_394 = tpu.vector_load_idx %arg11[%broadcast_in_dim3A_393, %get3A_25] : memref<4x2048xf32, #tpu.memory_space<vmem>>[vector<16xi32>, vector<16xi32>], vector<16xf32>,
      %mul3A_395 = arith.constant 4 : i32
      %mul3A_396 = arith.muli %add3A_375, %mul3A_395 : i32
      %add3A_397 = arith.constant 0 : i32
      %add3A_398 = arith.addi %mul3A_396, %add3A_397 : i32
      %swap3A_399 = arith.index_cast %add3A_398 : i32 to index
      %swap3A_400 = arith.constant 0 : index
      %swap3A_401 = tpu.vector_load %arg13[%swap3A_399, %swap3A_400] {strides = array<i32>} : memref<128x64xf32, #tpu.memory_space<vmem>>, vector<16xf32>,
      tpu.vector_store %arg13[%swap3A_399, %swap3A_400], %gather3A_394 {strides = array<i32>} : memref<128x64xf32, #tpu.memory_space<vmem>>, vector<16xf32>,
      %gather3A_402 = tpu.vector_load_idx %arg11[%broadcast_in_dim3A_393, %get3A_27] : memref<4x2048xf32, #tpu.memory_space<vmem>>[vector<16xi32>, vector<16xi32>], vector<16xf32>,
      %mul3A_403 = arith.constant 4 : i32
      %mul3A_404 = arith.muli %add3A_375, %mul3A_403 : i32
      %add3A_405 = arith.constant 0 : i32
      %add3A_406 = arith.addi %mul3A_404, %add3A_405 : i32
      %swap3A_407 = arith.index_cast %add3A_406 : i32 to index
      %swap3A_408 = arith.constant 16 : index
      %swap3A_409 = tpu.vector_load %arg13[%swap3A_407, %swap3A_408] {strides = array<i32>} : memref<128x64xf32, #tpu.memory_space<vmem>>, vector<16xf32>,
      tpu.vector_store %arg13[%swap3A_407, %swap3A_408], %gather3A_402 {strides = array<i32>} : memref<128x64xf32, #tpu.memory_space<vmem>>, vector<16xf32>,
      %gather3A_410 = tpu.vector_load_idx %arg11[%broadcast_in_dim3A_393, %get3A_29] : memref<4x2048xf32, #tpu.memory_space<vmem>>[vector<16xi32>, vector<16xi32>], vector<16xf32>,
      %mul3A_411 = arith.constant 4 : i32
      %mul3A_412 = arith.muli %add3A_375, %mul3A_411 : i32
      %add3A_413 = arith.constant 0 : i32
      %add3A_414 = arith.addi %mul3A_412, %add3A_413 : i32
      %swap3A_415 = arith.index_cast %add3A_414 : i32 to index
      %swap3A_416 = arith.constant 32 : index
      %swap3A_417 = tpu.vector_load %arg13[%swap3A_415, %swap3A_416] {strides = array<i32>} : memref<128x64xf32, #tpu.memory_space<vmem>>, vector<16xf32>,
      tpu.vector_store %arg13[%swap3A_415, %swap3A_416], %gather3A_410 {strides = array<i32>} : memref<128x64xf32, #tpu.memory_space<vmem>>, vector<16xf32>,
      %gather3A_418 = tpu.vector_load_idx %arg11[%broadcast_in_dim3A_393, %get3A_31] : memref<4x2048xf32, #tpu.memory_space<vmem>>[vector<16xi32>, vector<16xi32>], vector<16xf32>,
      %mul3A_419 = arith.constant 4 : i32
      %mul3A_420 = arith.muli %add3A_375, %mul3A_419 : i32
      %add3A_421 = arith.constant 0 : i32
      %add3A_422 = arith.addi %mul3A_420, %add3A_421 : i32
      %swap3A_423 = arith.index_cast %add3A_422 : i32 to index
      %swap3A_424 = arith.constant 48 : index
      %swap3A_425 = tpu.vector_load %arg13[%swap3A_423, %swap3A_424] {strides = array<i32>} : memref<128x64xf32, #tpu.memory_space<vmem>>, vector<16xf32>,
      tpu.vector_store %arg13[%swap3A_423, %swap3A_424], %gather3A_418 {strides = array<i32>} : memref<128x64xf32, #tpu.memory_space<vmem>>, vector<16xf32>,
      %broadcast_in_dim3A_426 = arith.constant 1 : i32
      %broadcast_in_dim3A_427 = vector.broadcast %broadcast_in_dim3A_426 : i32 to vector<16xi32>
      %gather3A_428 = tpu.vector_load_idx %arg11[%broadcast_in_dim3A_427, %get3A_25] : memref<4x2048xf32, #tpu.memory_space<vmem>>[vector<16xi32>, vector<16xi32>], vector<16xf32>,
      %mul3A_429 = arith.constant 4 : i32
      %mul3A_430 = arith.muli %add3A_375, %mul3A_429 : i32
      %add3A_431 = arith.constant 1 : i32
      %add3A_432 = arith.addi %mul3A_430, %add3A_431 : i32
      %swap3A_433 = arith.index_cast %add3A_432 : i32 to index
      %swap3A_434 = arith.constant 0 : index
      %swap3A_435 = tpu.vector_load %arg13[%swap3A_433, %swap3A_434] {strides = array<i32>} : memref<128x64xf32, #tpu.memory_space<vmem>>, vector<16xf32>,
      tpu.vector_store %arg13[%swap3A_433, %swap3A_434], %gather3A_428 {strides = array<i32>} : memref<128x64xf32, #tpu.memory_space<vmem>>, vector<16xf32>,
      %gather3A_436 = tpu.vector_load_idx %arg11[%broadcast_in_dim3A_427, %get3A_27] : memref<4x2048xf32, #tpu.memory_space<vmem>>[vector<16xi32>, vector<16xi32>], vector<16xf32>,
      %mul3A_437 = arith.constant 4 : i32
      %mul3A_438 = arith.muli %add3A_375, %mul3A_437 : i32
      %add3A_439 = arith.constant 1 : i32
      %add3A_440 = arith.addi %mul3A_438, %add3A_439 : i32
      %swap3A_441 = arith.index_cast %add3A_440 : i32 to index
      %swap3A_442 = arith.constant 16 : index
      %swap3A_443 = tpu.vector_load %arg13[%swap3A_441, %swap3A_442] {strides = array<i32>} : memref<128x64xf32, #tpu.memory_space<vmem>>, vector<16xf32>,
      tpu.vector_store %arg13[%swap3A_441, %swap3A_442], %gather3A_436 {strides = array<i32>} : memref<128x64xf32, #tpu.memory_space<vmem>>, vector<16xf32>,
      %gather3A_444 = tpu.vector_load_idx %arg11[%broadcast_in_dim3A_427, %get3A_29] : memref<4x2048xf32, #tpu.memory_space<vmem>>[vector<16xi32>, vector<16xi32>], vector<16xf32>,
      %mul3A_445 = arith.constant 4 : i32
      %mul3A_446 = arith.muli %add3A_375, %mul3A_445 : i32
      %add3A_447 = arith.constant 1 : i32
      %add3A_448 = arith.addi %mul3A_446, %add3A_447 : i32
      %swap3A_449 = arith.index_cast %add3A_448 : i32 to index
      %swap3A_450 = arith.constant 32 : index
      %swap3A_451 = tpu.vector_load %arg13[%swap3A_449, %swap3A_450] {strides = array<i32>} : memref<128x64xf32, #tpu.memory_space<vmem>>, vector<16xf32>,
      tpu.vector_store %arg13[%swap3A_449, %swap3A_450], %gather3A_444 {strides = array<i32>} : memref<128x64xf32, #tpu.memory_space<vmem>>, vector<16xf32>,
      %gather3A_452 = tpu.vector_load_idx %arg11[%broadcast_in_dim3A_427, %get3A_31] : memref<4x2048xf32, #tpu.memory_space<vmem>>[vector<16xi32>, vector<16xi32>], vector<16xf32>,
      %mul3A_453 = arith.constant 4 : i32
      %mul3A_454 = arith.muli %add3A_375, %mul3A_453 : i32
      %add3A_455 = arith.constant 1 : i32
      %add3A_456 = arith.addi %mul3A_454, %add3A_455 : i32
      %swap3A_457 = arith.index_cast %add3A_456 : i32 to index
      %swap3A_458 = arith.constant 48 : index
      %swap3A_459 = tpu.vector_load %arg13[%swap3A_457, %swap3A_458] {strides = array<i32>} : memref<128x64xf32, #tpu.memory_space<vmem>>, vector<16xf32>,
      tpu.vector_store %arg13[%swap3A_457, %swap3A_458], %gather3A_452 {strides = array<i32>} : memref<128x64xf32, #tpu.memory_space<vmem>>, vector<16xf32>,
      %broadcast_in_dim3A_460 = arith.constant 2 : i32
      %broadcast_in_dim3A_461 = vector.broadcast %broadcast_in_dim3A_460 : i32 to vector<16xi32>
      %gather3A_462 = tpu.vector_load_idx %arg11[%broadcast_in_dim3A_461, %get3A_25] : memref<4x2048xf32, #tpu.memory_space<vmem>>[vector<16xi32>, vector<16xi32>], vector<16xf32>,
      %mul3A_463 = arith.constant 4 : i32
      %mul3A_464 = arith.muli %add3A_375, %mul3A_463 : i32
      %add3A_465 = arith.constant 2 : i32
      %add3A_466 = arith.addi %mul3A_464, %add3A_465 : i32
      %swap3A_467 = arith.index_cast %add3A_466 : i32 to index
      %swap3A_468 = arith.constant 0 : index
      %swap3A_469 = tpu.vector_load %arg13[%swap3A_467, %swap3A_468] {strides = array<i32>} : memref<128x64xf32, #tpu.memory_space<vmem>>, vector<16xf32>,
      tpu.vector_store %arg13[%swap3A_467, %swap3A_468], %gather3A_462 {strides = array<i32>} : memref<128x64xf32, #tpu.memory_space<vmem>>, vector<16xf32>,
      %gather3A_470 = tpu.vector_load_idx %arg11[%broadcast_in_dim3A_461, %get3A_27] : memref<4x2048xf32, #tpu.memory_space<vmem>>[vector<16xi32>, vector<16xi32>], vector<16xf32>,
      %mul3A_471 = arith.constant 4 : i32
      %mul3A_472 = arith.muli %add3A_375, %mul3A_471 : i32
      %add3A_473 = arith.constant 2 : i32
      %add3A_474 = arith.addi %mul3A_472, %add3A_473 : i32
      %swap3A_475 = arith.index_cast %add3A_474 : i32 to index
      %swap3A_476 = arith.constant 16 : index
      %swap3A_477 = tpu.vector_load %arg13[%swap3A_475, %swap3A_476] {strides = array<i32>} : memref<128x64xf32, #tpu.memory_space<vmem>>, vector<16xf32>,
      tpu.vector_store %arg13[%swap3A_475, %swap3A_476], %gather3A_470 {strides = array<i32>} : memref<128x64xf32, #tpu.memory_space<vmem>>, vector<16xf32>,
      %gather3A_478 = tpu.vector_load_idx %arg11[%broadcast_in_dim3A_461, %get3A_29] : memref<4x2048xf32, #tpu.memory_space<vmem>>[vector<16xi32>, vector<16xi32>], vector<16xf32>,
      %mul3A_479 = arith.constant 4 : i32
      %mul3A_480 = arith.muli %add3A_375, %mul3A_479 : i32
      %add3A_481 = arith.constant 2 : i32
      %add3A_482 = arith.addi %mul3A_480, %add3A_481 : i32
      %swap3A_483 = arith.index_cast %add3A_482 : i32 to index
      %swap3A_484 = arith.constant 32 : index
      %swap3A_485 = tpu.vector_load %arg13[%swap3A_483, %swap3A_484] {strides = array<i32>} : memref<128x64xf32, #tpu.memory_space<vmem>>, vector<16xf32>,
      tpu.vector_store %arg13[%swap3A_483, %swap3A_484], %gather3A_478 {strides = array<i32>} : memref<128x64xf32, #tpu.memory_space<vmem>>, vector<16xf32>,
      %gather3A_486 = tpu.vector_load_idx %arg11[%broadcast_in_dim3A_461, %get3A_31] : memref<4x2048xf32, #tpu.memory_space<vmem>>[vector<16xi32>, vector<16xi32>], vector<16xf32>,
      %mul3A_487 = arith.constant 4 : i32
      %mul3A_488 = arith.muli %add3A_375, %mul3A_487 : i32
      %add3A_489 = arith.constant 2 : i32
      %add3A_490 = arith.addi %mul3A_488, %add3A_489 : i32
      %swap3A_491 = arith.index_cast %add3A_490 : i32 to index
      %swap3A_492 = arith.constant 48 : index
      %swap3A_493 = tpu.vector_load %arg13[%swap3A_491, %swap3A_492] {strides = array<i32>} : memref<128x64xf32, #tpu.memory_space<vmem>>, vector<16xf32>,
      tpu.vector_store %arg13[%swap3A_491, %swap3A_492], %gather3A_486 {strides = array<i32>} : memref<128x64xf32, #tpu.memory_space<vmem>>, vector<16xf32>,
      %broadcast_in_dim3A_494 = arith.constant 3 : i32
      %broadcast_in_dim3A_495 = vector.broadcast %broadcast_in_dim3A_494 : i32 to vector<16xi32>
      %gather3A_496 = tpu.vector_load_idx %arg11[%broadcast_in_dim3A_495, %get3A_25] : memref<4x2048xf32, #tpu.memory_space<vmem>>[vector<16xi32>, vector<16xi32>], vector<16xf32>,
      %mul3A_497 = arith.constant 4 : i32
      %mul3A_498 = arith.muli %add3A_375, %mul3A_497 : i32
      %add3A_499 = arith.constant 3 : i32
      %add3A_500 = arith.addi %mul3A_498, %add3A_499 : i32
      %swap3A_501 = arith.index_cast %add3A_500 : i32 to index
      %swap3A_502 = arith.constant 0 : index
      %swap3A_503 = tpu.vector_load %arg13[%swap3A_501, %swap3A_502] {strides = array<i32>} : memref<128x64xf32, #tpu.memory_space<vmem>>, vector<16xf32>,
      tpu.vector_store %arg13[%swap3A_501, %swap3A_502], %gather3A_496 {strides = array<i32>} : memref<128x64xf32, #tpu.memory_space<vmem>>, vector<16xf32>,
      %gather3A_504 = tpu.vector_load_idx %arg11[%broadcast_in_dim3A_495, %get3A_27] : memref<4x2048xf32, #tpu.memory_space<vmem>>[vector<16xi32>, vector<16xi32>], vector<16xf32>,
      %mul3A_505 = arith.constant 4 : i32
      %mul3A_506 = arith.muli %add3A_375, %mul3A_505 : i32
      %add3A_507 = arith.constant 3 : i32
      %add3A_508 = arith.addi %mul3A_506, %add3A_507 : i32
      %swap3A_509 = arith.index_cast %add3A_508 : i32 to index
      %swap3A_510 = arith.constant 16 : index
      %swap3A_511 = tpu.vector_load %arg13[%swap3A_509, %swap3A_510] {strides = array<i32>} : memref<128x64xf32, #tpu.memory_space<vmem>>, vector<16xf32>,
      tpu.vector_store %arg13[%swap3A_509, %swap3A_510], %gather3A_504 {strides = array<i32>} : memref<128x64xf32, #tpu.memory_space<vmem>>, vector<16xf32>,
      %gather3A_512 = tpu.vector_load_idx %arg11[%broadcast_in_dim3A_495, %get3A_29] : memref<4x2048xf32, #tpu.memory_space<vmem>>[vector<16xi32>, vector<16xi32>], vector<16xf32>,
      %mul3A_513 = arith.constant 4 : i32
      %mul3A_514 = arith.muli %add3A_375, %mul3A_513 : i32
      %add3A_515 = arith.constant 3 : i32
      %add3A_516 = arith.addi %mul3A_514, %add3A_515 : i32
      %swap3A_517 = arith.index_cast %add3A_516 : i32 to index
      %swap3A_518 = arith.constant 32 : index
      %swap3A_519 = tpu.vector_load %arg13[%swap3A_517, %swap3A_518] {strides = array<i32>} : memref<128x64xf32, #tpu.memory_space<vmem>>, vector<16xf32>,
      tpu.vector_store %arg13[%swap3A_517, %swap3A_518], %gather3A_512 {strides = array<i32>} : memref<128x64xf32, #tpu.memory_space<vmem>>, vector<16xf32>,
      %gather3A_520 = tpu.vector_load_idx %arg11[%broadcast_in_dim3A_495, %get3A_31] : memref<4x2048xf32, #tpu.memory_space<vmem>>[vector<16xi32>, vector<16xi32>], vector<16xf32>,
      %mul3A_521 = arith.constant 4 : i32
      %mul3A_522 = arith.muli %add3A_375, %mul3A_521 : i32
      %add3A_523 = arith.constant 3 : i32
      %add3A_524 = arith.addi %mul3A_522, %add3A_523 : i32
      %swap3A_525 = arith.index_cast %add3A_524 : i32 to index
      %swap3A_526 = arith.constant 48 : index
      %swap3A_527 = tpu.vector_load %arg13[%swap3A_525, %swap3A_526] {strides = array<i32>} : memref<128x64xf32, #tpu.memory_space<vmem>>, vector<16xf32>,
      tpu.vector_store %arg13[%swap3A_525, %swap3A_526], %gather3A_520 {strides = array<i32>} : memref<128x64xf32, #tpu.memory_space<vmem>>, vector<16xf32>,
      %mul3A_528 = arith.constant 4 : i32
      %mul3A_529 = arith.muli %scan3A_63, %mul3A_528 : i32
      %add3A_530 = arith.constant 3 : i32
      %add3A_531 = arith.addi %mul3A_529, %add3A_530 : i32
      %add3A_532 = arith.constant 4 : i32
      %add3A_533 = arith.addi %add3A_531, %add3A_532 : i32
      %sub3A_534 = arith.constant 1 : i32
      %sub3A_535 = arith.subi %add3A_533, %sub3A_534 : i32
      %lt3A_536 = arith.constant 32 : i32
      %lt3A_537 = arith.cmpi slt, %sub3A_535, %lt3A_536 : i32
      %convert_element_type3A_538 = arith.extui %lt3A_537 : i1 to i32
      %cond3A_539 = arith.constant 0 : i32
      %cond3A_540 = arith.cmpi ne, %convert_element_type3A_538, %cond3A_539 : i32
      scf.if %cond3A_540 {
        %add3A_684 = arith.constant 4 : i32
        %add3A_685 = arith.addi %add3A_531, %add3A_684 : i32
        %sub3A_686 = arith.constant 1 : i32
        %sub3A_687 = arith.subi %add3A_685, %sub3A_686 : i32
        %mul3A_688 = arith.constant 4 : i32
        %mul3A_689 = arith.muli %sub3A_687, %mul3A_688 : i32
        %add3A_690 = arith.addi %add3A_20, %mul3A_689 : i32
        %dma_start3A_691 = arith.constant 0 : i32
        %dma_start3A_692 = tpu.memref_slice %arg2[%add3A_690, %dma_start3A_691] : memref<16384x2048xf32, #tpu.memory_space<hbm>> -> memref<4x2048xf32, #tpu.memory_space<hbm>>
        %dma_start3A_693 = arith.constant 0 : i32
        %dma_start3A_694 = tpu.memref_slice %arg2[%add3A_690, %dma_start3A_693] : memref<16384x2048xf32, #tpu.memory_space<hbm>> -> memref<4x2048xf32, #tpu.memory_space<hbm>>
        tpu.enqueue_dma source(%dma_start3A_694 : memref<4x2048xf32, #tpu.memory_space<hbm>>) target(%arg11 : memref<4x2048xf32, #tpu.memory_space<vmem>>) target_semaphore(%arg17 : memref<!tpu.dma_semaphore, #tpu.memory_space<semaphore_mem>>)
      } else {
      }
      %mul3A_541 = arith.constant 4 : i32
      %mul3A_542 = arith.muli %add3A_531, %mul3A_541 : i32
      %add3A_543 = arith.addi %add3A_20, %mul3A_542 : i32
      %dma_wait3A_544 = arith.constant 0 : i32
      %dma_wait3A_545 = tpu.memref_slice %arg2[%add3A_543, %dma_wait3A_544] : memref<16384x2048xf32, #tpu.memory_space<hbm>> -> memref<4x2048xf32, #tpu.memory_space<hbm>>
      %dma_wait3A_546 = arith.constant 0 : i32
      %dma_wait3A_547 = tpu.memref_slice %arg2[%add3A_543, %dma_wait3A_546] : memref<16384x2048xf32, #tpu.memory_space<hbm>> -> memref<4x2048xf32, #tpu.memory_space<hbm>>
      tpu.wait_dma2 semaphore(%arg18 : memref<!tpu.dma_semaphore, #tpu.memory_space<semaphore_mem>>) src(%dma_wait3A_547 : memref<4x2048xf32, #tpu.memory_space<hbm>>) dst(%arg12 : memref<4x2048xf32, #tpu.memory_space<vmem>>)
      %broadcast_in_dim3A_548 = arith.constant 0 : i32
      %broadcast_in_dim3A_549 = vector.broadcast %broadcast_in_dim3A_548 : i32 to vector<16xi32>
      %gather3A_550 = tpu.vector_load_idx %arg12[%broadcast_in_dim3A_549, %get3A_25] : memref<4x2048xf32, #tpu.memory_space<vmem>>[vector<16xi32>, vector<16xi32>], vector<16xf32>,
      %mul3A_551 = arith.constant 4 : i32
      %mul3A_552 = arith.muli %add3A_531, %mul3A_551 : i32
      %add3A_553 = arith.constant 0 : i32
      %add3A_554 = arith.addi %mul3A_552, %add3A_553 : i32
      %swap3A_555 = arith.index_cast %add3A_554 : i32 to index
      %swap3A_556 = arith.constant 0 : index
      %swap3A_557 = tpu.vector_load %arg13[%swap3A_555, %swap3A_556] {strides = array<i32>} : memref<128x64xf32, #tpu.memory_space<vmem>>, vector<16xf32>,
      tpu.vector_store %arg13[%swap3A_555, %swap3A_556], %gather3A_550 {strides = array<i32>} : memref<128x64xf32, #tpu.memory_space<vmem>>, vector<16xf32>,
      %gather3A_558 = tpu.vector_load_idx %arg12[%broadcast_in_dim3A_549, %get3A_27] : memref<4x2048xf32, #tpu.memory_space<vmem>>[vector<16xi32>, vector<16xi32>], vector<16xf32>,
      %mul3A_559 = arith.constant 4 : i32
      %mul3A_560 = arith.muli %add3A_531, %mul3A_559 : i32
      %add3A_561 = arith.constant 0 : i32
      %add3A_562 = arith.addi %mul3A_560, %add3A_561 : i32
      %swap3A_563 = arith.index_cast %add3A_562 : i32 to index
      %swap3A_564 = arith.constant 16 : index
      %swap3A_565 = tpu.vector_load %arg13[%swap3A_563, %swap3A_564] {strides = array<i32>} : memref<128x64xf32, #tpu.memory_space<vmem>>, vector<16xf32>,
      tpu.vector_store %arg13[%swap3A_563, %swap3A_564], %gather3A_558 {strides = array<i32>} : memref<128x64xf32, #tpu.memory_space<vmem>>, vector<16xf32>,
      %gather3A_566 = tpu.vector_load_idx %arg12[%broadcast_in_dim3A_549, %get3A_29] : memref<4x2048xf32, #tpu.memory_space<vmem>>[vector<16xi32>, vector<16xi32>], vector<16xf32>,
      %mul3A_567 = arith.constant 4 : i32
      %mul3A_568 = arith.muli %add3A_531, %mul3A_567 : i32
      %add3A_569 = arith.constant 0 : i32
      %add3A_570 = arith.addi %mul3A_568, %add3A_569 : i32
      %swap3A_571 = arith.index_cast %add3A_570 : i32 to index
      %swap3A_572 = arith.constant 32 : index
      %swap3A_573 = tpu.vector_load %arg13[%swap3A_571, %swap3A_572] {strides = array<i32>} : memref<128x64xf32, #tpu.memory_space<vmem>>, vector<16xf32>,
      tpu.vector_store %arg13[%swap3A_571, %swap3A_572], %gather3A_566 {strides = array<i32>} : memref<128x64xf32, #tpu.memory_space<vmem>>, vector<16xf32>,
      %gather3A_574 = tpu.vector_load_idx %arg12[%broadcast_in_dim3A_549, %get3A_31] : memref<4x2048xf32, #tpu.memory_space<vmem>>[vector<16xi32>, vector<16xi32>], vector<16xf32>,
      %mul3A_575 = arith.constant 4 : i32
      %mul3A_576 = arith.muli %add3A_531, %mul3A_575 : i32
      %add3A_577 = arith.constant 0 : i32
      %add3A_578 = arith.addi %mul3A_576, %add3A_577 : i32
      %swap3A_579 = arith.index_cast %add3A_578 : i32 to index
      %swap3A_580 = arith.constant 48 : index
      %swap3A_581 = tpu.vector_load %arg13[%swap3A_579, %swap3A_580] {strides = array<i32>} : memref<128x64xf32, #tpu.memory_space<vmem>>, vector<16xf32>,
      tpu.vector_store %arg13[%swap3A_579, %swap3A_580], %gather3A_574 {strides = array<i32>} : memref<128x64xf32, #tpu.memory_space<vmem>>, vector<16xf32>,
      %broadcast_in_dim3A_582 = arith.constant 1 : i32
      %broadcast_in_dim3A_583 = vector.broadcast %broadcast_in_dim3A_582 : i32 to vector<16xi32>
      %gather3A_584 = tpu.vector_load_idx %arg12[%broadcast_in_dim3A_583, %get3A_25] : memref<4x2048xf32, #tpu.memory_space<vmem>>[vector<16xi32>, vector<16xi32>], vector<16xf32>,
      %mul3A_585 = arith.constant 4 : i32
      %mul3A_586 = arith.muli %add3A_531, %mul3A_585 : i32
      %add3A_587 = arith.constant 1 : i32
      %add3A_588 = arith.addi %mul3A_586, %add3A_587 : i32
      %swap3A_589 = arith.index_cast %add3A_588 : i32 to index
      %swap3A_590 = arith.constant 0 : index
      %swap3A_591 = tpu.vector_load %arg13[%swap3A_589, %swap3A_590] {strides = array<i32>} : memref<128x64xf32, #tpu.memory_space<vmem>>, vector<16xf32>,
      tpu.vector_store %arg13[%swap3A_589, %swap3A_590], %gather3A_584 {strides = array<i32>} : memref<128x64xf32, #tpu.memory_space<vmem>>, vector<16xf32>,
      %gather3A_592 = tpu.vector_load_idx %arg12[%broadcast_in_dim3A_583, %get3A_27] : memref<4x2048xf32, #tpu.memory_space<vmem>>[vector<16xi32>, vector<16xi32>], vector<16xf32>,
      %mul3A_593 = arith.constant 4 : i32
      %mul3A_594 = arith.muli %add3A_531, %mul3A_593 : i32
      %add3A_595 = arith.constant 1 : i32
      %add3A_596 = arith.addi %mul3A_594, %add3A_595 : i32
      %swap3A_597 = arith.index_cast %add3A_596 : i32 to index
      %swap3A_598 = arith.constant 16 : index
      %swap3A_599 = tpu.vector_load %arg13[%swap3A_597, %swap3A_598] {strides = array<i32>} : memref<128x64xf32, #tpu.memory_space<vmem>>, vector<16xf32>,
      tpu.vector_store %arg13[%swap3A_597, %swap3A_598], %gather3A_592 {strides = array<i32>} : memref<128x64xf32, #tpu.memory_space<vmem>>, vector<16xf32>,
      %gather3A_600 = tpu.vector_load_idx %arg12[%broadcast_in_dim3A_583, %get3A_29] : memref<4x2048xf32, #tpu.memory_space<vmem>>[vector<16xi32>, vector<16xi32>], vector<16xf32>,
      %mul3A_601 = arith.constant 4 : i32
      %mul3A_602 = arith.muli %add3A_531, %mul3A_601 : i32
      %add3A_603 = arith.constant 1 : i32
      %add3A_604 = arith.addi %mul3A_602, %add3A_603 : i32
      %swap3A_605 = arith.index_cast %add3A_604 : i32 to index
      %swap3A_606 = arith.constant 32 : index
      %swap3A_607 = tpu.vector_load %arg13[%swap3A_605, %swap3A_606] {strides = array<i32>} : memref<128x64xf32, #tpu.memory_space<vmem>>, vector<16xf32>,
      tpu.vector_store %arg13[%swap3A_605, %swap3A_606], %gather3A_600 {strides = array<i32>} : memref<128x64xf32, #tpu.memory_space<vmem>>, vector<16xf32>,
      %gather3A_608 = tpu.vector_load_idx %arg12[%broadcast_in_dim3A_583, %get3A_31] : memref<4x2048xf32, #tpu.memory_space<vmem>>[vector<16xi32>, vector<16xi32>], vector<16xf32>,
      %mul3A_609 = arith.constant 4 : i32
      %mul3A_610 = arith.muli %add3A_531, %mul3A_609 : i32
      %add3A_611 = arith.constant 1 : i32
      %add3A_612 = arith.addi %mul3A_610, %add3A_611 : i32
      %swap3A_613 = arith.index_cast %add3A_612 : i32 to index
      %swap3A_614 = arith.constant 48 : index
      %swap3A_615 = tpu.vector_load %arg13[%swap3A_613, %swap3A_614] {strides = array<i32>} : memref<128x64xf32, #tpu.memory_space<vmem>>, vector<16xf32>,
      tpu.vector_store %arg13[%swap3A_613, %swap3A_614], %gather3A_608 {strides = array<i32>} : memref<128x64xf32, #tpu.memory_space<vmem>>, vector<16xf32>,
      %broadcast_in_dim3A_616 = arith.constant 2 : i32
      %broadcast_in_dim3A_617 = vector.broadcast %broadcast_in_dim3A_616 : i32 to vector<16xi32>
      %gather3A_618 = tpu.vector_load_idx %arg12[%broadcast_in_dim3A_617, %get3A_25] : memref<4x2048xf32, #tpu.memory_space<vmem>>[vector<16xi32>, vector<16xi32>], vector<16xf32>,
      %mul3A_619 = arith.constant 4 : i32
      %mul3A_620 = arith.muli %add3A_531, %mul3A_619 : i32
      %add3A_621 = arith.constant 2 : i32
      %add3A_622 = arith.addi %mul3A_620, %add3A_621 : i32
      %swap3A_623 = arith.index_cast %add3A_622 : i32 to index
      %swap3A_624 = arith.constant 0 : index
      %swap3A_625 = tpu.vector_load %arg13[%swap3A_623, %swap3A_624] {strides = array<i32>} : memref<128x64xf32, #tpu.memory_space<vmem>>, vector<16xf32>,
      tpu.vector_store %arg13[%swap3A_623, %swap3A_624], %gather3A_618 {strides = array<i32>} : memref<128x64xf32, #tpu.memory_space<vmem>>, vector<16xf32>,
      %gather3A_626 = tpu.vector_load_idx %arg12[%broadcast_in_dim3A_617, %get3A_27] : memref<4x2048xf32, #tpu.memory_space<vmem>>[vector<16xi32>, vector<16xi32>], vector<16xf32>,
      %mul3A_627 = arith.constant 4 : i32
      %mul3A_628 = arith.muli %add3A_531, %mul3A_627 : i32
      %add3A_629 = arith.constant 2 : i32
      %add3A_630 = arith.addi %mul3A_628, %add3A_629 : i32
      %swap3A_631 = arith.index_cast %add3A_630 : i32 to index
      %swap3A_632 = arith.constant 16 : index
      %swap3A_633 = tpu.vector_load %arg13[%swap3A_631, %swap3A_632] {strides = array<i32>} : memref<128x64xf32, #tpu.memory_space<vmem>>, vector<16xf32>,
      tpu.vector_store %arg13[%swap3A_631, %swap3A_632], %gather3A_626 {strides = array<i32>} : memref<128x64xf32, #tpu.memory_space<vmem>>, vector<16xf32>,
      %gather3A_634 = tpu.vector_load_idx %arg12[%broadcast_in_dim3A_617, %get3A_29] : memref<4x2048xf32, #tpu.memory_space<vmem>>[vector<16xi32>, vector<16xi32>], vector<16xf32>,
      %mul3A_635 = arith.constant 4 : i32
      %mul3A_636 = arith.muli %add3A_531, %mul3A_635 : i32
      %add3A_637 = arith.constant 2 : i32
      %add3A_638 = arith.addi %mul3A_636, %add3A_637 : i32
      %swap3A_639 = arith.index_cast %add3A_638 : i32 to index
      %swap3A_640 = arith.constant 32 : index
      %swap3A_641 = tpu.vector_load %arg13[%swap3A_639, %swap3A_640] {strides = array<i32>} : memref<128x64xf32, #tpu.memory_space<vmem>>, vector<16xf32>,
      tpu.vector_store %arg13[%swap3A_639, %swap3A_640], %gather3A_634 {strides = array<i32>} : memref<128x64xf32, #tpu.memory_space<vmem>>, vector<16xf32>,
      %gather3A_642 = tpu.vector_load_idx %arg12[%broadcast_in_dim3A_617, %get3A_31] : memref<4x2048xf32, #tpu.memory_space<vmem>>[vector<16xi32>, vector<16xi32>], vector<16xf32>,
      %mul3A_643 = arith.constant 4 : i32
      %mul3A_644 = arith.muli %add3A_531, %mul3A_643 : i32
      %add3A_645 = arith.constant 2 : i32
      %add3A_646 = arith.addi %mul3A_644, %add3A_645 : i32
      %swap3A_647 = arith.index_cast %add3A_646 : i32 to index
      %swap3A_648 = arith.constant 48 : index
      %swap3A_649 = tpu.vector_load %arg13[%swap3A_647, %swap3A_648] {strides = array<i32>} : memref<128x64xf32, #tpu.memory_space<vmem>>, vector<16xf32>,
      tpu.vector_store %arg13[%swap3A_647, %swap3A_648], %gather3A_642 {strides = array<i32>} : memref<128x64xf32, #tpu.memory_space<vmem>>, vector<16xf32>,
      %broadcast_in_dim3A_650 = arith.constant 3 : i32
      %broadcast_in_dim3A_651 = vector.broadcast %broadcast_in_dim3A_650 : i32 to vector<16xi32>
      %gather3A_652 = tpu.vector_load_idx %arg12[%broadcast_in_dim3A_651, %get3A_25] : memref<4x2048xf32, #tpu.memory_space<vmem>>[vector<16xi32>, vector<16xi32>], vector<16xf32>,
      %mul3A_653 = arith.constant 4 : i32
      %mul3A_654 = arith.muli %add3A_531, %mul3A_653 : i32
      %add3A_655 = arith.constant 3 : i32
      %add3A_656 = arith.addi %mul3A_654, %add3A_655 : i32
      %swap3A_657 = arith.index_cast %add3A_656 : i32 to index
      %swap3A_658 = arith.constant 0 : index
      %swap3A_659 = tpu.vector_load %arg13[%swap3A_657, %swap3A_658] {strides = array<i32>} : memref<128x64xf32, #tpu.memory_space<vmem>>, vector<16xf32>,
      tpu.vector_store %arg13[%swap3A_657, %swap3A_658], %gather3A_652 {strides = array<i32>} : memref<128x64xf32, #tpu.memory_space<vmem>>, vector<16xf32>,
      %gather3A_660 = tpu.vector_load_idx %arg12[%broadcast_in_dim3A_651, %get3A_27] : memref<4x2048xf32, #tpu.memory_space<vmem>>[vector<16xi32>, vector<16xi32>], vector<16xf32>,
      %mul3A_661 = arith.constant 4 : i32
      %mul3A_662 = arith.muli %add3A_531, %mul3A_661 : i32
      %add3A_663 = arith.constant 3 : i32
      %add3A_664 = arith.addi %mul3A_662, %add3A_663 : i32
      %swap3A_665 = arith.index_cast %add3A_664 : i32 to index
      %swap3A_666 = arith.constant 16 : index
      %swap3A_667 = tpu.vector_load %arg13[%swap3A_665, %swap3A_666] {strides = array<i32>} : memref<128x64xf32, #tpu.memory_space<vmem>>, vector<16xf32>,
      tpu.vector_store %arg13[%swap3A_665, %swap3A_666], %gather3A_660 {strides = array<i32>} : memref<128x64xf32, #tpu.memory_space<vmem>>, vector<16xf32>,
      %gather3A_668 = tpu.vector_load_idx %arg12[%broadcast_in_dim3A_651, %get3A_29] : memref<4x2048xf32, #tpu.memory_space<vmem>>[vector<16xi32>, vector<16xi32>], vector<16xf32>,
      %mul3A_669 = arith.constant 4 : i32
      %mul3A_670 = arith.muli %add3A_531, %mul3A_669 : i32
      %add3A_671 = arith.constant 3 : i32
      %add3A_672 = arith.addi %mul3A_670, %add3A_671 : i32
      %swap3A_673 = arith.index_cast %add3A_672 : i32 to index
      %swap3A_674 = arith.constant 32 : index
      %swap3A_675 = tpu.vector_load %arg13[%swap3A_673, %swap3A_674] {strides = array<i32>} : memref<128x64xf32, #tpu.memory_space<vmem>>, vector<16xf32>,
      tpu.vector_store %arg13[%swap3A_673, %swap3A_674], %gather3A_668 {strides = array<i32>} : memref<128x64xf32, #tpu.memory_space<vmem>>, vector<16xf32>,
      %gather3A_676 = tpu.vector_load_idx %arg12[%broadcast_in_dim3A_651, %get3A_31] : memref<4x2048xf32, #tpu.memory_space<vmem>>[vector<16xi32>, vector<16xi32>], vector<16xf32>,
      %mul3A_677 = arith.constant 4 : i32
      %mul3A_678 = arith.muli %add3A_531, %mul3A_677 : i32
      %add3A_679 = arith.constant 3 : i32
      %add3A_680 = arith.addi %mul3A_678, %add3A_679 : i32
      %swap3A_681 = arith.index_cast %add3A_680 : i32 to index
      %swap3A_682 = arith.constant 48 : index
      %swap3A_683 = tpu.vector_load %arg13[%swap3A_681, %swap3A_682] {strides = array<i32>} : memref<128x64xf32, #tpu.memory_space<vmem>>, vector<16xf32>,
      tpu.vector_store %arg13[%swap3A_681, %swap3A_682], %gather3A_676 {strides = array<i32>} : memref<128x64xf32, #tpu.memory_space<vmem>>, vector<16xf32>,
    }
    %scan3A_55 = arith.constant 8 : i32
    %mul3A_56 = arith.constant 128 : i32
    %mul3A_57 = arith.muli %add3A, %mul3A_56 : i32
    "tpu.region"() ({
      %run_scoped3A = tpu.sem_alloc : memref<!tpu.dma_semaphore, #tpu.memory_space<semaphore_mem>>
      %dma_start3A_63 = arith.constant 0 : i32
      %dma_start3A_64 = tpu.memref_slice %arg4[%mul3A_57, %dma_start3A_63] : memref<4096x64xf32, #tpu.memory_space<hbm>> -> memref<128x64xf32, #tpu.memory_space<hbm>>
      %dma_start3A_65 = arith.constant 0 : i32
      %dma_start3A_66 = tpu.memref_slice %arg4[%mul3A_57, %dma_start3A_65] : memref<4096x64xf32, #tpu.memory_space<hbm>> -> memref<128x64xf32, #tpu.memory_space<hbm>>
      tpu.enqueue_dma source(%arg13 : memref<128x64xf32, #tpu.memory_space<vmem>>) target(%dma_start3A_66 : memref<128x64xf32, #tpu.memory_space<hbm>>) target_semaphore(%run_scoped3A : memref<!tpu.dma_semaphore, #tpu.memory_space<semaphore_mem>>)
      %dma_wait3A = arith.constant 0 : i32
      %dma_wait3A_67 = tpu.memref_slice %arg4[%mul3A_57, %dma_wait3A] : memref<4096x64xf32, #tpu.memory_space<hbm>> -> memref<128x64xf32, #tpu.memory_space<hbm>>
      %dma_wait3A_68 = arith.constant 0 : i32
      %dma_wait3A_69 = tpu.memref_slice %arg4[%mul3A_57, %dma_wait3A_68] : memref<4096x64xf32, #tpu.memory_space<hbm>> -> memref<128x64xf32, #tpu.memory_space<hbm>>
      tpu.wait_dma2 semaphore(%run_scoped3A : memref<!tpu.dma_semaphore, #tpu.memory_space<semaphore_mem>>) src(%arg13 : memref<128x64xf32, #tpu.memory_space<vmem>>) dst(%dma_wait3A_69 : memref<128x64xf32, #tpu.memory_space<hbm>>)
      tpu.yield
    }) : () -> ()
    %lt3A_58 = arith.constant 8 : i32
    %lt3A_59 = arith.cmpi slt, %add3A, %lt3A_58 : i32
    %convert_element_type3A_60 = arith.extui %lt3A_59 : i1 to i32
    %cond3A_61 = arith.constant 0 : i32
    %cond3A_62 = arith.cmpi ne, %convert_element_type3A_60, %cond3A_61 : i32
    scf.if %cond3A_62 {
      %dma_wait3A = arith.constant 0 : i32
      %dma_wait3A_63 = arith.constant 0 : i32
      %dma_wait3A_64 = tpu.memref_slice %arg2[%dma_wait3A, %dma_wait3A_63] : memref<16384x2048xf32, #tpu.memory_space<hbm>> -> memref<16384x2048xf32, #tpu.memory_space<hbm>>
      tpu.wait_indirect_dma semaphore(%arg19 : memref<!tpu.dma_semaphore, #tpu.memory_space<semaphore_mem>>) src(%dma_wait3A_64 : memref<16384x2048xf32, #tpu.memory_space<hbm>>) dst(%arg14 : memref<16x2048xf32, #tpu.memory_space<vmem>>)
      %mul3A_65 = arith.constant 16 : i32
      %mul3A_66 = arith.muli %add3A, %mul3A_65 : i32
      "tpu.region"() ({
        %run_scoped3A = tpu.sem_alloc : memref<!tpu.dma_semaphore, #tpu.memory_space<semaphore_mem>>
        %dma_start3A_67 = arith.constant 0 : i32
        %dma_start3A_68 = tpu.memref_slice %arg5[%mul3A_66, %dma_start3A_67] : memref<128x2048xf32, #tpu.memory_space<hbm>> -> memref<16x2048xf32, #tpu.memory_space<hbm>>
        %dma_start3A_69 = arith.constant 0 : i32
        %dma_start3A_70 = tpu.memref_slice %arg5[%mul3A_66, %dma_start3A_69] : memref<128x2048xf32, #tpu.memory_space<hbm>> -> memref<16x2048xf32, #tpu.memory_space<hbm>>
        tpu.enqueue_dma source(%arg14 : memref<16x2048xf32, #tpu.memory_space<vmem>>) target(%dma_start3A_70 : memref<16x2048xf32, #tpu.memory_space<hbm>>) target_semaphore(%run_scoped3A : memref<!tpu.dma_semaphore, #tpu.memory_space<semaphore_mem>>)
        %dma_wait3A_71 = arith.constant 0 : i32
        %dma_wait3A_72 = tpu.memref_slice %arg5[%mul3A_66, %dma_wait3A_71] : memref<128x2048xf32, #tpu.memory_space<hbm>> -> memref<16x2048xf32, #tpu.memory_space<hbm>>
        %dma_wait3A_73 = arith.constant 0 : i32
        %dma_wait3A_74 = tpu.memref_slice %arg5[%mul3A_66, %dma_wait3A_73] : memref<128x2048xf32, #tpu.memory_space<hbm>> -> memref<16x2048xf32, #tpu.memory_space<hbm>>
        tpu.wait_dma2 semaphore(%run_scoped3A : memref<!tpu.dma_semaphore, #tpu.memory_space<semaphore_mem>>) src(%arg14 : memref<16x2048xf32, #tpu.memory_space<vmem>>) dst(%dma_wait3A_74 : memref<16x2048xf32, #tpu.memory_space<hbm>>)
        tpu.yield
      }) : () -> ()
    } else {
    }
    return
  }
}

#map = affine_map<(d0, d1) -> (0, 0)>
#map1 = affine_map<(d0, d1) -> (0)>
module attributes {stable_mosaic.version = 14 : i64} {
  func.func @body(%arg0: i32, %arg1: i32, %arg2: memref<16384x2048xf32, #tpu.memory_space<hbm>>, %arg3: memref<512xi32, #tpu.memory_space<hbm>>, %arg4: memref<4096x64xf32, #tpu.memory_space<hbm>>, %arg5: memref<128x2048xf32, #tpu.memory_space<hbm>>, %arg6: memref<64xi32, #tpu.memory_space<vmem>>, %arg7: memref<64xi32, #tpu.memory_space<vmem>>, %arg8: memref<16xi32, #tpu.memory_space<vmem>>, %arg9: memref<4x2048xf32, #tpu.memory_space<vmem>>, %arg10: memref<4x2048xf32, #tpu.memory_space<vmem>>, %arg11: memref<4x2048xf32, #tpu.memory_space<vmem>>, %arg12: memref<4x2048xf32, #tpu.memory_space<vmem>>, %arg13: memref<128x64xf32, #tpu.memory_space<vmem>>, %arg14: memref<16x2048xf32, #tpu.memory_space<vmem>>, %arg15: memref<!tpu.dma_semaphore, #tpu.memory_space<semaphore_mem>>, %arg16: memref<!tpu.dma_semaphore, #tpu.memory_space<semaphore_mem>>, %arg17: memref<!tpu.dma_semaphore, #tpu.memory_space<semaphore_mem>>, %arg18: memref<!tpu.dma_semaphore, #tpu.memory_space<semaphore_mem>>, %arg19: memref<!tpu.dma_semaphore, #tpu.memory_space<semaphore_mem>>) attributes {dimension_semantics = [#tpu.dimension_semantics<core_parallel>, #tpu.dimension_semantics<subcore_parallel>], iteration_bounds = array<i64: 2, 16>, scalar_prefetch = 0 : i64, scratch_operands = 14 : i64, tpu.core_type = #tpu.core_type<sc_vector_subcore>, window_params = [{transform_indices = #map}, {transform_indices = #map1}, {transform_indices = #map}, {transform_indices = #map}]} {
    %mul3A = arith.constant 2 : i32
    %mul3A_0 = arith.muli %arg1, %mul3A : i32
    %add3A = arith.addi %mul3A_0, %arg0 : i32
    %jit3A = arith.constant 16 : i32
    %div3A = arith.divsi %add3A, %jit3A : i32
    %sign3A = arith.constant 0 : i32
    %sign3A_1 = arith.cmpi sgt, %add3A, %sign3A : i32
    %sign3A_2 = arith.extui %sign3A_1 : i1 to i32
    %sign3A_3 = arith.constant 0 : i32
    %sign3A_4 = arith.cmpi slt, %add3A, %sign3A_3 : i32
    %sign3A_5 = arith.extui %sign3A_4 : i1 to i32
    %sign3A_6 = arith.subi %sign3A_2, %sign3A_5 : i32
    %sign3A_7 = arith.constant 0 : i32
    %sign3A_8 = arith.cmpi sgt, %jit3A, %sign3A_7 : i32
    %sign3A_9 = arith.extui %sign3A_8 : i1 to i32
    %sign3A_10 = arith.constant 0 : i32
    %sign3A_11 = arith.cmpi slt, %jit3A, %sign3A_10 : i32
    %sign3A_12 = arith.extui %sign3A_11 : i1 to i32
    %sign3A_13 = arith.subi %sign3A_9, %sign3A_12 : i32
    %ne3A = arith.cmpi ne, %sign3A_6, %sign3A_13 : i32
    %rem3A = arith.remsi %add3A, %jit3A : i32
    %ne3A_14 = arith.constant 0 : i32
    %ne3A_15 = arith.cmpi ne, %rem3A, %ne3A_14 : i32
    %and3A = arith.andi %ne3A, %ne3A_15 : i1
    %sub3A = arith.constant 1 : i32
    %sub3A_16 = arith.subi %div3A, %sub3A : i32
    %select_n3A = arith.select %and3A, %sub3A_16, %div3A : i32
    %mul3A_17 = arith.constant 128 : i32
    %mul3A_18 = arith.muli %add3A, %mul3A_17 : i32
    %add3A_19 = arith.constant 4096 : i32
    %add3A_20 = arith.addi %add3A_19, %mul3A_18 : i32
    %add3A_21 = arith.constant 2 : i32
    %add3A_22 = arith.addi %add3A_21, %select_n3A : i32
    %mul3A_23 = arith.constant 64 : i32
    %mul3A_24 = arith.muli %add3A_22, %mul3A_23 : i32
    "tpu.region"() ({
      %run_scoped3A = tpu.sem_alloc : memref<!tpu.dma_semaphore, #tpu.memory_space<semaphore_mem>>
      %dma_start3A_63 = tpu.memref_slice %arg3[%mul3A_24] : memref<512xi32, #tpu.memory_space<hbm>> -> memref<64xi32, #tpu.memory_space<hbm>>
      %dma_start3A_64 = tpu.memref_slice %arg3[%mul3A_24] : memref<512xi32, #tpu.memory_space<hbm>> -> memref<64xi32, #tpu.memory_space<hbm>>
      tpu.enqueue_dma source(%dma_start3A_64 : memref<64xi32, #tpu.memory_space<hbm>>) target(%arg6 : memref<64xi32, #tpu.memory_space<vmem>>) target_semaphore(%run_scoped3A : memref<!tpu.dma_semaphore, #tpu.memory_space<semaphore_mem>>)
      %dma_wait3A = tpu.memref_slice %arg3[%mul3A_24] : memref<512xi32, #tpu.memory_space<hbm>> -> memref<64xi32, #tpu.memory_space<hbm>>
      %dma_wait3A_65 = tpu.memref_slice %arg3[%mul3A_24] : memref<512xi32, #tpu.memory_space<hbm>> -> memref<64xi32, #tpu.memory_space<hbm>>
      tpu.wait_dma2 semaphore(%run_scoped3A : memref<!tpu.dma_semaphore, #tpu.memory_space<semaphore_mem>>) src(%dma_wait3A_65 : memref<64xi32, #tpu.memory_space<hbm>>) dst(%arg6 : memref<64xi32, #tpu.memory_space<vmem>>)
      tpu.yield
    }) : () -> ()
    %get3A = arith.constant 0 : index
    %get3A_25 = tpu.vector_load %arg6[%get3A] {strides = array<i32>} : memref<64xi32, #tpu.memory_space<vmem>>, vector<16xi32>,
    %get3A_26 = arith.constant 16 : index
    %get3A_27 = tpu.vector_load %arg6[%get3A_26] {strides = array<i32>} : memref<64xi32, #tpu.memory_space<vmem>>, vector<16xi32>,
    %get3A_28 = arith.constant 32 : index
    %get3A_29 = tpu.vector_load %arg6[%get3A_28] {strides = array<i32>} : memref<64xi32, #tpu.memory_space<vmem>>, vector<16xi32>,
    %get3A_30 = arith.constant 48 : index
    %get3A_31 = tpu.vector_load %arg6[%get3A_30] {strides = array<i32>} : memref<64xi32, #tpu.memory_space<vmem>>, vector<16xi32>,
    %lt3A = arith.constant 8 : i32
    %lt3A_32 = arith.cmpi slt, %add3A, %lt3A : i32
    %convert_element_type3A = arith.extui %lt3A_32 : i1 to i32
    %cond3A = arith.constant 0 : i32
    %cond3A_33 = arith.cmpi ne, %convert_element_type3A, %cond3A : i32
    scf.if %cond3A_33 {
      %jit3A_63 = arith.constant 4 : i32
      %div3A_64 = arith.divsi %add3A, %jit3A_63 : i32
      %sign3A_65 = arith.constant 0 : i32
      %sign3A_66 = arith.cmpi sgt, %add3A, %sign3A_65 : i32
      %sign3A_67 = arith.extui %sign3A_66 : i1 to i32
      %sign3A_68 = arith.constant 0 : i32
      %sign3A_69 = arith.cmpi slt, %add3A, %sign3A_68 : i32
      %sign3A_70 = arith.extui %sign3A_69 : i1 to i32
      %sign3A_71 = arith.subi %sign3A_67, %sign3A_70 : i32
      %sign3A_72 = arith.constant 0 : i32
      %sign3A_73 = arith.cmpi sgt, %jit3A_63, %sign3A_72 : i32
      %sign3A_74 = arith.extui %sign3A_73 : i1 to i32
      %sign3A_75 = arith.constant 0 : i32
      %sign3A_76 = arith.cmpi slt, %jit3A_63, %sign3A_75 : i32
      %sign3A_77 = arith.extui %sign3A_76 : i1 to i32
      %sign3A_78 = arith.subi %sign3A_74, %sign3A_77 : i32
      %ne3A_79 = arith.cmpi ne, %sign3A_71, %sign3A_78 : i32
      %rem3A_80 = arith.remsi %add3A, %jit3A_63 : i32
      %ne3A_81 = arith.constant 0 : i32
      %ne3A_82 = arith.cmpi ne, %rem3A_80, %ne3A_81 : i32
      %and3A_83 = arith.andi %ne3A_79, %ne3A_82 : i1
      %sub3A_84 = arith.constant 1 : i32
      %sub3A_85 = arith.subi %div3A_64, %sub3A_84 : i32
      %select_n3A_86 = arith.select %and3A_83, %sub3A_85, %div3A_64 : i32
      %add3A_87 = arith.constant 2 : i32
      %add3A_88 = arith.addi %add3A_87, %select_n3A_86 : i32
      %mul3A_89 = arith.constant 64 : i32
      %mul3A_90 = arith.muli %add3A_88, %mul3A_89 : i32
      "tpu.region"() ({
        %run_scoped3A = tpu.sem_alloc : memref<!tpu.dma_semaphore, #tpu.memory_space<semaphore_mem>>
        %dma_start3A_120 = tpu.memref_slice %arg3[%mul3A_90] : memref<512xi32, #tpu.memory_space<hbm>> -> memref<64xi32, #tpu.memory_space<hbm>>
        %dma_start3A_121 = tpu.memref_slice %arg3[%mul3A_90] : memref<512xi32, #tpu.memory_space<hbm>> -> memref<64xi32, #tpu.memory_space<hbm>>
        tpu.enqueue_dma source(%dma_start3A_121 : memref<64xi32, #tpu.memory_space<hbm>>) target(%arg7 : memref<64xi32, #tpu.memory_space<vmem>>) target_semaphore(%run_scoped3A : memref<!tpu.dma_semaphore, #tpu.memory_space<semaphore_mem>>)
        %dma_wait3A = tpu.memref_slice %arg3[%mul3A_90] : memref<512xi32, #tpu.memory_space<hbm>> -> memref<64xi32, #tpu.memory_space<hbm>>
        %dma_wait3A_122 = tpu.memref_slice %arg3[%mul3A_90] : memref<512xi32, #tpu.memory_space<hbm>> -> memref<64xi32, #tpu.memory_space<hbm>>
        tpu.wait_dma2 semaphore(%run_scoped3A : memref<!tpu.dma_semaphore, #tpu.memory_space<semaphore_mem>>) src(%dma_wait3A_122 : memref<64xi32, #tpu.memory_space<hbm>>) dst(%arg7 : memref<64xi32, #tpu.memory_space<vmem>>)
        tpu.yield
      }) : () -> ()
      %jit3A_91 = arith.constant 4 : i32
      %eq3A = arith.constant 0 : i32
      %eq3A_92 = arith.cmpi eq, %jit3A_91, %eq3A : i32
      %jit3A_93 = arith.constant 1 : i32
      %select_n3A_94 = arith.select %eq3A_92, %jit3A_93, %jit3A_91 : i32
      %rem3A_95 = arith.remsi %add3A, %select_n3A_94 : i32
      %ne3A_96 = arith.constant 0 : i32
      %ne3A_97 = arith.cmpi ne, %rem3A_95, %ne3A_96 : i32
      %lt3A_98 = arith.constant 0 : i32
      %lt3A_99 = arith.cmpi slt, %rem3A_95, %lt3A_98 : i32
      %lt3A_100 = arith.constant 0 : i32
      %lt3A_101 = arith.cmpi slt, %select_n3A_94, %lt3A_100 : i32
      %ne3A_102 = arith.xori %lt3A_99, %lt3A_101 : i1
      %and3A_103 = arith.andi %ne3A_102, %ne3A_97 : i1
      %add3A_104 = arith.addi %rem3A_95, %select_n3A_94 : i32
      %select_n3A_105 = arith.select %and3A_103, %add3A_104, %rem3A_95 : i32
      %mul3A_106 = arith.constant 16 : i32
      %mul3A_107 = arith.muli %select_n3A_105, %mul3A_106 : i32
      %get3A_108 = arith.index_cast %mul3A_107 : i32 to index
      %get3A_109 = tpu.vector_load %arg7[%get3A_108] {strides = array<i32>} : memref<64xi32, #tpu.memory_space<vmem>>, vector<16xi32>,
      %add3A_110 = arith.constant 2 : i32
      %add3A_111 = arith.addi %add3A_110, %select_n3A_86 : i32
      %mul3A_112 = arith.constant 2048 : i32
      %mul3A_113 = arith.muli %add3A_111, %mul3A_112 : i32
      %add3A_114 = vector.broadcast %mul3A_113 : i32 to vector<16xi32>
      %add3A_115 = arith.addi %get3A_109, %add3A_114 : vector<16xi32>
      %swap3A = arith.constant 0 : index
      %swap3A_116 = tpu.vector_load %arg8[%swap3A] {strides = array<i32>} : memref<16xi32, #tpu.memory_space<vmem>>, vector<16xi32>,
      tpu.vector_store %arg8[%swap3A], %add3A_115 {strides = array<i32>} : memref<16xi32, #tpu.memory_space<vmem>>, vector<16xi32>,
      %dma_start3A_117 = arith.constant 0 : i32
      %dma_start3A_118 = arith.constant 0 : i32
      %dma_start3A_119 = tpu.memref_slice %arg2[%dma_start3A_117, %dma_start3A_118] : memref<16384x2048xf32, #tpu.memory_space<hbm>> -> memref<16384x2048xf32, #tpu.memory_space<hbm>>
      tpu.enqueue_indirect_dma source(%dma_start3A_119 : memref<16384x2048xf32, #tpu.memory_space<hbm>>) target(%arg14 : memref<16x2048xf32, #tpu.memory_space<vmem>>) offsets(%arg8 : memref<16xi32, #tpu.memory_space<vmem>>) semaphore(%arg19 : memref<!tpu.dma_semaphore, #tpu.memory_space<semaphore_mem>>)
    } else {
    }
    %add3A_34 = arith.constant 0 : i32
    %add3A_35 = arith.addi %add3A_20, %add3A_34 : i32
    %dma_start3A = arith.constant 0 : i32
    %dma_start3A_36 = tpu.memref_slice %arg2[%add3A_35, %dma_start3A] : memref<16384x2048xf32, #tpu.memory_space<hbm>> -> memref<4x2048xf32, #tpu.memory_space<hbm>>
    %dma_start3A_37 = arith.constant 0 : i32
    %dma_start3A_38 = tpu.memref_slice %arg2[%add3A_35, %dma_start3A_37] : memref<16384x2048xf32, #tpu.memory_space<hbm>> -> memref<4x2048xf32, #tpu.memory_space<hbm>>
    tpu.enqueue_dma source(%dma_start3A_38 : memref<4x2048xf32, #tpu.memory_space<hbm>>) target(%arg9 : memref<4x2048xf32, #tpu.memory_space<vmem>>) target_semaphore(%arg15 : memref<!tpu.dma_semaphore, #tpu.memory_space<semaphore_mem>>)
    %add3A_39 = arith.constant 4 : i32
    %add3A_40 = arith.addi %add3A_20, %add3A_39 : i32
    %dma_start3A_41 = arith.constant 0 : i32
    %dma_start3A_42 = tpu.memref_slice %arg2[%add3A_40, %dma_start3A_41] : memref<16384x2048xf32, #tpu.memory_space<hbm>> -> memref<4x2048xf32, #tpu.memory_space<hbm>>
    %dma_start3A_43 = arith.constant 0 : i32
    %dma_start3A_44 = tpu.memref_slice %arg2[%add3A_40, %dma_start3A_43] : memref<16384x2048xf32, #tpu.memory_space<hbm>> -> memref<4x2048xf32, #tpu.memory_space<hbm>>
    tpu.enqueue_dma source(%dma_start3A_44 : memref<4x2048xf32, #tpu.memory_space<hbm>>) target(%arg10 : memref<4x2048xf32, #tpu.memory_space<vmem>>) target_semaphore(%arg16 : memref<!tpu.dma_semaphore, #tpu.memory_space<semaphore_mem>>)
    %add3A_45 = arith.constant 8 : i32
    %add3A_46 = arith.addi %add3A_20, %add3A_45 : i32
    %dma_start3A_47 = arith.constant 0 : i32
    %dma_start3A_48 = tpu.memref_slice %arg2[%add3A_46, %dma_start3A_47] : memref<16384x2048xf32, #tpu.memory_space<hbm>> -> memref<4x2048xf32, #tpu.memory_space<hbm>>
    %dma_start3A_49 = arith.constant 0 : i32
    %dma_start3A_50 = tpu.memref_slice %arg2[%add3A_46, %dma_start3A_49] : memref<16384x2048xf32, #tpu.memory_space<hbm>> -> memref<4x2048xf32, #tpu.memory_space<hbm>>
    tpu.enqueue_dma source(%dma_start3A_50 : memref<4x2048xf32, #tpu.memory_space<hbm>>) target(%arg11 : memref<4x2048xf32, #tpu.memory_space<vmem>>) target_semaphore(%arg17 : memref<!tpu.dma_semaphore, #tpu.memory_space<semaphore_mem>>)
    %scan3A = arith.constant 0 : i32
    %scan3A_51 = arith.constant 0 : i32
    %scan3A_52 = arith.constant 8 : i32
    %scan3A_53 = arith.addi %scan3A_51, %scan3A_52 : i32
    %scan3A_54 = arith.constant 1 : i32
    scf.for %scan3A_63 = %scan3A_51 to %scan3A_53 step %scan3A_54  : i32 {
      %mul3A_64 = arith.constant 4 : i32
      %mul3A_65 = arith.muli %scan3A_63, %mul3A_64 : i32
      %add3A_66 = arith.constant 0 : i32
      %add3A_67 = arith.addi %mul3A_65, %add3A_66 : i32
      %add3A_68 = arith.constant 4 : i32
      %add3A_69 = arith.addi %add3A_67, %add3A_68 : i32
      %sub3A_70 = arith.constant 1 : i32
      %sub3A_71 = arith.subi %add3A_69, %sub3A_70 : i32
      %lt3A_72 = arith.constant 32 : i32
      %lt3A_73 = arith.cmpi slt, %sub3A_71, %lt3A_72 : i32
      %convert_element_type3A_74 = arith.extui %lt3A_73 : i1 to i32
      %cond3A_75 = arith.constant 0 : i32
      %cond3A_76 = arith.cmpi ne, %convert_element_type3A_74, %cond3A_75 : i32
      scf.if %cond3A_76 {
        %add3A_684 = arith.constant 4 : i32
        %add3A_685 = arith.addi %add3A_67, %add3A_684 : i32
        %sub3A_686 = arith.constant 1 : i32
        %sub3A_687 = arith.subi %add3A_685, %sub3A_686 : i32
        %mul3A_688 = arith.constant 4 : i32
        %mul3A_689 = arith.muli %sub3A_687, %mul3A_688 : i32
        %add3A_690 = arith.addi %add3A_20, %mul3A_689 : i32
        %dma_start3A_691 = arith.constant 0 : i32
        %dma_start3A_692 = tpu.memref_slice %arg2[%add3A_690, %dma_start3A_691] : memref<16384x2048xf32, #tpu.memory_space<hbm>> -> memref<4x2048xf32, #tpu.memory_space<hbm>>
        %dma_start3A_693 = arith.constant 0 : i32
        %dma_start3A_694 = tpu.memref_slice %arg2[%add3A_690, %dma_start3A_693] : memref<16384x2048xf32, #tpu.memory_space<hbm>> -> memref<4x2048xf32, #tpu.memory_space<hbm>>
        tpu.enqueue_dma source(%dma_start3A_694 : memref<4x2048xf32, #tpu.memory_space<hbm>>) target(%arg12 : memref<4x2048xf32, #tpu.memory_space<vmem>>) target_semaphore(%arg18 : memref<!tpu.dma_semaphore, #tpu.memory_space<semaphore_mem>>)
      } else {
      }
      %mul3A_77 = arith.constant 4 : i32
      %mul3A_78 = arith.muli %add3A_67, %mul3A_77 : i32
      %add3A_79 = arith.addi %add3A_20, %mul3A_78 : i32
      %dma_wait3A = arith.constant 0 : i32
      %dma_wait3A_80 = tpu.memref_slice %arg2[%add3A_79, %dma_wait3A] : memref<16384x2048xf32, #tpu.memory_space<hbm>> -> memref<4x2048xf32, #tpu.memory_space<hbm>>
      %dma_wait3A_81 = arith.constant 0 : i32
      %dma_wait3A_82 = tpu.memref_slice %arg2[%add3A_79, %dma_wait3A_81] : memref<16384x2048xf32, #tpu.memory_space<hbm>> -> memref<4x2048xf32, #tpu.memory_space<hbm>>
      tpu.wait_dma2 semaphore(%arg15 : memref<!tpu.dma_semaphore, #tpu.memory_space<semaphore_mem>>) src(%dma_wait3A_82 : memref<4x2048xf32, #tpu.memory_space<hbm>>) dst(%arg9 : memref<4x2048xf32, #tpu.memory_space<vmem>>)
      %broadcast_in_dim3A = arith.constant 0 : i32
      %broadcast_in_dim3A_83 = vector.broadcast %broadcast_in_dim3A : i32 to vector<16xi32>
      %gather3A = tpu.vector_load_idx %arg9[%broadcast_in_dim3A_83, %get3A_25] : memref<4x2048xf32, #tpu.memory_space<vmem>>[vector<16xi32>, vector<16xi32>], vector<16xf32>,
      %mul3A_84 = arith.constant 4 : i32
      %mul3A_85 = arith.muli %add3A_67, %mul3A_84 : i32
      %add3A_86 = arith.constant 0 : i32
      %add3A_87 = arith.addi %mul3A_85, %add3A_86 : i32
      %swap3A = arith.index_cast %add3A_87 : i32 to index
      %swap3A_88 = arith.constant 0 : index
      %swap3A_89 = tpu.vector_load %arg13[%swap3A, %swap3A_88] {strides = array<i32>} : memref<128x64xf32, #tpu.memory_space<vmem>>, vector<16xf32>,
      tpu.vector_store %arg13[%swap3A, %swap3A_88], %gather3A {strides = array<i32>} : memref<128x64xf32, #tpu.memory_space<vmem>>, vector<16xf32>,
      %gather3A_90 = tpu.vector_load_idx %arg9[%broadcast_in_dim3A_83, %get3A_27] : memref<4x2048xf32, #tpu.memory_space<vmem>>[vector<16xi32>, vector<16xi32>], vector<16xf32>,
      %mul3A_91 = arith.constant 4 : i32
      %mul3A_92 = arith.muli %add3A_67, %mul3A_91 : i32
      %add3A_93 = arith.constant 0 : i32
      %add3A_94 = arith.addi %mul3A_92, %add3A_93 : i32
      %swap3A_95 = arith.index_cast %add3A_94 : i32 to index
      %swap3A_96 = arith.constant 16 : index
      %swap3A_97 = tpu.vector_load %arg13[%swap3A_95, %swap3A_96] {strides = array<i32>} : memref<128x64xf32, #tpu.memory_space<vmem>>, vector<16xf32>,
      tpu.vector_store %arg13[%swap3A_95, %swap3A_96], %gather3A_90 {strides = array<i32>} : memref<128x64xf32, #tpu.memory_space<vmem>>, vector<16xf32>,
      %gather3A_98 = tpu.vector_load_idx %arg9[%broadcast_in_dim3A_83, %get3A_29] : memref<4x2048xf32, #tpu.memory_space<vmem>>[vector<16xi32>, vector<16xi32>], vector<16xf32>,
      %mul3A_99 = arith.constant 4 : i32
      %mul3A_100 = arith.muli %add3A_67, %mul3A_99 : i32
      %add3A_101 = arith.constant 0 : i32
      %add3A_102 = arith.addi %mul3A_100, %add3A_101 : i32
      %swap3A_103 = arith.index_cast %add3A_102 : i32 to index
      %swap3A_104 = arith.constant 32 : index
      %swap3A_105 = tpu.vector_load %arg13[%swap3A_103, %swap3A_104] {strides = array<i32>} : memref<128x64xf32, #tpu.memory_space<vmem>>, vector<16xf32>,
      tpu.vector_store %arg13[%swap3A_103, %swap3A_104], %gather3A_98 {strides = array<i32>} : memref<128x64xf32, #tpu.memory_space<vmem>>, vector<16xf32>,
      %gather3A_106 = tpu.vector_load_idx %arg9[%broadcast_in_dim3A_83, %get3A_31] : memref<4x2048xf32, #tpu.memory_space<vmem>>[vector<16xi32>, vector<16xi32>], vector<16xf32>,
      %mul3A_107 = arith.constant 4 : i32
      %mul3A_108 = arith.muli %add3A_67, %mul3A_107 : i32
      %add3A_109 = arith.constant 0 : i32
      %add3A_110 = arith.addi %mul3A_108, %add3A_109 : i32
      %swap3A_111 = arith.index_cast %add3A_110 : i32 to index
      %swap3A_112 = arith.constant 48 : index
      %swap3A_113 = tpu.vector_load %arg13[%swap3A_111, %swap3A_112] {strides = array<i32>} : memref<128x64xf32, #tpu.memory_space<vmem>>, vector<16xf32>,
      tpu.vector_store %arg13[%swap3A_111, %swap3A_112], %gather3A_106 {strides = array<i32>} : memref<128x64xf32, #tpu.memory_space<vmem>>, vector<16xf32>,
      %broadcast_in_dim3A_114 = arith.constant 1 : i32
      %broadcast_in_dim3A_115 = vector.broadcast %broadcast_in_dim3A_114 : i32 to vector<16xi32>
      %gather3A_116 = tpu.vector_load_idx %arg9[%broadcast_in_dim3A_115, %get3A_25] : memref<4x2048xf32, #tpu.memory_space<vmem>>[vector<16xi32>, vector<16xi32>], vector<16xf32>,
      %mul3A_117 = arith.constant 4 : i32
      %mul3A_118 = arith.muli %add3A_67, %mul3A_117 : i32
      %add3A_119 = arith.constant 1 : i32
      %add3A_120 = arith.addi %mul3A_118, %add3A_119 : i32
      %swap3A_121 = arith.index_cast %add3A_120 : i32 to index
      %swap3A_122 = arith.constant 0 : index
      %swap3A_123 = tpu.vector_load %arg13[%swap3A_121, %swap3A_122] {strides = array<i32>} : memref<128x64xf32, #tpu.memory_space<vmem>>, vector<16xf32>,
      tpu.vector_store %arg13[%swap3A_121, %swap3A_122], %gather3A_116 {strides = array<i32>} : memref<128x64xf32, #tpu.memory_space<vmem>>, vector<16xf32>,
      %gather3A_124 = tpu.vector_load_idx %arg9[%broadcast_in_dim3A_115, %get3A_27] : memref<4x2048xf32, #tpu.memory_space<vmem>>[vector<16xi32>, vector<16xi32>], vector<16xf32>,
      %mul3A_125 = arith.constant 4 : i32
      %mul3A_126 = arith.muli %add3A_67, %mul3A_125 : i32
      %add3A_127 = arith.constant 1 : i32
      %add3A_128 = arith.addi %mul3A_126, %add3A_127 : i32
      %swap3A_129 = arith.index_cast %add3A_128 : i32 to index
      %swap3A_130 = arith.constant 16 : index
      %swap3A_131 = tpu.vector_load %arg13[%swap3A_129, %swap3A_130] {strides = array<i32>} : memref<128x64xf32, #tpu.memory_space<vmem>>, vector<16xf32>,
      tpu.vector_store %arg13[%swap3A_129, %swap3A_130], %gather3A_124 {strides = array<i32>} : memref<128x64xf32, #tpu.memory_space<vmem>>, vector<16xf32>,
      %gather3A_132 = tpu.vector_load_idx %arg9[%broadcast_in_dim3A_115, %get3A_29] : memref<4x2048xf32, #tpu.memory_space<vmem>>[vector<16xi32>, vector<16xi32>], vector<16xf32>,
      %mul3A_133 = arith.constant 4 : i32
      %mul3A_134 = arith.muli %add3A_67, %mul3A_133 : i32
      %add3A_135 = arith.constant 1 : i32
      %add3A_136 = arith.addi %mul3A_134, %add3A_135 : i32
      %swap3A_137 = arith.index_cast %add3A_136 : i32 to index
      %swap3A_138 = arith.constant 32 : index
      %swap3A_139 = tpu.vector_load %arg13[%swap3A_137, %swap3A_138] {strides = array<i32>} : memref<128x64xf32, #tpu.memory_space<vmem>>, vector<16xf32>,
      tpu.vector_store %arg13[%swap3A_137, %swap3A_138], %gather3A_132 {strides = array<i32>} : memref<128x64xf32, #tpu.memory_space<vmem>>, vector<16xf32>,
      %gather3A_140 = tpu.vector_load_idx %arg9[%broadcast_in_dim3A_115, %get3A_31] : memref<4x2048xf32, #tpu.memory_space<vmem>>[vector<16xi32>, vector<16xi32>], vector<16xf32>,
      %mul3A_141 = arith.constant 4 : i32
      %mul3A_142 = arith.muli %add3A_67, %mul3A_141 : i32
      %add3A_143 = arith.constant 1 : i32
      %add3A_144 = arith.addi %mul3A_142, %add3A_143 : i32
      %swap3A_145 = arith.index_cast %add3A_144 : i32 to index
      %swap3A_146 = arith.constant 48 : index
      %swap3A_147 = tpu.vector_load %arg13[%swap3A_145, %swap3A_146] {strides = array<i32>} : memref<128x64xf32, #tpu.memory_space<vmem>>, vector<16xf32>,
      tpu.vector_store %arg13[%swap3A_145, %swap3A_146], %gather3A_140 {strides = array<i32>} : memref<128x64xf32, #tpu.memory_space<vmem>>, vector<16xf32>,
      %broadcast_in_dim3A_148 = arith.constant 2 : i32
      %broadcast_in_dim3A_149 = vector.broadcast %broadcast_in_dim3A_148 : i32 to vector<16xi32>
      %gather3A_150 = tpu.vector_load_idx %arg9[%broadcast_in_dim3A_149, %get3A_25] : memref<4x2048xf32, #tpu.memory_space<vmem>>[vector<16xi32>, vector<16xi32>], vector<16xf32>,
      %mul3A_151 = arith.constant 4 : i32
      %mul3A_152 = arith.muli %add3A_67, %mul3A_151 : i32
      %add3A_153 = arith.constant 2 : i32
      %add3A_154 = arith.addi %mul3A_152, %add3A_153 : i32
      %swap3A_155 = arith.index_cast %add3A_154 : i32 to index
      %swap3A_156 = arith.constant 0 : index
      %swap3A_157 = tpu.vector_load %arg13[%swap3A_155, %swap3A_156] {strides = array<i32>} : memref<128x64xf32, #tpu.memory_space<vmem>>, vector<16xf32>,
      tpu.vector_store %arg13[%swap3A_155, %swap3A_156], %gather3A_150 {strides = array<i32>} : memref<128x64xf32, #tpu.memory_space<vmem>>, vector<16xf32>,
      %gather3A_158 = tpu.vector_load_idx %arg9[%broadcast_in_dim3A_149, %get3A_27] : memref<4x2048xf32, #tpu.memory_space<vmem>>[vector<16xi32>, vector<16xi32>], vector<16xf32>,
      %mul3A_159 = arith.constant 4 : i32
      %mul3A_160 = arith.muli %add3A_67, %mul3A_159 : i32
      %add3A_161 = arith.constant 2 : i32
      %add3A_162 = arith.addi %mul3A_160, %add3A_161 : i32
      %swap3A_163 = arith.index_cast %add3A_162 : i32 to index
      %swap3A_164 = arith.constant 16 : index
      %swap3A_165 = tpu.vector_load %arg13[%swap3A_163, %swap3A_164] {strides = array<i32>} : memref<128x64xf32, #tpu.memory_space<vmem>>, vector<16xf32>,
      tpu.vector_store %arg13[%swap3A_163, %swap3A_164], %gather3A_158 {strides = array<i32>} : memref<128x64xf32, #tpu.memory_space<vmem>>, vector<16xf32>,
      %gather3A_166 = tpu.vector_load_idx %arg9[%broadcast_in_dim3A_149, %get3A_29] : memref<4x2048xf32, #tpu.memory_space<vmem>>[vector<16xi32>, vector<16xi32>], vector<16xf32>,
      %mul3A_167 = arith.constant 4 : i32
      %mul3A_168 = arith.muli %add3A_67, %mul3A_167 : i32
      %add3A_169 = arith.constant 2 : i32
      %add3A_170 = arith.addi %mul3A_168, %add3A_169 : i32
      %swap3A_171 = arith.index_cast %add3A_170 : i32 to index
      %swap3A_172 = arith.constant 32 : index
      %swap3A_173 = tpu.vector_load %arg13[%swap3A_171, %swap3A_172] {strides = array<i32>} : memref<128x64xf32, #tpu.memory_space<vmem>>, vector<16xf32>,
      tpu.vector_store %arg13[%swap3A_171, %swap3A_172], %gather3A_166 {strides = array<i32>} : memref<128x64xf32, #tpu.memory_space<vmem>>, vector<16xf32>,
      %gather3A_174 = tpu.vector_load_idx %arg9[%broadcast_in_dim3A_149, %get3A_31] : memref<4x2048xf32, #tpu.memory_space<vmem>>[vector<16xi32>, vector<16xi32>], vector<16xf32>,
      %mul3A_175 = arith.constant 4 : i32
      %mul3A_176 = arith.muli %add3A_67, %mul3A_175 : i32
      %add3A_177 = arith.constant 2 : i32
      %add3A_178 = arith.addi %mul3A_176, %add3A_177 : i32
      %swap3A_179 = arith.index_cast %add3A_178 : i32 to index
      %swap3A_180 = arith.constant 48 : index
      %swap3A_181 = tpu.vector_load %arg13[%swap3A_179, %swap3A_180] {strides = array<i32>} : memref<128x64xf32, #tpu.memory_space<vmem>>, vector<16xf32>,
      tpu.vector_store %arg13[%swap3A_179, %swap3A_180], %gather3A_174 {strides = array<i32>} : memref<128x64xf32, #tpu.memory_space<vmem>>, vector<16xf32>,
      %broadcast_in_dim3A_182 = arith.constant 3 : i32
      %broadcast_in_dim3A_183 = vector.broadcast %broadcast_in_dim3A_182 : i32 to vector<16xi32>
      %gather3A_184 = tpu.vector_load_idx %arg9[%broadcast_in_dim3A_183, %get3A_25] : memref<4x2048xf32, #tpu.memory_space<vmem>>[vector<16xi32>, vector<16xi32>], vector<16xf32>,
      %mul3A_185 = arith.constant 4 : i32
      %mul3A_186 = arith.muli %add3A_67, %mul3A_185 : i32
      %add3A_187 = arith.constant 3 : i32
      %add3A_188 = arith.addi %mul3A_186, %add3A_187 : i32
      %swap3A_189 = arith.index_cast %add3A_188 : i32 to index
      %swap3A_190 = arith.constant 0 : index
      %swap3A_191 = tpu.vector_load %arg13[%swap3A_189, %swap3A_190] {strides = array<i32>} : memref<128x64xf32, #tpu.memory_space<vmem>>, vector<16xf32>,
      tpu.vector_store %arg13[%swap3A_189, %swap3A_190], %gather3A_184 {strides = array<i32>} : memref<128x64xf32, #tpu.memory_space<vmem>>, vector<16xf32>,
      %gather3A_192 = tpu.vector_load_idx %arg9[%broadcast_in_dim3A_183, %get3A_27] : memref<4x2048xf32, #tpu.memory_space<vmem>>[vector<16xi32>, vector<16xi32>], vector<16xf32>,
      %mul3A_193 = arith.constant 4 : i32
      %mul3A_194 = arith.muli %add3A_67, %mul3A_193 : i32
      %add3A_195 = arith.constant 3 : i32
      %add3A_196 = arith.addi %mul3A_194, %add3A_195 : i32
      %swap3A_197 = arith.index_cast %add3A_196 : i32 to index
      %swap3A_198 = arith.constant 16 : index
      %swap3A_199 = tpu.vector_load %arg13[%swap3A_197, %swap3A_198] {strides = array<i32>} : memref<128x64xf32, #tpu.memory_space<vmem>>, vector<16xf32>,
      tpu.vector_store %arg13[%swap3A_197, %swap3A_198], %gather3A_192 {strides = array<i32>} : memref<128x64xf32, #tpu.memory_space<vmem>>, vector<16xf32>,
      %gather3A_200 = tpu.vector_load_idx %arg9[%broadcast_in_dim3A_183, %get3A_29] : memref<4x2048xf32, #tpu.memory_space<vmem>>[vector<16xi32>, vector<16xi32>], vector<16xf32>,
      %mul3A_201 = arith.constant 4 : i32
      %mul3A_202 = arith.muli %add3A_67, %mul3A_201 : i32
      %add3A_203 = arith.constant 3 : i32
      %add3A_204 = arith.addi %mul3A_202, %add3A_203 : i32
      %swap3A_205 = arith.index_cast %add3A_204 : i32 to index
      %swap3A_206 = arith.constant 32 : index
      %swap3A_207 = tpu.vector_load %arg13[%swap3A_205, %swap3A_206] {strides = array<i32>} : memref<128x64xf32, #tpu.memory_space<vmem>>, vector<16xf32>,
      tpu.vector_store %arg13[%swap3A_205, %swap3A_206], %gather3A_200 {strides = array<i32>} : memref<128x64xf32, #tpu.memory_space<vmem>>, vector<16xf32>,
      %gather3A_208 = tpu.vector_load_idx %arg9[%broadcast_in_dim3A_183, %get3A_31] : memref<4x2048xf32, #tpu.memory_space<vmem>>[vector<16xi32>, vector<16xi32>], vector<16xf32>,
      %mul3A_209 = arith.constant 4 : i32
      %mul3A_210 = arith.muli %add3A_67, %mul3A_209 : i32
      %add3A_211 = arith.constant 3 : i32
      %add3A_212 = arith.addi %mul3A_210, %add3A_211 : i32
      %swap3A_213 = arith.index_cast %add3A_212 : i32 to index
      %swap3A_214 = arith.constant 48 : index
      %swap3A_215 = tpu.vector_load %arg13[%swap3A_213, %swap3A_214] {strides = array<i32>} : memref<128x64xf32, #tpu.memory_space<vmem>>, vector<16xf32>,
      tpu.vector_store %arg13[%swap3A_213, %swap3A_214], %gather3A_208 {strides = array<i32>} : memref<128x64xf32, #tpu.memory_space<vmem>>, vector<16xf32>,
      %mul3A_216 = arith.constant 4 : i32
      %mul3A_217 = arith.muli %scan3A_63, %mul3A_216 : i32
      %add3A_218 = arith.constant 1 : i32
      %add3A_219 = arith.addi %mul3A_217, %add3A_218 : i32
      %add3A_220 = arith.constant 4 : i32
      %add3A_221 = arith.addi %add3A_219, %add3A_220 : i32
      %sub3A_222 = arith.constant 1 : i32
      %sub3A_223 = arith.subi %add3A_221, %sub3A_222 : i32
      %lt3A_224 = arith.constant 32 : i32
      %lt3A_225 = arith.cmpi slt, %sub3A_223, %lt3A_224 : i32
      %convert_element_type3A_226 = arith.extui %lt3A_225 : i1 to i32
      %cond3A_227 = arith.constant 0 : i32
      %cond3A_228 = arith.cmpi ne, %convert_element_type3A_226, %cond3A_227 : i32
      scf.if %cond3A_228 {
        %add3A_684 = arith.constant 4 : i32
        %add3A_685 = arith.addi %add3A_219, %add3A_684 : i32
        %sub3A_686 = arith.constant 1 : i32
        %sub3A_687 = arith.subi %add3A_685, %sub3A_686 : i32
        %mul3A_688 = arith.constant 4 : i32
        %mul3A_689 = arith.muli %sub3A_687, %mul3A_688 : i32
        %add3A_690 = arith.addi %add3A_20, %mul3A_689 : i32
        %dma_start3A_691 = arith.constant 0 : i32
        %dma_start3A_692 = tpu.memref_slice %arg2[%add3A_690, %dma_start3A_691] : memref<16384x2048xf32, #tpu.memory_space<hbm>> -> memref<4x2048xf32, #tpu.memory_space<hbm>>
        %dma_start3A_693 = arith.constant 0 : i32
        %dma_start3A_694 = tpu.memref_slice %arg2[%add3A_690, %dma_start3A_693] : memref<16384x2048xf32, #tpu.memory_space<hbm>> -> memref<4x2048xf32, #tpu.memory_space<hbm>>
        tpu.enqueue_dma source(%dma_start3A_694 : memref<4x2048xf32, #tpu.memory_space<hbm>>) target(%arg9 : memref<4x2048xf32, #tpu.memory_space<vmem>>) target_semaphore(%arg15 : memref<!tpu.dma_semaphore, #tpu.memory_space<semaphore_mem>>)
      } else {
      }
      %mul3A_229 = arith.constant 4 : i32
      %mul3A_230 = arith.muli %add3A_219, %mul3A_229 : i32
      %add3A_231 = arith.addi %add3A_20, %mul3A_230 : i32
      %dma_wait3A_232 = arith.constant 0 : i32
      %dma_wait3A_233 = tpu.memref_slice %arg2[%add3A_231, %dma_wait3A_232] : memref<16384x2048xf32, #tpu.memory_space<hbm>> -> memref<4x2048xf32, #tpu.memory_space<hbm>>
      %dma_wait3A_234 = arith.constant 0 : i32
      %dma_wait3A_235 = tpu.memref_slice %arg2[%add3A_231, %dma_wait3A_234] : memref<16384x2048xf32, #tpu.memory_space<hbm>> -> memref<4x2048xf32, #tpu.memory_space<hbm>>
      tpu.wait_dma2 semaphore(%arg16 : memref<!tpu.dma_semaphore, #tpu.memory_space<semaphore_mem>>) src(%dma_wait3A_235 : memref<4x2048xf32, #tpu.memory_space<hbm>>) dst(%arg10 : memref<4x2048xf32, #tpu.memory_space<vmem>>)
      %broadcast_in_dim3A_236 = arith.constant 0 : i32
      %broadcast_in_dim3A_237 = vector.broadcast %broadcast_in_dim3A_236 : i32 to vector<16xi32>
      %gather3A_238 = tpu.vector_load_idx %arg10[%broadcast_in_dim3A_237, %get3A_25] : memref<4x2048xf32, #tpu.memory_space<vmem>>[vector<16xi32>, vector<16xi32>], vector<16xf32>,
      %mul3A_239 = arith.constant 4 : i32
      %mul3A_240 = arith.muli %add3A_219, %mul3A_239 : i32
      %add3A_241 = arith.constant 0 : i32
      %add3A_242 = arith.addi %mul3A_240, %add3A_241 : i32
      %swap3A_243 = arith.index_cast %add3A_242 : i32 to index
      %swap3A_244 = arith.constant 0 : index
      %swap3A_245 = tpu.vector_load %arg13[%swap3A_243, %swap3A_244] {strides = array<i32>} : memref<128x64xf32, #tpu.memory_space<vmem>>, vector<16xf32>,
      tpu.vector_store %arg13[%swap3A_243, %swap3A_244], %gather3A_238 {strides = array<i32>} : memref<128x64xf32, #tpu.memory_space<vmem>>, vector<16xf32>,
      %gather3A_246 = tpu.vector_load_idx %arg10[%broadcast_in_dim3A_237, %get3A_27] : memref<4x2048xf32, #tpu.memory_space<vmem>>[vector<16xi32>, vector<16xi32>], vector<16xf32>,
      %mul3A_247 = arith.constant 4 : i32
      %mul3A_248 = arith.muli %add3A_219, %mul3A_247 : i32
      %add3A_249 = arith.constant 0 : i32
      %add3A_250 = arith.addi %mul3A_248, %add3A_249 : i32
      %swap3A_251 = arith.index_cast %add3A_250 : i32 to index
      %swap3A_252 = arith.constant 16 : index
      %swap3A_253 = tpu.vector_load %arg13[%swap3A_251, %swap3A_252] {strides = array<i32>} : memref<128x64xf32, #tpu.memory_space<vmem>>, vector<16xf32>,
      tpu.vector_store %arg13[%swap3A_251, %swap3A_252], %gather3A_246 {strides = array<i32>} : memref<128x64xf32, #tpu.memory_space<vmem>>, vector<16xf32>,
      %gather3A_254 = tpu.vector_load_idx %arg10[%broadcast_in_dim3A_237, %get3A_29] : memref<4x2048xf32, #tpu.memory_space<vmem>>[vector<16xi32>, vector<16xi32>], vector<16xf32>,
      %mul3A_255 = arith.constant 4 : i32
      %mul3A_256 = arith.muli %add3A_219, %mul3A_255 : i32
      %add3A_257 = arith.constant 0 : i32
      %add3A_258 = arith.addi %mul3A_256, %add3A_257 : i32
      %swap3A_259 = arith.index_cast %add3A_258 : i32 to index
      %swap3A_260 = arith.constant 32 : index
      %swap3A_261 = tpu.vector_load %arg13[%swap3A_259, %swap3A_260] {strides = array<i32>} : memref<128x64xf32, #tpu.memory_space<vmem>>, vector<16xf32>,
      tpu.vector_store %arg13[%swap3A_259, %swap3A_260], %gather3A_254 {strides = array<i32>} : memref<128x64xf32, #tpu.memory_space<vmem>>, vector<16xf32>,
      %gather3A_262 = tpu.vector_load_idx %arg10[%broadcast_in_dim3A_237, %get3A_31] : memref<4x2048xf32, #tpu.memory_space<vmem>>[vector<16xi32>, vector<16xi32>], vector<16xf32>,
      %mul3A_263 = arith.constant 4 : i32
      %mul3A_264 = arith.muli %add3A_219, %mul3A_263 : i32
      %add3A_265 = arith.constant 0 : i32
      %add3A_266 = arith.addi %mul3A_264, %add3A_265 : i32
      %swap3A_267 = arith.index_cast %add3A_266 : i32 to index
      %swap3A_268 = arith.constant 48 : index
      %swap3A_269 = tpu.vector_load %arg13[%swap3A_267, %swap3A_268] {strides = array<i32>} : memref<128x64xf32, #tpu.memory_space<vmem>>, vector<16xf32>,
      tpu.vector_store %arg13[%swap3A_267, %swap3A_268], %gather3A_262 {strides = array<i32>} : memref<128x64xf32, #tpu.memory_space<vmem>>, vector<16xf32>,
      %broadcast_in_dim3A_270 = arith.constant 1 : i32
      %broadcast_in_dim3A_271 = vector.broadcast %broadcast_in_dim3A_270 : i32 to vector<16xi32>
      %gather3A_272 = tpu.vector_load_idx %arg10[%broadcast_in_dim3A_271, %get3A_25] : memref<4x2048xf32, #tpu.memory_space<vmem>>[vector<16xi32>, vector<16xi32>], vector<16xf32>,
      %mul3A_273 = arith.constant 4 : i32
      %mul3A_274 = arith.muli %add3A_219, %mul3A_273 : i32
      %add3A_275 = arith.constant 1 : i32
      %add3A_276 = arith.addi %mul3A_274, %add3A_275 : i32
      %swap3A_277 = arith.index_cast %add3A_276 : i32 to index
      %swap3A_278 = arith.constant 0 : index
      %swap3A_279 = tpu.vector_load %arg13[%swap3A_277, %swap3A_278] {strides = array<i32>} : memref<128x64xf32, #tpu.memory_space<vmem>>, vector<16xf32>,
      tpu.vector_store %arg13[%swap3A_277, %swap3A_278], %gather3A_272 {strides = array<i32>} : memref<128x64xf32, #tpu.memory_space<vmem>>, vector<16xf32>,
      %gather3A_280 = tpu.vector_load_idx %arg10[%broadcast_in_dim3A_271, %get3A_27] : memref<4x2048xf32, #tpu.memory_space<vmem>>[vector<16xi32>, vector<16xi32>], vector<16xf32>,
      %mul3A_281 = arith.constant 4 : i32
      %mul3A_282 = arith.muli %add3A_219, %mul3A_281 : i32
      %add3A_283 = arith.constant 1 : i32
      %add3A_284 = arith.addi %mul3A_282, %add3A_283 : i32
      %swap3A_285 = arith.index_cast %add3A_284 : i32 to index
      %swap3A_286 = arith.constant 16 : index
      %swap3A_287 = tpu.vector_load %arg13[%swap3A_285, %swap3A_286] {strides = array<i32>} : memref<128x64xf32, #tpu.memory_space<vmem>>, vector<16xf32>,
      tpu.vector_store %arg13[%swap3A_285, %swap3A_286], %gather3A_280 {strides = array<i32>} : memref<128x64xf32, #tpu.memory_space<vmem>>, vector<16xf32>,
      %gather3A_288 = tpu.vector_load_idx %arg10[%broadcast_in_dim3A_271, %get3A_29] : memref<4x2048xf32, #tpu.memory_space<vmem>>[vector<16xi32>, vector<16xi32>], vector<16xf32>,
      %mul3A_289 = arith.constant 4 : i32
      %mul3A_290 = arith.muli %add3A_219, %mul3A_289 : i32
      %add3A_291 = arith.constant 1 : i32
      %add3A_292 = arith.addi %mul3A_290, %add3A_291 : i32
      %swap3A_293 = arith.index_cast %add3A_292 : i32 to index
      %swap3A_294 = arith.constant 32 : index
      %swap3A_295 = tpu.vector_load %arg13[%swap3A_293, %swap3A_294] {strides = array<i32>} : memref<128x64xf32, #tpu.memory_space<vmem>>, vector<16xf32>,
      tpu.vector_store %arg13[%swap3A_293, %swap3A_294], %gather3A_288 {strides = array<i32>} : memref<128x64xf32, #tpu.memory_space<vmem>>, vector<16xf32>,
      %gather3A_296 = tpu.vector_load_idx %arg10[%broadcast_in_dim3A_271, %get3A_31] : memref<4x2048xf32, #tpu.memory_space<vmem>>[vector<16xi32>, vector<16xi32>], vector<16xf32>,
      %mul3A_297 = arith.constant 4 : i32
      %mul3A_298 = arith.muli %add3A_219, %mul3A_297 : i32
      %add3A_299 = arith.constant 1 : i32
      %add3A_300 = arith.addi %mul3A_298, %add3A_299 : i32
      %swap3A_301 = arith.index_cast %add3A_300 : i32 to index
      %swap3A_302 = arith.constant 48 : index
      %swap3A_303 = tpu.vector_load %arg13[%swap3A_301, %swap3A_302] {strides = array<i32>} : memref<128x64xf32, #tpu.memory_space<vmem>>, vector<16xf32>,
      tpu.vector_store %arg13[%swap3A_301, %swap3A_302], %gather3A_296 {strides = array<i32>} : memref<128x64xf32, #tpu.memory_space<vmem>>, vector<16xf32>,
      %broadcast_in_dim3A_304 = arith.constant 2 : i32
      %broadcast_in_dim3A_305 = vector.broadcast %broadcast_in_dim3A_304 : i32 to vector<16xi32>
      %gather3A_306 = tpu.vector_load_idx %arg10[%broadcast_in_dim3A_305, %get3A_25] : memref<4x2048xf32, #tpu.memory_space<vmem>>[vector<16xi32>, vector<16xi32>], vector<16xf32>,
      %mul3A_307 = arith.constant 4 : i32
      %mul3A_308 = arith.muli %add3A_219, %mul3A_307 : i32
      %add3A_309 = arith.constant 2 : i32
      %add3A_310 = arith.addi %mul3A_308, %add3A_309 : i32
      %swap3A_311 = arith.index_cast %add3A_310 : i32 to index
      %swap3A_312 = arith.constant 0 : index
      %swap3A_313 = tpu.vector_load %arg13[%swap3A_311, %swap3A_312] {strides = array<i32>} : memref<128x64xf32, #tpu.memory_space<vmem>>, vector<16xf32>,
      tpu.vector_store %arg13[%swap3A_311, %swap3A_312], %gather3A_306 {strides = array<i32>} : memref<128x64xf32, #tpu.memory_space<vmem>>, vector<16xf32>,
      %gather3A_314 = tpu.vector_load_idx %arg10[%broadcast_in_dim3A_305, %get3A_27] : memref<4x2048xf32, #tpu.memory_space<vmem>>[vector<16xi32>, vector<16xi32>], vector<16xf32>,
      %mul3A_315 = arith.constant 4 : i32
      %mul3A_316 = arith.muli %add3A_219, %mul3A_315 : i32
      %add3A_317 = arith.constant 2 : i32
      %add3A_318 = arith.addi %mul3A_316, %add3A_317 : i32
      %swap3A_319 = arith.index_cast %add3A_318 : i32 to index
      %swap3A_320 = arith.constant 16 : index
      %swap3A_321 = tpu.vector_load %arg13[%swap3A_319, %swap3A_320] {strides = array<i32>} : memref<128x64xf32, #tpu.memory_space<vmem>>, vector<16xf32>,
      tpu.vector_store %arg13[%swap3A_319, %swap3A_320], %gather3A_314 {strides = array<i32>} : memref<128x64xf32, #tpu.memory_space<vmem>>, vector<16xf32>,
      %gather3A_322 = tpu.vector_load_idx %arg10[%broadcast_in_dim3A_305, %get3A_29] : memref<4x2048xf32, #tpu.memory_space<vmem>>[vector<16xi32>, vector<16xi32>], vector<16xf32>,
      %mul3A_323 = arith.constant 4 : i32
      %mul3A_324 = arith.muli %add3A_219, %mul3A_323 : i32
      %add3A_325 = arith.constant 2 : i32
      %add3A_326 = arith.addi %mul3A_324, %add3A_325 : i32
      %swap3A_327 = arith.index_cast %add3A_326 : i32 to index
      %swap3A_328 = arith.constant 32 : index
      %swap3A_329 = tpu.vector_load %arg13[%swap3A_327, %swap3A_328] {strides = array<i32>} : memref<128x64xf32, #tpu.memory_space<vmem>>, vector<16xf32>,
      tpu.vector_store %arg13[%swap3A_327, %swap3A_328], %gather3A_322 {strides = array<i32>} : memref<128x64xf32, #tpu.memory_space<vmem>>, vector<16xf32>,
      %gather3A_330 = tpu.vector_load_idx %arg10[%broadcast_in_dim3A_305, %get3A_31] : memref<4x2048xf32, #tpu.memory_space<vmem>>[vector<16xi32>, vector<16xi32>], vector<16xf32>,
      %mul3A_331 = arith.constant 4 : i32
      %mul3A_332 = arith.muli %add3A_219, %mul3A_331 : i32
      %add3A_333 = arith.constant 2 : i32
      %add3A_334 = arith.addi %mul3A_332, %add3A_333 : i32
      %swap3A_335 = arith.index_cast %add3A_334 : i32 to index
      %swap3A_336 = arith.constant 48 : index
      %swap3A_337 = tpu.vector_load %arg13[%swap3A_335, %swap3A_336] {strides = array<i32>} : memref<128x64xf32, #tpu.memory_space<vmem>>, vector<16xf32>,
      tpu.vector_store %arg13[%swap3A_335, %swap3A_336], %gather3A_330 {strides = array<i32>} : memref<128x64xf32, #tpu.memory_space<vmem>>, vector<16xf32>,
      %broadcast_in_dim3A_338 = arith.constant 3 : i32
      %broadcast_in_dim3A_339 = vector.broadcast %broadcast_in_dim3A_338 : i32 to vector<16xi32>
      %gather3A_340 = tpu.vector_load_idx %arg10[%broadcast_in_dim3A_339, %get3A_25] : memref<4x2048xf32, #tpu.memory_space<vmem>>[vector<16xi32>, vector<16xi32>], vector<16xf32>,
      %mul3A_341 = arith.constant 4 : i32
      %mul3A_342 = arith.muli %add3A_219, %mul3A_341 : i32
      %add3A_343 = arith.constant 3 : i32
      %add3A_344 = arith.addi %mul3A_342, %add3A_343 : i32
      %swap3A_345 = arith.index_cast %add3A_344 : i32 to index
      %swap3A_346 = arith.constant 0 : index
      %swap3A_347 = tpu.vector_load %arg13[%swap3A_345, %swap3A_346] {strides = array<i32>} : memref<128x64xf32, #tpu.memory_space<vmem>>, vector<16xf32>,
      tpu.vector_store %arg13[%swap3A_345, %swap3A_346], %gather3A_340 {strides = array<i32>} : memref<128x64xf32, #tpu.memory_space<vmem>>, vector<16xf32>,
      %gather3A_348 = tpu.vector_load_idx %arg10[%broadcast_in_dim3A_339, %get3A_27] : memref<4x2048xf32, #tpu.memory_space<vmem>>[vector<16xi32>, vector<16xi32>], vector<16xf32>,
      %mul3A_349 = arith.constant 4 : i32
      %mul3A_350 = arith.muli %add3A_219, %mul3A_349 : i32
      %add3A_351 = arith.constant 3 : i32
      %add3A_352 = arith.addi %mul3A_350, %add3A_351 : i32
      %swap3A_353 = arith.index_cast %add3A_352 : i32 to index
      %swap3A_354 = arith.constant 16 : index
      %swap3A_355 = tpu.vector_load %arg13[%swap3A_353, %swap3A_354] {strides = array<i32>} : memref<128x64xf32, #tpu.memory_space<vmem>>, vector<16xf32>,
      tpu.vector_store %arg13[%swap3A_353, %swap3A_354], %gather3A_348 {strides = array<i32>} : memref<128x64xf32, #tpu.memory_space<vmem>>, vector<16xf32>,
      %gather3A_356 = tpu.vector_load_idx %arg10[%broadcast_in_dim3A_339, %get3A_29] : memref<4x2048xf32, #tpu.memory_space<vmem>>[vector<16xi32>, vector<16xi32>], vector<16xf32>,
      %mul3A_357 = arith.constant 4 : i32
      %mul3A_358 = arith.muli %add3A_219, %mul3A_357 : i32
      %add3A_359 = arith.constant 3 : i32
      %add3A_360 = arith.addi %mul3A_358, %add3A_359 : i32
      %swap3A_361 = arith.index_cast %add3A_360 : i32 to index
      %swap3A_362 = arith.constant 32 : index
      %swap3A_363 = tpu.vector_load %arg13[%swap3A_361, %swap3A_362] {strides = array<i32>} : memref<128x64xf32, #tpu.memory_space<vmem>>, vector<16xf32>,
      tpu.vector_store %arg13[%swap3A_361, %swap3A_362], %gather3A_356 {strides = array<i32>} : memref<128x64xf32, #tpu.memory_space<vmem>>, vector<16xf32>,
      %gather3A_364 = tpu.vector_load_idx %arg10[%broadcast_in_dim3A_339, %get3A_31] : memref<4x2048xf32, #tpu.memory_space<vmem>>[vector<16xi32>, vector<16xi32>], vector<16xf32>,
      %mul3A_365 = arith.constant 4 : i32
      %mul3A_366 = arith.muli %add3A_219, %mul3A_365 : i32
      %add3A_367 = arith.constant 3 : i32
      %add3A_368 = arith.addi %mul3A_366, %add3A_367 : i32
      %swap3A_369 = arith.index_cast %add3A_368 : i32 to index
      %swap3A_370 = arith.constant 48 : index
      %swap3A_371 = tpu.vector_load %arg13[%swap3A_369, %swap3A_370] {strides = array<i32>} : memref<128x64xf32, #tpu.memory_space<vmem>>, vector<16xf32>,
      tpu.vector_store %arg13[%swap3A_369, %swap3A_370], %gather3A_364 {strides = array<i32>} : memref<128x64xf32, #tpu.memory_space<vmem>>, vector<16xf32>,
      %mul3A_372 = arith.constant 4 : i32
      %mul3A_373 = arith.muli %scan3A_63, %mul3A_372 : i32
      %add3A_374 = arith.constant 2 : i32
      %add3A_375 = arith.addi %mul3A_373, %add3A_374 : i32
      %add3A_376 = arith.constant 4 : i32
      %add3A_377 = arith.addi %add3A_375, %add3A_376 : i32
      %sub3A_378 = arith.constant 1 : i32
      %sub3A_379 = arith.subi %add3A_377, %sub3A_378 : i32
      %lt3A_380 = arith.constant 32 : i32
      %lt3A_381 = arith.cmpi slt, %sub3A_379, %lt3A_380 : i32
      %convert_element_type3A_382 = arith.extui %lt3A_381 : i1 to i32
      %cond3A_383 = arith.constant 0 : i32
      %cond3A_384 = arith.cmpi ne, %convert_element_type3A_382, %cond3A_383 : i32
      scf.if %cond3A_384 {
        %add3A_684 = arith.constant 4 : i32
        %add3A_685 = arith.addi %add3A_375, %add3A_684 : i32
        %sub3A_686 = arith.constant 1 : i32
        %sub3A_687 = arith.subi %add3A_685, %sub3A_686 : i32
        %mul3A_688 = arith.constant 4 : i32
        %mul3A_689 = arith.muli %sub3A_687, %mul3A_688 : i32
        %add3A_690 = arith.addi %add3A_20, %mul3A_689 : i32
        %dma_start3A_691 = arith.constant 0 : i32
        %dma_start3A_692 = tpu.memref_slice %arg2[%add3A_690, %dma_start3A_691] : memref<16384x2048xf32, #tpu.memory_space<hbm>> -> memref<4x2048xf32, #tpu.memory_space<hbm>>
        %dma_start3A_693 = arith.constant 0 : i32
        %dma_start3A_694 = tpu.memref_slice %arg2[%add3A_690, %dma_start3A_693] : memref<16384x2048xf32, #tpu.memory_space<hbm>> -> memref<4x2048xf32, #tpu.memory_space<hbm>>
        tpu.enqueue_dma source(%dma_start3A_694 : memref<4x2048xf32, #tpu.memory_space<hbm>>) target(%arg10 : memref<4x2048xf32, #tpu.memory_space<vmem>>) target_semaphore(%arg16 : memref<!tpu.dma_semaphore, #tpu.memory_space<semaphore_mem>>)
      } else {
      }
      %mul3A_385 = arith.constant 4 : i32
      %mul3A_386 = arith.muli %add3A_375, %mul3A_385 : i32
      %add3A_387 = arith.addi %add3A_20, %mul3A_386 : i32
      %dma_wait3A_388 = arith.constant 0 : i32
      %dma_wait3A_389 = tpu.memref_slice %arg2[%add3A_387, %dma_wait3A_388] : memref<16384x2048xf32, #tpu.memory_space<hbm>> -> memref<4x2048xf32, #tpu.memory_space<hbm>>
      %dma_wait3A_390 = arith.constant 0 : i32
      %dma_wait3A_391 = tpu.memref_slice %arg2[%add3A_387, %dma_wait3A_390] : memref<16384x2048xf32, #tpu.memory_space<hbm>> -> memref<4x2048xf32, #tpu.memory_space<hbm>>
      tpu.wait_dma2 semaphore(%arg17 : memref<!tpu.dma_semaphore, #tpu.memory_space<semaphore_mem>>) src(%dma_wait3A_391 : memref<4x2048xf32, #tpu.memory_space<hbm>>) dst(%arg11 : memref<4x2048xf32, #tpu.memory_space<vmem>>)
      %broadcast_in_dim3A_392 = arith.constant 0 : i32
      %broadcast_in_dim3A_393 = vector.broadcast %broadcast_in_dim3A_392 : i32 to vector<16xi32>
      %gather3A_394 = tpu.vector_load_idx %arg11[%broadcast_in_dim3A_393, %get3A_25] : memref<4x2048xf32, #tpu.memory_space<vmem>>[vector<16xi32>, vector<16xi32>], vector<16xf32>,
      %mul3A_395 = arith.constant 4 : i32
      %mul3A_396 = arith.muli %add3A_375, %mul3A_395 : i32
      %add3A_397 = arith.constant 0 : i32
      %add3A_398 = arith.addi %mul3A_396, %add3A_397 : i32
      %swap3A_399 = arith.index_cast %add3A_398 : i32 to index
      %swap3A_400 = arith.constant 0 : index
      %swap3A_401 = tpu.vector_load %arg13[%swap3A_399, %swap3A_400] {strides = array<i32>} : memref<128x64xf32, #tpu.memory_space<vmem>>, vector<16xf32>,
      tpu.vector_store %arg13[%swap3A_399, %swap3A_400], %gather3A_394 {strides = array<i32>} : memref<128x64xf32, #tpu.memory_space<vmem>>, vector<16xf32>,
      %gather3A_402 = tpu.vector_load_idx %arg11[%broadcast_in_dim3A_393, %get3A_27] : memref<4x2048xf32, #tpu.memory_space<vmem>>[vector<16xi32>, vector<16xi32>], vector<16xf32>,
      %mul3A_403 = arith.constant 4 : i32
      %mul3A_404 = arith.muli %add3A_375, %mul3A_403 : i32
      %add3A_405 = arith.constant 0 : i32
      %add3A_406 = arith.addi %mul3A_404, %add3A_405 : i32
      %swap3A_407 = arith.index_cast %add3A_406 : i32 to index
      %swap3A_408 = arith.constant 16 : index
      %swap3A_409 = tpu.vector_load %arg13[%swap3A_407, %swap3A_408] {strides = array<i32>} : memref<128x64xf32, #tpu.memory_space<vmem>>, vector<16xf32>,
      tpu.vector_store %arg13[%swap3A_407, %swap3A_408], %gather3A_402 {strides = array<i32>} : memref<128x64xf32, #tpu.memory_space<vmem>>, vector<16xf32>,
      %gather3A_410 = tpu.vector_load_idx %arg11[%broadcast_in_dim3A_393, %get3A_29] : memref<4x2048xf32, #tpu.memory_space<vmem>>[vector<16xi32>, vector<16xi32>], vector<16xf32>,
      %mul3A_411 = arith.constant 4 : i32
      %mul3A_412 = arith.muli %add3A_375, %mul3A_411 : i32
      %add3A_413 = arith.constant 0 : i32
      %add3A_414 = arith.addi %mul3A_412, %add3A_413 : i32
      %swap3A_415 = arith.index_cast %add3A_414 : i32 to index
      %swap3A_416 = arith.constant 32 : index
      %swap3A_417 = tpu.vector_load %arg13[%swap3A_415, %swap3A_416] {strides = array<i32>} : memref<128x64xf32, #tpu.memory_space<vmem>>, vector<16xf32>,
      tpu.vector_store %arg13[%swap3A_415, %swap3A_416], %gather3A_410 {strides = array<i32>} : memref<128x64xf32, #tpu.memory_space<vmem>>, vector<16xf32>,
      %gather3A_418 = tpu.vector_load_idx %arg11[%broadcast_in_dim3A_393, %get3A_31] : memref<4x2048xf32, #tpu.memory_space<vmem>>[vector<16xi32>, vector<16xi32>], vector<16xf32>,
      %mul3A_419 = arith.constant 4 : i32
      %mul3A_420 = arith.muli %add3A_375, %mul3A_419 : i32
      %add3A_421 = arith.constant 0 : i32
      %add3A_422 = arith.addi %mul3A_420, %add3A_421 : i32
      %swap3A_423 = arith.index_cast %add3A_422 : i32 to index
      %swap3A_424 = arith.constant 48 : index
      %swap3A_425 = tpu.vector_load %arg13[%swap3A_423, %swap3A_424] {strides = array<i32>} : memref<128x64xf32, #tpu.memory_space<vmem>>, vector<16xf32>,
      tpu.vector_store %arg13[%swap3A_423, %swap3A_424], %gather3A_418 {strides = array<i32>} : memref<128x64xf32, #tpu.memory_space<vmem>>, vector<16xf32>,
      %broadcast_in_dim3A_426 = arith.constant 1 : i32
      %broadcast_in_dim3A_427 = vector.broadcast %broadcast_in_dim3A_426 : i32 to vector<16xi32>
      %gather3A_428 = tpu.vector_load_idx %arg11[%broadcast_in_dim3A_427, %get3A_25] : memref<4x2048xf32, #tpu.memory_space<vmem>>[vector<16xi32>, vector<16xi32>], vector<16xf32>,
      %mul3A_429 = arith.constant 4 : i32
      %mul3A_430 = arith.muli %add3A_375, %mul3A_429 : i32
      %add3A_431 = arith.constant 1 : i32
      %add3A_432 = arith.addi %mul3A_430, %add3A_431 : i32
      %swap3A_433 = arith.index_cast %add3A_432 : i32 to index
      %swap3A_434 = arith.constant 0 : index
      %swap3A_435 = tpu.vector_load %arg13[%swap3A_433, %swap3A_434] {strides = array<i32>} : memref<128x64xf32, #tpu.memory_space<vmem>>, vector<16xf32>,
      tpu.vector_store %arg13[%swap3A_433, %swap3A_434], %gather3A_428 {strides = array<i32>} : memref<128x64xf32, #tpu.memory_space<vmem>>, vector<16xf32>,
      %gather3A_436 = tpu.vector_load_idx %arg11[%broadcast_in_dim3A_427, %get3A_27] : memref<4x2048xf32, #tpu.memory_space<vmem>>[vector<16xi32>, vector<16xi32>], vector<16xf32>,
      %mul3A_437 = arith.constant 4 : i32
      %mul3A_438 = arith.muli %add3A_375, %mul3A_437 : i32
      %add3A_439 = arith.constant 1 : i32
      %add3A_440 = arith.addi %mul3A_438, %add3A_439 : i32
      %swap3A_441 = arith.index_cast %add3A_440 : i32 to index
      %swap3A_442 = arith.constant 16 : index
      %swap3A_443 = tpu.vector_load %arg13[%swap3A_441, %swap3A_442] {strides = array<i32>} : memref<128x64xf32, #tpu.memory_space<vmem>>, vector<16xf32>,
      tpu.vector_store %arg13[%swap3A_441, %swap3A_442], %gather3A_436 {strides = array<i32>} : memref<128x64xf32, #tpu.memory_space<vmem>>, vector<16xf32>,
      %gather3A_444 = tpu.vector_load_idx %arg11[%broadcast_in_dim3A_427, %get3A_29] : memref<4x2048xf32, #tpu.memory_space<vmem>>[vector<16xi32>, vector<16xi32>], vector<16xf32>,
      %mul3A_445 = arith.constant 4 : i32
      %mul3A_446 = arith.muli %add3A_375, %mul3A_445 : i32
      %add3A_447 = arith.constant 1 : i32
      %add3A_448 = arith.addi %mul3A_446, %add3A_447 : i32
      %swap3A_449 = arith.index_cast %add3A_448 : i32 to index
      %swap3A_450 = arith.constant 32 : index
      %swap3A_451 = tpu.vector_load %arg13[%swap3A_449, %swap3A_450] {strides = array<i32>} : memref<128x64xf32, #tpu.memory_space<vmem>>, vector<16xf32>,
      tpu.vector_store %arg13[%swap3A_449, %swap3A_450], %gather3A_444 {strides = array<i32>} : memref<128x64xf32, #tpu.memory_space<vmem>>, vector<16xf32>,
      %gather3A_452 = tpu.vector_load_idx %arg11[%broadcast_in_dim3A_427, %get3A_31] : memref<4x2048xf32, #tpu.memory_space<vmem>>[vector<16xi32>, vector<16xi32>], vector<16xf32>,
      %mul3A_453 = arith.constant 4 : i32
      %mul3A_454 = arith.muli %add3A_375, %mul3A_453 : i32
      %add3A_455 = arith.constant 1 : i32
      %add3A_456 = arith.addi %mul3A_454, %add3A_455 : i32
      %swap3A_457 = arith.index_cast %add3A_456 : i32 to index
      %swap3A_458 = arith.constant 48 : index
      %swap3A_459 = tpu.vector_load %arg13[%swap3A_457, %swap3A_458] {strides = array<i32>} : memref<128x64xf32, #tpu.memory_space<vmem>>, vector<16xf32>,
      tpu.vector_store %arg13[%swap3A_457, %swap3A_458], %gather3A_452 {strides = array<i32>} : memref<128x64xf32, #tpu.memory_space<vmem>>, vector<16xf32>,
      %broadcast_in_dim3A_460 = arith.constant 2 : i32
      %broadcast_in_dim3A_461 = vector.broadcast %broadcast_in_dim3A_460 : i32 to vector<16xi32>
      %gather3A_462 = tpu.vector_load_idx %arg11[%broadcast_in_dim3A_461, %get3A_25] : memref<4x2048xf32, #tpu.memory_space<vmem>>[vector<16xi32>, vector<16xi32>], vector<16xf32>,
      %mul3A_463 = arith.constant 4 : i32
      %mul3A_464 = arith.muli %add3A_375, %mul3A_463 : i32
      %add3A_465 = arith.constant 2 : i32
      %add3A_466 = arith.addi %mul3A_464, %add3A_465 : i32
      %swap3A_467 = arith.index_cast %add3A_466 : i32 to index
      %swap3A_468 = arith.constant 0 : index
      %swap3A_469 = tpu.vector_load %arg13[%swap3A_467, %swap3A_468] {strides = array<i32>} : memref<128x64xf32, #tpu.memory_space<vmem>>, vector<16xf32>,
      tpu.vector_store %arg13[%swap3A_467, %swap3A_468], %gather3A_462 {strides = array<i32>} : memref<128x64xf32, #tpu.memory_space<vmem>>, vector<16xf32>,
      %gather3A_470 = tpu.vector_load_idx %arg11[%broadcast_in_dim3A_461, %get3A_27] : memref<4x2048xf32, #tpu.memory_space<vmem>>[vector<16xi32>, vector<16xi32>], vector<16xf32>,
      %mul3A_471 = arith.constant 4 : i32
      %mul3A_472 = arith.muli %add3A_375, %mul3A_471 : i32
      %add3A_473 = arith.constant 2 : i32
      %add3A_474 = arith.addi %mul3A_472, %add3A_473 : i32
      %swap3A_475 = arith.index_cast %add3A_474 : i32 to index
      %swap3A_476 = arith.constant 16 : index
      %swap3A_477 = tpu.vector_load %arg13[%swap3A_475, %swap3A_476] {strides = array<i32>} : memref<128x64xf32, #tpu.memory_space<vmem>>, vector<16xf32>,
      tpu.vector_store %arg13[%swap3A_475, %swap3A_476], %gather3A_470 {strides = array<i32>} : memref<128x64xf32, #tpu.memory_space<vmem>>, vector<16xf32>,
      %gather3A_478 = tpu.vector_load_idx %arg11[%broadcast_in_dim3A_461, %get3A_29] : memref<4x2048xf32, #tpu.memory_space<vmem>>[vector<16xi32>, vector<16xi32>], vector<16xf32>,
      %mul3A_479 = arith.constant 4 : i32
      %mul3A_480 = arith.muli %add3A_375, %mul3A_479 : i32
      %add3A_481 = arith.constant 2 : i32
      %add3A_482 = arith.addi %mul3A_480, %add3A_481 : i32
      %swap3A_483 = arith.index_cast %add3A_482 : i32 to index
      %swap3A_484 = arith.constant 32 : index
      %swap3A_485 = tpu.vector_load %arg13[%swap3A_483, %swap3A_484] {strides = array<i32>} : memref<128x64xf32, #tpu.memory_space<vmem>>, vector<16xf32>,
      tpu.vector_store %arg13[%swap3A_483, %swap3A_484], %gather3A_478 {strides = array<i32>} : memref<128x64xf32, #tpu.memory_space<vmem>>, vector<16xf32>,
      %gather3A_486 = tpu.vector_load_idx %arg11[%broadcast_in_dim3A_461, %get3A_31] : memref<4x2048xf32, #tpu.memory_space<vmem>>[vector<16xi32>, vector<16xi32>], vector<16xf32>,
      %mul3A_487 = arith.constant 4 : i32
      %mul3A_488 = arith.muli %add3A_375, %mul3A_487 : i32
      %add3A_489 = arith.constant 2 : i32
      %add3A_490 = arith.addi %mul3A_488, %add3A_489 : i32
      %swap3A_491 = arith.index_cast %add3A_490 : i32 to index
      %swap3A_492 = arith.constant 48 : index
      %swap3A_493 = tpu.vector_load %arg13[%swap3A_491, %swap3A_492] {strides = array<i32>} : memref<128x64xf32, #tpu.memory_space<vmem>>, vector<16xf32>,
      tpu.vector_store %arg13[%swap3A_491, %swap3A_492], %gather3A_486 {strides = array<i32>} : memref<128x64xf32, #tpu.memory_space<vmem>>, vector<16xf32>,
      %broadcast_in_dim3A_494 = arith.constant 3 : i32
      %broadcast_in_dim3A_495 = vector.broadcast %broadcast_in_dim3A_494 : i32 to vector<16xi32>
      %gather3A_496 = tpu.vector_load_idx %arg11[%broadcast_in_dim3A_495, %get3A_25] : memref<4x2048xf32, #tpu.memory_space<vmem>>[vector<16xi32>, vector<16xi32>], vector<16xf32>,
      %mul3A_497 = arith.constant 4 : i32
      %mul3A_498 = arith.muli %add3A_375, %mul3A_497 : i32
      %add3A_499 = arith.constant 3 : i32
      %add3A_500 = arith.addi %mul3A_498, %add3A_499 : i32
      %swap3A_501 = arith.index_cast %add3A_500 : i32 to index
      %swap3A_502 = arith.constant 0 : index
      %swap3A_503 = tpu.vector_load %arg13[%swap3A_501, %swap3A_502] {strides = array<i32>} : memref<128x64xf32, #tpu.memory_space<vmem>>, vector<16xf32>,
      tpu.vector_store %arg13[%swap3A_501, %swap3A_502], %gather3A_496 {strides = array<i32>} : memref<128x64xf32, #tpu.memory_space<vmem>>, vector<16xf32>,
      %gather3A_504 = tpu.vector_load_idx %arg11[%broadcast_in_dim3A_495, %get3A_27] : memref<4x2048xf32, #tpu.memory_space<vmem>>[vector<16xi32>, vector<16xi32>], vector<16xf32>,
      %mul3A_505 = arith.constant 4 : i32
      %mul3A_506 = arith.muli %add3A_375, %mul3A_505 : i32
      %add3A_507 = arith.constant 3 : i32
      %add3A_508 = arith.addi %mul3A_506, %add3A_507 : i32
      %swap3A_509 = arith.index_cast %add3A_508 : i32 to index
      %swap3A_510 = arith.constant 16 : index
      %swap3A_511 = tpu.vector_load %arg13[%swap3A_509, %swap3A_510] {strides = array<i32>} : memref<128x64xf32, #tpu.memory_space<vmem>>, vector<16xf32>,
      tpu.vector_store %arg13[%swap3A_509, %swap3A_510], %gather3A_504 {strides = array<i32>} : memref<128x64xf32, #tpu.memory_space<vmem>>, vector<16xf32>,
      %gather3A_512 = tpu.vector_load_idx %arg11[%broadcast_in_dim3A_495, %get3A_29] : memref<4x2048xf32, #tpu.memory_space<vmem>>[vector<16xi32>, vector<16xi32>], vector<16xf32>,
      %mul3A_513 = arith.constant 4 : i32
      %mul3A_514 = arith.muli %add3A_375, %mul3A_513 : i32
      %add3A_515 = arith.constant 3 : i32
      %add3A_516 = arith.addi %mul3A_514, %add3A_515 : i32
      %swap3A_517 = arith.index_cast %add3A_516 : i32 to index
      %swap3A_518 = arith.constant 32 : index
      %swap3A_519 = tpu.vector_load %arg13[%swap3A_517, %swap3A_518] {strides = array<i32>} : memref<128x64xf32, #tpu.memory_space<vmem>>, vector<16xf32>,
      tpu.vector_store %arg13[%swap3A_517, %swap3A_518], %gather3A_512 {strides = array<i32>} : memref<128x64xf32, #tpu.memory_space<vmem>>, vector<16xf32>,
      %gather3A_520 = tpu.vector_load_idx %arg11[%broadcast_in_dim3A_495, %get3A_31] : memref<4x2048xf32, #tpu.memory_space<vmem>>[vector<16xi32>, vector<16xi32>], vector<16xf32>,
      %mul3A_521 = arith.constant 4 : i32
      %mul3A_522 = arith.muli %add3A_375, %mul3A_521 : i32
      %add3A_523 = arith.constant 3 : i32
      %add3A_524 = arith.addi %mul3A_522, %add3A_523 : i32
      %swap3A_525 = arith.index_cast %add3A_524 : i32 to index
      %swap3A_526 = arith.constant 48 : index
      %swap3A_527 = tpu.vector_load %arg13[%swap3A_525, %swap3A_526] {strides = array<i32>} : memref<128x64xf32, #tpu.memory_space<vmem>>, vector<16xf32>,
      tpu.vector_store %arg13[%swap3A_525, %swap3A_526], %gather3A_520 {strides = array<i32>} : memref<128x64xf32, #tpu.memory_space<vmem>>, vector<16xf32>,
      %mul3A_528 = arith.constant 4 : i32
      %mul3A_529 = arith.muli %scan3A_63, %mul3A_528 : i32
      %add3A_530 = arith.constant 3 : i32
      %add3A_531 = arith.addi %mul3A_529, %add3A_530 : i32
      %add3A_532 = arith.constant 4 : i32
      %add3A_533 = arith.addi %add3A_531, %add3A_532 : i32
      %sub3A_534 = arith.constant 1 : i32
      %sub3A_535 = arith.subi %add3A_533, %sub3A_534 : i32
      %lt3A_536 = arith.constant 32 : i32
      %lt3A_537 = arith.cmpi slt, %sub3A_535, %lt3A_536 : i32
      %convert_element_type3A_538 = arith.extui %lt3A_537 : i1 to i32
      %cond3A_539 = arith.constant 0 : i32
      %cond3A_540 = arith.cmpi ne, %convert_element_type3A_538, %cond3A_539 : i32
      scf.if %cond3A_540 {
        %add3A_684 = arith.constant 4 : i32
        %add3A_685 = arith.addi %add3A_531, %add3A_684 : i32
        %sub3A_686 = arith.constant 1 : i32
        %sub3A_687 = arith.subi %add3A_685, %sub3A_686 : i32
        %mul3A_688 = arith.constant 4 : i32
        %mul3A_689 = arith.muli %sub3A_687, %mul3A_688 : i32
        %add3A_690 = arith.addi %add3A_20, %mul3A_689 : i32
        %dma_start3A_691 = arith.constant 0 : i32
        %dma_start3A_692 = tpu.memref_slice %arg2[%add3A_690, %dma_start3A_691] : memref<16384x2048xf32, #tpu.memory_space<hbm>> -> memref<4x2048xf32, #tpu.memory_space<hbm>>
        %dma_start3A_693 = arith.constant 0 : i32
        %dma_start3A_694 = tpu.memref_slice %arg2[%add3A_690, %dma_start3A_693] : memref<16384x2048xf32, #tpu.memory_space<hbm>> -> memref<4x2048xf32, #tpu.memory_space<hbm>>
        tpu.enqueue_dma source(%dma_start3A_694 : memref<4x2048xf32, #tpu.memory_space<hbm>>) target(%arg11 : memref<4x2048xf32, #tpu.memory_space<vmem>>) target_semaphore(%arg17 : memref<!tpu.dma_semaphore, #tpu.memory_space<semaphore_mem>>)
      } else {
      }
      %mul3A_541 = arith.constant 4 : i32
      %mul3A_542 = arith.muli %add3A_531, %mul3A_541 : i32
      %add3A_543 = arith.addi %add3A_20, %mul3A_542 : i32
      %dma_wait3A_544 = arith.constant 0 : i32
      %dma_wait3A_545 = tpu.memref_slice %arg2[%add3A_543, %dma_wait3A_544] : memref<16384x2048xf32, #tpu.memory_space<hbm>> -> memref<4x2048xf32, #tpu.memory_space<hbm>>
      %dma_wait3A_546 = arith.constant 0 : i32
      %dma_wait3A_547 = tpu.memref_slice %arg2[%add3A_543, %dma_wait3A_546] : memref<16384x2048xf32, #tpu.memory_space<hbm>> -> memref<4x2048xf32, #tpu.memory_space<hbm>>
      tpu.wait_dma2 semaphore(%arg18 : memref<!tpu.dma_semaphore, #tpu.memory_space<semaphore_mem>>) src(%dma_wait3A_547 : memref<4x2048xf32, #tpu.memory_space<hbm>>) dst(%arg12 : memref<4x2048xf32, #tpu.memory_space<vmem>>)
      %broadcast_in_dim3A_548 = arith.constant 0 : i32
      %broadcast_in_dim3A_549 = vector.broadcast %broadcast_in_dim3A_548 : i32 to vector<16xi32>
      %gather3A_550 = tpu.vector_load_idx %arg12[%broadcast_in_dim3A_549, %get3A_25] : memref<4x2048xf32, #tpu.memory_space<vmem>>[vector<16xi32>, vector<16xi32>], vector<16xf32>,
      %mul3A_551 = arith.constant 4 : i32
      %mul3A_552 = arith.muli %add3A_531, %mul3A_551 : i32
      %add3A_553 = arith.constant 0 : i32
      %add3A_554 = arith.addi %mul3A_552, %add3A_553 : i32
      %swap3A_555 = arith.index_cast %add3A_554 : i32 to index
      %swap3A_556 = arith.constant 0 : index
      %swap3A_557 = tpu.vector_load %arg13[%swap3A_555, %swap3A_556] {strides = array<i32>} : memref<128x64xf32, #tpu.memory_space<vmem>>, vector<16xf32>,
      tpu.vector_store %arg13[%swap3A_555, %swap3A_556], %gather3A_550 {strides = array<i32>} : memref<128x64xf32, #tpu.memory_space<vmem>>, vector<16xf32>,
      %gather3A_558 = tpu.vector_load_idx %arg12[%broadcast_in_dim3A_549, %get3A_27] : memref<4x2048xf32, #tpu.memory_space<vmem>>[vector<16xi32>, vector<16xi32>], vector<16xf32>,
      %mul3A_559 = arith.constant 4 : i32
      %mul3A_560 = arith.muli %add3A_531, %mul3A_559 : i32
      %add3A_561 = arith.constant 0 : i32
      %add3A_562 = arith.addi %mul3A_560, %add3A_561 : i32
      %swap3A_563 = arith.index_cast %add3A_562 : i32 to index
      %swap3A_564 = arith.constant 16 : index
      %swap3A_565 = tpu.vector_load %arg13[%swap3A_563, %swap3A_564] {strides = array<i32>} : memref<128x64xf32, #tpu.memory_space<vmem>>, vector<16xf32>,
      tpu.vector_store %arg13[%swap3A_563, %swap3A_564], %gather3A_558 {strides = array<i32>} : memref<128x64xf32, #tpu.memory_space<vmem>>, vector<16xf32>,
      %gather3A_566 = tpu.vector_load_idx %arg12[%broadcast_in_dim3A_549, %get3A_29] : memref<4x2048xf32, #tpu.memory_space<vmem>>[vector<16xi32>, vector<16xi32>], vector<16xf32>,
      %mul3A_567 = arith.constant 4 : i32
      %mul3A_568 = arith.muli %add3A_531, %mul3A_567 : i32
      %add3A_569 = arith.constant 0 : i32
      %add3A_570 = arith.addi %mul3A_568, %add3A_569 : i32
      %swap3A_571 = arith.index_cast %add3A_570 : i32 to index
      %swap3A_572 = arith.constant 32 : index
      %swap3A_573 = tpu.vector_load %arg13[%swap3A_571, %swap3A_572] {strides = array<i32>} : memref<128x64xf32, #tpu.memory_space<vmem>>, vector<16xf32>,
      tpu.vector_store %arg13[%swap3A_571, %swap3A_572], %gather3A_566 {strides = array<i32>} : memref<128x64xf32, #tpu.memory_space<vmem>>, vector<16xf32>,
      %gather3A_574 = tpu.vector_load_idx %arg12[%broadcast_in_dim3A_549, %get3A_31] : memref<4x2048xf32, #tpu.memory_space<vmem>>[vector<16xi32>, vector<16xi32>], vector<16xf32>,
      %mul3A_575 = arith.constant 4 : i32
      %mul3A_576 = arith.muli %add3A_531, %mul3A_575 : i32
      %add3A_577 = arith.constant 0 : i32
      %add3A_578 = arith.addi %mul3A_576, %add3A_577 : i32
      %swap3A_579 = arith.index_cast %add3A_578 : i32 to index
      %swap3A_580 = arith.constant 48 : index
      %swap3A_581 = tpu.vector_load %arg13[%swap3A_579, %swap3A_580] {strides = array<i32>} : memref<128x64xf32, #tpu.memory_space<vmem>>, vector<16xf32>,
      tpu.vector_store %arg13[%swap3A_579, %swap3A_580], %gather3A_574 {strides = array<i32>} : memref<128x64xf32, #tpu.memory_space<vmem>>, vector<16xf32>,
      %broadcast_in_dim3A_582 = arith.constant 1 : i32
      %broadcast_in_dim3A_583 = vector.broadcast %broadcast_in_dim3A_582 : i32 to vector<16xi32>
      %gather3A_584 = tpu.vector_load_idx %arg12[%broadcast_in_dim3A_583, %get3A_25] : memref<4x2048xf32, #tpu.memory_space<vmem>>[vector<16xi32>, vector<16xi32>], vector<16xf32>,
      %mul3A_585 = arith.constant 4 : i32
      %mul3A_586 = arith.muli %add3A_531, %mul3A_585 : i32
      %add3A_587 = arith.constant 1 : i32
      %add3A_588 = arith.addi %mul3A_586, %add3A_587 : i32
      %swap3A_589 = arith.index_cast %add3A_588 : i32 to index
      %swap3A_590 = arith.constant 0 : index
      %swap3A_591 = tpu.vector_load %arg13[%swap3A_589, %swap3A_590] {strides = array<i32>} : memref<128x64xf32, #tpu.memory_space<vmem>>, vector<16xf32>,
      tpu.vector_store %arg13[%swap3A_589, %swap3A_590], %gather3A_584 {strides = array<i32>} : memref<128x64xf32, #tpu.memory_space<vmem>>, vector<16xf32>,
      %gather3A_592 = tpu.vector_load_idx %arg12[%broadcast_in_dim3A_583, %get3A_27] : memref<4x2048xf32, #tpu.memory_space<vmem>>[vector<16xi32>, vector<16xi32>], vector<16xf32>,
      %mul3A_593 = arith.constant 4 : i32
      %mul3A_594 = arith.muli %add3A_531, %mul3A_593 : i32
      %add3A_595 = arith.constant 1 : i32
      %add3A_596 = arith.addi %mul3A_594, %add3A_595 : i32
      %swap3A_597 = arith.index_cast %add3A_596 : i32 to index
      %swap3A_598 = arith.constant 16 : index
      %swap3A_599 = tpu.vector_load %arg13[%swap3A_597, %swap3A_598] {strides = array<i32>} : memref<128x64xf32, #tpu.memory_space<vmem>>, vector<16xf32>,
      tpu.vector_store %arg13[%swap3A_597, %swap3A_598], %gather3A_592 {strides = array<i32>} : memref<128x64xf32, #tpu.memory_space<vmem>>, vector<16xf32>,
      %gather3A_600 = tpu.vector_load_idx %arg12[%broadcast_in_dim3A_583, %get3A_29] : memref<4x2048xf32, #tpu.memory_space<vmem>>[vector<16xi32>, vector<16xi32>], vector<16xf32>,
      %mul3A_601 = arith.constant 4 : i32
      %mul3A_602 = arith.muli %add3A_531, %mul3A_601 : i32
      %add3A_603 = arith.constant 1 : i32
      %add3A_604 = arith.addi %mul3A_602, %add3A_603 : i32
      %swap3A_605 = arith.index_cast %add3A_604 : i32 to index
      %swap3A_606 = arith.constant 32 : index
      %swap3A_607 = tpu.vector_load %arg13[%swap3A_605, %swap3A_606] {strides = array<i32>} : memref<128x64xf32, #tpu.memory_space<vmem>>, vector<16xf32>,
      tpu.vector_store %arg13[%swap3A_605, %swap3A_606], %gather3A_600 {strides = array<i32>} : memref<128x64xf32, #tpu.memory_space<vmem>>, vector<16xf32>,
      %gather3A_608 = tpu.vector_load_idx %arg12[%broadcast_in_dim3A_583, %get3A_31] : memref<4x2048xf32, #tpu.memory_space<vmem>>[vector<16xi32>, vector<16xi32>], vector<16xf32>,
      %mul3A_609 = arith.constant 4 : i32
      %mul3A_610 = arith.muli %add3A_531, %mul3A_609 : i32
      %add3A_611 = arith.constant 1 : i32
      %add3A_612 = arith.addi %mul3A_610, %add3A_611 : i32
      %swap3A_613 = arith.index_cast %add3A_612 : i32 to index
      %swap3A_614 = arith.constant 48 : index
      %swap3A_615 = tpu.vector_load %arg13[%swap3A_613, %swap3A_614] {strides = array<i32>} : memref<128x64xf32, #tpu.memory_space<vmem>>, vector<16xf32>,
      tpu.vector_store %arg13[%swap3A_613, %swap3A_614], %gather3A_608 {strides = array<i32>} : memref<128x64xf32, #tpu.memory_space<vmem>>, vector<16xf32>,
      %broadcast_in_dim3A_616 = arith.constant 2 : i32
      %broadcast_in_dim3A_617 = vector.broadcast %broadcast_in_dim3A_616 : i32 to vector<16xi32>
      %gather3A_618 = tpu.vector_load_idx %arg12[%broadcast_in_dim3A_617, %get3A_25] : memref<4x2048xf32, #tpu.memory_space<vmem>>[vector<16xi32>, vector<16xi32>], vector<16xf32>,
      %mul3A_619 = arith.constant 4 : i32
      %mul3A_620 = arith.muli %add3A_531, %mul3A_619 : i32
      %add3A_621 = arith.constant 2 : i32
      %add3A_622 = arith.addi %mul3A_620, %add3A_621 : i32
      %swap3A_623 = arith.index_cast %add3A_622 : i32 to index
      %swap3A_624 = arith.constant 0 : index
      %swap3A_625 = tpu.vector_load %arg13[%swap3A_623, %swap3A_624] {strides = array<i32>} : memref<128x64xf32, #tpu.memory_space<vmem>>, vector<16xf32>,
      tpu.vector_store %arg13[%swap3A_623, %swap3A_624], %gather3A_618 {strides = array<i32>} : memref<128x64xf32, #tpu.memory_space<vmem>>, vector<16xf32>,
      %gather3A_626 = tpu.vector_load_idx %arg12[%broadcast_in_dim3A_617, %get3A_27] : memref<4x2048xf32, #tpu.memory_space<vmem>>[vector<16xi32>, vector<16xi32>], vector<16xf32>,
      %mul3A_627 = arith.constant 4 : i32
      %mul3A_628 = arith.muli %add3A_531, %mul3A_627 : i32
      %add3A_629 = arith.constant 2 : i32
      %add3A_630 = arith.addi %mul3A_628, %add3A_629 : i32
      %swap3A_631 = arith.index_cast %add3A_630 : i32 to index
      %swap3A_632 = arith.constant 16 : index
      %swap3A_633 = tpu.vector_load %arg13[%swap3A_631, %swap3A_632] {strides = array<i32>} : memref<128x64xf32, #tpu.memory_space<vmem>>, vector<16xf32>,
      tpu.vector_store %arg13[%swap3A_631, %swap3A_632], %gather3A_626 {strides = array<i32>} : memref<128x64xf32, #tpu.memory_space<vmem>>, vector<16xf32>,
      %gather3A_634 = tpu.vector_load_idx %arg12[%broadcast_in_dim3A_617, %get3A_29] : memref<4x2048xf32, #tpu.memory_space<vmem>>[vector<16xi32>, vector<16xi32>], vector<16xf32>,
      %mul3A_635 = arith.constant 4 : i32
      %mul3A_636 = arith.muli %add3A_531, %mul3A_635 : i32
      %add3A_637 = arith.constant 2 : i32
      %add3A_638 = arith.addi %mul3A_636, %add3A_637 : i32
      %swap3A_639 = arith.index_cast %add3A_638 : i32 to index
      %swap3A_640 = arith.constant 32 : index
      %swap3A_641 = tpu.vector_load %arg13[%swap3A_639, %swap3A_640] {strides = array<i32>} : memref<128x64xf32, #tpu.memory_space<vmem>>, vector<16xf32>,
      tpu.vector_store %arg13[%swap3A_639, %swap3A_640], %gather3A_634 {strides = array<i32>} : memref<128x64xf32, #tpu.memory_space<vmem>>, vector<16xf32>,
      %gather3A_642 = tpu.vector_load_idx %arg12[%broadcast_in_dim3A_617, %get3A_31] : memref<4x2048xf32, #tpu.memory_space<vmem>>[vector<16xi32>, vector<16xi32>], vector<16xf32>,
      %mul3A_643 = arith.constant 4 : i32
      %mul3A_644 = arith.muli %add3A_531, %mul3A_643 : i32
      %add3A_645 = arith.constant 2 : i32
      %add3A_646 = arith.addi %mul3A_644, %add3A_645 : i32
      %swap3A_647 = arith.index_cast %add3A_646 : i32 to index
      %swap3A_648 = arith.constant 48 : index
      %swap3A_649 = tpu.vector_load %arg13[%swap3A_647, %swap3A_648] {strides = array<i32>} : memref<128x64xf32, #tpu.memory_space<vmem>>, vector<16xf32>,
      tpu.vector_store %arg13[%swap3A_647, %swap3A_648], %gather3A_642 {strides = array<i32>} : memref<128x64xf32, #tpu.memory_space<vmem>>, vector<16xf32>,
      %broadcast_in_dim3A_650 = arith.constant 3 : i32
      %broadcast_in_dim3A_651 = vector.broadcast %broadcast_in_dim3A_650 : i32 to vector<16xi32>
      %gather3A_652 = tpu.vector_load_idx %arg12[%broadcast_in_dim3A_651, %get3A_25] : memref<4x2048xf32, #tpu.memory_space<vmem>>[vector<16xi32>, vector<16xi32>], vector<16xf32>,
      %mul3A_653 = arith.constant 4 : i32
      %mul3A_654 = arith.muli %add3A_531, %mul3A_653 : i32
      %add3A_655 = arith.constant 3 : i32
      %add3A_656 = arith.addi %mul3A_654, %add3A_655 : i32
      %swap3A_657 = arith.index_cast %add3A_656 : i32 to index
      %swap3A_658 = arith.constant 0 : index
      %swap3A_659 = tpu.vector_load %arg13[%swap3A_657, %swap3A_658] {strides = array<i32>} : memref<128x64xf32, #tpu.memory_space<vmem>>, vector<16xf32>,
      tpu.vector_store %arg13[%swap3A_657, %swap3A_658], %gather3A_652 {strides = array<i32>} : memref<128x64xf32, #tpu.memory_space<vmem>>, vector<16xf32>,
      %gather3A_660 = tpu.vector_load_idx %arg12[%broadcast_in_dim3A_651, %get3A_27] : memref<4x2048xf32, #tpu.memory_space<vmem>>[vector<16xi32>, vector<16xi32>], vector<16xf32>,
      %mul3A_661 = arith.constant 4 : i32
      %mul3A_662 = arith.muli %add3A_531, %mul3A_661 : i32
      %add3A_663 = arith.constant 3 : i32
      %add3A_664 = arith.addi %mul3A_662, %add3A_663 : i32
      %swap3A_665 = arith.index_cast %add3A_664 : i32 to index
      %swap3A_666 = arith.constant 16 : index
      %swap3A_667 = tpu.vector_load %arg13[%swap3A_665, %swap3A_666] {strides = array<i32>} : memref<128x64xf32, #tpu.memory_space<vmem>>, vector<16xf32>,
      tpu.vector_store %arg13[%swap3A_665, %swap3A_666], %gather3A_660 {strides = array<i32>} : memref<128x64xf32, #tpu.memory_space<vmem>>, vector<16xf32>,
      %gather3A_668 = tpu.vector_load_idx %arg12[%broadcast_in_dim3A_651, %get3A_29] : memref<4x2048xf32, #tpu.memory_space<vmem>>[vector<16xi32>, vector<16xi32>], vector<16xf32>,
      %mul3A_669 = arith.constant 4 : i32
      %mul3A_670 = arith.muli %add3A_531, %mul3A_669 : i32
      %add3A_671 = arith.constant 3 : i32
      %add3A_672 = arith.addi %mul3A_670, %add3A_671 : i32
      %swap3A_673 = arith.index_cast %add3A_672 : i32 to index
      %swap3A_674 = arith.constant 32 : index
      %swap3A_675 = tpu.vector_load %arg13[%swap3A_673, %swap3A_674] {strides = array<i32>} : memref<128x64xf32, #tpu.memory_space<vmem>>, vector<16xf32>,
      tpu.vector_store %arg13[%swap3A_673, %swap3A_674], %gather3A_668 {strides = array<i32>} : memref<128x64xf32, #tpu.memory_space<vmem>>, vector<16xf32>,
      %gather3A_676 = tpu.vector_load_idx %arg12[%broadcast_in_dim3A_651, %get3A_31] : memref<4x2048xf32, #tpu.memory_space<vmem>>[vector<16xi32>, vector<16xi32>], vector<16xf32>,
      %mul3A_677 = arith.constant 4 : i32
      %mul3A_678 = arith.muli %add3A_531, %mul3A_677 : i32
      %add3A_679 = arith.constant 3 : i32
      %add3A_680 = arith.addi %mul3A_678, %add3A_679 : i32
      %swap3A_681 = arith.index_cast %add3A_680 : i32 to index
      %swap3A_682 = arith.constant 48 : index
      %swap3A_683 = tpu.vector_load %arg13[%swap3A_681, %swap3A_682] {strides = array<i32>} : memref<128x64xf32, #tpu.memory_space<vmem>>, vector<16xf32>,
      tpu.vector_store %arg13[%swap3A_681, %swap3A_682], %gather3A_676 {strides = array<i32>} : memref<128x64xf32, #tpu.memory_space<vmem>>, vector<16xf32>,
    }
    %scan3A_55 = arith.constant 8 : i32
    %mul3A_56 = arith.constant 128 : i32
    %mul3A_57 = arith.muli %add3A, %mul3A_56 : i32
    "tpu.region"() ({
      %run_scoped3A = tpu.sem_alloc : memref<!tpu.dma_semaphore, #tpu.memory_space<semaphore_mem>>
      %dma_start3A_63 = arith.constant 0 : i32
      %dma_start3A_64 = tpu.memref_slice %arg4[%mul3A_57, %dma_start3A_63] : memref<4096x64xf32, #tpu.memory_space<hbm>> -> memref<128x64xf32, #tpu.memory_space<hbm>>
      %dma_start3A_65 = arith.constant 0 : i32
      %dma_start3A_66 = tpu.memref_slice %arg4[%mul3A_57, %dma_start3A_65] : memref<4096x64xf32, #tpu.memory_space<hbm>> -> memref<128x64xf32, #tpu.memory_space<hbm>>
      tpu.enqueue_dma source(%arg13 : memref<128x64xf32, #tpu.memory_space<vmem>>) target(%dma_start3A_66 : memref<128x64xf32, #tpu.memory_space<hbm>>) target_semaphore(%run_scoped3A : memref<!tpu.dma_semaphore, #tpu.memory_space<semaphore_mem>>)
      %dma_wait3A = arith.constant 0 : i32
      %dma_wait3A_67 = tpu.memref_slice %arg4[%mul3A_57, %dma_wait3A] : memref<4096x64xf32, #tpu.memory_space<hbm>> -> memref<128x64xf32, #tpu.memory_space<hbm>>
      %dma_wait3A_68 = arith.constant 0 : i32
      %dma_wait3A_69 = tpu.memref_slice %arg4[%mul3A_57, %dma_wait3A_68] : memref<4096x64xf32, #tpu.memory_space<hbm>> -> memref<128x64xf32, #tpu.memory_space<hbm>>
      tpu.wait_dma2 semaphore(%run_scoped3A : memref<!tpu.dma_semaphore, #tpu.memory_space<semaphore_mem>>) src(%arg13 : memref<128x64xf32, #tpu.memory_space<vmem>>) dst(%dma_wait3A_69 : memref<128x64xf32, #tpu.memory_space<hbm>>)
      tpu.yield
    }) : () -> ()
    %lt3A_58 = arith.constant 8 : i32
    %lt3A_59 = arith.cmpi slt, %add3A, %lt3A_58 : i32
    %convert_element_type3A_60 = arith.extui %lt3A_59 : i1 to i32
    %cond3A_61 = arith.constant 0 : i32
    %cond3A_62 = arith.cmpi ne, %convert_element_type3A_60, %cond3A_61 : i32
    scf.if %cond3A_62 {
      %dma_wait3A = arith.constant 0 : i32
      %dma_wait3A_63 = arith.constant 0 : i32
      %dma_wait3A_64 = tpu.memref_slice %arg2[%dma_wait3A, %dma_wait3A_63] : memref<16384x2048xf32, #tpu.memory_space<hbm>> -> memref<16384x2048xf32, #tpu.memory_space<hbm>>
      tpu.wait_indirect_dma semaphore(%arg19 : memref<!tpu.dma_semaphore, #tpu.memory_space<semaphore_mem>>) src(%dma_wait3A_64 : memref<16384x2048xf32, #tpu.memory_space<hbm>>) dst(%arg14 : memref<16x2048xf32, #tpu.memory_space<vmem>>)
      %mul3A_65 = arith.constant 16 : i32
      %mul3A_66 = arith.muli %add3A, %mul3A_65 : i32
      "tpu.region"() ({
        %run_scoped3A = tpu.sem_alloc : memref<!tpu.dma_semaphore, #tpu.memory_space<semaphore_mem>>
        %dma_start3A_67 = arith.constant 0 : i32
        %dma_start3A_68 = tpu.memref_slice %arg5[%mul3A_66, %dma_start3A_67] : memref<128x2048xf32, #tpu.memory_space<hbm>> -> memref<16x2048xf32, #tpu.memory_space<hbm>>
        %dma_start3A_69 = arith.constant 0 : i32
        %dma_start3A_70 = tpu.memref_slice %arg5[%mul3A_66, %dma_start3A_69] : memref<128x2048xf32, #tpu.memory_space<hbm>> -> memref<16x2048xf32, #tpu.memory_space<hbm>>
        tpu.enqueue_dma source(%arg14 : memref<16x2048xf32, #tpu.memory_space<vmem>>) target(%dma_start3A_70 : memref<16x2048xf32, #tpu.memory_space<hbm>>) target_semaphore(%run_scoped3A : memref<!tpu.dma_semaphore, #tpu.memory_space<semaphore_mem>>)
        %dma_wait3A_71 = arith.constant 0 : i32
        %dma_wait3A_72 = tpu.memref_slice %arg5[%mul3A_66, %dma_wait3A_71] : memref<128x2048xf32, #tpu.memory_space<hbm>> -> memref<16x2048xf32, #tpu.memory_space<hbm>>
        %dma_wait3A_73 = arith.constant 0 : i32
        %dma_wait3A_74 = tpu.memref_slice %arg5[%mul3A_66, %dma_wait3A_73] : memref<128x2048xf32, #tpu.memory_space<hbm>> -> memref<16x2048xf32, #tpu.memory_space<hbm>>
        tpu.wait_dma2 semaphore(%run_scoped3A : memref<!tpu.dma_semaphore, #tpu.memory_space<semaphore_mem>>) src(%arg14 : memref<16x2048xf32, #tpu.memory_space<vmem>>) dst(%dma_wait3A_74 : memref<16x2048xf32, #tpu.memory_space<hbm>>)
        tpu.yield
      }) : () -> ()
    } else {
    }
    return
  }
}

#map = affine_map<(d0, d1) -> (0, 0)>
#map1 = affine_map<(d0, d1) -> (0)>
module attributes {stable_mosaic.version = 14 : i64} {
  func.func @body(%arg0: i32, %arg1: i32, %arg2: memref<16384x2048xf32, #tpu.memory_space<hbm>>, %arg3: memref<512xi32, #tpu.memory_space<hbm>>, %arg4: memref<4096x64xf32, #tpu.memory_space<hbm>>, %arg5: memref<128x2048xf32, #tpu.memory_space<hbm>>, %arg6: memref<64xi32, #tpu.memory_space<vmem>>, %arg7: memref<64xi32, #tpu.memory_space<vmem>>, %arg8: memref<16xi32, #tpu.memory_space<vmem>>, %arg9: memref<4x2048xf32, #tpu.memory_space<vmem>>, %arg10: memref<4x2048xf32, #tpu.memory_space<vmem>>, %arg11: memref<4x2048xf32, #tpu.memory_space<vmem>>, %arg12: memref<4x2048xf32, #tpu.memory_space<vmem>>, %arg13: memref<128x64xf32, #tpu.memory_space<vmem>>, %arg14: memref<16x2048xf32, #tpu.memory_space<vmem>>, %arg15: memref<!tpu.dma_semaphore, #tpu.memory_space<semaphore_mem>>, %arg16: memref<!tpu.dma_semaphore, #tpu.memory_space<semaphore_mem>>, %arg17: memref<!tpu.dma_semaphore, #tpu.memory_space<semaphore_mem>>, %arg18: memref<!tpu.dma_semaphore, #tpu.memory_space<semaphore_mem>>, %arg19: memref<!tpu.dma_semaphore, #tpu.memory_space<semaphore_mem>>) attributes {dimension_semantics = [#tpu.dimension_semantics<core_parallel>, #tpu.dimension_semantics<subcore_parallel>], iteration_bounds = array<i64: 2, 16>, scalar_prefetch = 0 : i64, scratch_operands = 14 : i64, tpu.core_type = #tpu.core_type<sc_vector_subcore>, window_params = [{transform_indices = #map}, {transform_indices = #map1}, {transform_indices = #map}, {transform_indices = #map}]} {
    %mul3A = arith.constant 2 : i32
    %mul3A_0 = arith.muli %arg1, %mul3A : i32
    %add3A = arith.addi %mul3A_0, %arg0 : i32
    %jit3A = arith.constant 16 : i32
    %div3A = arith.divsi %add3A, %jit3A : i32
    %sign3A = arith.constant 0 : i32
    %sign3A_1 = arith.cmpi sgt, %add3A, %sign3A : i32
    %sign3A_2 = arith.extui %sign3A_1 : i1 to i32
    %sign3A_3 = arith.constant 0 : i32
    %sign3A_4 = arith.cmpi slt, %add3A, %sign3A_3 : i32
    %sign3A_5 = arith.extui %sign3A_4 : i1 to i32
    %sign3A_6 = arith.subi %sign3A_2, %sign3A_5 : i32
    %sign3A_7 = arith.constant 0 : i32
    %sign3A_8 = arith.cmpi sgt, %jit3A, %sign3A_7 : i32
    %sign3A_9 = arith.extui %sign3A_8 : i1 to i32
    %sign3A_10 = arith.constant 0 : i32
    %sign3A_11 = arith.cmpi slt, %jit3A, %sign3A_10 : i32
    %sign3A_12 = arith.extui %sign3A_11 : i1 to i32
    %sign3A_13 = arith.subi %sign3A_9, %sign3A_12 : i32
    %ne3A = arith.cmpi ne, %sign3A_6, %sign3A_13 : i32
    %rem3A = arith.remsi %add3A, %jit3A : i32
    %ne3A_14 = arith.constant 0 : i32
    %ne3A_15 = arith.cmpi ne, %rem3A, %ne3A_14 : i32
    %and3A = arith.andi %ne3A, %ne3A_15 : i1
    %sub3A = arith.constant 1 : i32
    %sub3A_16 = arith.subi %div3A, %sub3A : i32
    %select_n3A = arith.select %and3A, %sub3A_16, %div3A : i32
    %mul3A_17 = arith.constant 128 : i32
    %mul3A_18 = arith.muli %add3A, %mul3A_17 : i32
    %add3A_19 = arith.constant 0 : i32
    %add3A_20 = arith.addi %add3A_19, %mul3A_18 : i32
    %add3A_21 = arith.constant 0 : i32
    %add3A_22 = arith.addi %add3A_21, %select_n3A : i32
    %mul3A_23 = arith.constant 64 : i32
    %mul3A_24 = arith.muli %add3A_22, %mul3A_23 : i32
    "tpu.region"() ({
      %run_scoped3A = tpu.sem_alloc : memref<!tpu.dma_semaphore, #tpu.memory_space<semaphore_mem>>
      %dma_start3A_63 = tpu.memref_slice %arg3[%mul3A_24] : memref<512xi32, #tpu.memory_space<hbm>> -> memref<64xi32, #tpu.memory_space<hbm>>
      %dma_start3A_64 = tpu.memref_slice %arg3[%mul3A_24] : memref<512xi32, #tpu.memory_space<hbm>> -> memref<64xi32, #tpu.memory_space<hbm>>
      tpu.enqueue_dma source(%dma_start3A_64 : memref<64xi32, #tpu.memory_space<hbm>>) target(%arg6 : memref<64xi32, #tpu.memory_space<vmem>>) target_semaphore(%run_scoped3A : memref<!tpu.dma_semaphore, #tpu.memory_space<semaphore_mem>>)
      %dma_wait3A = tpu.memref_slice %arg3[%mul3A_24] : memref<512xi32, #tpu.memory_space<hbm>> -> memref<64xi32, #tpu.memory_space<hbm>>
      %dma_wait3A_65 = tpu.memref_slice %arg3[%mul3A_24] : memref<512xi32, #tpu.memory_space<hbm>> -> memref<64xi32, #tpu.memory_space<hbm>>
      tpu.wait_dma2 semaphore(%run_scoped3A : memref<!tpu.dma_semaphore, #tpu.memory_space<semaphore_mem>>) src(%dma_wait3A_65 : memref<64xi32, #tpu.memory_space<hbm>>) dst(%arg6 : memref<64xi32, #tpu.memory_space<vmem>>)
      tpu.yield
    }) : () -> ()
    %get3A = arith.constant 0 : index
    %get3A_25 = tpu.vector_load %arg6[%get3A] {strides = array<i32>} : memref<64xi32, #tpu.memory_space<vmem>>, vector<16xi32>,
    %get3A_26 = arith.constant 16 : index
    %get3A_27 = tpu.vector_load %arg6[%get3A_26] {strides = array<i32>} : memref<64xi32, #tpu.memory_space<vmem>>, vector<16xi32>,
    %get3A_28 = arith.constant 32 : index
    %get3A_29 = tpu.vector_load %arg6[%get3A_28] {strides = array<i32>} : memref<64xi32, #tpu.memory_space<vmem>>, vector<16xi32>,
    %get3A_30 = arith.constant 48 : index
    %get3A_31 = tpu.vector_load %arg6[%get3A_30] {strides = array<i32>} : memref<64xi32, #tpu.memory_space<vmem>>, vector<16xi32>,
    %lt3A = arith.constant 8 : i32
    %lt3A_32 = arith.cmpi slt, %add3A, %lt3A : i32
    %convert_element_type3A = arith.extui %lt3A_32 : i1 to i32
    %cond3A = arith.constant 0 : i32
    %cond3A_33 = arith.cmpi ne, %convert_element_type3A, %cond3A : i32
    scf.if %cond3A_33 {
      %jit3A_63 = arith.constant 4 : i32
      %div3A_64 = arith.divsi %add3A, %jit3A_63 : i32
      %sign3A_65 = arith.constant 0 : i32
      %sign3A_66 = arith.cmpi sgt, %add3A, %sign3A_65 : i32
      %sign3A_67 = arith.extui %sign3A_66 : i1 to i32
      %sign3A_68 = arith.constant 0 : i32
      %sign3A_69 = arith.cmpi slt, %add3A, %sign3A_68 : i32
      %sign3A_70 = arith.extui %sign3A_69 : i1 to i32
      %sign3A_71 = arith.subi %sign3A_67, %sign3A_70 : i32
      %sign3A_72 = arith.constant 0 : i32
      %sign3A_73 = arith.cmpi sgt, %jit3A_63, %sign3A_72 : i32
      %sign3A_74 = arith.extui %sign3A_73 : i1 to i32
      %sign3A_75 = arith.constant 0 : i32
      %sign3A_76 = arith.cmpi slt, %jit3A_63, %sign3A_75 : i32
      %sign3A_77 = arith.extui %sign3A_76 : i1 to i32
      %sign3A_78 = arith.subi %sign3A_74, %sign3A_77 : i32
      %ne3A_79 = arith.cmpi ne, %sign3A_71, %sign3A_78 : i32
      %rem3A_80 = arith.remsi %add3A, %jit3A_63 : i32
      %ne3A_81 = arith.constant 0 : i32
      %ne3A_82 = arith.cmpi ne, %rem3A_80, %ne3A_81 : i32
      %and3A_83 = arith.andi %ne3A_79, %ne3A_82 : i1
      %sub3A_84 = arith.constant 1 : i32
      %sub3A_85 = arith.subi %div3A_64, %sub3A_84 : i32
      %select_n3A_86 = arith.select %and3A_83, %sub3A_85, %div3A_64 : i32
      %add3A_87 = arith.constant 0 : i32
      %add3A_88 = arith.addi %add3A_87, %select_n3A_86 : i32
      %mul3A_89 = arith.constant 64 : i32
      %mul3A_90 = arith.muli %add3A_88, %mul3A_89 : i32
      "tpu.region"() ({
        %run_scoped3A = tpu.sem_alloc : memref<!tpu.dma_semaphore, #tpu.memory_space<semaphore_mem>>
        %dma_start3A_120 = tpu.memref_slice %arg3[%mul3A_90] : memref<512xi32, #tpu.memory_space<hbm>> -> memref<64xi32, #tpu.memory_space<hbm>>
        %dma_start3A_121 = tpu.memref_slice %arg3[%mul3A_90] : memref<512xi32, #tpu.memory_space<hbm>> -> memref<64xi32, #tpu.memory_space<hbm>>
        tpu.enqueue_dma source(%dma_start3A_121 : memref<64xi32, #tpu.memory_space<hbm>>) target(%arg7 : memref<64xi32, #tpu.memory_space<vmem>>) target_semaphore(%run_scoped3A : memref<!tpu.dma_semaphore, #tpu.memory_space<semaphore_mem>>)
        %dma_wait3A = tpu.memref_slice %arg3[%mul3A_90] : memref<512xi32, #tpu.memory_space<hbm>> -> memref<64xi32, #tpu.memory_space<hbm>>
        %dma_wait3A_122 = tpu.memref_slice %arg3[%mul3A_90] : memref<512xi32, #tpu.memory_space<hbm>> -> memref<64xi32, #tpu.memory_space<hbm>>
        tpu.wait_dma2 semaphore(%run_scoped3A : memref<!tpu.dma_semaphore, #tpu.memory_space<semaphore_mem>>) src(%dma_wait3A_122 : memref<64xi32, #tpu.memory_space<hbm>>) dst(%arg7 : memref<64xi32, #tpu.memory_space<vmem>>)
        tpu.yield
      }) : () -> ()
      %jit3A_91 = arith.constant 4 : i32
      %eq3A = arith.constant 0 : i32
      %eq3A_92 = arith.cmpi eq, %jit3A_91, %eq3A : i32
      %jit3A_93 = arith.constant 1 : i32
      %select_n3A_94 = arith.select %eq3A_92, %jit3A_93, %jit3A_91 : i32
      %rem3A_95 = arith.remsi %add3A, %select_n3A_94 : i32
      %ne3A_96 = arith.constant 0 : i32
      %ne3A_97 = arith.cmpi ne, %rem3A_95, %ne3A_96 : i32
      %lt3A_98 = arith.constant 0 : i32
      %lt3A_99 = arith.cmpi slt, %rem3A_95, %lt3A_98 : i32
      %lt3A_100 = arith.constant 0 : i32
      %lt3A_101 = arith.cmpi slt, %select_n3A_94, %lt3A_100 : i32
      %ne3A_102 = arith.xori %lt3A_99, %lt3A_101 : i1
      %and3A_103 = arith.andi %ne3A_102, %ne3A_97 : i1
      %add3A_104 = arith.addi %rem3A_95, %select_n3A_94 : i32
      %select_n3A_105 = arith.select %and3A_103, %add3A_104, %rem3A_95 : i32
      %mul3A_106 = arith.constant 16 : i32
      %mul3A_107 = arith.muli %select_n3A_105, %mul3A_106 : i32
      %get3A_108 = arith.index_cast %mul3A_107 : i32 to index
      %get3A_109 = tpu.vector_load %arg7[%get3A_108] {strides = array<i32>} : memref<64xi32, #tpu.memory_space<vmem>>, vector<16xi32>,
      %add3A_110 = arith.constant 0 : i32
      %add3A_111 = arith.addi %add3A_110, %select_n3A_86 : i32
      %mul3A_112 = arith.constant 2048 : i32
      %mul3A_113 = arith.muli %add3A_111, %mul3A_112 : i32
      %add3A_114 = vector.broadcast %mul3A_113 : i32 to vector<16xi32>
      %add3A_115 = arith.addi %get3A_109, %add3A_114 : vector<16xi32>
      %swap3A = arith.constant 0 : index
      %swap3A_116 = tpu.vector_load %arg8[%swap3A] {strides = array<i32>} : memref<16xi32, #tpu.memory_space<vmem>>, vector<16xi32>,
      tpu.vector_store %arg8[%swap3A], %add3A_115 {strides = array<i32>} : memref<16xi32, #tpu.memory_space<vmem>>, vector<16xi32>,
      %dma_start3A_117 = arith.constant 0 : i32
      %dma_start3A_118 = arith.constant 0 : i32
      %dma_start3A_119 = tpu.memref_slice %arg2[%dma_start3A_117, %dma_start3A_118] : memref<16384x2048xf32, #tpu.memory_space<hbm>> -> memref<16384x2048xf32, #tpu.memory_space<hbm>>
      tpu.enqueue_indirect_dma source(%dma_start3A_119 : memref<16384x2048xf32, #tpu.memory_space<hbm>>) target(%arg14 : memref<16x2048xf32, #tpu.memory_space<vmem>>) offsets(%arg8 : memref<16xi32, #tpu.memory_space<vmem>>) semaphore(%arg19 : memref<!tpu.dma_semaphore, #tpu.memory_space<semaphore_mem>>)
    } else {
    }
    %add3A_34 = arith.constant 0 : i32
    %add3A_35 = arith.addi %add3A_20, %add3A_34 : i32
    %dma_start3A = arith.constant 0 : i32
    %dma_start3A_36 = tpu.memref_slice %arg2[%add3A_35, %dma_start3A] : memref<16384x2048xf32, #tpu.memory_space<hbm>> -> memref<4x2048xf32, #tpu.memory_space<hbm>>
    %dma_start3A_37 = arith.constant 0 : i32
    %dma_start3A_38 = tpu.memref_slice %arg2[%add3A_35, %dma_start3A_37] : memref<16384x2048xf32, #tpu.memory_space<hbm>> -> memref<4x2048xf32, #tpu.memory_space<hbm>>
    tpu.enqueue_dma source(%dma_start3A_38 : memref<4x2048xf32, #tpu.memory_space<hbm>>) target(%arg9 : memref<4x2048xf32, #tpu.memory_space<vmem>>) target_semaphore(%arg15 : memref<!tpu.dma_semaphore, #tpu.memory_space<semaphore_mem>>)
    %add3A_39 = arith.constant 4 : i32
    %add3A_40 = arith.addi %add3A_20, %add3A_39 : i32
    %dma_start3A_41 = arith.constant 0 : i32
    %dma_start3A_42 = tpu.memref_slice %arg2[%add3A_40, %dma_start3A_41] : memref<16384x2048xf32, #tpu.memory_space<hbm>> -> memref<4x2048xf32, #tpu.memory_space<hbm>>
    %dma_start3A_43 = arith.constant 0 : i32
    %dma_start3A_44 = tpu.memref_slice %arg2[%add3A_40, %dma_start3A_43] : memref<16384x2048xf32, #tpu.memory_space<hbm>> -> memref<4x2048xf32, #tpu.memory_space<hbm>>
    tpu.enqueue_dma source(%dma_start3A_44 : memref<4x2048xf32, #tpu.memory_space<hbm>>) target(%arg10 : memref<4x2048xf32, #tpu.memory_space<vmem>>) target_semaphore(%arg16 : memref<!tpu.dma_semaphore, #tpu.memory_space<semaphore_mem>>)
    %add3A_45 = arith.constant 8 : i32
    %add3A_46 = arith.addi %add3A_20, %add3A_45 : i32
    %dma_start3A_47 = arith.constant 0 : i32
    %dma_start3A_48 = tpu.memref_slice %arg2[%add3A_46, %dma_start3A_47] : memref<16384x2048xf32, #tpu.memory_space<hbm>> -> memref<4x2048xf32, #tpu.memory_space<hbm>>
    %dma_start3A_49 = arith.constant 0 : i32
    %dma_start3A_50 = tpu.memref_slice %arg2[%add3A_46, %dma_start3A_49] : memref<16384x2048xf32, #tpu.memory_space<hbm>> -> memref<4x2048xf32, #tpu.memory_space<hbm>>
    tpu.enqueue_dma source(%dma_start3A_50 : memref<4x2048xf32, #tpu.memory_space<hbm>>) target(%arg11 : memref<4x2048xf32, #tpu.memory_space<vmem>>) target_semaphore(%arg17 : memref<!tpu.dma_semaphore, #tpu.memory_space<semaphore_mem>>)
    %scan3A = arith.constant 0 : i32
    %scan3A_51 = arith.constant 0 : i32
    %scan3A_52 = arith.constant 8 : i32
    %scan3A_53 = arith.addi %scan3A_51, %scan3A_52 : i32
    %scan3A_54 = arith.constant 1 : i32
    scf.for %scan3A_63 = %scan3A_51 to %scan3A_53 step %scan3A_54  : i32 {
      %mul3A_64 = arith.constant 4 : i32
      %mul3A_65 = arith.muli %scan3A_63, %mul3A_64 : i32
      %add3A_66 = arith.constant 0 : i32
      %add3A_67 = arith.addi %mul3A_65, %add3A_66 : i32
      %add3A_68 = arith.constant 4 : i32
      %add3A_69 = arith.addi %add3A_67, %add3A_68 : i32
      %sub3A_70 = arith.constant 1 : i32
      %sub3A_71 = arith.subi %add3A_69, %sub3A_70 : i32
      %lt3A_72 = arith.constant 32 : i32
      %lt3A_73 = arith.cmpi slt, %sub3A_71, %lt3A_72 : i32
      %convert_element_type3A_74 = arith.extui %lt3A_73 : i1 to i32
      %cond3A_75 = arith.constant 0 : i32
      %cond3A_76 = arith.cmpi ne, %convert_element_type3A_74, %cond3A_75 : i32
      scf.if %cond3A_76 {
        %add3A_684 = arith.constant 4 : i32
        %add3A_685 = arith.addi %add3A_67, %add3A_684 : i32
        %sub3A_686 = arith.constant 1 : i32
        %sub3A_687 = arith.subi %add3A_685, %sub3A_686 : i32
        %mul3A_688 = arith.constant 4 : i32
        %mul3A_689 = arith.muli %sub3A_687, %mul3A_688 : i32
        %add3A_690 = arith.addi %add3A_20, %mul3A_689 : i32
        %dma_start3A_691 = arith.constant 0 : i32
        %dma_start3A_692 = tpu.memref_slice %arg2[%add3A_690, %dma_start3A_691] : memref<16384x2048xf32, #tpu.memory_space<hbm>> -> memref<4x2048xf32, #tpu.memory_space<hbm>>
        %dma_start3A_693 = arith.constant 0 : i32
        %dma_start3A_694 = tpu.memref_slice %arg2[%add3A_690, %dma_start3A_693] : memref<16384x2048xf32, #tpu.memory_space<hbm>> -> memref<4x2048xf32, #tpu.memory_space<hbm>>
        tpu.enqueue_dma source(%dma_start3A_694 : memref<4x2048xf32, #tpu.memory_space<hbm>>) target(%arg12 : memref<4x2048xf32, #tpu.memory_space<vmem>>) target_semaphore(%arg18 : memref<!tpu.dma_semaphore, #tpu.memory_space<semaphore_mem>>)
      } else {
      }
      %mul3A_77 = arith.constant 4 : i32
      %mul3A_78 = arith.muli %add3A_67, %mul3A_77 : i32
      %add3A_79 = arith.addi %add3A_20, %mul3A_78 : i32
      %dma_wait3A = arith.constant 0 : i32
      %dma_wait3A_80 = tpu.memref_slice %arg2[%add3A_79, %dma_wait3A] : memref<16384x2048xf32, #tpu.memory_space<hbm>> -> memref<4x2048xf32, #tpu.memory_space<hbm>>
      %dma_wait3A_81 = arith.constant 0 : i32
      %dma_wait3A_82 = tpu.memref_slice %arg2[%add3A_79, %dma_wait3A_81] : memref<16384x2048xf32, #tpu.memory_space<hbm>> -> memref<4x2048xf32, #tpu.memory_space<hbm>>
      tpu.wait_dma2 semaphore(%arg15 : memref<!tpu.dma_semaphore, #tpu.memory_space<semaphore_mem>>) src(%dma_wait3A_82 : memref<4x2048xf32, #tpu.memory_space<hbm>>) dst(%arg9 : memref<4x2048xf32, #tpu.memory_space<vmem>>)
      %broadcast_in_dim3A = arith.constant 0 : i32
      %broadcast_in_dim3A_83 = vector.broadcast %broadcast_in_dim3A : i32 to vector<16xi32>
      %gather3A = tpu.vector_load_idx %arg9[%broadcast_in_dim3A_83, %get3A_25] : memref<4x2048xf32, #tpu.memory_space<vmem>>[vector<16xi32>, vector<16xi32>], vector<16xf32>,
      %mul3A_84 = arith.constant 4 : i32
      %mul3A_85 = arith.muli %add3A_67, %mul3A_84 : i32
      %add3A_86 = arith.constant 0 : i32
      %add3A_87 = arith.addi %mul3A_85, %add3A_86 : i32
      %swap3A = arith.index_cast %add3A_87 : i32 to index
      %swap3A_88 = arith.constant 0 : index
      %swap3A_89 = tpu.vector_load %arg13[%swap3A, %swap3A_88] {strides = array<i32>} : memref<128x64xf32, #tpu.memory_space<vmem>>, vector<16xf32>,
      tpu.vector_store %arg13[%swap3A, %swap3A_88], %gather3A {strides = array<i32>} : memref<128x64xf32, #tpu.memory_space<vmem>>, vector<16xf32>,
      %gather3A_90 = tpu.vector_load_idx %arg9[%broadcast_in_dim3A_83, %get3A_27] : memref<4x2048xf32, #tpu.memory_space<vmem>>[vector<16xi32>, vector<16xi32>], vector<16xf32>,
      %mul3A_91 = arith.constant 4 : i32
      %mul3A_92 = arith.muli %add3A_67, %mul3A_91 : i32
      %add3A_93 = arith.constant 0 : i32
      %add3A_94 = arith.addi %mul3A_92, %add3A_93 : i32
      %swap3A_95 = arith.index_cast %add3A_94 : i32 to index
      %swap3A_96 = arith.constant 16 : index
      %swap3A_97 = tpu.vector_load %arg13[%swap3A_95, %swap3A_96] {strides = array<i32>} : memref<128x64xf32, #tpu.memory_space<vmem>>, vector<16xf32>,
      tpu.vector_store %arg13[%swap3A_95, %swap3A_96], %gather3A_90 {strides = array<i32>} : memref<128x64xf32, #tpu.memory_space<vmem>>, vector<16xf32>,
      %gather3A_98 = tpu.vector_load_idx %arg9[%broadcast_in_dim3A_83, %get3A_29] : memref<4x2048xf32, #tpu.memory_space<vmem>>[vector<16xi32>, vector<16xi32>], vector<16xf32>,
      %mul3A_99 = arith.constant 4 : i32
      %mul3A_100 = arith.muli %add3A_67, %mul3A_99 : i32
      %add3A_101 = arith.constant 0 : i32
      %add3A_102 = arith.addi %mul3A_100, %add3A_101 : i32
      %swap3A_103 = arith.index_cast %add3A_102 : i32 to index
      %swap3A_104 = arith.constant 32 : index
      %swap3A_105 = tpu.vector_load %arg13[%swap3A_103, %swap3A_104] {strides = array<i32>} : memref<128x64xf32, #tpu.memory_space<vmem>>, vector<16xf32>,
      tpu.vector_store %arg13[%swap3A_103, %swap3A_104], %gather3A_98 {strides = array<i32>} : memref<128x64xf32, #tpu.memory_space<vmem>>, vector<16xf32>,
      %gather3A_106 = tpu.vector_load_idx %arg9[%broadcast_in_dim3A_83, %get3A_31] : memref<4x2048xf32, #tpu.memory_space<vmem>>[vector<16xi32>, vector<16xi32>], vector<16xf32>,
      %mul3A_107 = arith.constant 4 : i32
      %mul3A_108 = arith.muli %add3A_67, %mul3A_107 : i32
      %add3A_109 = arith.constant 0 : i32
      %add3A_110 = arith.addi %mul3A_108, %add3A_109 : i32
      %swap3A_111 = arith.index_cast %add3A_110 : i32 to index
      %swap3A_112 = arith.constant 48 : index
      %swap3A_113 = tpu.vector_load %arg13[%swap3A_111, %swap3A_112] {strides = array<i32>} : memref<128x64xf32, #tpu.memory_space<vmem>>, vector<16xf32>,
      tpu.vector_store %arg13[%swap3A_111, %swap3A_112], %gather3A_106 {strides = array<i32>} : memref<128x64xf32, #tpu.memory_space<vmem>>, vector<16xf32>,
      %broadcast_in_dim3A_114 = arith.constant 1 : i32
      %broadcast_in_dim3A_115 = vector.broadcast %broadcast_in_dim3A_114 : i32 to vector<16xi32>
      %gather3A_116 = tpu.vector_load_idx %arg9[%broadcast_in_dim3A_115, %get3A_25] : memref<4x2048xf32, #tpu.memory_space<vmem>>[vector<16xi32>, vector<16xi32>], vector<16xf32>,
      %mul3A_117 = arith.constant 4 : i32
      %mul3A_118 = arith.muli %add3A_67, %mul3A_117 : i32
      %add3A_119 = arith.constant 1 : i32
      %add3A_120 = arith.addi %mul3A_118, %add3A_119 : i32
      %swap3A_121 = arith.index_cast %add3A_120 : i32 to index
      %swap3A_122 = arith.constant 0 : index
      %swap3A_123 = tpu.vector_load %arg13[%swap3A_121, %swap3A_122] {strides = array<i32>} : memref<128x64xf32, #tpu.memory_space<vmem>>, vector<16xf32>,
      tpu.vector_store %arg13[%swap3A_121, %swap3A_122], %gather3A_116 {strides = array<i32>} : memref<128x64xf32, #tpu.memory_space<vmem>>, vector<16xf32>,
      %gather3A_124 = tpu.vector_load_idx %arg9[%broadcast_in_dim3A_115, %get3A_27] : memref<4x2048xf32, #tpu.memory_space<vmem>>[vector<16xi32>, vector<16xi32>], vector<16xf32>,
      %mul3A_125 = arith.constant 4 : i32
      %mul3A_126 = arith.muli %add3A_67, %mul3A_125 : i32
      %add3A_127 = arith.constant 1 : i32
      %add3A_128 = arith.addi %mul3A_126, %add3A_127 : i32
      %swap3A_129 = arith.index_cast %add3A_128 : i32 to index
      %swap3A_130 = arith.constant 16 : index
      %swap3A_131 = tpu.vector_load %arg13[%swap3A_129, %swap3A_130] {strides = array<i32>} : memref<128x64xf32, #tpu.memory_space<vmem>>, vector<16xf32>,
      tpu.vector_store %arg13[%swap3A_129, %swap3A_130], %gather3A_124 {strides = array<i32>} : memref<128x64xf32, #tpu.memory_space<vmem>>, vector<16xf32>,
      %gather3A_132 = tpu.vector_load_idx %arg9[%broadcast_in_dim3A_115, %get3A_29] : memref<4x2048xf32, #tpu.memory_space<vmem>>[vector<16xi32>, vector<16xi32>], vector<16xf32>,
      %mul3A_133 = arith.constant 4 : i32
      %mul3A_134 = arith.muli %add3A_67, %mul3A_133 : i32
      %add3A_135 = arith.constant 1 : i32
      %add3A_136 = arith.addi %mul3A_134, %add3A_135 : i32
      %swap3A_137 = arith.index_cast %add3A_136 : i32 to index
      %swap3A_138 = arith.constant 32 : index
      %swap3A_139 = tpu.vector_load %arg13[%swap3A_137, %swap3A_138] {strides = array<i32>} : memref<128x64xf32, #tpu.memory_space<vmem>>, vector<16xf32>,
      tpu.vector_store %arg13[%swap3A_137, %swap3A_138], %gather3A_132 {strides = array<i32>} : memref<128x64xf32, #tpu.memory_space<vmem>>, vector<16xf32>,
      %gather3A_140 = tpu.vector_load_idx %arg9[%broadcast_in_dim3A_115, %get3A_31] : memref<4x2048xf32, #tpu.memory_space<vmem>>[vector<16xi32>, vector<16xi32>], vector<16xf32>,
      %mul3A_141 = arith.constant 4 : i32
      %mul3A_142 = arith.muli %add3A_67, %mul3A_141 : i32
      %add3A_143 = arith.constant 1 : i32
      %add3A_144 = arith.addi %mul3A_142, %add3A_143 : i32
      %swap3A_145 = arith.index_cast %add3A_144 : i32 to index
      %swap3A_146 = arith.constant 48 : index
      %swap3A_147 = tpu.vector_load %arg13[%swap3A_145, %swap3A_146] {strides = array<i32>} : memref<128x64xf32, #tpu.memory_space<vmem>>, vector<16xf32>,
      tpu.vector_store %arg13[%swap3A_145, %swap3A_146], %gather3A_140 {strides = array<i32>} : memref<128x64xf32, #tpu.memory_space<vmem>>, vector<16xf32>,
      %broadcast_in_dim3A_148 = arith.constant 2 : i32
      %broadcast_in_dim3A_149 = vector.broadcast %broadcast_in_dim3A_148 : i32 to vector<16xi32>
      %gather3A_150 = tpu.vector_load_idx %arg9[%broadcast_in_dim3A_149, %get3A_25] : memref<4x2048xf32, #tpu.memory_space<vmem>>[vector<16xi32>, vector<16xi32>], vector<16xf32>,
      %mul3A_151 = arith.constant 4 : i32
      %mul3A_152 = arith.muli %add3A_67, %mul3A_151 : i32
      %add3A_153 = arith.constant 2 : i32
      %add3A_154 = arith.addi %mul3A_152, %add3A_153 : i32
      %swap3A_155 = arith.index_cast %add3A_154 : i32 to index
      %swap3A_156 = arith.constant 0 : index
      %swap3A_157 = tpu.vector_load %arg13[%swap3A_155, %swap3A_156] {strides = array<i32>} : memref<128x64xf32, #tpu.memory_space<vmem>>, vector<16xf32>,
      tpu.vector_store %arg13[%swap3A_155, %swap3A_156], %gather3A_150 {strides = array<i32>} : memref<128x64xf32, #tpu.memory_space<vmem>>, vector<16xf32>,
      %gather3A_158 = tpu.vector_load_idx %arg9[%broadcast_in_dim3A_149, %get3A_27] : memref<4x2048xf32, #tpu.memory_space<vmem>>[vector<16xi32>, vector<16xi32>], vector<16xf32>,
      %mul3A_159 = arith.constant 4 : i32
      %mul3A_160 = arith.muli %add3A_67, %mul3A_159 : i32
      %add3A_161 = arith.constant 2 : i32
      %add3A_162 = arith.addi %mul3A_160, %add3A_161 : i32
      %swap3A_163 = arith.index_cast %add3A_162 : i32 to index
      %swap3A_164 = arith.constant 16 : index
      %swap3A_165 = tpu.vector_load %arg13[%swap3A_163, %swap3A_164] {strides = array<i32>} : memref<128x64xf32, #tpu.memory_space<vmem>>, vector<16xf32>,
      tpu.vector_store %arg13[%swap3A_163, %swap3A_164], %gather3A_158 {strides = array<i32>} : memref<128x64xf32, #tpu.memory_space<vmem>>, vector<16xf32>,
      %gather3A_166 = tpu.vector_load_idx %arg9[%broadcast_in_dim3A_149, %get3A_29] : memref<4x2048xf32, #tpu.memory_space<vmem>>[vector<16xi32>, vector<16xi32>], vector<16xf32>,
      %mul3A_167 = arith.constant 4 : i32
      %mul3A_168 = arith.muli %add3A_67, %mul3A_167 : i32
      %add3A_169 = arith.constant 2 : i32
      %add3A_170 = arith.addi %mul3A_168, %add3A_169 : i32
      %swap3A_171 = arith.index_cast %add3A_170 : i32 to index
      %swap3A_172 = arith.constant 32 : index
      %swap3A_173 = tpu.vector_load %arg13[%swap3A_171, %swap3A_172] {strides = array<i32>} : memref<128x64xf32, #tpu.memory_space<vmem>>, vector<16xf32>,
      tpu.vector_store %arg13[%swap3A_171, %swap3A_172], %gather3A_166 {strides = array<i32>} : memref<128x64xf32, #tpu.memory_space<vmem>>, vector<16xf32>,
      %gather3A_174 = tpu.vector_load_idx %arg9[%broadcast_in_dim3A_149, %get3A_31] : memref<4x2048xf32, #tpu.memory_space<vmem>>[vector<16xi32>, vector<16xi32>], vector<16xf32>,
      %mul3A_175 = arith.constant 4 : i32
      %mul3A_176 = arith.muli %add3A_67, %mul3A_175 : i32
      %add3A_177 = arith.constant 2 : i32
      %add3A_178 = arith.addi %mul3A_176, %add3A_177 : i32
      %swap3A_179 = arith.index_cast %add3A_178 : i32 to index
      %swap3A_180 = arith.constant 48 : index
      %swap3A_181 = tpu.vector_load %arg13[%swap3A_179, %swap3A_180] {strides = array<i32>} : memref<128x64xf32, #tpu.memory_space<vmem>>, vector<16xf32>,
      tpu.vector_store %arg13[%swap3A_179, %swap3A_180], %gather3A_174 {strides = array<i32>} : memref<128x64xf32, #tpu.memory_space<vmem>>, vector<16xf32>,
      %broadcast_in_dim3A_182 = arith.constant 3 : i32
      %broadcast_in_dim3A_183 = vector.broadcast %broadcast_in_dim3A_182 : i32 to vector<16xi32>
      %gather3A_184 = tpu.vector_load_idx %arg9[%broadcast_in_dim3A_183, %get3A_25] : memref<4x2048xf32, #tpu.memory_space<vmem>>[vector<16xi32>, vector<16xi32>], vector<16xf32>,
      %mul3A_185 = arith.constant 4 : i32
      %mul3A_186 = arith.muli %add3A_67, %mul3A_185 : i32
      %add3A_187 = arith.constant 3 : i32
      %add3A_188 = arith.addi %mul3A_186, %add3A_187 : i32
      %swap3A_189 = arith.index_cast %add3A_188 : i32 to index
      %swap3A_190 = arith.constant 0 : index
      %swap3A_191 = tpu.vector_load %arg13[%swap3A_189, %swap3A_190] {strides = array<i32>} : memref<128x64xf32, #tpu.memory_space<vmem>>, vector<16xf32>,
      tpu.vector_store %arg13[%swap3A_189, %swap3A_190], %gather3A_184 {strides = array<i32>} : memref<128x64xf32, #tpu.memory_space<vmem>>, vector<16xf32>,
      %gather3A_192 = tpu.vector_load_idx %arg9[%broadcast_in_dim3A_183, %get3A_27] : memref<4x2048xf32, #tpu.memory_space<vmem>>[vector<16xi32>, vector<16xi32>], vector<16xf32>,
      %mul3A_193 = arith.constant 4 : i32
      %mul3A_194 = arith.muli %add3A_67, %mul3A_193 : i32
      %add3A_195 = arith.constant 3 : i32
      %add3A_196 = arith.addi %mul3A_194, %add3A_195 : i32
      %swap3A_197 = arith.index_cast %add3A_196 : i32 to index
      %swap3A_198 = arith.constant 16 : index
      %swap3A_199 = tpu.vector_load %arg13[%swap3A_197, %swap3A_198] {strides = array<i32>} : memref<128x64xf32, #tpu.memory_space<vmem>>, vector<16xf32>,
      tpu.vector_store %arg13[%swap3A_197, %swap3A_198], %gather3A_192 {strides = array<i32>} : memref<128x64xf32, #tpu.memory_space<vmem>>, vector<16xf32>,
      %gather3A_200 = tpu.vector_load_idx %arg9[%broadcast_in_dim3A_183, %get3A_29] : memref<4x2048xf32, #tpu.memory_space<vmem>>[vector<16xi32>, vector<16xi32>], vector<16xf32>,
      %mul3A_201 = arith.constant 4 : i32
      %mul3A_202 = arith.muli %add3A_67, %mul3A_201 : i32
      %add3A_203 = arith.constant 3 : i32
      %add3A_204 = arith.addi %mul3A_202, %add3A_203 : i32
      %swap3A_205 = arith.index_cast %add3A_204 : i32 to index
      %swap3A_206 = arith.constant 32 : index
      %swap3A_207 = tpu.vector_load %arg13[%swap3A_205, %swap3A_206] {strides = array<i32>} : memref<128x64xf32, #tpu.memory_space<vmem>>, vector<16xf32>,
      tpu.vector_store %arg13[%swap3A_205, %swap3A_206], %gather3A_200 {strides = array<i32>} : memref<128x64xf32, #tpu.memory_space<vmem>>, vector<16xf32>,
      %gather3A_208 = tpu.vector_load_idx %arg9[%broadcast_in_dim3A_183, %get3A_31] : memref<4x2048xf32, #tpu.memory_space<vmem>>[vector<16xi32>, vector<16xi32>], vector<16xf32>,
      %mul3A_209 = arith.constant 4 : i32
      %mul3A_210 = arith.muli %add3A_67, %mul3A_209 : i32
      %add3A_211 = arith.constant 3 : i32
      %add3A_212 = arith.addi %mul3A_210, %add3A_211 : i32
      %swap3A_213 = arith.index_cast %add3A_212 : i32 to index
      %swap3A_214 = arith.constant 48 : index
      %swap3A_215 = tpu.vector_load %arg13[%swap3A_213, %swap3A_214] {strides = array<i32>} : memref<128x64xf32, #tpu.memory_space<vmem>>, vector<16xf32>,
      tpu.vector_store %arg13[%swap3A_213, %swap3A_214], %gather3A_208 {strides = array<i32>} : memref<128x64xf32, #tpu.memory_space<vmem>>, vector<16xf32>,
      %mul3A_216 = arith.constant 4 : i32
      %mul3A_217 = arith.muli %scan3A_63, %mul3A_216 : i32
      %add3A_218 = arith.constant 1 : i32
      %add3A_219 = arith.addi %mul3A_217, %add3A_218 : i32
      %add3A_220 = arith.constant 4 : i32
      %add3A_221 = arith.addi %add3A_219, %add3A_220 : i32
      %sub3A_222 = arith.constant 1 : i32
      %sub3A_223 = arith.subi %add3A_221, %sub3A_222 : i32
      %lt3A_224 = arith.constant 32 : i32
      %lt3A_225 = arith.cmpi slt, %sub3A_223, %lt3A_224 : i32
      %convert_element_type3A_226 = arith.extui %lt3A_225 : i1 to i32
      %cond3A_227 = arith.constant 0 : i32
      %cond3A_228 = arith.cmpi ne, %convert_element_type3A_226, %cond3A_227 : i32
      scf.if %cond3A_228 {
        %add3A_684 = arith.constant 4 : i32
        %add3A_685 = arith.addi %add3A_219, %add3A_684 : i32
        %sub3A_686 = arith.constant 1 : i32
        %sub3A_687 = arith.subi %add3A_685, %sub3A_686 : i32
        %mul3A_688 = arith.constant 4 : i32
        %mul3A_689 = arith.muli %sub3A_687, %mul3A_688 : i32
        %add3A_690 = arith.addi %add3A_20, %mul3A_689 : i32
        %dma_start3A_691 = arith.constant 0 : i32
        %dma_start3A_692 = tpu.memref_slice %arg2[%add3A_690, %dma_start3A_691] : memref<16384x2048xf32, #tpu.memory_space<hbm>> -> memref<4x2048xf32, #tpu.memory_space<hbm>>
        %dma_start3A_693 = arith.constant 0 : i32
        %dma_start3A_694 = tpu.memref_slice %arg2[%add3A_690, %dma_start3A_693] : memref<16384x2048xf32, #tpu.memory_space<hbm>> -> memref<4x2048xf32, #tpu.memory_space<hbm>>
        tpu.enqueue_dma source(%dma_start3A_694 : memref<4x2048xf32, #tpu.memory_space<hbm>>) target(%arg9 : memref<4x2048xf32, #tpu.memory_space<vmem>>) target_semaphore(%arg15 : memref<!tpu.dma_semaphore, #tpu.memory_space<semaphore_mem>>)
      } else {
      }
      %mul3A_229 = arith.constant 4 : i32
      %mul3A_230 = arith.muli %add3A_219, %mul3A_229 : i32
      %add3A_231 = arith.addi %add3A_20, %mul3A_230 : i32
      %dma_wait3A_232 = arith.constant 0 : i32
      %dma_wait3A_233 = tpu.memref_slice %arg2[%add3A_231, %dma_wait3A_232] : memref<16384x2048xf32, #tpu.memory_space<hbm>> -> memref<4x2048xf32, #tpu.memory_space<hbm>>
      %dma_wait3A_234 = arith.constant 0 : i32
      %dma_wait3A_235 = tpu.memref_slice %arg2[%add3A_231, %dma_wait3A_234] : memref<16384x2048xf32, #tpu.memory_space<hbm>> -> memref<4x2048xf32, #tpu.memory_space<hbm>>
      tpu.wait_dma2 semaphore(%arg16 : memref<!tpu.dma_semaphore, #tpu.memory_space<semaphore_mem>>) src(%dma_wait3A_235 : memref<4x2048xf32, #tpu.memory_space<hbm>>) dst(%arg10 : memref<4x2048xf32, #tpu.memory_space<vmem>>)
      %broadcast_in_dim3A_236 = arith.constant 0 : i32
      %broadcast_in_dim3A_237 = vector.broadcast %broadcast_in_dim3A_236 : i32 to vector<16xi32>
      %gather3A_238 = tpu.vector_load_idx %arg10[%broadcast_in_dim3A_237, %get3A_25] : memref<4x2048xf32, #tpu.memory_space<vmem>>[vector<16xi32>, vector<16xi32>], vector<16xf32>,
      %mul3A_239 = arith.constant 4 : i32
      %mul3A_240 = arith.muli %add3A_219, %mul3A_239 : i32
      %add3A_241 = arith.constant 0 : i32
      %add3A_242 = arith.addi %mul3A_240, %add3A_241 : i32
      %swap3A_243 = arith.index_cast %add3A_242 : i32 to index
      %swap3A_244 = arith.constant 0 : index
      %swap3A_245 = tpu.vector_load %arg13[%swap3A_243, %swap3A_244] {strides = array<i32>} : memref<128x64xf32, #tpu.memory_space<vmem>>, vector<16xf32>,
      tpu.vector_store %arg13[%swap3A_243, %swap3A_244], %gather3A_238 {strides = array<i32>} : memref<128x64xf32, #tpu.memory_space<vmem>>, vector<16xf32>,
      %gather3A_246 = tpu.vector_load_idx %arg10[%broadcast_in_dim3A_237, %get3A_27] : memref<4x2048xf32, #tpu.memory_space<vmem>>[vector<16xi32>, vector<16xi32>], vector<16xf32>,
      %mul3A_247 = arith.constant 4 : i32
      %mul3A_248 = arith.muli %add3A_219, %mul3A_247 : i32
      %add3A_249 = arith.constant 0 : i32
      %add3A_250 = arith.addi %mul3A_248, %add3A_249 : i32
      %swap3A_251 = arith.index_cast %add3A_250 : i32 to index
      %swap3A_252 = arith.constant 16 : index
      %swap3A_253 = tpu.vector_load %arg13[%swap3A_251, %swap3A_252] {strides = array<i32>} : memref<128x64xf32, #tpu.memory_space<vmem>>, vector<16xf32>,
      tpu.vector_store %arg13[%swap3A_251, %swap3A_252], %gather3A_246 {strides = array<i32>} : memref<128x64xf32, #tpu.memory_space<vmem>>, vector<16xf32>,
      %gather3A_254 = tpu.vector_load_idx %arg10[%broadcast_in_dim3A_237, %get3A_29] : memref<4x2048xf32, #tpu.memory_space<vmem>>[vector<16xi32>, vector<16xi32>], vector<16xf32>,
      %mul3A_255 = arith.constant 4 : i32
      %mul3A_256 = arith.muli %add3A_219, %mul3A_255 : i32
      %add3A_257 = arith.constant 0 : i32
      %add3A_258 = arith.addi %mul3A_256, %add3A_257 : i32
      %swap3A_259 = arith.index_cast %add3A_258 : i32 to index
      %swap3A_260 = arith.constant 32 : index
      %swap3A_261 = tpu.vector_load %arg13[%swap3A_259, %swap3A_260] {strides = array<i32>} : memref<128x64xf32, #tpu.memory_space<vmem>>, vector<16xf32>,
      tpu.vector_store %arg13[%swap3A_259, %swap3A_260], %gather3A_254 {strides = array<i32>} : memref<128x64xf32, #tpu.memory_space<vmem>>, vector<16xf32>,
      %gather3A_262 = tpu.vector_load_idx %arg10[%broadcast_in_dim3A_237, %get3A_31] : memref<4x2048xf32, #tpu.memory_space<vmem>>[vector<16xi32>, vector<16xi32>], vector<16xf32>,
      %mul3A_263 = arith.constant 4 : i32
      %mul3A_264 = arith.muli %add3A_219, %mul3A_263 : i32
      %add3A_265 = arith.constant 0 : i32
      %add3A_266 = arith.addi %mul3A_264, %add3A_265 : i32
      %swap3A_267 = arith.index_cast %add3A_266 : i32 to index
      %swap3A_268 = arith.constant 48 : index
      %swap3A_269 = tpu.vector_load %arg13[%swap3A_267, %swap3A_268] {strides = array<i32>} : memref<128x64xf32, #tpu.memory_space<vmem>>, vector<16xf32>,
      tpu.vector_store %arg13[%swap3A_267, %swap3A_268], %gather3A_262 {strides = array<i32>} : memref<128x64xf32, #tpu.memory_space<vmem>>, vector<16xf32>,
      %broadcast_in_dim3A_270 = arith.constant 1 : i32
      %broadcast_in_dim3A_271 = vector.broadcast %broadcast_in_dim3A_270 : i32 to vector<16xi32>
      %gather3A_272 = tpu.vector_load_idx %arg10[%broadcast_in_dim3A_271, %get3A_25] : memref<4x2048xf32, #tpu.memory_space<vmem>>[vector<16xi32>, vector<16xi32>], vector<16xf32>,
      %mul3A_273 = arith.constant 4 : i32
      %mul3A_274 = arith.muli %add3A_219, %mul3A_273 : i32
      %add3A_275 = arith.constant 1 : i32
      %add3A_276 = arith.addi %mul3A_274, %add3A_275 : i32
      %swap3A_277 = arith.index_cast %add3A_276 : i32 to index
      %swap3A_278 = arith.constant 0 : index
      %swap3A_279 = tpu.vector_load %arg13[%swap3A_277, %swap3A_278] {strides = array<i32>} : memref<128x64xf32, #tpu.memory_space<vmem>>, vector<16xf32>,
      tpu.vector_store %arg13[%swap3A_277, %swap3A_278], %gather3A_272 {strides = array<i32>} : memref<128x64xf32, #tpu.memory_space<vmem>>, vector<16xf32>,
      %gather3A_280 = tpu.vector_load_idx %arg10[%broadcast_in_dim3A_271, %get3A_27] : memref<4x2048xf32, #tpu.memory_space<vmem>>[vector<16xi32>, vector<16xi32>], vector<16xf32>,
      %mul3A_281 = arith.constant 4 : i32
      %mul3A_282 = arith.muli %add3A_219, %mul3A_281 : i32
      %add3A_283 = arith.constant 1 : i32
      %add3A_284 = arith.addi %mul3A_282, %add3A_283 : i32
      %swap3A_285 = arith.index_cast %add3A_284 : i32 to index
      %swap3A_286 = arith.constant 16 : index
      %swap3A_287 = tpu.vector_load %arg13[%swap3A_285, %swap3A_286] {strides = array<i32>} : memref<128x64xf32, #tpu.memory_space<vmem>>, vector<16xf32>,
      tpu.vector_store %arg13[%swap3A_285, %swap3A_286], %gather3A_280 {strides = array<i32>} : memref<128x64xf32, #tpu.memory_space<vmem>>, vector<16xf32>,
      %gather3A_288 = tpu.vector_load_idx %arg10[%broadcast_in_dim3A_271, %get3A_29] : memref<4x2048xf32, #tpu.memory_space<vmem>>[vector<16xi32>, vector<16xi32>], vector<16xf32>,
      %mul3A_289 = arith.constant 4 : i32
      %mul3A_290 = arith.muli %add3A_219, %mul3A_289 : i32
      %add3A_291 = arith.constant 1 : i32
      %add3A_292 = arith.addi %mul3A_290, %add3A_291 : i32
      %swap3A_293 = arith.index_cast %add3A_292 : i32 to index
      %swap3A_294 = arith.constant 32 : index
      %swap3A_295 = tpu.vector_load %arg13[%swap3A_293, %swap3A_294] {strides = array<i32>} : memref<128x64xf32, #tpu.memory_space<vmem>>, vector<16xf32>,
      tpu.vector_store %arg13[%swap3A_293, %swap3A_294], %gather3A_288 {strides = array<i32>} : memref<128x64xf32, #tpu.memory_space<vmem>>, vector<16xf32>,
      %gather3A_296 = tpu.vector_load_idx %arg10[%broadcast_in_dim3A_271, %get3A_31] : memref<4x2048xf32, #tpu.memory_space<vmem>>[vector<16xi32>, vector<16xi32>], vector<16xf32>,
      %mul3A_297 = arith.constant 4 : i32
      %mul3A_298 = arith.muli %add3A_219, %mul3A_297 : i32
      %add3A_299 = arith.constant 1 : i32
      %add3A_300 = arith.addi %mul3A_298, %add3A_299 : i32
      %swap3A_301 = arith.index_cast %add3A_300 : i32 to index
      %swap3A_302 = arith.constant 48 : index
      %swap3A_303 = tpu.vector_load %arg13[%swap3A_301, %swap3A_302] {strides = array<i32>} : memref<128x64xf32, #tpu.memory_space<vmem>>, vector<16xf32>,
      tpu.vector_store %arg13[%swap3A_301, %swap3A_302], %gather3A_296 {strides = array<i32>} : memref<128x64xf32, #tpu.memory_space<vmem>>, vector<16xf32>,
      %broadcast_in_dim3A_304 = arith.constant 2 : i32
      %broadcast_in_dim3A_305 = vector.broadcast %broadcast_in_dim3A_304 : i32 to vector<16xi32>
      %gather3A_306 = tpu.vector_load_idx %arg10[%broadcast_in_dim3A_305, %get3A_25] : memref<4x2048xf32, #tpu.memory_space<vmem>>[vector<16xi32>, vector<16xi32>], vector<16xf32>,
      %mul3A_307 = arith.constant 4 : i32
      %mul3A_308 = arith.muli %add3A_219, %mul3A_307 : i32
      %add3A_309 = arith.constant 2 : i32
      %add3A_310 = arith.addi %mul3A_308, %add3A_309 : i32
      %swap3A_311 = arith.index_cast %add3A_310 : i32 to index
      %swap3A_312 = arith.constant 0 : index
      %swap3A_313 = tpu.vector_load %arg13[%swap3A_311, %swap3A_312] {strides = array<i32>} : memref<128x64xf32, #tpu.memory_space<vmem>>, vector<16xf32>,
      tpu.vector_store %arg13[%swap3A_311, %swap3A_312], %gather3A_306 {strides = array<i32>} : memref<128x64xf32, #tpu.memory_space<vmem>>, vector<16xf32>,
      %gather3A_314 = tpu.vector_load_idx %arg10[%broadcast_in_dim3A_305, %get3A_27] : memref<4x2048xf32, #tpu.memory_space<vmem>>[vector<16xi32>, vector<16xi32>], vector<16xf32>,
      %mul3A_315 = arith.constant 4 : i32
      %mul3A_316 = arith.muli %add3A_219, %mul3A_315 : i32
      %add3A_317 = arith.constant 2 : i32
      %add3A_318 = arith.addi %mul3A_316, %add3A_317 : i32
      %swap3A_319 = arith.index_cast %add3A_318 : i32 to index
      %swap3A_320 = arith.constant 16 : index
      %swap3A_321 = tpu.vector_load %arg13[%swap3A_319, %swap3A_320] {strides = array<i32>} : memref<128x64xf32, #tpu.memory_space<vmem>>, vector<16xf32>,
      tpu.vector_store %arg13[%swap3A_319, %swap3A_320], %gather3A_314 {strides = array<i32>} : memref<128x64xf32, #tpu.memory_space<vmem>>, vector<16xf32>,
      %gather3A_322 = tpu.vector_load_idx %arg10[%broadcast_in_dim3A_305, %get3A_29] : memref<4x2048xf32, #tpu.memory_space<vmem>>[vector<16xi32>, vector<16xi32>], vector<16xf32>,
      %mul3A_323 = arith.constant 4 : i32
      %mul3A_324 = arith.muli %add3A_219, %mul3A_323 : i32
      %add3A_325 = arith.constant 2 : i32
      %add3A_326 = arith.addi %mul3A_324, %add3A_325 : i32
      %swap3A_327 = arith.index_cast %add3A_326 : i32 to index
      %swap3A_328 = arith.constant 32 : index
      %swap3A_329 = tpu.vector_load %arg13[%swap3A_327, %swap3A_328] {strides = array<i32>} : memref<128x64xf32, #tpu.memory_space<vmem>>, vector<16xf32>,
      tpu.vector_store %arg13[%swap3A_327, %swap3A_328], %gather3A_322 {strides = array<i32>} : memref<128x64xf32, #tpu.memory_space<vmem>>, vector<16xf32>,
      %gather3A_330 = tpu.vector_load_idx %arg10[%broadcast_in_dim3A_305, %get3A_31] : memref<4x2048xf32, #tpu.memory_space<vmem>>[vector<16xi32>, vector<16xi32>], vector<16xf32>,
      %mul3A_331 = arith.constant 4 : i32
      %mul3A_332 = arith.muli %add3A_219, %mul3A_331 : i32
      %add3A_333 = arith.constant 2 : i32
      %add3A_334 = arith.addi %mul3A_332, %add3A_333 : i32
      %swap3A_335 = arith.index_cast %add3A_334 : i32 to index
      %swap3A_336 = arith.constant 48 : index
      %swap3A_337 = tpu.vector_load %arg13[%swap3A_335, %swap3A_336] {strides = array<i32>} : memref<128x64xf32, #tpu.memory_space<vmem>>, vector<16xf32>,
      tpu.vector_store %arg13[%swap3A_335, %swap3A_336], %gather3A_330 {strides = array<i32>} : memref<128x64xf32, #tpu.memory_space<vmem>>, vector<16xf32>,
      %broadcast_in_dim3A_338 = arith.constant 3 : i32
      %broadcast_in_dim3A_339 = vector.broadcast %broadcast_in_dim3A_338 : i32 to vector<16xi32>
      %gather3A_340 = tpu.vector_load_idx %arg10[%broadcast_in_dim3A_339, %get3A_25] : memref<4x2048xf32, #tpu.memory_space<vmem>>[vector<16xi32>, vector<16xi32>], vector<16xf32>,
      %mul3A_341 = arith.constant 4 : i32
      %mul3A_342 = arith.muli %add3A_219, %mul3A_341 : i32
      %add3A_343 = arith.constant 3 : i32
      %add3A_344 = arith.addi %mul3A_342, %add3A_343 : i32
      %swap3A_345 = arith.index_cast %add3A_344 : i32 to index
      %swap3A_346 = arith.constant 0 : index
      %swap3A_347 = tpu.vector_load %arg13[%swap3A_345, %swap3A_346] {strides = array<i32>} : memref<128x64xf32, #tpu.memory_space<vmem>>, vector<16xf32>,
      tpu.vector_store %arg13[%swap3A_345, %swap3A_346], %gather3A_340 {strides = array<i32>} : memref<128x64xf32, #tpu.memory_space<vmem>>, vector<16xf32>,
      %gather3A_348 = tpu.vector_load_idx %arg10[%broadcast_in_dim3A_339, %get3A_27] : memref<4x2048xf32, #tpu.memory_space<vmem>>[vector<16xi32>, vector<16xi32>], vector<16xf32>,
      %mul3A_349 = arith.constant 4 : i32
      %mul3A_350 = arith.muli %add3A_219, %mul3A_349 : i32
      %add3A_351 = arith.constant 3 : i32
      %add3A_352 = arith.addi %mul3A_350, %add3A_351 : i32
      %swap3A_353 = arith.index_cast %add3A_352 : i32 to index
      %swap3A_354 = arith.constant 16 : index
      %swap3A_355 = tpu.vector_load %arg13[%swap3A_353, %swap3A_354] {strides = array<i32>} : memref<128x64xf32, #tpu.memory_space<vmem>>, vector<16xf32>,
      tpu.vector_store %arg13[%swap3A_353, %swap3A_354], %gather3A_348 {strides = array<i32>} : memref<128x64xf32, #tpu.memory_space<vmem>>, vector<16xf32>,
      %gather3A_356 = tpu.vector_load_idx %arg10[%broadcast_in_dim3A_339, %get3A_29] : memref<4x2048xf32, #tpu.memory_space<vmem>>[vector<16xi32>, vector<16xi32>], vector<16xf32>,
      %mul3A_357 = arith.constant 4 : i32
      %mul3A_358 = arith.muli %add3A_219, %mul3A_357 : i32
      %add3A_359 = arith.constant 3 : i32
      %add3A_360 = arith.addi %mul3A_358, %add3A_359 : i32
      %swap3A_361 = arith.index_cast %add3A_360 : i32 to index
      %swap3A_362 = arith.constant 32 : index
      %swap3A_363 = tpu.vector_load %arg13[%swap3A_361, %swap3A_362] {strides = array<i32>} : memref<128x64xf32, #tpu.memory_space<vmem>>, vector<16xf32>,
      tpu.vector_store %arg13[%swap3A_361, %swap3A_362], %gather3A_356 {strides = array<i32>} : memref<128x64xf32, #tpu.memory_space<vmem>>, vector<16xf32>,
      %gather3A_364 = tpu.vector_load_idx %arg10[%broadcast_in_dim3A_339, %get3A_31] : memref<4x2048xf32, #tpu.memory_space<vmem>>[vector<16xi32>, vector<16xi32>], vector<16xf32>,
      %mul3A_365 = arith.constant 4 : i32
      %mul3A_366 = arith.muli %add3A_219, %mul3A_365 : i32
      %add3A_367 = arith.constant 3 : i32
      %add3A_368 = arith.addi %mul3A_366, %add3A_367 : i32
      %swap3A_369 = arith.index_cast %add3A_368 : i32 to index
      %swap3A_370 = arith.constant 48 : index
      %swap3A_371 = tpu.vector_load %arg13[%swap3A_369, %swap3A_370] {strides = array<i32>} : memref<128x64xf32, #tpu.memory_space<vmem>>, vector<16xf32>,
      tpu.vector_store %arg13[%swap3A_369, %swap3A_370], %gather3A_364 {strides = array<i32>} : memref<128x64xf32, #tpu.memory_space<vmem>>, vector<16xf32>,
      %mul3A_372 = arith.constant 4 : i32
      %mul3A_373 = arith.muli %scan3A_63, %mul3A_372 : i32
      %add3A_374 = arith.constant 2 : i32
      %add3A_375 = arith.addi %mul3A_373, %add3A_374 : i32
      %add3A_376 = arith.constant 4 : i32
      %add3A_377 = arith.addi %add3A_375, %add3A_376 : i32
      %sub3A_378 = arith.constant 1 : i32
      %sub3A_379 = arith.subi %add3A_377, %sub3A_378 : i32
      %lt3A_380 = arith.constant 32 : i32
      %lt3A_381 = arith.cmpi slt, %sub3A_379, %lt3A_380 : i32
      %convert_element_type3A_382 = arith.extui %lt3A_381 : i1 to i32
      %cond3A_383 = arith.constant 0 : i32
      %cond3A_384 = arith.cmpi ne, %convert_element_type3A_382, %cond3A_383 : i32
      scf.if %cond3A_384 {
        %add3A_684 = arith.constant 4 : i32
        %add3A_685 = arith.addi %add3A_375, %add3A_684 : i32
        %sub3A_686 = arith.constant 1 : i32
        %sub3A_687 = arith.subi %add3A_685, %sub3A_686 : i32
        %mul3A_688 = arith.constant 4 : i32
        %mul3A_689 = arith.muli %sub3A_687, %mul3A_688 : i32
        %add3A_690 = arith.addi %add3A_20, %mul3A_689 : i32
        %dma_start3A_691 = arith.constant 0 : i32
        %dma_start3A_692 = tpu.memref_slice %arg2[%add3A_690, %dma_start3A_691] : memref<16384x2048xf32, #tpu.memory_space<hbm>> -> memref<4x2048xf32, #tpu.memory_space<hbm>>
        %dma_start3A_693 = arith.constant 0 : i32
        %dma_start3A_694 = tpu.memref_slice %arg2[%add3A_690, %dma_start3A_693] : memref<16384x2048xf32, #tpu.memory_space<hbm>> -> memref<4x2048xf32, #tpu.memory_space<hbm>>
        tpu.enqueue_dma source(%dma_start3A_694 : memref<4x2048xf32, #tpu.memory_space<hbm>>) target(%arg10 : memref<4x2048xf32, #tpu.memory_space<vmem>>) target_semaphore(%arg16 : memref<!tpu.dma_semaphore, #tpu.memory_space<semaphore_mem>>)
      } else {
      }
      %mul3A_385 = arith.constant 4 : i32
      %mul3A_386 = arith.muli %add3A_375, %mul3A_385 : i32
      %add3A_387 = arith.addi %add3A_20, %mul3A_386 : i32
      %dma_wait3A_388 = arith.constant 0 : i32
      %dma_wait3A_389 = tpu.memref_slice %arg2[%add3A_387, %dma_wait3A_388] : memref<16384x2048xf32, #tpu.memory_space<hbm>> -> memref<4x2048xf32, #tpu.memory_space<hbm>>
      %dma_wait3A_390 = arith.constant 0 : i32
      %dma_wait3A_391 = tpu.memref_slice %arg2[%add3A_387, %dma_wait3A_390] : memref<16384x2048xf32, #tpu.memory_space<hbm>> -> memref<4x2048xf32, #tpu.memory_space<hbm>>
      tpu.wait_dma2 semaphore(%arg17 : memref<!tpu.dma_semaphore, #tpu.memory_space<semaphore_mem>>) src(%dma_wait3A_391 : memref<4x2048xf32, #tpu.memory_space<hbm>>) dst(%arg11 : memref<4x2048xf32, #tpu.memory_space<vmem>>)
      %broadcast_in_dim3A_392 = arith.constant 0 : i32
      %broadcast_in_dim3A_393 = vector.broadcast %broadcast_in_dim3A_392 : i32 to vector<16xi32>
      %gather3A_394 = tpu.vector_load_idx %arg11[%broadcast_in_dim3A_393, %get3A_25] : memref<4x2048xf32, #tpu.memory_space<vmem>>[vector<16xi32>, vector<16xi32>], vector<16xf32>,
      %mul3A_395 = arith.constant 4 : i32
      %mul3A_396 = arith.muli %add3A_375, %mul3A_395 : i32
      %add3A_397 = arith.constant 0 : i32
      %add3A_398 = arith.addi %mul3A_396, %add3A_397 : i32
      %swap3A_399 = arith.index_cast %add3A_398 : i32 to index
      %swap3A_400 = arith.constant 0 : index
      %swap3A_401 = tpu.vector_load %arg13[%swap3A_399, %swap3A_400] {strides = array<i32>} : memref<128x64xf32, #tpu.memory_space<vmem>>, vector<16xf32>,
      tpu.vector_store %arg13[%swap3A_399, %swap3A_400], %gather3A_394 {strides = array<i32>} : memref<128x64xf32, #tpu.memory_space<vmem>>, vector<16xf32>,
      %gather3A_402 = tpu.vector_load_idx %arg11[%broadcast_in_dim3A_393, %get3A_27] : memref<4x2048xf32, #tpu.memory_space<vmem>>[vector<16xi32>, vector<16xi32>], vector<16xf32>,
      %mul3A_403 = arith.constant 4 : i32
      %mul3A_404 = arith.muli %add3A_375, %mul3A_403 : i32
      %add3A_405 = arith.constant 0 : i32
      %add3A_406 = arith.addi %mul3A_404, %add3A_405 : i32
      %swap3A_407 = arith.index_cast %add3A_406 : i32 to index
      %swap3A_408 = arith.constant 16 : index
      %swap3A_409 = tpu.vector_load %arg13[%swap3A_407, %swap3A_408] {strides = array<i32>} : memref<128x64xf32, #tpu.memory_space<vmem>>, vector<16xf32>,
      tpu.vector_store %arg13[%swap3A_407, %swap3A_408], %gather3A_402 {strides = array<i32>} : memref<128x64xf32, #tpu.memory_space<vmem>>, vector<16xf32>,
      %gather3A_410 = tpu.vector_load_idx %arg11[%broadcast_in_dim3A_393, %get3A_29] : memref<4x2048xf32, #tpu.memory_space<vmem>>[vector<16xi32>, vector<16xi32>], vector<16xf32>,
      %mul3A_411 = arith.constant 4 : i32
      %mul3A_412 = arith.muli %add3A_375, %mul3A_411 : i32
      %add3A_413 = arith.constant 0 : i32
      %add3A_414 = arith.addi %mul3A_412, %add3A_413 : i32
      %swap3A_415 = arith.index_cast %add3A_414 : i32 to index
      %swap3A_416 = arith.constant 32 : index
      %swap3A_417 = tpu.vector_load %arg13[%swap3A_415, %swap3A_416] {strides = array<i32>} : memref<128x64xf32, #tpu.memory_space<vmem>>, vector<16xf32>,
      tpu.vector_store %arg13[%swap3A_415, %swap3A_416], %gather3A_410 {strides = array<i32>} : memref<128x64xf32, #tpu.memory_space<vmem>>, vector<16xf32>,
      %gather3A_418 = tpu.vector_load_idx %arg11[%broadcast_in_dim3A_393, %get3A_31] : memref<4x2048xf32, #tpu.memory_space<vmem>>[vector<16xi32>, vector<16xi32>], vector<16xf32>,
      %mul3A_419 = arith.constant 4 : i32
      %mul3A_420 = arith.muli %add3A_375, %mul3A_419 : i32
      %add3A_421 = arith.constant 0 : i32
      %add3A_422 = arith.addi %mul3A_420, %add3A_421 : i32
      %swap3A_423 = arith.index_cast %add3A_422 : i32 to index
      %swap3A_424 = arith.constant 48 : index
      %swap3A_425 = tpu.vector_load %arg13[%swap3A_423, %swap3A_424] {strides = array<i32>} : memref<128x64xf32, #tpu.memory_space<vmem>>, vector<16xf32>,
      tpu.vector_store %arg13[%swap3A_423, %swap3A_424], %gather3A_418 {strides = array<i32>} : memref<128x64xf32, #tpu.memory_space<vmem>>, vector<16xf32>,
      %broadcast_in_dim3A_426 = arith.constant 1 : i32
      %broadcast_in_dim3A_427 = vector.broadcast %broadcast_in_dim3A_426 : i32 to vector<16xi32>
      %gather3A_428 = tpu.vector_load_idx %arg11[%broadcast_in_dim3A_427, %get3A_25] : memref<4x2048xf32, #tpu.memory_space<vmem>>[vector<16xi32>, vector<16xi32>], vector<16xf32>,
      %mul3A_429 = arith.constant 4 : i32
      %mul3A_430 = arith.muli %add3A_375, %mul3A_429 : i32
      %add3A_431 = arith.constant 1 : i32
      %add3A_432 = arith.addi %mul3A_430, %add3A_431 : i32
      %swap3A_433 = arith.index_cast %add3A_432 : i32 to index
      %swap3A_434 = arith.constant 0 : index
      %swap3A_435 = tpu.vector_load %arg13[%swap3A_433, %swap3A_434] {strides = array<i32>} : memref<128x64xf32, #tpu.memory_space<vmem>>, vector<16xf32>,
      tpu.vector_store %arg13[%swap3A_433, %swap3A_434], %gather3A_428 {strides = array<i32>} : memref<128x64xf32, #tpu.memory_space<vmem>>, vector<16xf32>,
      %gather3A_436 = tpu.vector_load_idx %arg11[%broadcast_in_dim3A_427, %get3A_27] : memref<4x2048xf32, #tpu.memory_space<vmem>>[vector<16xi32>, vector<16xi32>], vector<16xf32>,
      %mul3A_437 = arith.constant 4 : i32
      %mul3A_438 = arith.muli %add3A_375, %mul3A_437 : i32
      %add3A_439 = arith.constant 1 : i32
      %add3A_440 = arith.addi %mul3A_438, %add3A_439 : i32
      %swap3A_441 = arith.index_cast %add3A_440 : i32 to index
      %swap3A_442 = arith.constant 16 : index
      %swap3A_443 = tpu.vector_load %arg13[%swap3A_441, %swap3A_442] {strides = array<i32>} : memref<128x64xf32, #tpu.memory_space<vmem>>, vector<16xf32>,
      tpu.vector_store %arg13[%swap3A_441, %swap3A_442], %gather3A_436 {strides = array<i32>} : memref<128x64xf32, #tpu.memory_space<vmem>>, vector<16xf32>,
      %gather3A_444 = tpu.vector_load_idx %arg11[%broadcast_in_dim3A_427, %get3A_29] : memref<4x2048xf32, #tpu.memory_space<vmem>>[vector<16xi32>, vector<16xi32>], vector<16xf32>,
      %mul3A_445 = arith.constant 4 : i32
      %mul3A_446 = arith.muli %add3A_375, %mul3A_445 : i32
      %add3A_447 = arith.constant 1 : i32
      %add3A_448 = arith.addi %mul3A_446, %add3A_447 : i32
      %swap3A_449 = arith.index_cast %add3A_448 : i32 to index
      %swap3A_450 = arith.constant 32 : index
      %swap3A_451 = tpu.vector_load %arg13[%swap3A_449, %swap3A_450] {strides = array<i32>} : memref<128x64xf32, #tpu.memory_space<vmem>>, vector<16xf32>,
      tpu.vector_store %arg13[%swap3A_449, %swap3A_450], %gather3A_444 {strides = array<i32>} : memref<128x64xf32, #tpu.memory_space<vmem>>, vector<16xf32>,
      %gather3A_452 = tpu.vector_load_idx %arg11[%broadcast_in_dim3A_427, %get3A_31] : memref<4x2048xf32, #tpu.memory_space<vmem>>[vector<16xi32>, vector<16xi32>], vector<16xf32>,
      %mul3A_453 = arith.constant 4 : i32
      %mul3A_454 = arith.muli %add3A_375, %mul3A_453 : i32
      %add3A_455 = arith.constant 1 : i32
      %add3A_456 = arith.addi %mul3A_454, %add3A_455 : i32
      %swap3A_457 = arith.index_cast %add3A_456 : i32 to index
      %swap3A_458 = arith.constant 48 : index
      %swap3A_459 = tpu.vector_load %arg13[%swap3A_457, %swap3A_458] {strides = array<i32>} : memref<128x64xf32, #tpu.memory_space<vmem>>, vector<16xf32>,
      tpu.vector_store %arg13[%swap3A_457, %swap3A_458], %gather3A_452 {strides = array<i32>} : memref<128x64xf32, #tpu.memory_space<vmem>>, vector<16xf32>,
      %broadcast_in_dim3A_460 = arith.constant 2 : i32
      %broadcast_in_dim3A_461 = vector.broadcast %broadcast_in_dim3A_460 : i32 to vector<16xi32>
      %gather3A_462 = tpu.vector_load_idx %arg11[%broadcast_in_dim3A_461, %get3A_25] : memref<4x2048xf32, #tpu.memory_space<vmem>>[vector<16xi32>, vector<16xi32>], vector<16xf32>,
      %mul3A_463 = arith.constant 4 : i32
      %mul3A_464 = arith.muli %add3A_375, %mul3A_463 : i32
      %add3A_465 = arith.constant 2 : i32
      %add3A_466 = arith.addi %mul3A_464, %add3A_465 : i32
      %swap3A_467 = arith.index_cast %add3A_466 : i32 to index
      %swap3A_468 = arith.constant 0 : index
      %swap3A_469 = tpu.vector_load %arg13[%swap3A_467, %swap3A_468] {strides = array<i32>} : memref<128x64xf32, #tpu.memory_space<vmem>>, vector<16xf32>,
      tpu.vector_store %arg13[%swap3A_467, %swap3A_468], %gather3A_462 {strides = array<i32>} : memref<128x64xf32, #tpu.memory_space<vmem>>, vector<16xf32>,
      %gather3A_470 = tpu.vector_load_idx %arg11[%broadcast_in_dim3A_461, %get3A_27] : memref<4x2048xf32, #tpu.memory_space<vmem>>[vector<16xi32>, vector<16xi32>], vector<16xf32>,
      %mul3A_471 = arith.constant 4 : i32
      %mul3A_472 = arith.muli %add3A_375, %mul3A_471 : i32
      %add3A_473 = arith.constant 2 : i32
      %add3A_474 = arith.addi %mul3A_472, %add3A_473 : i32
      %swap3A_475 = arith.index_cast %add3A_474 : i32 to index
      %swap3A_476 = arith.constant 16 : index
      %swap3A_477 = tpu.vector_load %arg13[%swap3A_475, %swap3A_476] {strides = array<i32>} : memref<128x64xf32, #tpu.memory_space<vmem>>, vector<16xf32>,
      tpu.vector_store %arg13[%swap3A_475, %swap3A_476], %gather3A_470 {strides = array<i32>} : memref<128x64xf32, #tpu.memory_space<vmem>>, vector<16xf32>,
      %gather3A_478 = tpu.vector_load_idx %arg11[%broadcast_in_dim3A_461, %get3A_29] : memref<4x2048xf32, #tpu.memory_space<vmem>>[vector<16xi32>, vector<16xi32>], vector<16xf32>,
      %mul3A_479 = arith.constant 4 : i32
      %mul3A_480 = arith.muli %add3A_375, %mul3A_479 : i32
      %add3A_481 = arith.constant 2 : i32
      %add3A_482 = arith.addi %mul3A_480, %add3A_481 : i32
      %swap3A_483 = arith.index_cast %add3A_482 : i32 to index
      %swap3A_484 = arith.constant 32 : index
      %swap3A_485 = tpu.vector_load %arg13[%swap3A_483, %swap3A_484] {strides = array<i32>} : memref<128x64xf32, #tpu.memory_space<vmem>>, vector<16xf32>,
      tpu.vector_store %arg13[%swap3A_483, %swap3A_484], %gather3A_478 {strides = array<i32>} : memref<128x64xf32, #tpu.memory_space<vmem>>, vector<16xf32>,
      %gather3A_486 = tpu.vector_load_idx %arg11[%broadcast_in_dim3A_461, %get3A_31] : memref<4x2048xf32, #tpu.memory_space<vmem>>[vector<16xi32>, vector<16xi32>], vector<16xf32>,
      %mul3A_487 = arith.constant 4 : i32
      %mul3A_488 = arith.muli %add3A_375, %mul3A_487 : i32
      %add3A_489 = arith.constant 2 : i32
      %add3A_490 = arith.addi %mul3A_488, %add3A_489 : i32
      %swap3A_491 = arith.index_cast %add3A_490 : i32 to index
      %swap3A_492 = arith.constant 48 : index
      %swap3A_493 = tpu.vector_load %arg13[%swap3A_491, %swap3A_492] {strides = array<i32>} : memref<128x64xf32, #tpu.memory_space<vmem>>, vector<16xf32>,
      tpu.vector_store %arg13[%swap3A_491, %swap3A_492], %gather3A_486 {strides = array<i32>} : memref<128x64xf32, #tpu.memory_space<vmem>>, vector<16xf32>,
      %broadcast_in_dim3A_494 = arith.constant 3 : i32
      %broadcast_in_dim3A_495 = vector.broadcast %broadcast_in_dim3A_494 : i32 to vector<16xi32>
      %gather3A_496 = tpu.vector_load_idx %arg11[%broadcast_in_dim3A_495, %get3A_25] : memref<4x2048xf32, #tpu.memory_space<vmem>>[vector<16xi32>, vector<16xi32>], vector<16xf32>,
      %mul3A_497 = arith.constant 4 : i32
      %mul3A_498 = arith.muli %add3A_375, %mul3A_497 : i32
      %add3A_499 = arith.constant 3 : i32
      %add3A_500 = arith.addi %mul3A_498, %add3A_499 : i32
      %swap3A_501 = arith.index_cast %add3A_500 : i32 to index
      %swap3A_502 = arith.constant 0 : index
      %swap3A_503 = tpu.vector_load %arg13[%swap3A_501, %swap3A_502] {strides = array<i32>} : memref<128x64xf32, #tpu.memory_space<vmem>>, vector<16xf32>,
      tpu.vector_store %arg13[%swap3A_501, %swap3A_502], %gather3A_496 {strides = array<i32>} : memref<128x64xf32, #tpu.memory_space<vmem>>, vector<16xf32>,
      %gather3A_504 = tpu.vector_load_idx %arg11[%broadcast_in_dim3A_495, %get3A_27] : memref<4x2048xf32, #tpu.memory_space<vmem>>[vector<16xi32>, vector<16xi32>], vector<16xf32>,
      %mul3A_505 = arith.constant 4 : i32
      %mul3A_506 = arith.muli %add3A_375, %mul3A_505 : i32
      %add3A_507 = arith.constant 3 : i32
      %add3A_508 = arith.addi %mul3A_506, %add3A_507 : i32
      %swap3A_509 = arith.index_cast %add3A_508 : i32 to index
      %swap3A_510 = arith.constant 16 : index
      %swap3A_511 = tpu.vector_load %arg13[%swap3A_509, %swap3A_510] {strides = array<i32>} : memref<128x64xf32, #tpu.memory_space<vmem>>, vector<16xf32>,
      tpu.vector_store %arg13[%swap3A_509, %swap3A_510], %gather3A_504 {strides = array<i32>} : memref<128x64xf32, #tpu.memory_space<vmem>>, vector<16xf32>,
      %gather3A_512 = tpu.vector_load_idx %arg11[%broadcast_in_dim3A_495, %get3A_29] : memref<4x2048xf32, #tpu.memory_space<vmem>>[vector<16xi32>, vector<16xi32>], vector<16xf32>,
      %mul3A_513 = arith.constant 4 : i32
      %mul3A_514 = arith.muli %add3A_375, %mul3A_513 : i32
      %add3A_515 = arith.constant 3 : i32
      %add3A_516 = arith.addi %mul3A_514, %add3A_515 : i32
      %swap3A_517 = arith.index_cast %add3A_516 : i32 to index
      %swap3A_518 = arith.constant 32 : index
      %swap3A_519 = tpu.vector_load %arg13[%swap3A_517, %swap3A_518] {strides = array<i32>} : memref<128x64xf32, #tpu.memory_space<vmem>>, vector<16xf32>,
      tpu.vector_store %arg13[%swap3A_517, %swap3A_518], %gather3A_512 {strides = array<i32>} : memref<128x64xf32, #tpu.memory_space<vmem>>, vector<16xf32>,
      %gather3A_520 = tpu.vector_load_idx %arg11[%broadcast_in_dim3A_495, %get3A_31] : memref<4x2048xf32, #tpu.memory_space<vmem>>[vector<16xi32>, vector<16xi32>], vector<16xf32>,
      %mul3A_521 = arith.constant 4 : i32
      %mul3A_522 = arith.muli %add3A_375, %mul3A_521 : i32
      %add3A_523 = arith.constant 3 : i32
      %add3A_524 = arith.addi %mul3A_522, %add3A_523 : i32
      %swap3A_525 = arith.index_cast %add3A_524 : i32 to index
      %swap3A_526 = arith.constant 48 : index
      %swap3A_527 = tpu.vector_load %arg13[%swap3A_525, %swap3A_526] {strides = array<i32>} : memref<128x64xf32, #tpu.memory_space<vmem>>, vector<16xf32>,
      tpu.vector_store %arg13[%swap3A_525, %swap3A_526], %gather3A_520 {strides = array<i32>} : memref<128x64xf32, #tpu.memory_space<vmem>>, vector<16xf32>,
      %mul3A_528 = arith.constant 4 : i32
      %mul3A_529 = arith.muli %scan3A_63, %mul3A_528 : i32
      %add3A_530 = arith.constant 3 : i32
      %add3A_531 = arith.addi %mul3A_529, %add3A_530 : i32
      %add3A_532 = arith.constant 4 : i32
      %add3A_533 = arith.addi %add3A_531, %add3A_532 : i32
      %sub3A_534 = arith.constant 1 : i32
      %sub3A_535 = arith.subi %add3A_533, %sub3A_534 : i32
      %lt3A_536 = arith.constant 32 : i32
      %lt3A_537 = arith.cmpi slt, %sub3A_535, %lt3A_536 : i32
      %convert_element_type3A_538 = arith.extui %lt3A_537 : i1 to i32
      %cond3A_539 = arith.constant 0 : i32
      %cond3A_540 = arith.cmpi ne, %convert_element_type3A_538, %cond3A_539 : i32
      scf.if %cond3A_540 {
        %add3A_684 = arith.constant 4 : i32
        %add3A_685 = arith.addi %add3A_531, %add3A_684 : i32
        %sub3A_686 = arith.constant 1 : i32
        %sub3A_687 = arith.subi %add3A_685, %sub3A_686 : i32
        %mul3A_688 = arith.constant 4 : i32
        %mul3A_689 = arith.muli %sub3A_687, %mul3A_688 : i32
        %add3A_690 = arith.addi %add3A_20, %mul3A_689 : i32
        %dma_start3A_691 = arith.constant 0 : i32
        %dma_start3A_692 = tpu.memref_slice %arg2[%add3A_690, %dma_start3A_691] : memref<16384x2048xf32, #tpu.memory_space<hbm>> -> memref<4x2048xf32, #tpu.memory_space<hbm>>
        %dma_start3A_693 = arith.constant 0 : i32
        %dma_start3A_694 = tpu.memref_slice %arg2[%add3A_690, %dma_start3A_693] : memref<16384x2048xf32, #tpu.memory_space<hbm>> -> memref<4x2048xf32, #tpu.memory_space<hbm>>
        tpu.enqueue_dma source(%dma_start3A_694 : memref<4x2048xf32, #tpu.memory_space<hbm>>) target(%arg11 : memref<4x2048xf32, #tpu.memory_space<vmem>>) target_semaphore(%arg17 : memref<!tpu.dma_semaphore, #tpu.memory_space<semaphore_mem>>)
      } else {
      }
      %mul3A_541 = arith.constant 4 : i32
      %mul3A_542 = arith.muli %add3A_531, %mul3A_541 : i32
      %add3A_543 = arith.addi %add3A_20, %mul3A_542 : i32
      %dma_wait3A_544 = arith.constant 0 : i32
      %dma_wait3A_545 = tpu.memref_slice %arg2[%add3A_543, %dma_wait3A_544] : memref<16384x2048xf32, #tpu.memory_space<hbm>> -> memref<4x2048xf32, #tpu.memory_space<hbm>>
      %dma_wait3A_546 = arith.constant 0 : i32
      %dma_wait3A_547 = tpu.memref_slice %arg2[%add3A_543, %dma_wait3A_546] : memref<16384x2048xf32, #tpu.memory_space<hbm>> -> memref<4x2048xf32, #tpu.memory_space<hbm>>
      tpu.wait_dma2 semaphore(%arg18 : memref<!tpu.dma_semaphore, #tpu.memory_space<semaphore_mem>>) src(%dma_wait3A_547 : memref<4x2048xf32, #tpu.memory_space<hbm>>) dst(%arg12 : memref<4x2048xf32, #tpu.memory_space<vmem>>)
      %broadcast_in_dim3A_548 = arith.constant 0 : i32
      %broadcast_in_dim3A_549 = vector.broadcast %broadcast_in_dim3A_548 : i32 to vector<16xi32>
      %gather3A_550 = tpu.vector_load_idx %arg12[%broadcast_in_dim3A_549, %get3A_25] : memref<4x2048xf32, #tpu.memory_space<vmem>>[vector<16xi32>, vector<16xi32>], vector<16xf32>,
      %mul3A_551 = arith.constant 4 : i32
      %mul3A_552 = arith.muli %add3A_531, %mul3A_551 : i32
      %add3A_553 = arith.constant 0 : i32
      %add3A_554 = arith.addi %mul3A_552, %add3A_553 : i32
      %swap3A_555 = arith.index_cast %add3A_554 : i32 to index
      %swap3A_556 = arith.constant 0 : index
      %swap3A_557 = tpu.vector_load %arg13[%swap3A_555, %swap3A_556] {strides = array<i32>} : memref<128x64xf32, #tpu.memory_space<vmem>>, vector<16xf32>,
      tpu.vector_store %arg13[%swap3A_555, %swap3A_556], %gather3A_550 {strides = array<i32>} : memref<128x64xf32, #tpu.memory_space<vmem>>, vector<16xf32>,
      %gather3A_558 = tpu.vector_load_idx %arg12[%broadcast_in_dim3A_549, %get3A_27] : memref<4x2048xf32, #tpu.memory_space<vmem>>[vector<16xi32>, vector<16xi32>], vector<16xf32>,
      %mul3A_559 = arith.constant 4 : i32
      %mul3A_560 = arith.muli %add3A_531, %mul3A_559 : i32
      %add3A_561 = arith.constant 0 : i32
      %add3A_562 = arith.addi %mul3A_560, %add3A_561 : i32
      %swap3A_563 = arith.index_cast %add3A_562 : i32 to index
      %swap3A_564 = arith.constant 16 : index
      %swap3A_565 = tpu.vector_load %arg13[%swap3A_563, %swap3A_564] {strides = array<i32>} : memref<128x64xf32, #tpu.memory_space<vmem>>, vector<16xf32>,
      tpu.vector_store %arg13[%swap3A_563, %swap3A_564], %gather3A_558 {strides = array<i32>} : memref<128x64xf32, #tpu.memory_space<vmem>>, vector<16xf32>,
      %gather3A_566 = tpu.vector_load_idx %arg12[%broadcast_in_dim3A_549, %get3A_29] : memref<4x2048xf32, #tpu.memory_space<vmem>>[vector<16xi32>, vector<16xi32>], vector<16xf32>,
      %mul3A_567 = arith.constant 4 : i32
      %mul3A_568 = arith.muli %add3A_531, %mul3A_567 : i32
      %add3A_569 = arith.constant 0 : i32
      %add3A_570 = arith.addi %mul3A_568, %add3A_569 : i32
      %swap3A_571 = arith.index_cast %add3A_570 : i32 to index
      %swap3A_572 = arith.constant 32 : index
      %swap3A_573 = tpu.vector_load %arg13[%swap3A_571, %swap3A_572] {strides = array<i32>} : memref<128x64xf32, #tpu.memory_space<vmem>>, vector<16xf32>,
      tpu.vector_store %arg13[%swap3A_571, %swap3A_572], %gather3A_566 {strides = array<i32>} : memref<128x64xf32, #tpu.memory_space<vmem>>, vector<16xf32>,
      %gather3A_574 = tpu.vector_load_idx %arg12[%broadcast_in_dim3A_549, %get3A_31] : memref<4x2048xf32, #tpu.memory_space<vmem>>[vector<16xi32>, vector<16xi32>], vector<16xf32>,
      %mul3A_575 = arith.constant 4 : i32
      %mul3A_576 = arith.muli %add3A_531, %mul3A_575 : i32
      %add3A_577 = arith.constant 0 : i32
      %add3A_578 = arith.addi %mul3A_576, %add3A_577 : i32
      %swap3A_579 = arith.index_cast %add3A_578 : i32 to index
      %swap3A_580 = arith.constant 48 : index
      %swap3A_581 = tpu.vector_load %arg13[%swap3A_579, %swap3A_580] {strides = array<i32>} : memref<128x64xf32, #tpu.memory_space<vmem>>, vector<16xf32>,
      tpu.vector_store %arg13[%swap3A_579, %swap3A_580], %gather3A_574 {strides = array<i32>} : memref<128x64xf32, #tpu.memory_space<vmem>>, vector<16xf32>,
      %broadcast_in_dim3A_582 = arith.constant 1 : i32
      %broadcast_in_dim3A_583 = vector.broadcast %broadcast_in_dim3A_582 : i32 to vector<16xi32>
      %gather3A_584 = tpu.vector_load_idx %arg12[%broadcast_in_dim3A_583, %get3A_25] : memref<4x2048xf32, #tpu.memory_space<vmem>>[vector<16xi32>, vector<16xi32>], vector<16xf32>,
      %mul3A_585 = arith.constant 4 : i32
      %mul3A_586 = arith.muli %add3A_531, %mul3A_585 : i32
      %add3A_587 = arith.constant 1 : i32
      %add3A_588 = arith.addi %mul3A_586, %add3A_587 : i32
      %swap3A_589 = arith.index_cast %add3A_588 : i32 to index
      %swap3A_590 = arith.constant 0 : index
      %swap3A_591 = tpu.vector_load %arg13[%swap3A_589, %swap3A_590] {strides = array<i32>} : memref<128x64xf32, #tpu.memory_space<vmem>>, vector<16xf32>,
      tpu.vector_store %arg13[%swap3A_589, %swap3A_590], %gather3A_584 {strides = array<i32>} : memref<128x64xf32, #tpu.memory_space<vmem>>, vector<16xf32>,
      %gather3A_592 = tpu.vector_load_idx %arg12[%broadcast_in_dim3A_583, %get3A_27] : memref<4x2048xf32, #tpu.memory_space<vmem>>[vector<16xi32>, vector<16xi32>], vector<16xf32>,
      %mul3A_593 = arith.constant 4 : i32
      %mul3A_594 = arith.muli %add3A_531, %mul3A_593 : i32
      %add3A_595 = arith.constant 1 : i32
      %add3A_596 = arith.addi %mul3A_594, %add3A_595 : i32
      %swap3A_597 = arith.index_cast %add3A_596 : i32 to index
      %swap3A_598 = arith.constant 16 : index
      %swap3A_599 = tpu.vector_load %arg13[%swap3A_597, %swap3A_598] {strides = array<i32>} : memref<128x64xf32, #tpu.memory_space<vmem>>, vector<16xf32>,
      tpu.vector_store %arg13[%swap3A_597, %swap3A_598], %gather3A_592 {strides = array<i32>} : memref<128x64xf32, #tpu.memory_space<vmem>>, vector<16xf32>,
      %gather3A_600 = tpu.vector_load_idx %arg12[%broadcast_in_dim3A_583, %get3A_29] : memref<4x2048xf32, #tpu.memory_space<vmem>>[vector<16xi32>, vector<16xi32>], vector<16xf32>,
      %mul3A_601 = arith.constant 4 : i32
      %mul3A_602 = arith.muli %add3A_531, %mul3A_601 : i32
      %add3A_603 = arith.constant 1 : i32
      %add3A_604 = arith.addi %mul3A_602, %add3A_603 : i32
      %swap3A_605 = arith.index_cast %add3A_604 : i32 to index
      %swap3A_606 = arith.constant 32 : index
      %swap3A_607 = tpu.vector_load %arg13[%swap3A_605, %swap3A_606] {strides = array<i32>} : memref<128x64xf32, #tpu.memory_space<vmem>>, vector<16xf32>,
      tpu.vector_store %arg13[%swap3A_605, %swap3A_606], %gather3A_600 {strides = array<i32>} : memref<128x64xf32, #tpu.memory_space<vmem>>, vector<16xf32>,
      %gather3A_608 = tpu.vector_load_idx %arg12[%broadcast_in_dim3A_583, %get3A_31] : memref<4x2048xf32, #tpu.memory_space<vmem>>[vector<16xi32>, vector<16xi32>], vector<16xf32>,
      %mul3A_609 = arith.constant 4 : i32
      %mul3A_610 = arith.muli %add3A_531, %mul3A_609 : i32
      %add3A_611 = arith.constant 1 : i32
      %add3A_612 = arith.addi %mul3A_610, %add3A_611 : i32
      %swap3A_613 = arith.index_cast %add3A_612 : i32 to index
      %swap3A_614 = arith.constant 48 : index
      %swap3A_615 = tpu.vector_load %arg13[%swap3A_613, %swap3A_614] {strides = array<i32>} : memref<128x64xf32, #tpu.memory_space<vmem>>, vector<16xf32>,
      tpu.vector_store %arg13[%swap3A_613, %swap3A_614], %gather3A_608 {strides = array<i32>} : memref<128x64xf32, #tpu.memory_space<vmem>>, vector<16xf32>,
      %broadcast_in_dim3A_616 = arith.constant 2 : i32
      %broadcast_in_dim3A_617 = vector.broadcast %broadcast_in_dim3A_616 : i32 to vector<16xi32>
      %gather3A_618 = tpu.vector_load_idx %arg12[%broadcast_in_dim3A_617, %get3A_25] : memref<4x2048xf32, #tpu.memory_space<vmem>>[vector<16xi32>, vector<16xi32>], vector<16xf32>,
      %mul3A_619 = arith.constant 4 : i32
      %mul3A_620 = arith.muli %add3A_531, %mul3A_619 : i32
      %add3A_621 = arith.constant 2 : i32
      %add3A_622 = arith.addi %mul3A_620, %add3A_621 : i32
      %swap3A_623 = arith.index_cast %add3A_622 : i32 to index
      %swap3A_624 = arith.constant 0 : index
      %swap3A_625 = tpu.vector_load %arg13[%swap3A_623, %swap3A_624] {strides = array<i32>} : memref<128x64xf32, #tpu.memory_space<vmem>>, vector<16xf32>,
      tpu.vector_store %arg13[%swap3A_623, %swap3A_624], %gather3A_618 {strides = array<i32>} : memref<128x64xf32, #tpu.memory_space<vmem>>, vector<16xf32>,
      %gather3A_626 = tpu.vector_load_idx %arg12[%broadcast_in_dim3A_617, %get3A_27] : memref<4x2048xf32, #tpu.memory_space<vmem>>[vector<16xi32>, vector<16xi32>], vector<16xf32>,
      %mul3A_627 = arith.constant 4 : i32
      %mul3A_628 = arith.muli %add3A_531, %mul3A_627 : i32
      %add3A_629 = arith.constant 2 : i32
      %add3A_630 = arith.addi %mul3A_628, %add3A_629 : i32
      %swap3A_631 = arith.index_cast %add3A_630 : i32 to index
      %swap3A_632 = arith.constant 16 : index
      %swap3A_633 = tpu.vector_load %arg13[%swap3A_631, %swap3A_632] {strides = array<i32>} : memref<128x64xf32, #tpu.memory_space<vmem>>, vector<16xf32>,
      tpu.vector_store %arg13[%swap3A_631, %swap3A_632], %gather3A_626 {strides = array<i32>} : memref<128x64xf32, #tpu.memory_space<vmem>>, vector<16xf32>,
      %gather3A_634 = tpu.vector_load_idx %arg12[%broadcast_in_dim3A_617, %get3A_29] : memref<4x2048xf32, #tpu.memory_space<vmem>>[vector<16xi32>, vector<16xi32>], vector<16xf32>,
      %mul3A_635 = arith.constant 4 : i32
      %mul3A_636 = arith.muli %add3A_531, %mul3A_635 : i32
      %add3A_637 = arith.constant 2 : i32
      %add3A_638 = arith.addi %mul3A_636, %add3A_637 : i32
      %swap3A_639 = arith.index_cast %add3A_638 : i32 to index
      %swap3A_640 = arith.constant 32 : index
      %swap3A_641 = tpu.vector_load %arg13[%swap3A_639, %swap3A_640] {strides = array<i32>} : memref<128x64xf32, #tpu.memory_space<vmem>>, vector<16xf32>,
      tpu.vector_store %arg13[%swap3A_639, %swap3A_640], %gather3A_634 {strides = array<i32>} : memref<128x64xf32, #tpu.memory_space<vmem>>, vector<16xf32>,
      %gather3A_642 = tpu.vector_load_idx %arg12[%broadcast_in_dim3A_617, %get3A_31] : memref<4x2048xf32, #tpu.memory_space<vmem>>[vector<16xi32>, vector<16xi32>], vector<16xf32>,
      %mul3A_643 = arith.constant 4 : i32
      %mul3A_644 = arith.muli %add3A_531, %mul3A_643 : i32
      %add3A_645 = arith.constant 2 : i32
      %add3A_646 = arith.addi %mul3A_644, %add3A_645 : i32
      %swap3A_647 = arith.index_cast %add3A_646 : i32 to index
      %swap3A_648 = arith.constant 48 : index
      %swap3A_649 = tpu.vector_load %arg13[%swap3A_647, %swap3A_648] {strides = array<i32>} : memref<128x64xf32, #tpu.memory_space<vmem>>, vector<16xf32>,
      tpu.vector_store %arg13[%swap3A_647, %swap3A_648], %gather3A_642 {strides = array<i32>} : memref<128x64xf32, #tpu.memory_space<vmem>>, vector<16xf32>,
      %broadcast_in_dim3A_650 = arith.constant 3 : i32
      %broadcast_in_dim3A_651 = vector.broadcast %broadcast_in_dim3A_650 : i32 to vector<16xi32>
      %gather3A_652 = tpu.vector_load_idx %arg12[%broadcast_in_dim3A_651, %get3A_25] : memref<4x2048xf32, #tpu.memory_space<vmem>>[vector<16xi32>, vector<16xi32>], vector<16xf32>,
      %mul3A_653 = arith.constant 4 : i32
      %mul3A_654 = arith.muli %add3A_531, %mul3A_653 : i32
      %add3A_655 = arith.constant 3 : i32
      %add3A_656 = arith.addi %mul3A_654, %add3A_655 : i32
      %swap3A_657 = arith.index_cast %add3A_656 : i32 to index
      %swap3A_658 = arith.constant 0 : index
      %swap3A_659 = tpu.vector_load %arg13[%swap3A_657, %swap3A_658] {strides = array<i32>} : memref<128x64xf32, #tpu.memory_space<vmem>>, vector<16xf32>,
      tpu.vector_store %arg13[%swap3A_657, %swap3A_658], %gather3A_652 {strides = array<i32>} : memref<128x64xf32, #tpu.memory_space<vmem>>, vector<16xf32>,
      %gather3A_660 = tpu.vector_load_idx %arg12[%broadcast_in_dim3A_651, %get3A_27] : memref<4x2048xf32, #tpu.memory_space<vmem>>[vector<16xi32>, vector<16xi32>], vector<16xf32>,
      %mul3A_661 = arith.constant 4 : i32
      %mul3A_662 = arith.muli %add3A_531, %mul3A_661 : i32
      %add3A_663 = arith.constant 3 : i32
      %add3A_664 = arith.addi %mul3A_662, %add3A_663 : i32
      %swap3A_665 = arith.index_cast %add3A_664 : i32 to index
      %swap3A_666 = arith.constant 16 : index
      %swap3A_667 = tpu.vector_load %arg13[%swap3A_665, %swap3A_666] {strides = array<i32>} : memref<128x64xf32, #tpu.memory_space<vmem>>, vector<16xf32>,
      tpu.vector_store %arg13[%swap3A_665, %swap3A_666], %gather3A_660 {strides = array<i32>} : memref<128x64xf32, #tpu.memory_space<vmem>>, vector<16xf32>,
      %gather3A_668 = tpu.vector_load_idx %arg12[%broadcast_in_dim3A_651, %get3A_29] : memref<4x2048xf32, #tpu.memory_space<vmem>>[vector<16xi32>, vector<16xi32>], vector<16xf32>,
      %mul3A_669 = arith.constant 4 : i32
      %mul3A_670 = arith.muli %add3A_531, %mul3A_669 : i32
      %add3A_671 = arith.constant 3 : i32
      %add3A_672 = arith.addi %mul3A_670, %add3A_671 : i32
      %swap3A_673 = arith.index_cast %add3A_672 : i32 to index
      %swap3A_674 = arith.constant 32 : index
      %swap3A_675 = tpu.vector_load %arg13[%swap3A_673, %swap3A_674] {strides = array<i32>} : memref<128x64xf32, #tpu.memory_space<vmem>>, vector<16xf32>,
      tpu.vector_store %arg13[%swap3A_673, %swap3A_674], %gather3A_668 {strides = array<i32>} : memref<128x64xf32, #tpu.memory_space<vmem>>, vector<16xf32>,
      %gather3A_676 = tpu.vector_load_idx %arg12[%broadcast_in_dim3A_651, %get3A_31] : memref<4x2048xf32, #tpu.memory_space<vmem>>[vector<16xi32>, vector<16xi32>], vector<16xf32>,
      %mul3A_677 = arith.constant 4 : i32
      %mul3A_678 = arith.muli %add3A_531, %mul3A_677 : i32
      %add3A_679 = arith.constant 3 : i32
      %add3A_680 = arith.addi %mul3A_678, %add3A_679 : i32
      %swap3A_681 = arith.index_cast %add3A_680 : i32 to index
      %swap3A_682 = arith.constant 48 : index
      %swap3A_683 = tpu.vector_load %arg13[%swap3A_681, %swap3A_682] {strides = array<i32>} : memref<128x64xf32, #tpu.memory_space<vmem>>, vector<16xf32>,
      tpu.vector_store %arg13[%swap3A_681, %swap3A_682], %gather3A_676 {strides = array<i32>} : memref<128x64xf32, #tpu.memory_space<vmem>>, vector<16xf32>,
    }
    %scan3A_55 = arith.constant 8 : i32
    %mul3A_56 = arith.constant 128 : i32
    %mul3A_57 = arith.muli %add3A, %mul3A_56 : i32
    "tpu.region"() ({
      %run_scoped3A = tpu.sem_alloc : memref<!tpu.dma_semaphore, #tpu.memory_space<semaphore_mem>>
      %dma_start3A_63 = arith.constant 0 : i32
      %dma_start3A_64 = tpu.memref_slice %arg4[%mul3A_57, %dma_start3A_63] : memref<4096x64xf32, #tpu.memory_space<hbm>> -> memref<128x64xf32, #tpu.memory_space<hbm>>
      %dma_start3A_65 = arith.constant 0 : i32
      %dma_start3A_66 = tpu.memref_slice %arg4[%mul3A_57, %dma_start3A_65] : memref<4096x64xf32, #tpu.memory_space<hbm>> -> memref<128x64xf32, #tpu.memory_space<hbm>>
      tpu.enqueue_dma source(%arg13 : memref<128x64xf32, #tpu.memory_space<vmem>>) target(%dma_start3A_66 : memref<128x64xf32, #tpu.memory_space<hbm>>) target_semaphore(%run_scoped3A : memref<!tpu.dma_semaphore, #tpu.memory_space<semaphore_mem>>)
      %dma_wait3A = arith.constant 0 : i32
      %dma_wait3A_67 = tpu.memref_slice %arg4[%mul3A_57, %dma_wait3A] : memref<4096x64xf32, #tpu.memory_space<hbm>> -> memref<128x64xf32, #tpu.memory_space<hbm>>
      %dma_wait3A_68 = arith.constant 0 : i32
      %dma_wait3A_69 = tpu.memref_slice %arg4[%mul3A_57, %dma_wait3A_68] : memref<4096x64xf32, #tpu.memory_space<hbm>> -> memref<128x64xf32, #tpu.memory_space<hbm>>
      tpu.wait_dma2 semaphore(%run_scoped3A : memref<!tpu.dma_semaphore, #tpu.memory_space<semaphore_mem>>) src(%arg13 : memref<128x64xf32, #tpu.memory_space<vmem>>) dst(%dma_wait3A_69 : memref<128x64xf32, #tpu.memory_space<hbm>>)
      tpu.yield
    }) : () -> ()
    %lt3A_58 = arith.constant 8 : i32
    %lt3A_59 = arith.cmpi slt, %add3A, %lt3A_58 : i32
    %convert_element_type3A_60 = arith.extui %lt3A_59 : i1 to i32
    %cond3A_61 = arith.constant 0 : i32
    %cond3A_62 = arith.cmpi ne, %convert_element_type3A_60, %cond3A_61 : i32
    scf.if %cond3A_62 {
      %dma_wait3A = arith.constant 0 : i32
      %dma_wait3A_63 = arith.constant 0 : i32
      %dma_wait3A_64 = tpu.memref_slice %arg2[%dma_wait3A, %dma_wait3A_63] : memref<16384x2048xf32, #tpu.memory_space<hbm>> -> memref<16384x2048xf32, #tpu.memory_space<hbm>>
      tpu.wait_indirect_dma semaphore(%arg19 : memref<!tpu.dma_semaphore, #tpu.memory_space<semaphore_mem>>) src(%dma_wait3A_64 : memref<16384x2048xf32, #tpu.memory_space<hbm>>) dst(%arg14 : memref<16x2048xf32, #tpu.memory_space<vmem>>)
      %mul3A_65 = arith.constant 16 : i32
      %mul3A_66 = arith.muli %add3A, %mul3A_65 : i32
      "tpu.region"() ({
        %run_scoped3A = tpu.sem_alloc : memref<!tpu.dma_semaphore, #tpu.memory_space<semaphore_mem>>
        %dma_start3A_67 = arith.constant 0 : i32
        %dma_start3A_68 = tpu.memref_slice %arg5[%mul3A_66, %dma_start3A_67] : memref<128x2048xf32, #tpu.memory_space<hbm>> -> memref<16x2048xf32, #tpu.memory_space<hbm>>
        %dma_start3A_69 = arith.constant 0 : i32
        %dma_start3A_70 = tpu.memref_slice %arg5[%mul3A_66, %dma_start3A_69] : memref<128x2048xf32, #tpu.memory_space<hbm>> -> memref<16x2048xf32, #tpu.memory_space<hbm>>
        tpu.enqueue_dma source(%arg14 : memref<16x2048xf32, #tpu.memory_space<vmem>>) target(%dma_start3A_70 : memref<16x2048xf32, #tpu.memory_space<hbm>>) target_semaphore(%run_scoped3A : memref<!tpu.dma_semaphore, #tpu.memory_space<semaphore_mem>>)
        %dma_wait3A_71 = arith.constant 0 : i32
        %dma_wait3A_72 = tpu.memref_slice %arg5[%mul3A_66, %dma_wait3A_71] : memref<128x2048xf32, #tpu.memory_space<hbm>> -> memref<16x2048xf32, #tpu.memory_space<hbm>>
        %dma_wait3A_73 = arith.constant 0 : i32
        %dma_wait3A_74 = tpu.memref_slice %arg5[%mul3A_66, %dma_wait3A_73] : memref<128x2048xf32, #tpu.memory_space<hbm>> -> memref<16x2048xf32, #tpu.memory_space<hbm>>
        tpu.wait_dma2 semaphore(%run_scoped3A : memref<!tpu.dma_semaphore, #tpu.memory_space<semaphore_mem>>) src(%arg14 : memref<16x2048xf32, #tpu.memory_space<vmem>>) dst(%dma_wait3A_74 : memref<16x2048xf32, #tpu.memory_space<hbm>>)
        tpu.yield
      }) : () -> ()
    } else {
    }
    return
  }
}

module attributes {stable_mosaic.version = 14 : i64} {
  func.func @_tc_body(%arg0: i32, %arg1: i32, %arg2: memref<1x2048x64xf32, #tpu.memory_space<vmem>>, %arg3: memref<1x64x2048xf32, #tpu.memory_space<vmem>>, %arg4: memref<128x64xf32, #tpu.memory_space<vmem>>, %arg5: memref<1x128xf32, #tpu.memory_space<vmem>>, %arg6: memref<128x64xf32, #tpu.memory_space<vmem>>, %arg7: memref<1x128xf32, #tpu.memory_space<vmem>>, %arg8: memref<1x2048x128xf32, #tpu.memory_space<vmem>>, %arg9: memref<1x2048x128xf32, #tpu.memory_space<vmem>>) attributes {dimension_semantics = [#tpu.dimension_semantics<arbitrary>, #tpu.dimension_semantics<arbitrary>], iteration_bounds = array<i64: 2, 1>, scalar_prefetch = 0 : i64, scratch_operands = 0 : i64, tpu.core_type = #tpu.core_type<tc>, window_params = [{transform_indices = @transform_0, window_bounds = array<i64: 1, 2048, 64>}, {transform_indices = @transform_1, window_bounds = array<i64: 1, 64, 2048>}, {pipeline_mode = #tpu.pipeline_mode<synchronous>, transform_indices = @transform_2, window_bounds = array<i64: 128, 64>}, {pipeline_mode = #tpu.pipeline_mode<synchronous>, transform_indices = @transform_3, window_bounds = array<i64: 1, 128>}, {pipeline_mode = #tpu.pipeline_mode<synchronous>, transform_indices = @transform_4, window_bounds = array<i64: 128, 64>}, {pipeline_mode = #tpu.pipeline_mode<synchronous>, transform_indices = @transform_5, window_bounds = array<i64: 1, 128>}, {transform_indices = @transform_6, window_bounds = array<i64: 1, 2048, 128>}, {transform_indices = @transform_7, window_bounds = array<i64: 1, 2048, 128>}]} {
    %get3A = arith.constant 0 : index
    %get3A_0 = arith.constant 0 : index
    %get3A_1 = arith.constant 0 : index
    %get3A_2 = vector.load %arg3[%get3A, %get3A_0, %get3A_1] : memref<1x64x2048xf32, #tpu.memory_space<vmem>>, vector<1x64x2048xf32>
    %get3A_3 = vector.shape_cast %get3A_2 : vector<1x64x2048xf32> to vector<64x2048xf32>
    %transpose3A = tpu.transpose %get3A_3, [1, 0] : vector<64x2048xf32> -> vector<2048x64xf32>
    %get3A_4 = arith.constant 0 : index
    %get3A_5 = arith.constant 0 : index
    %get3A_6 = arith.constant 0 : index
    %get3A_7 = vector.load %arg2[%get3A_4, %get3A_5, %get3A_6] : memref<1x2048x64xf32, #tpu.memory_space<vmem>>, vector<1x2048x64xf32>
    %get3A_8 = vector.shape_cast %get3A_7 : vector<1x2048x64xf32> to vector<2048x64xf32>
    %concatenate3A = tpu.concatenate %get3A_8, %transpose3A in 0 : vector<2048x64xf32>, vector<2048x64xf32> -> vector<4096x64xf32>
    %iota3A = tpu.iota {dimensions = array<i32: 1>} : vector<1x64xi32>
    %and3A = arith.constant 1 : i32
    %and3A_9 = vector.broadcast %and3A : i32 to vector<1x64xi32>
    %and3A_10 = arith.andi %iota3A, %and3A_9 : vector<1x64xi32>
    %eq3A = arith.constant 0 : i32
    %eq3A_11 = vector.broadcast %eq3A : i32 to vector<1x64xi32>
    %eq3A_12 = arith.cmpi eq, %and3A_10, %eq3A_11 : vector<1x64xi32>
    %iota3A_13 = tpu.iota {dimensions = array<i32: 0>} : vector<64x64xi32>
    %iota3A_14 = tpu.iota {dimensions = array<i32: 1>} : vector<64x64xi32>
    %xor3A = arith.constant 1 : i32
    %xor3A_15 = vector.broadcast %xor3A : i32 to vector<64x64xi32>
    %xor3A_16 = arith.xori %iota3A_13, %xor3A_15 : vector<64x64xi32>
    %eq3A_17 = arith.cmpi eq, %xor3A_16, %iota3A_14 : vector<64x64xi32>
    %convert_element_type3A = arith.extui %eq3A_17 : vector<64x64xi1> to vector<64x64xi32>
    %convert_element_type3A_18 = arith.sitofp %convert_element_type3A : vector<64x64xi32> to vector<64x64xf32>
    %dot_general3A = arith.constant dense<0.000000e+00> : vector<4096x64xf32>
    %dot_general3A_19 = tpu.matmul %concatenate3A, %convert_element_type3A_18, %dot_general3A {dimension_numbers = #tpu.dot_dimension_numbers<[1], [0], [0], [1], [0, 0, 1, 1], [], []>, transpose_lhs_hint = false} : vector<4096x64xf32>, vector<64x64xf32>, vector<4096x64xf32> -> vector<4096x64xf32>
    %and3A_20 = arith.constant 2 : i32
    %and3A_21 = vector.broadcast %and3A_20 : i32 to vector<1x64xi32>
    %and3A_22 = arith.andi %iota3A, %and3A_21 : vector<1x64xi32>
    %eq3A_23 = arith.constant 0 : i32
    %eq3A_24 = vector.broadcast %eq3A_23 : i32 to vector<1x64xi32>
    %eq3A_25 = arith.cmpi eq, %and3A_22, %eq3A_24 : vector<1x64xi32>
    %eq3A_26 = arith.xori %eq3A_12, %eq3A_25 : vector<1x64xi1>
    %eq3A_27 = arith.constant dense<true> : vector<1x64xi1>
    %eq3A_28 = arith.xori %eq3A_26, %eq3A_27 : vector<1x64xi1>
    %min3A = arith.minimumf %concatenate3A, %dot_general3A_19 : vector<4096x64xf32>
    %max3A = arith.maximumf %concatenate3A, %dot_general3A_19 : vector<4096x64xf32>
    %broadcast_in_dim3A = vector.shape_cast %eq3A_28 : vector<1x64xi1> to vector<1x64xi1>
    %broadcast_in_dim3A_29 = vector.broadcast %broadcast_in_dim3A : vector<1x64xi1> to vector<4096x64xi1>
    %select_n3A = arith.select %broadcast_in_dim3A_29, %min3A, %max3A : vector<4096x64xi1>, vector<4096x64xf32>
    %and3A_30 = arith.constant 2 : i32
    %and3A_31 = vector.broadcast %and3A_30 : i32 to vector<1x64xi32>
    %and3A_32 = arith.andi %iota3A, %and3A_31 : vector<1x64xi32>
    %eq3A_33 = arith.constant 0 : i32
    %eq3A_34 = vector.broadcast %eq3A_33 : i32 to vector<1x64xi32>
    %eq3A_35 = arith.cmpi eq, %and3A_32, %eq3A_34 : vector<1x64xi32>
    %iota3A_36 = tpu.iota {dimensions = array<i32: 0>} : vector<64x64xi32>
    %iota3A_37 = tpu.iota {dimensions = array<i32: 1>} : vector<64x64xi32>
    %xor3A_38 = arith.constant 2 : i32
    %xor3A_39 = vector.broadcast %xor3A_38 : i32 to vector<64x64xi32>
    %xor3A_40 = arith.xori %iota3A_36, %xor3A_39 : vector<64x64xi32>
    %eq3A_41 = arith.cmpi eq, %xor3A_40, %iota3A_37 : vector<64x64xi32>
    %convert_element_type3A_42 = arith.extui %eq3A_41 : vector<64x64xi1> to vector<64x64xi32>
    %convert_element_type3A_43 = arith.sitofp %convert_element_type3A_42 : vector<64x64xi32> to vector<64x64xf32>
    %dot_general3A_44 = arith.constant dense<0.000000e+00> : vector<4096x64xf32>
    %dot_general3A_45 = tpu.matmul %select_n3A, %convert_element_type3A_43, %dot_general3A_44 {dimension_numbers = #tpu.dot_dimension_numbers<[1], [0], [0], [1], [0, 0, 1, 1], [], []>, transpose_lhs_hint = false} : vector<4096x64xf32>, vector<64x64xf32>, vector<4096x64xf32> -> vector<4096x64xf32>
    %and3A_46 = arith.constant 4 : i32
    %and3A_47 = vector.broadcast %and3A_46 : i32 to vector<1x64xi32>
    %and3A_48 = arith.andi %iota3A, %and3A_47 : vector<1x64xi32>
    %eq3A_49 = arith.constant 0 : i32
    %eq3A_50 = vector.broadcast %eq3A_49 : i32 to vector<1x64xi32>
    %eq3A_51 = arith.cmpi eq, %and3A_48, %eq3A_50 : vector<1x64xi32>
    %eq3A_52 = arith.xori %eq3A_35, %eq3A_51 : vector<1x64xi1>
    %eq3A_53 = arith.constant dense<true> : vector<1x64xi1>
    %eq3A_54 = arith.xori %eq3A_52, %eq3A_53 : vector<1x64xi1>
    %min3A_55 = arith.minimumf %select_n3A, %dot_general3A_45 : vector<4096x64xf32>
    %max3A_56 = arith.maximumf %select_n3A, %dot_general3A_45 : vector<4096x64xf32>
    %broadcast_in_dim3A_57 = vector.shape_cast %eq3A_54 : vector<1x64xi1> to vector<1x64xi1>
    %broadcast_in_dim3A_58 = vector.broadcast %broadcast_in_dim3A_57 : vector<1x64xi1> to vector<4096x64xi1>
    %select_n3A_59 = arith.select %broadcast_in_dim3A_58, %min3A_55, %max3A_56 : vector<4096x64xi1>, vector<4096x64xf32>
    %and3A_60 = arith.constant 1 : i32
    %and3A_61 = vector.broadcast %and3A_60 : i32 to vector<1x64xi32>
    %and3A_62 = arith.andi %iota3A, %and3A_61 : vector<1x64xi32>
    %eq3A_63 = arith.constant 0 : i32
    %eq3A_64 = vector.broadcast %eq3A_63 : i32 to vector<1x64xi32>
    %eq3A_65 = arith.cmpi eq, %and3A_62, %eq3A_64 : vector<1x64xi32>
    %iota3A_66 = tpu.iota {dimensions = array<i32: 0>} : vector<64x64xi32>
    %iota3A_67 = tpu.iota {dimensions = array<i32: 1>} : vector<64x64xi32>
    %xor3A_68 = arith.constant 1 : i32
    %xor3A_69 = vector.broadcast %xor3A_68 : i32 to vector<64x64xi32>
    %xor3A_70 = arith.xori %iota3A_66, %xor3A_69 : vector<64x64xi32>
    %eq3A_71 = arith.cmpi eq, %xor3A_70, %iota3A_67 : vector<64x64xi32>
    %convert_element_type3A_72 = arith.extui %eq3A_71 : vector<64x64xi1> to vector<64x64xi32>
    %convert_element_type3A_73 = arith.sitofp %convert_element_type3A_72 : vector<64x64xi32> to vector<64x64xf32>
    %dot_general3A_74 = arith.constant dense<0.000000e+00> : vector<4096x64xf32>
    %dot_general3A_75 = tpu.matmul %select_n3A_59, %convert_element_type3A_73, %dot_general3A_74 {dimension_numbers = #tpu.dot_dimension_numbers<[1], [0], [0], [1], [0, 0, 1, 1], [], []>, transpose_lhs_hint = false} : vector<4096x64xf32>, vector<64x64xf32>, vector<4096x64xf32> -> vector<4096x64xf32>
    %and3A_76 = arith.constant 4 : i32
    %and3A_77 = vector.broadcast %and3A_76 : i32 to vector<1x64xi32>
    %and3A_78 = arith.andi %iota3A, %and3A_77 : vector<1x64xi32>
    %eq3A_79 = arith.constant 0 : i32
    %eq3A_80 = vector.broadcast %eq3A_79 : i32 to vector<1x64xi32>
    %eq3A_81 = arith.cmpi eq, %and3A_78, %eq3A_80 : vector<1x64xi32>
    %eq3A_82 = arith.xori %eq3A_65, %eq3A_81 : vector<1x64xi1>
    %eq3A_83 = arith.constant dense<true> : vector<1x64xi1>
    %eq3A_84 = arith.xori %eq3A_82, %eq3A_83 : vector<1x64xi1>
    %min3A_85 = arith.minimumf %select_n3A_59, %dot_general3A_75 : vector<4096x64xf32>
    %max3A_86 = arith.maximumf %select_n3A_59, %dot_general3A_75 : vector<4096x64xf32>
    %broadcast_in_dim3A_87 = vector.shape_cast %eq3A_84 : vector<1x64xi1> to vector<1x64xi1>
    %broadcast_in_dim3A_88 = vector.broadcast %broadcast_in_dim3A_87 : vector<1x64xi1> to vector<4096x64xi1>
    %select_n3A_89 = arith.select %broadcast_in_dim3A_88, %min3A_85, %max3A_86 : vector<4096x64xi1>, vector<4096x64xf32>
    %and3A_90 = arith.constant 4 : i32
    %and3A_91 = vector.broadcast %and3A_90 : i32 to vector<1x64xi32>
    %and3A_92 = arith.andi %iota3A, %and3A_91 : vector<1x64xi32>
    %eq3A_93 = arith.constant 0 : i32
    %eq3A_94 = vector.broadcast %eq3A_93 : i32 to vector<1x64xi32>
    %eq3A_95 = arith.cmpi eq, %and3A_92, %eq3A_94 : vector<1x64xi32>
    %iota3A_96 = tpu.iota {dimensions = array<i32: 0>} : vector<64x64xi32>
    %iota3A_97 = tpu.iota {dimensions = array<i32: 1>} : vector<64x64xi32>
    %xor3A_98 = arith.constant 4 : i32
    %xor3A_99 = vector.broadcast %xor3A_98 : i32 to vector<64x64xi32>
    %xor3A_100 = arith.xori %iota3A_96, %xor3A_99 : vector<64x64xi32>
    %eq3A_101 = arith.cmpi eq, %xor3A_100, %iota3A_97 : vector<64x64xi32>
    %convert_element_type3A_102 = arith.extui %eq3A_101 : vector<64x64xi1> to vector<64x64xi32>
    %convert_element_type3A_103 = arith.sitofp %convert_element_type3A_102 : vector<64x64xi32> to vector<64x64xf32>
    %dot_general3A_104 = arith.constant dense<0.000000e+00> : vector<4096x64xf32>
    %dot_general3A_105 = tpu.matmul %select_n3A_89, %convert_element_type3A_103, %dot_general3A_104 {dimension_numbers = #tpu.dot_dimension_numbers<[1], [0], [0], [1], [0, 0, 1, 1], [], []>, transpose_lhs_hint = false} : vector<4096x64xf32>, vector<64x64xf32>, vector<4096x64xf32> -> vector<4096x64xf32>
    %and3A_106 = arith.constant 8 : i32
    %and3A_107 = vector.broadcast %and3A_106 : i32 to vector<1x64xi32>
    %and3A_108 = arith.andi %iota3A, %and3A_107 : vector<1x64xi32>
    %eq3A_109 = arith.constant 0 : i32
    %eq3A_110 = vector.broadcast %eq3A_109 : i32 to vector<1x64xi32>
    %eq3A_111 = arith.cmpi eq, %and3A_108, %eq3A_110 : vector<1x64xi32>
    %eq3A_112 = arith.xori %eq3A_95, %eq3A_111 : vector<1x64xi1>
    %eq3A_113 = arith.constant dense<true> : vector<1x64xi1>
    %eq3A_114 = arith.xori %eq3A_112, %eq3A_113 : vector<1x64xi1>
    %min3A_115 = arith.minimumf %select_n3A_89, %dot_general3A_105 : vector<4096x64xf32>
    %max3A_116 = arith.maximumf %select_n3A_89, %dot_general3A_105 : vector<4096x64xf32>
    %broadcast_in_dim3A_117 = vector.shape_cast %eq3A_114 : vector<1x64xi1> to vector<1x64xi1>
    %broadcast_in_dim3A_118 = vector.broadcast %broadcast_in_dim3A_117 : vector<1x64xi1> to vector<4096x64xi1>
    %select_n3A_119 = arith.select %broadcast_in_dim3A_118, %min3A_115, %max3A_116 : vector<4096x64xi1>, vector<4096x64xf32>
    %and3A_120 = arith.constant 2 : i32
    %and3A_121 = vector.broadcast %and3A_120 : i32 to vector<1x64xi32>
    %and3A_122 = arith.andi %iota3A, %and3A_121 : vector<1x64xi32>
    %eq3A_123 = arith.constant 0 : i32
    %eq3A_124 = vector.broadcast %eq3A_123 : i32 to vector<1x64xi32>
    %eq3A_125 = arith.cmpi eq, %and3A_122, %eq3A_124 : vector<1x64xi32>
    %iota3A_126 = tpu.iota {dimensions = array<i32: 0>} : vector<64x64xi32>
    %iota3A_127 = tpu.iota {dimensions = array<i32: 1>} : vector<64x64xi32>
    %xor3A_128 = arith.constant 2 : i32
    %xor3A_129 = vector.broadcast %xor3A_128 : i32 to vector<64x64xi32>
    %xor3A_130 = arith.xori %iota3A_126, %xor3A_129 : vector<64x64xi32>
    %eq3A_131 = arith.cmpi eq, %xor3A_130, %iota3A_127 : vector<64x64xi32>
    %convert_element_type3A_132 = arith.extui %eq3A_131 : vector<64x64xi1> to vector<64x64xi32>
    %convert_element_type3A_133 = arith.sitofp %convert_element_type3A_132 : vector<64x64xi32> to vector<64x64xf32>
    %dot_general3A_134 = arith.constant dense<0.000000e+00> : vector<4096x64xf32>
    %dot_general3A_135 = tpu.matmul %select_n3A_119, %convert_element_type3A_133, %dot_general3A_134 {dimension_numbers = #tpu.dot_dimension_numbers<[1], [0], [0], [1], [0, 0, 1, 1], [], []>, transpose_lhs_hint = false} : vector<4096x64xf32>, vector<64x64xf32>, vector<4096x64xf32> -> vector<4096x64xf32>
    %and3A_136 = arith.constant 8 : i32
    %and3A_137 = vector.broadcast %and3A_136 : i32 to vector<1x64xi32>
    %and3A_138 = arith.andi %iota3A, %and3A_137 : vector<1x64xi32>
    %eq3A_139 = arith.constant 0 : i32
    %eq3A_140 = vector.broadcast %eq3A_139 : i32 to vector<1x64xi32>
    %eq3A_141 = arith.cmpi eq, %and3A_138, %eq3A_140 : vector<1x64xi32>
    %eq3A_142 = arith.xori %eq3A_125, %eq3A_141 : vector<1x64xi1>
    %eq3A_143 = arith.constant dense<true> : vector<1x64xi1>
    %eq3A_144 = arith.xori %eq3A_142, %eq3A_143 : vector<1x64xi1>
    %min3A_145 = arith.minimumf %select_n3A_119, %dot_general3A_135 : vector<4096x64xf32>
    %max3A_146 = arith.maximumf %select_n3A_119, %dot_general3A_135 : vector<4096x64xf32>
    %broadcast_in_dim3A_147 = vector.shape_cast %eq3A_144 : vector<1x64xi1> to vector<1x64xi1>
    %broadcast_in_dim3A_148 = vector.broadcast %broadcast_in_dim3A_147 : vector<1x64xi1> to vector<4096x64xi1>
    %select_n3A_149 = arith.select %broadcast_in_dim3A_148, %min3A_145, %max3A_146 : vector<4096x64xi1>, vector<4096x64xf32>
    %and3A_150 = arith.constant 1 : i32
    %and3A_151 = vector.broadcast %and3A_150 : i32 to vector<1x64xi32>
    %and3A_152 = arith.andi %iota3A, %and3A_151 : vector<1x64xi32>
    %eq3A_153 = arith.constant 0 : i32
    %eq3A_154 = vector.broadcast %eq3A_153 : i32 to vector<1x64xi32>
    %eq3A_155 = arith.cmpi eq, %and3A_152, %eq3A_154 : vector<1x64xi32>
    %iota3A_156 = tpu.iota {dimensions = array<i32: 0>} : vector<64x64xi32>
    %iota3A_157 = tpu.iota {dimensions = array<i32: 1>} : vector<64x64xi32>
    %xor3A_158 = arith.constant 1 : i32
    %xor3A_159 = vector.broadcast %xor3A_158 : i32 to vector<64x64xi32>
    %xor3A_160 = arith.xori %iota3A_156, %xor3A_159 : vector<64x64xi32>
    %eq3A_161 = arith.cmpi eq, %xor3A_160, %iota3A_157 : vector<64x64xi32>
    %convert_element_type3A_162 = arith.extui %eq3A_161 : vector<64x64xi1> to vector<64x64xi32>
    %convert_element_type3A_163 = arith.sitofp %convert_element_type3A_162 : vector<64x64xi32> to vector<64x64xf32>
    %dot_general3A_164 = arith.constant dense<0.000000e+00> : vector<4096x64xf32>
    %dot_general3A_165 = tpu.matmul %select_n3A_149, %convert_element_type3A_163, %dot_general3A_164 {dimension_numbers = #tpu.dot_dimension_numbers<[1], [0], [0], [1], [0, 0, 1, 1], [], []>, transpose_lhs_hint = false} : vector<4096x64xf32>, vector<64x64xf32>, vector<4096x64xf32> -> vector<4096x64xf32>
    %and3A_166 = arith.constant 8 : i32
    %and3A_167 = vector.broadcast %and3A_166 : i32 to vector<1x64xi32>
    %and3A_168 = arith.andi %iota3A, %and3A_167 : vector<1x64xi32>
    %eq3A_169 = arith.constant 0 : i32
    %eq3A_170 = vector.broadcast %eq3A_169 : i32 to vector<1x64xi32>
    %eq3A_171 = arith.cmpi eq, %and3A_168, %eq3A_170 : vector<1x64xi32>
    %eq3A_172 = arith.xori %eq3A_155, %eq3A_171 : vector<1x64xi1>
    %eq3A_173 = arith.constant dense<true> : vector<1x64xi1>
    %eq3A_174 = arith.xori %eq3A_172, %eq3A_173 : vector<1x64xi1>
    %min3A_175 = arith.minimumf %select_n3A_149, %dot_general3A_165 : vector<4096x64xf32>
    %max3A_176 = arith.maximumf %select_n3A_149, %dot_general3A_165 : vector<4096x64xf32>
    %broadcast_in_dim3A_177 = vector.shape_cast %eq3A_174 : vector<1x64xi1> to vector<1x64xi1>
    %broadcast_in_dim3A_178 = vector.broadcast %broadcast_in_dim3A_177 : vector<1x64xi1> to vector<4096x64xi1>
    %select_n3A_179 = arith.select %broadcast_in_dim3A_178, %min3A_175, %max3A_176 : vector<4096x64xi1>, vector<4096x64xf32>
    %and3A_180 = arith.constant 8 : i32
    %and3A_181 = vector.broadcast %and3A_180 : i32 to vector<1x64xi32>
    %and3A_182 = arith.andi %iota3A, %and3A_181 : vector<1x64xi32>
    %eq3A_183 = arith.constant 0 : i32
    %eq3A_184 = vector.broadcast %eq3A_183 : i32 to vector<1x64xi32>
    %eq3A_185 = arith.cmpi eq, %and3A_182, %eq3A_184 : vector<1x64xi32>
    %iota3A_186 = tpu.iota {dimensions = array<i32: 0>} : vector<64x64xi32>
    %iota3A_187 = tpu.iota {dimensions = array<i32: 1>} : vector<64x64xi32>
    %xor3A_188 = arith.constant 8 : i32
    %xor3A_189 = vector.broadcast %xor3A_188 : i32 to vector<64x64xi32>
    %xor3A_190 = arith.xori %iota3A_186, %xor3A_189 : vector<64x64xi32>
    %eq3A_191 = arith.cmpi eq, %xor3A_190, %iota3A_187 : vector<64x64xi32>
    %convert_element_type3A_192 = arith.extui %eq3A_191 : vector<64x64xi1> to vector<64x64xi32>
    %convert_element_type3A_193 = arith.sitofp %convert_element_type3A_192 : vector<64x64xi32> to vector<64x64xf32>
    %dot_general3A_194 = arith.constant dense<0.000000e+00> : vector<4096x64xf32>
    %dot_general3A_195 = tpu.matmul %select_n3A_179, %convert_element_type3A_193, %dot_general3A_194 {dimension_numbers = #tpu.dot_dimension_numbers<[1], [0], [0], [1], [0, 0, 1, 1], [], []>, transpose_lhs_hint = false} : vector<4096x64xf32>, vector<64x64xf32>, vector<4096x64xf32> -> vector<4096x64xf32>
    %and3A_196 = arith.constant 16 : i32
    %and3A_197 = vector.broadcast %and3A_196 : i32 to vector<1x64xi32>
    %and3A_198 = arith.andi %iota3A, %and3A_197 : vector<1x64xi32>
    %eq3A_199 = arith.constant 0 : i32
    %eq3A_200 = vector.broadcast %eq3A_199 : i32 to vector<1x64xi32>
    %eq3A_201 = arith.cmpi eq, %and3A_198, %eq3A_200 : vector<1x64xi32>
    %eq3A_202 = arith.xori %eq3A_185, %eq3A_201 : vector<1x64xi1>
    %eq3A_203 = arith.constant dense<true> : vector<1x64xi1>
    %eq3A_204 = arith.xori %eq3A_202, %eq3A_203 : vector<1x64xi1>
    %min3A_205 = arith.minimumf %select_n3A_179, %dot_general3A_195 : vector<4096x64xf32>
    %max3A_206 = arith.maximumf %select_n3A_179, %dot_general3A_195 : vector<4096x64xf32>
    %broadcast_in_dim3A_207 = vector.shape_cast %eq3A_204 : vector<1x64xi1> to vector<1x64xi1>
    %broadcast_in_dim3A_208 = vector.broadcast %broadcast_in_dim3A_207 : vector<1x64xi1> to vector<4096x64xi1>
    %select_n3A_209 = arith.select %broadcast_in_dim3A_208, %min3A_205, %max3A_206 : vector<4096x64xi1>, vector<4096x64xf32>
    %and3A_210 = arith.constant 4 : i32
    %and3A_211 = vector.broadcast %and3A_210 : i32 to vector<1x64xi32>
    %and3A_212 = arith.andi %iota3A, %and3A_211 : vector<1x64xi32>
    %eq3A_213 = arith.constant 0 : i32
    %eq3A_214 = vector.broadcast %eq3A_213 : i32 to vector<1x64xi32>
    %eq3A_215 = arith.cmpi eq, %and3A_212, %eq3A_214 : vector<1x64xi32>
    %iota3A_216 = tpu.iota {dimensions = array<i32: 0>} : vector<64x64xi32>
    %iota3A_217 = tpu.iota {dimensions = array<i32: 1>} : vector<64x64xi32>
    %xor3A_218 = arith.constant 4 : i32
    %xor3A_219 = vector.broadcast %xor3A_218 : i32 to vector<64x64xi32>
    %xor3A_220 = arith.xori %iota3A_216, %xor3A_219 : vector<64x64xi32>
    %eq3A_221 = arith.cmpi eq, %xor3A_220, %iota3A_217 : vector<64x64xi32>
    %convert_element_type3A_222 = arith.extui %eq3A_221 : vector<64x64xi1> to vector<64x64xi32>
    %convert_element_type3A_223 = arith.sitofp %convert_element_type3A_222 : vector<64x64xi32> to vector<64x64xf32>
    %dot_general3A_224 = arith.constant dense<0.000000e+00> : vector<4096x64xf32>
    %dot_general3A_225 = tpu.matmul %select_n3A_209, %convert_element_type3A_223, %dot_general3A_224 {dimension_numbers = #tpu.dot_dimension_numbers<[1], [0], [0], [1], [0, 0, 1, 1], [], []>, transpose_lhs_hint = false} : vector<4096x64xf32>, vector<64x64xf32>, vector<4096x64xf32> -> vector<4096x64xf32>
    %and3A_226 = arith.constant 16 : i32
    %and3A_227 = vector.broadcast %and3A_226 : i32 to vector<1x64xi32>
    %and3A_228 = arith.andi %iota3A, %and3A_227 : vector<1x64xi32>
    %eq3A_229 = arith.constant 0 : i32
    %eq3A_230 = vector.broadcast %eq3A_229 : i32 to vector<1x64xi32>
    %eq3A_231 = arith.cmpi eq, %and3A_228, %eq3A_230 : vector<1x64xi32>
    %eq3A_232 = arith.xori %eq3A_215, %eq3A_231 : vector<1x64xi1>
    %eq3A_233 = arith.constant dense<true> : vector<1x64xi1>
    %eq3A_234 = arith.xori %eq3A_232, %eq3A_233 : vector<1x64xi1>
    %min3A_235 = arith.minimumf %select_n3A_209, %dot_general3A_225 : vector<4096x64xf32>
    %max3A_236 = arith.maximumf %select_n3A_209, %dot_general3A_225 : vector<4096x64xf32>
    %broadcast_in_dim3A_237 = vector.shape_cast %eq3A_234 : vector<1x64xi1> to vector<1x64xi1>
    %broadcast_in_dim3A_238 = vector.broadcast %broadcast_in_dim3A_237 : vector<1x64xi1> to vector<4096x64xi1>
    %select_n3A_239 = arith.select %broadcast_in_dim3A_238, %min3A_235, %max3A_236 : vector<4096x64xi1>, vector<4096x64xf32>
    %and3A_240 = arith.constant 2 : i32
    %and3A_241 = vector.broadcast %and3A_240 : i32 to vector<1x64xi32>
    %and3A_242 = arith.andi %iota3A, %and3A_241 : vector<1x64xi32>
    %eq3A_243 = arith.constant 0 : i32
    %eq3A_244 = vector.broadcast %eq3A_243 : i32 to vector<1x64xi32>
    %eq3A_245 = arith.cmpi eq, %and3A_242, %eq3A_244 : vector<1x64xi32>
    %iota3A_246 = tpu.iota {dimensions = array<i32: 0>} : vector<64x64xi32>
    %iota3A_247 = tpu.iota {dimensions = array<i32: 1>} : vector<64x64xi32>
    %xor3A_248 = arith.constant 2 : i32
    %xor3A_249 = vector.broadcast %xor3A_248 : i32 to vector<64x64xi32>
    %xor3A_250 = arith.xori %iota3A_246, %xor3A_249 : vector<64x64xi32>
    %eq3A_251 = arith.cmpi eq, %xor3A_250, %iota3A_247 : vector<64x64xi32>
    %convert_element_type3A_252 = arith.extui %eq3A_251 : vector<64x64xi1> to vector<64x64xi32>
    %convert_element_type3A_253 = arith.sitofp %convert_element_type3A_252 : vector<64x64xi32> to vector<64x64xf32>
    %dot_general3A_254 = arith.constant dense<0.000000e+00> : vector<4096x64xf32>
    %dot_general3A_255 = tpu.matmul %select_n3A_239, %convert_element_type3A_253, %dot_general3A_254 {dimension_numbers = #tpu.dot_dimension_numbers<[1], [0], [0], [1], [0, 0, 1, 1], [], []>, transpose_lhs_hint = false} : vector<4096x64xf32>, vector<64x64xf32>, vector<4096x64xf32> -> vector<4096x64xf32>
    %and3A_256 = arith.constant 16 : i32
    %and3A_257 = vector.broadcast %and3A_256 : i32 to vector<1x64xi32>
    %and3A_258 = arith.andi %iota3A, %and3A_257 : vector<1x64xi32>
    %eq3A_259 = arith.constant 0 : i32
    %eq3A_260 = vector.broadcast %eq3A_259 : i32 to vector<1x64xi32>
    %eq3A_261 = arith.cmpi eq, %and3A_258, %eq3A_260 : vector<1x64xi32>
    %eq3A_262 = arith.xori %eq3A_245, %eq3A_261 : vector<1x64xi1>
    %eq3A_263 = arith.constant dense<true> : vector<1x64xi1>
    %eq3A_264 = arith.xori %eq3A_262, %eq3A_263 : vector<1x64xi1>
    %min3A_265 = arith.minimumf %select_n3A_239, %dot_general3A_255 : vector<4096x64xf32>
    %max3A_266 = arith.maximumf %select_n3A_239, %dot_general3A_255 : vector<4096x64xf32>
    %broadcast_in_dim3A_267 = vector.shape_cast %eq3A_264 : vector<1x64xi1> to vector<1x64xi1>
    %broadcast_in_dim3A_268 = vector.broadcast %broadcast_in_dim3A_267 : vector<1x64xi1> to vector<4096x64xi1>
    %select_n3A_269 = arith.select %broadcast_in_dim3A_268, %min3A_265, %max3A_266 : vector<4096x64xi1>, vector<4096x64xf32>
    %and3A_270 = arith.constant 1 : i32
    %and3A_271 = vector.broadcast %and3A_270 : i32 to vector<1x64xi32>
    %and3A_272 = arith.andi %iota3A, %and3A_271 : vector<1x64xi32>
    %eq3A_273 = arith.constant 0 : i32
    %eq3A_274 = vector.broadcast %eq3A_273 : i32 to vector<1x64xi32>
    %eq3A_275 = arith.cmpi eq, %and3A_272, %eq3A_274 : vector<1x64xi32>
    %iota3A_276 = tpu.iota {dimensions = array<i32: 0>} : vector<64x64xi32>
    %iota3A_277 = tpu.iota {dimensions = array<i32: 1>} : vector<64x64xi32>
    %xor3A_278 = arith.constant 1 : i32
    %xor3A_279 = vector.broadcast %xor3A_278 : i32 to vector<64x64xi32>
    %xor3A_280 = arith.xori %iota3A_276, %xor3A_279 : vector<64x64xi32>
    %eq3A_281 = arith.cmpi eq, %xor3A_280, %iota3A_277 : vector<64x64xi32>
    %convert_element_type3A_282 = arith.extui %eq3A_281 : vector<64x64xi1> to vector<64x64xi32>
    %convert_element_type3A_283 = arith.sitofp %convert_element_type3A_282 : vector<64x64xi32> to vector<64x64xf32>
    %dot_general3A_284 = arith.constant dense<0.000000e+00> : vector<4096x64xf32>
    %dot_general3A_285 = tpu.matmul %select_n3A_269, %convert_element_type3A_283, %dot_general3A_284 {dimension_numbers = #tpu.dot_dimension_numbers<[1], [0], [0], [1], [0, 0, 1, 1], [], []>, transpose_lhs_hint = false} : vector<4096x64xf32>, vector<64x64xf32>, vector<4096x64xf32> -> vector<4096x64xf32>
    %and3A_286 = arith.constant 16 : i32
    %and3A_287 = vector.broadcast %and3A_286 : i32 to vector<1x64xi32>
    %and3A_288 = arith.andi %iota3A, %and3A_287 : vector<1x64xi32>
    %eq3A_289 = arith.constant 0 : i32
    %eq3A_290 = vector.broadcast %eq3A_289 : i32 to vector<1x64xi32>
    %eq3A_291 = arith.cmpi eq, %and3A_288, %eq3A_290 : vector<1x64xi32>
    %eq3A_292 = arith.xori %eq3A_275, %eq3A_291 : vector<1x64xi1>
    %eq3A_293 = arith.constant dense<true> : vector<1x64xi1>
    %eq3A_294 = arith.xori %eq3A_292, %eq3A_293 : vector<1x64xi1>
    %min3A_295 = arith.minimumf %select_n3A_269, %dot_general3A_285 : vector<4096x64xf32>
    %max3A_296 = arith.maximumf %select_n3A_269, %dot_general3A_285 : vector<4096x64xf32>
    %broadcast_in_dim3A_297 = vector.shape_cast %eq3A_294 : vector<1x64xi1> to vector<1x64xi1>
    %broadcast_in_dim3A_298 = vector.broadcast %broadcast_in_dim3A_297 : vector<1x64xi1> to vector<4096x64xi1>
    %select_n3A_299 = arith.select %broadcast_in_dim3A_298, %min3A_295, %max3A_296 : vector<4096x64xi1>, vector<4096x64xf32>
    %and3A_300 = arith.constant 16 : i32
    %and3A_301 = vector.broadcast %and3A_300 : i32 to vector<1x64xi32>
    %and3A_302 = arith.andi %iota3A, %and3A_301 : vector<1x64xi32>
    %eq3A_303 = arith.constant 0 : i32
    %eq3A_304 = vector.broadcast %eq3A_303 : i32 to vector<1x64xi32>
    %eq3A_305 = arith.cmpi eq, %and3A_302, %eq3A_304 : vector<1x64xi32>
    %iota3A_306 = tpu.iota {dimensions = array<i32: 0>} : vector<64x64xi32>
    %iota3A_307 = tpu.iota {dimensions = array<i32: 1>} : vector<64x64xi32>
    %xor3A_308 = arith.constant 16 : i32
    %xor3A_309 = vector.broadcast %xor3A_308 : i32 to vector<64x64xi32>
    %xor3A_310 = arith.xori %iota3A_306, %xor3A_309 : vector<64x64xi32>
    %eq3A_311 = arith.cmpi eq, %xor3A_310, %iota3A_307 : vector<64x64xi32>
    %convert_element_type3A_312 = arith.extui %eq3A_311 : vector<64x64xi1> to vector<64x64xi32>
    %convert_element_type3A_313 = arith.sitofp %convert_element_type3A_312 : vector<64x64xi32> to vector<64x64xf32>
    %dot_general3A_314 = arith.constant dense<0.000000e+00> : vector<4096x64xf32>
    %dot_general3A_315 = tpu.matmul %select_n3A_299, %convert_element_type3A_313, %dot_general3A_314 {dimension_numbers = #tpu.dot_dimension_numbers<[1], [0], [0], [1], [0, 0, 1, 1], [], []>, transpose_lhs_hint = false} : vector<4096x64xf32>, vector<64x64xf32>, vector<4096x64xf32> -> vector<4096x64xf32>
    %and3A_316 = arith.constant 32 : i32
    %and3A_317 = vector.broadcast %and3A_316 : i32 to vector<1x64xi32>
    %and3A_318 = arith.andi %iota3A, %and3A_317 : vector<1x64xi32>
    %eq3A_319 = arith.constant 0 : i32
    %eq3A_320 = vector.broadcast %eq3A_319 : i32 to vector<1x64xi32>
    %eq3A_321 = arith.cmpi eq, %and3A_318, %eq3A_320 : vector<1x64xi32>
    %eq3A_322 = arith.xori %eq3A_305, %eq3A_321 : vector<1x64xi1>
    %eq3A_323 = arith.constant dense<true> : vector<1x64xi1>
    %eq3A_324 = arith.xori %eq3A_322, %eq3A_323 : vector<1x64xi1>
    %min3A_325 = arith.minimumf %select_n3A_299, %dot_general3A_315 : vector<4096x64xf32>
    %max3A_326 = arith.maximumf %select_n3A_299, %dot_general3A_315 : vector<4096x64xf32>
    %broadcast_in_dim3A_327 = vector.shape_cast %eq3A_324 : vector<1x64xi1> to vector<1x64xi1>
    %broadcast_in_dim3A_328 = vector.broadcast %broadcast_in_dim3A_327 : vector<1x64xi1> to vector<4096x64xi1>
    %select_n3A_329 = arith.select %broadcast_in_dim3A_328, %min3A_325, %max3A_326 : vector<4096x64xi1>, vector<4096x64xf32>
    %and3A_330 = arith.constant 8 : i32
    %and3A_331 = vector.broadcast %and3A_330 : i32 to vector<1x64xi32>
    %and3A_332 = arith.andi %iota3A, %and3A_331 : vector<1x64xi32>
    %eq3A_333 = arith.constant 0 : i32
    %eq3A_334 = vector.broadcast %eq3A_333 : i32 to vector<1x64xi32>
    %eq3A_335 = arith.cmpi eq, %and3A_332, %eq3A_334 : vector<1x64xi32>
    %iota3A_336 = tpu.iota {dimensions = array<i32: 0>} : vector<64x64xi32>
    %iota3A_337 = tpu.iota {dimensions = array<i32: 1>} : vector<64x64xi32>
    %xor3A_338 = arith.constant 8 : i32
    %xor3A_339 = vector.broadcast %xor3A_338 : i32 to vector<64x64xi32>
    %xor3A_340 = arith.xori %iota3A_336, %xor3A_339 : vector<64x64xi32>
    %eq3A_341 = arith.cmpi eq, %xor3A_340, %iota3A_337 : vector<64x64xi32>
    %convert_element_type3A_342 = arith.extui %eq3A_341 : vector<64x64xi1> to vector<64x64xi32>
    %convert_element_type3A_343 = arith.sitofp %convert_element_type3A_342 : vector<64x64xi32> to vector<64x64xf32>
    %dot_general3A_344 = arith.constant dense<0.000000e+00> : vector<4096x64xf32>
    %dot_general3A_345 = tpu.matmul %select_n3A_329, %convert_element_type3A_343, %dot_general3A_344 {dimension_numbers = #tpu.dot_dimension_numbers<[1], [0], [0], [1], [0, 0, 1, 1], [], []>, transpose_lhs_hint = false} : vector<4096x64xf32>, vector<64x64xf32>, vector<4096x64xf32> -> vector<4096x64xf32>
    %and3A_346 = arith.constant 32 : i32
    %and3A_347 = vector.broadcast %and3A_346 : i32 to vector<1x64xi32>
    %and3A_348 = arith.andi %iota3A, %and3A_347 : vector<1x64xi32>
    %eq3A_349 = arith.constant 0 : i32
    %eq3A_350 = vector.broadcast %eq3A_349 : i32 to vector<1x64xi32>
    %eq3A_351 = arith.cmpi eq, %and3A_348, %eq3A_350 : vector<1x64xi32>
    %eq3A_352 = arith.xori %eq3A_335, %eq3A_351 : vector<1x64xi1>
    %eq3A_353 = arith.constant dense<true> : vector<1x64xi1>
    %eq3A_354 = arith.xori %eq3A_352, %eq3A_353 : vector<1x64xi1>
    %min3A_355 = arith.minimumf %select_n3A_329, %dot_general3A_345 : vector<4096x64xf32>
    %max3A_356 = arith.maximumf %select_n3A_329, %dot_general3A_345 : vector<4096x64xf32>
    %broadcast_in_dim3A_357 = vector.shape_cast %eq3A_354 : vector<1x64xi1> to vector<1x64xi1>
    %broadcast_in_dim3A_358 = vector.broadcast %broadcast_in_dim3A_357 : vector<1x64xi1> to vector<4096x64xi1>
    %select_n3A_359 = arith.select %broadcast_in_dim3A_358, %min3A_355, %max3A_356 : vector<4096x64xi1>, vector<4096x64xf32>
    %and3A_360 = arith.constant 4 : i32
    %and3A_361 = vector.broadcast %and3A_360 : i32 to vector<1x64xi32>
    %and3A_362 = arith.andi %iota3A, %and3A_361 : vector<1x64xi32>
    %eq3A_363 = arith.constant 0 : i32
    %eq3A_364 = vector.broadcast %eq3A_363 : i32 to vector<1x64xi32>
    %eq3A_365 = arith.cmpi eq, %and3A_362, %eq3A_364 : vector<1x64xi32>
    %iota3A_366 = tpu.iota {dimensions = array<i32: 0>} : vector<64x64xi32>
    %iota3A_367 = tpu.iota {dimensions = array<i32: 1>} : vector<64x64xi32>
    %xor3A_368 = arith.constant 4 : i32
    %xor3A_369 = vector.broadcast %xor3A_368 : i32 to vector<64x64xi32>
    %xor3A_370 = arith.xori %iota3A_366, %xor3A_369 : vector<64x64xi32>
    %eq3A_371 = arith.cmpi eq, %xor3A_370, %iota3A_367 : vector<64x64xi32>
    %convert_element_type3A_372 = arith.extui %eq3A_371 : vector<64x64xi1> to vector<64x64xi32>
    %convert_element_type3A_373 = arith.sitofp %convert_element_type3A_372 : vector<64x64xi32> to vector<64x64xf32>
    %dot_general3A_374 = arith.constant dense<0.000000e+00> : vector<4096x64xf32>
    %dot_general3A_375 = tpu.matmul %select_n3A_359, %convert_element_type3A_373, %dot_general3A_374 {dimension_numbers = #tpu.dot_dimension_numbers<[1], [0], [0], [1], [0, 0, 1, 1], [], []>, transpose_lhs_hint = false} : vector<4096x64xf32>, vector<64x64xf32>, vector<4096x64xf32> -> vector<4096x64xf32>
    %and3A_376 = arith.constant 32 : i32
    %and3A_377 = vector.broadcast %and3A_376 : i32 to vector<1x64xi32>
    %and3A_378 = arith.andi %iota3A, %and3A_377 : vector<1x64xi32>
    %eq3A_379 = arith.constant 0 : i32
    %eq3A_380 = vector.broadcast %eq3A_379 : i32 to vector<1x64xi32>
    %eq3A_381 = arith.cmpi eq, %and3A_378, %eq3A_380 : vector<1x64xi32>
    %eq3A_382 = arith.xori %eq3A_365, %eq3A_381 : vector<1x64xi1>
    %eq3A_383 = arith.constant dense<true> : vector<1x64xi1>
    %eq3A_384 = arith.xori %eq3A_382, %eq3A_383 : vector<1x64xi1>
    %min3A_385 = arith.minimumf %select_n3A_359, %dot_general3A_375 : vector<4096x64xf32>
    %max3A_386 = arith.maximumf %select_n3A_359, %dot_general3A_375 : vector<4096x64xf32>
    %broadcast_in_dim3A_387 = vector.shape_cast %eq3A_384 : vector<1x64xi1> to vector<1x64xi1>
    %broadcast_in_dim3A_388 = vector.broadcast %broadcast_in_dim3A_387 : vector<1x64xi1> to vector<4096x64xi1>
    %select_n3A_389 = arith.select %broadcast_in_dim3A_388, %min3A_385, %max3A_386 : vector<4096x64xi1>, vector<4096x64xf32>
    %and3A_390 = arith.constant 2 : i32
    %and3A_391 = vector.broadcast %and3A_390 : i32 to vector<1x64xi32>
    %and3A_392 = arith.andi %iota3A, %and3A_391 : vector<1x64xi32>
    %eq3A_393 = arith.constant 0 : i32
    %eq3A_394 = vector.broadcast %eq3A_393 : i32 to vector<1x64xi32>
    %eq3A_395 = arith.cmpi eq, %and3A_392, %eq3A_394 : vector<1x64xi32>
    %iota3A_396 = tpu.iota {dimensions = array<i32: 0>} : vector<64x64xi32>
    %iota3A_397 = tpu.iota {dimensions = array<i32: 1>} : vector<64x64xi32>
    %xor3A_398 = arith.constant 2 : i32
    %xor3A_399 = vector.broadcast %xor3A_398 : i32 to vector<64x64xi32>
    %xor3A_400 = arith.xori %iota3A_396, %xor3A_399 : vector<64x64xi32>
    %eq3A_401 = arith.cmpi eq, %xor3A_400, %iota3A_397 : vector<64x64xi32>
    %convert_element_type3A_402 = arith.extui %eq3A_401 : vector<64x64xi1> to vector<64x64xi32>
    %convert_element_type3A_403 = arith.sitofp %convert_element_type3A_402 : vector<64x64xi32> to vector<64x64xf32>
    %dot_general3A_404 = arith.constant dense<0.000000e+00> : vector<4096x64xf32>
    %dot_general3A_405 = tpu.matmul %select_n3A_389, %convert_element_type3A_403, %dot_general3A_404 {dimension_numbers = #tpu.dot_dimension_numbers<[1], [0], [0], [1], [0, 0, 1, 1], [], []>, transpose_lhs_hint = false} : vector<4096x64xf32>, vector<64x64xf32>, vector<4096x64xf32> -> vector<4096x64xf32>
    %and3A_406 = arith.constant 32 : i32
    %and3A_407 = vector.broadcast %and3A_406 : i32 to vector<1x64xi32>
    %and3A_408 = arith.andi %iota3A, %and3A_407 : vector<1x64xi32>
    %eq3A_409 = arith.constant 0 : i32
    %eq3A_410 = vector.broadcast %eq3A_409 : i32 to vector<1x64xi32>
    %eq3A_411 = arith.cmpi eq, %and3A_408, %eq3A_410 : vector<1x64xi32>
    %eq3A_412 = arith.xori %eq3A_395, %eq3A_411 : vector<1x64xi1>
    %eq3A_413 = arith.constant dense<true> : vector<1x64xi1>
    %eq3A_414 = arith.xori %eq3A_412, %eq3A_413 : vector<1x64xi1>
    %min3A_415 = arith.minimumf %select_n3A_389, %dot_general3A_405 : vector<4096x64xf32>
    %max3A_416 = arith.maximumf %select_n3A_389, %dot_general3A_405 : vector<4096x64xf32>
    %broadcast_in_dim3A_417 = vector.shape_cast %eq3A_414 : vector<1x64xi1> to vector<1x64xi1>
    %broadcast_in_dim3A_418 = vector.broadcast %broadcast_in_dim3A_417 : vector<1x64xi1> to vector<4096x64xi1>
    %select_n3A_419 = arith.select %broadcast_in_dim3A_418, %min3A_415, %max3A_416 : vector<4096x64xi1>, vector<4096x64xf32>
    %and3A_420 = arith.constant 1 : i32
    %and3A_421 = vector.broadcast %and3A_420 : i32 to vector<1x64xi32>
    %and3A_422 = arith.andi %iota3A, %and3A_421 : vector<1x64xi32>
    %eq3A_423 = arith.constant 0 : i32
    %eq3A_424 = vector.broadcast %eq3A_423 : i32 to vector<1x64xi32>
    %eq3A_425 = arith.cmpi eq, %and3A_422, %eq3A_424 : vector<1x64xi32>
    %iota3A_426 = tpu.iota {dimensions = array<i32: 0>} : vector<64x64xi32>
    %iota3A_427 = tpu.iota {dimensions = array<i32: 1>} : vector<64x64xi32>
    %xor3A_428 = arith.constant 1 : i32
    %xor3A_429 = vector.broadcast %xor3A_428 : i32 to vector<64x64xi32>
    %xor3A_430 = arith.xori %iota3A_426, %xor3A_429 : vector<64x64xi32>
    %eq3A_431 = arith.cmpi eq, %xor3A_430, %iota3A_427 : vector<64x64xi32>
    %convert_element_type3A_432 = arith.extui %eq3A_431 : vector<64x64xi1> to vector<64x64xi32>
    %convert_element_type3A_433 = arith.sitofp %convert_element_type3A_432 : vector<64x64xi32> to vector<64x64xf32>
    %dot_general3A_434 = arith.constant dense<0.000000e+00> : vector<4096x64xf32>
    %dot_general3A_435 = tpu.matmul %select_n3A_419, %convert_element_type3A_433, %dot_general3A_434 {dimension_numbers = #tpu.dot_dimension_numbers<[1], [0], [0], [1], [0, 0, 1, 1], [], []>, transpose_lhs_hint = false} : vector<4096x64xf32>, vector<64x64xf32>, vector<4096x64xf32> -> vector<4096x64xf32>
    %and3A_436 = arith.constant 32 : i32
    %and3A_437 = vector.broadcast %and3A_436 : i32 to vector<1x64xi32>
    %and3A_438 = arith.andi %iota3A, %and3A_437 : vector<1x64xi32>
    %eq3A_439 = arith.constant 0 : i32
    %eq3A_440 = vector.broadcast %eq3A_439 : i32 to vector<1x64xi32>
    %eq3A_441 = arith.cmpi eq, %and3A_438, %eq3A_440 : vector<1x64xi32>
    %eq3A_442 = arith.xori %eq3A_425, %eq3A_441 : vector<1x64xi1>
    %eq3A_443 = arith.constant dense<true> : vector<1x64xi1>
    %eq3A_444 = arith.xori %eq3A_442, %eq3A_443 : vector<1x64xi1>
    %min3A_445 = arith.minimumf %select_n3A_419, %dot_general3A_435 : vector<4096x64xf32>
    %max3A_446 = arith.maximumf %select_n3A_419, %dot_general3A_435 : vector<4096x64xf32>
    %broadcast_in_dim3A_447 = vector.shape_cast %eq3A_444 : vector<1x64xi1> to vector<1x64xi1>
    %broadcast_in_dim3A_448 = vector.broadcast %broadcast_in_dim3A_447 : vector<1x64xi1> to vector<4096x64xi1>
    %select_n3A_449 = arith.select %broadcast_in_dim3A_448, %min3A_445, %max3A_446 : vector<4096x64xi1>, vector<4096x64xf32>
    %and3A_450 = arith.constant 32 : i32
    %and3A_451 = vector.broadcast %and3A_450 : i32 to vector<1x64xi32>
    %and3A_452 = arith.andi %iota3A, %and3A_451 : vector<1x64xi32>
    %eq3A_453 = arith.constant 0 : i32
    %eq3A_454 = vector.broadcast %eq3A_453 : i32 to vector<1x64xi32>
    %eq3A_455 = arith.cmpi eq, %and3A_452, %eq3A_454 : vector<1x64xi32>
    %iota3A_456 = tpu.iota {dimensions = array<i32: 0>} : vector<64x64xi32>
    %iota3A_457 = tpu.iota {dimensions = array<i32: 1>} : vector<64x64xi32>
    %xor3A_458 = arith.constant 32 : i32
    %xor3A_459 = vector.broadcast %xor3A_458 : i32 to vector<64x64xi32>
    %xor3A_460 = arith.xori %iota3A_456, %xor3A_459 : vector<64x64xi32>
    %eq3A_461 = arith.cmpi eq, %xor3A_460, %iota3A_457 : vector<64x64xi32>
    %convert_element_type3A_462 = arith.extui %eq3A_461 : vector<64x64xi1> to vector<64x64xi32>
    %convert_element_type3A_463 = arith.sitofp %convert_element_type3A_462 : vector<64x64xi32> to vector<64x64xf32>
    %dot_general3A_464 = arith.constant dense<0.000000e+00> : vector<4096x64xf32>
    %dot_general3A_465 = tpu.matmul %select_n3A_449, %convert_element_type3A_463, %dot_general3A_464 {dimension_numbers = #tpu.dot_dimension_numbers<[1], [0], [0], [1], [0, 0, 1, 1], [], []>, transpose_lhs_hint = false} : vector<4096x64xf32>, vector<64x64xf32>, vector<4096x64xf32> -> vector<4096x64xf32>
    %and3A_466 = arith.constant 64 : i32
    %and3A_467 = vector.broadcast %and3A_466 : i32 to vector<1x64xi32>
    %and3A_468 = arith.andi %iota3A, %and3A_467 : vector<1x64xi32>
    %eq3A_469 = arith.constant 0 : i32
    %eq3A_470 = vector.broadcast %eq3A_469 : i32 to vector<1x64xi32>
    %eq3A_471 = arith.cmpi eq, %and3A_468, %eq3A_470 : vector<1x64xi32>
    %eq3A_472 = arith.xori %eq3A_455, %eq3A_471 : vector<1x64xi1>
    %eq3A_473 = arith.constant dense<true> : vector<1x64xi1>
    %eq3A_474 = arith.xori %eq3A_472, %eq3A_473 : vector<1x64xi1>
    %min3A_475 = arith.minimumf %select_n3A_449, %dot_general3A_465 : vector<4096x64xf32>
    %max3A_476 = arith.maximumf %select_n3A_449, %dot_general3A_465 : vector<4096x64xf32>
    %broadcast_in_dim3A_477 = vector.shape_cast %eq3A_474 : vector<1x64xi1> to vector<1x64xi1>
    %broadcast_in_dim3A_478 = vector.broadcast %broadcast_in_dim3A_477 : vector<1x64xi1> to vector<4096x64xi1>
    %select_n3A_479 = arith.select %broadcast_in_dim3A_478, %min3A_475, %max3A_476 : vector<4096x64xi1>, vector<4096x64xf32>
    %and3A_480 = arith.constant 16 : i32
    %and3A_481 = vector.broadcast %and3A_480 : i32 to vector<1x64xi32>
    %and3A_482 = arith.andi %iota3A, %and3A_481 : vector<1x64xi32>
    %eq3A_483 = arith.constant 0 : i32
    %eq3A_484 = vector.broadcast %eq3A_483 : i32 to vector<1x64xi32>
    %eq3A_485 = arith.cmpi eq, %and3A_482, %eq3A_484 : vector<1x64xi32>
    %iota3A_486 = tpu.iota {dimensions = array<i32: 0>} : vector<64x64xi32>
    %iota3A_487 = tpu.iota {dimensions = array<i32: 1>} : vector<64x64xi32>
    %xor3A_488 = arith.constant 16 : i32
    %xor3A_489 = vector.broadcast %xor3A_488 : i32 to vector<64x64xi32>
    %xor3A_490 = arith.xori %iota3A_486, %xor3A_489 : vector<64x64xi32>
    %eq3A_491 = arith.cmpi eq, %xor3A_490, %iota3A_487 : vector<64x64xi32>
    %convert_element_type3A_492 = arith.extui %eq3A_491 : vector<64x64xi1> to vector<64x64xi32>
    %convert_element_type3A_493 = arith.sitofp %convert_element_type3A_492 : vector<64x64xi32> to vector<64x64xf32>
    %dot_general3A_494 = arith.constant dense<0.000000e+00> : vector<4096x64xf32>
    %dot_general3A_495 = tpu.matmul %select_n3A_479, %convert_element_type3A_493, %dot_general3A_494 {dimension_numbers = #tpu.dot_dimension_numbers<[1], [0], [0], [1], [0, 0, 1, 1], [], []>, transpose_lhs_hint = false} : vector<4096x64xf32>, vector<64x64xf32>, vector<4096x64xf32> -> vector<4096x64xf32>
    %and3A_496 = arith.constant 64 : i32
    %and3A_497 = vector.broadcast %and3A_496 : i32 to vector<1x64xi32>
    %and3A_498 = arith.andi %iota3A, %and3A_497 : vector<1x64xi32>
    %eq3A_499 = arith.constant 0 : i32
    %eq3A_500 = vector.broadcast %eq3A_499 : i32 to vector<1x64xi32>
    %eq3A_501 = arith.cmpi eq, %and3A_498, %eq3A_500 : vector<1x64xi32>
    %eq3A_502 = arith.xori %eq3A_485, %eq3A_501 : vector<1x64xi1>
    %eq3A_503 = arith.constant dense<true> : vector<1x64xi1>
    %eq3A_504 = arith.xori %eq3A_502, %eq3A_503 : vector<1x64xi1>
    %min3A_505 = arith.minimumf %select_n3A_479, %dot_general3A_495 : vector<4096x64xf32>
    %max3A_506 = arith.maximumf %select_n3A_479, %dot_general3A_495 : vector<4096x64xf32>
    %broadcast_in_dim3A_507 = vector.shape_cast %eq3A_504 : vector<1x64xi1> to vector<1x64xi1>
    %broadcast_in_dim3A_508 = vector.broadcast %broadcast_in_dim3A_507 : vector<1x64xi1> to vector<4096x64xi1>
    %select_n3A_509 = arith.select %broadcast_in_dim3A_508, %min3A_505, %max3A_506 : vector<4096x64xi1>, vector<4096x64xf32>
    %and3A_510 = arith.constant 8 : i32
    %and3A_511 = vector.broadcast %and3A_510 : i32 to vector<1x64xi32>
    %and3A_512 = arith.andi %iota3A, %and3A_511 : vector<1x64xi32>
    %eq3A_513 = arith.constant 0 : i32
    %eq3A_514 = vector.broadcast %eq3A_513 : i32 to vector<1x64xi32>
    %eq3A_515 = arith.cmpi eq, %and3A_512, %eq3A_514 : vector<1x64xi32>
    %iota3A_516 = tpu.iota {dimensions = array<i32: 0>} : vector<64x64xi32>
    %iota3A_517 = tpu.iota {dimensions = array<i32: 1>} : vector<64x64xi32>
    %xor3A_518 = arith.constant 8 : i32
    %xor3A_519 = vector.broadcast %xor3A_518 : i32 to vector<64x64xi32>
    %xor3A_520 = arith.xori %iota3A_516, %xor3A_519 : vector<64x64xi32>
    %eq3A_521 = arith.cmpi eq, %xor3A_520, %iota3A_517 : vector<64x64xi32>
    %convert_element_type3A_522 = arith.extui %eq3A_521 : vector<64x64xi1> to vector<64x64xi32>
    %convert_element_type3A_523 = arith.sitofp %convert_element_type3A_522 : vector<64x64xi32> to vector<64x64xf32>
    %dot_general3A_524 = arith.constant dense<0.000000e+00> : vector<4096x64xf32>
    %dot_general3A_525 = tpu.matmul %select_n3A_509, %convert_element_type3A_523, %dot_general3A_524 {dimension_numbers = #tpu.dot_dimension_numbers<[1], [0], [0], [1], [0, 0, 1, 1], [], []>, transpose_lhs_hint = false} : vector<4096x64xf32>, vector<64x64xf32>, vector<4096x64xf32> -> vector<4096x64xf32>
    %and3A_526 = arith.constant 64 : i32
    %and3A_527 = vector.broadcast %and3A_526 : i32 to vector<1x64xi32>
    %and3A_528 = arith.andi %iota3A, %and3A_527 : vector<1x64xi32>
    %eq3A_529 = arith.constant 0 : i32
    %eq3A_530 = vector.broadcast %eq3A_529 : i32 to vector<1x64xi32>
    %eq3A_531 = arith.cmpi eq, %and3A_528, %eq3A_530 : vector<1x64xi32>
    %eq3A_532 = arith.xori %eq3A_515, %eq3A_531 : vector<1x64xi1>
    %eq3A_533 = arith.constant dense<true> : vector<1x64xi1>
    %eq3A_534 = arith.xori %eq3A_532, %eq3A_533 : vector<1x64xi1>
    %min3A_535 = arith.minimumf %select_n3A_509, %dot_general3A_525 : vector<4096x64xf32>
    %max3A_536 = arith.maximumf %select_n3A_509, %dot_general3A_525 : vector<4096x64xf32>
    %broadcast_in_dim3A_537 = vector.shape_cast %eq3A_534 : vector<1x64xi1> to vector<1x64xi1>
    %broadcast_in_dim3A_538 = vector.broadcast %broadcast_in_dim3A_537 : vector<1x64xi1> to vector<4096x64xi1>
    %select_n3A_539 = arith.select %broadcast_in_dim3A_538, %min3A_535, %max3A_536 : vector<4096x64xi1>, vector<4096x64xf32>
    %and3A_540 = arith.constant 4 : i32
    %and3A_541 = vector.broadcast %and3A_540 : i32 to vector<1x64xi32>
    %and3A_542 = arith.andi %iota3A, %and3A_541 : vector<1x64xi32>
    %eq3A_543 = arith.constant 0 : i32
    %eq3A_544 = vector.broadcast %eq3A_543 : i32 to vector<1x64xi32>
    %eq3A_545 = arith.cmpi eq, %and3A_542, %eq3A_544 : vector<1x64xi32>
    %iota3A_546 = tpu.iota {dimensions = array<i32: 0>} : vector<64x64xi32>
    %iota3A_547 = tpu.iota {dimensions = array<i32: 1>} : vector<64x64xi32>
    %xor3A_548 = arith.constant 4 : i32
    %xor3A_549 = vector.broadcast %xor3A_548 : i32 to vector<64x64xi32>
    %xor3A_550 = arith.xori %iota3A_546, %xor3A_549 : vector<64x64xi32>
    %eq3A_551 = arith.cmpi eq, %xor3A_550, %iota3A_547 : vector<64x64xi32>
    %convert_element_type3A_552 = arith.extui %eq3A_551 : vector<64x64xi1> to vector<64x64xi32>
    %convert_element_type3A_553 = arith.sitofp %convert_element_type3A_552 : vector<64x64xi32> to vector<64x64xf32>
    %dot_general3A_554 = arith.constant dense<0.000000e+00> : vector<4096x64xf32>
    %dot_general3A_555 = tpu.matmul %select_n3A_539, %convert_element_type3A_553, %dot_general3A_554 {dimension_numbers = #tpu.dot_dimension_numbers<[1], [0], [0], [1], [0, 0, 1, 1], [], []>, transpose_lhs_hint = false} : vector<4096x64xf32>, vector<64x64xf32>, vector<4096x64xf32> -> vector<4096x64xf32>
    %and3A_556 = arith.constant 64 : i32
    %and3A_557 = vector.broadcast %and3A_556 : i32 to vector<1x64xi32>
    %and3A_558 = arith.andi %iota3A, %and3A_557 : vector<1x64xi32>
    %eq3A_559 = arith.constant 0 : i32
    %eq3A_560 = vector.broadcast %eq3A_559 : i32 to vector<1x64xi32>
    %eq3A_561 = arith.cmpi eq, %and3A_558, %eq3A_560 : vector<1x64xi32>
    %eq3A_562 = arith.xori %eq3A_545, %eq3A_561 : vector<1x64xi1>
    %eq3A_563 = arith.constant dense<true> : vector<1x64xi1>
    %eq3A_564 = arith.xori %eq3A_562, %eq3A_563 : vector<1x64xi1>
    %min3A_565 = arith.minimumf %select_n3A_539, %dot_general3A_555 : vector<4096x64xf32>
    %max3A_566 = arith.maximumf %select_n3A_539, %dot_general3A_555 : vector<4096x64xf32>
    %broadcast_in_dim3A_567 = vector.shape_cast %eq3A_564 : vector<1x64xi1> to vector<1x64xi1>
    %broadcast_in_dim3A_568 = vector.broadcast %broadcast_in_dim3A_567 : vector<1x64xi1> to vector<4096x64xi1>
    %select_n3A_569 = arith.select %broadcast_in_dim3A_568, %min3A_565, %max3A_566 : vector<4096x64xi1>, vector<4096x64xf32>
    %and3A_570 = arith.constant 2 : i32
    %and3A_571 = vector.broadcast %and3A_570 : i32 to vector<1x64xi32>
    %and3A_572 = arith.andi %iota3A, %and3A_571 : vector<1x64xi32>
    %eq3A_573 = arith.constant 0 : i32
    %eq3A_574 = vector.broadcast %eq3A_573 : i32 to vector<1x64xi32>
    %eq3A_575 = arith.cmpi eq, %and3A_572, %eq3A_574 : vector<1x64xi32>
    %iota3A_576 = tpu.iota {dimensions = array<i32: 0>} : vector<64x64xi32>
    %iota3A_577 = tpu.iota {dimensions = array<i32: 1>} : vector<64x64xi32>
    %xor3A_578 = arith.constant 2 : i32
    %xor3A_579 = vector.broadcast %xor3A_578 : i32 to vector<64x64xi32>
    %xor3A_580 = arith.xori %iota3A_576, %xor3A_579 : vector<64x64xi32>
    %eq3A_581 = arith.cmpi eq, %xor3A_580, %iota3A_577 : vector<64x64xi32>
    %convert_element_type3A_582 = arith.extui %eq3A_581 : vector<64x64xi1> to vector<64x64xi32>
    %convert_element_type3A_583 = arith.sitofp %convert_element_type3A_582 : vector<64x64xi32> to vector<64x64xf32>
    %dot_general3A_584 = arith.constant dense<0.000000e+00> : vector<4096x64xf32>
    %dot_general3A_585 = tpu.matmul %select_n3A_569, %convert_element_type3A_583, %dot_general3A_584 {dimension_numbers = #tpu.dot_dimension_numbers<[1], [0], [0], [1], [0, 0, 1, 1], [], []>, transpose_lhs_hint = false} : vector<4096x64xf32>, vector<64x64xf32>, vector<4096x64xf32> -> vector<4096x64xf32>
    %and3A_586 = arith.constant 64 : i32
    %and3A_587 = vector.broadcast %and3A_586 : i32 to vector<1x64xi32>
    %and3A_588 = arith.andi %iota3A, %and3A_587 : vector<1x64xi32>
    %eq3A_589 = arith.constant 0 : i32
    %eq3A_590 = vector.broadcast %eq3A_589 : i32 to vector<1x64xi32>
    %eq3A_591 = arith.cmpi eq, %and3A_588, %eq3A_590 : vector<1x64xi32>
    %eq3A_592 = arith.xori %eq3A_575, %eq3A_591 : vector<1x64xi1>
    %eq3A_593 = arith.constant dense<true> : vector<1x64xi1>
    %eq3A_594 = arith.xori %eq3A_592, %eq3A_593 : vector<1x64xi1>
    %min3A_595 = arith.minimumf %select_n3A_569, %dot_general3A_585 : vector<4096x64xf32>
    %max3A_596 = arith.maximumf %select_n3A_569, %dot_general3A_585 : vector<4096x64xf32>
    %broadcast_in_dim3A_597 = vector.shape_cast %eq3A_594 : vector<1x64xi1> to vector<1x64xi1>
    %broadcast_in_dim3A_598 = vector.broadcast %broadcast_in_dim3A_597 : vector<1x64xi1> to vector<4096x64xi1>
    %select_n3A_599 = arith.select %broadcast_in_dim3A_598, %min3A_595, %max3A_596 : vector<4096x64xi1>, vector<4096x64xf32>
    %and3A_600 = arith.constant 1 : i32
    %and3A_601 = vector.broadcast %and3A_600 : i32 to vector<1x64xi32>
    %and3A_602 = arith.andi %iota3A, %and3A_601 : vector<1x64xi32>
    %eq3A_603 = arith.constant 0 : i32
    %eq3A_604 = vector.broadcast %eq3A_603 : i32 to vector<1x64xi32>
    %eq3A_605 = arith.cmpi eq, %and3A_602, %eq3A_604 : vector<1x64xi32>
    %iota3A_606 = tpu.iota {dimensions = array<i32: 0>} : vector<64x64xi32>
    %iota3A_607 = tpu.iota {dimensions = array<i32: 1>} : vector<64x64xi32>
    %xor3A_608 = arith.constant 1 : i32
    %xor3A_609 = vector.broadcast %xor3A_608 : i32 to vector<64x64xi32>
    %xor3A_610 = arith.xori %iota3A_606, %xor3A_609 : vector<64x64xi32>
    %eq3A_611 = arith.cmpi eq, %xor3A_610, %iota3A_607 : vector<64x64xi32>
    %convert_element_type3A_612 = arith.extui %eq3A_611 : vector<64x64xi1> to vector<64x64xi32>
    %convert_element_type3A_613 = arith.sitofp %convert_element_type3A_612 : vector<64x64xi32> to vector<64x64xf32>
    %dot_general3A_614 = arith.constant dense<0.000000e+00> : vector<4096x64xf32>
    %dot_general3A_615 = tpu.matmul %select_n3A_599, %convert_element_type3A_613, %dot_general3A_614 {dimension_numbers = #tpu.dot_dimension_numbers<[1], [0], [0], [1], [0, 0, 1, 1], [], []>, transpose_lhs_hint = false} : vector<4096x64xf32>, vector<64x64xf32>, vector<4096x64xf32> -> vector<4096x64xf32>
    %and3A_616 = arith.constant 64 : i32
    %and3A_617 = vector.broadcast %and3A_616 : i32 to vector<1x64xi32>
    %and3A_618 = arith.andi %iota3A, %and3A_617 : vector<1x64xi32>
    %eq3A_619 = arith.constant 0 : i32
    %eq3A_620 = vector.broadcast %eq3A_619 : i32 to vector<1x64xi32>
    %eq3A_621 = arith.cmpi eq, %and3A_618, %eq3A_620 : vector<1x64xi32>
    %eq3A_622 = arith.xori %eq3A_605, %eq3A_621 : vector<1x64xi1>
    %eq3A_623 = arith.constant dense<true> : vector<1x64xi1>
    %eq3A_624 = arith.xori %eq3A_622, %eq3A_623 : vector<1x64xi1>
    %min3A_625 = arith.minimumf %select_n3A_599, %dot_general3A_615 : vector<4096x64xf32>
    %max3A_626 = arith.maximumf %select_n3A_599, %dot_general3A_615 : vector<4096x64xf32>
    %broadcast_in_dim3A_627 = vector.shape_cast %eq3A_624 : vector<1x64xi1> to vector<1x64xi1>
    %broadcast_in_dim3A_628 = vector.broadcast %broadcast_in_dim3A_627 : vector<1x64xi1> to vector<4096x64xi1>
    %select_n3A_629 = arith.select %broadcast_in_dim3A_628, %min3A_625, %max3A_626 : vector<4096x64xi1>, vector<4096x64xf32>
    %slice3A = vector.extract_strided_slice %select_n3A_629 {offsets = [0, 0], sizes = [2048, 64], strides = [1, 1]} : vector<4096x64xf32> to vector<2048x64xf32>
    %slice3A_630 = vector.extract_strided_slice %select_n3A_629 {offsets = [2048, 0], sizes = [2048, 64], strides = [1, 1]} : vector<4096x64xf32> to vector<2048x64xf32>
    %get3A_631 = arith.constant 0 : index
    %get3A_632 = arith.constant 0 : index
    %get3A_633 = vector.load %arg4[%get3A_631, %get3A_632] : memref<128x64xf32, #tpu.memory_space<vmem>>, vector<128x64xf32>
    %dot_general3A_634 = arith.constant dense<0.000000e+00> : vector<2048x128xf32>
    %dot_general3A_635 = tpu.matmul %slice3A, %get3A_633, %dot_general3A_634 {dimension_numbers = #tpu.dot_dimension_numbers<[1], [1], [0], [0], [0, 0, 1, 0], [], []>, precision = #tpu.contract_precision<fp32>, transpose_lhs_hint = false} : vector<2048x64xf32>, vector<128x64xf32>, vector<2048x128xf32> -> vector<2048x128xf32>
    %get3A_636 = arith.constant 0 : index
    %get3A_637 = arith.constant 0 : index
    %get3A_638 = vector.load %arg5[%get3A_636, %get3A_637] : memref<1x128xf32, #tpu.memory_space<vmem>>, vector<1x128xf32>
    %add3A = vector.broadcast %get3A_638 : vector<1x128xf32> to vector<2048x128xf32>
    %add3A_639 = arith.addf %dot_general3A_635, %add3A : vector<2048x128xf32>
    %swap3A = arith.constant 0 : index
    %swap3A_640 = arith.constant 0 : index
    %swap3A_641 = arith.constant 0 : index
    %swap3A_642 = vector.load %arg8[%swap3A, %swap3A_640, %swap3A_641] : memref<1x2048x128xf32, #tpu.memory_space<vmem>>, vector<1x2048x128xf32>
    %swap3A_643 = vector.shape_cast %swap3A_642 : vector<1x2048x128xf32> to vector<2048x128xf32>
    %swap3A_644 = vector.shape_cast %add3A_639 : vector<2048x128xf32> to vector<1x2048x128xf32>
    tpu.vector_store %arg8[%swap3A, %swap3A_640, %swap3A_641], %swap3A_644 {strides = array<i32>} : memref<1x2048x128xf32, #tpu.memory_space<vmem>>, vector<1x2048x128xf32>,
    %get3A_645 = arith.constant 0 : index
    %get3A_646 = arith.constant 0 : index
    %get3A_647 = vector.load %arg6[%get3A_645, %get3A_646] : memref<128x64xf32, #tpu.memory_space<vmem>>, vector<128x64xf32>
    %dot_general3A_648 = arith.constant dense<0.000000e+00> : vector<2048x128xf32>
    %dot_general3A_649 = tpu.matmul %slice3A_630, %get3A_647, %dot_general3A_648 {dimension_numbers = #tpu.dot_dimension_numbers<[1], [1], [0], [0], [0, 0, 1, 0], [], []>, precision = #tpu.contract_precision<fp32>, transpose_lhs_hint = false} : vector<2048x64xf32>, vector<128x64xf32>, vector<2048x128xf32> -> vector<2048x128xf32>
    %get3A_650 = arith.constant 0 : index
    %get3A_651 = arith.constant 0 : index
    %get3A_652 = vector.load %arg7[%get3A_650, %get3A_651] : memref<1x128xf32, #tpu.memory_space<vmem>>, vector<1x128xf32>
    %add3A_653 = vector.broadcast %get3A_652 : vector<1x128xf32> to vector<2048x128xf32>
    %add3A_654 = arith.addf %dot_general3A_649, %add3A_653 : vector<2048x128xf32>
    %swap3A_655 = arith.constant 0 : index
    %swap3A_656 = arith.constant 0 : index
    %swap3A_657 = arith.constant 0 : index
    %swap3A_658 = vector.load %arg9[%swap3A_655, %swap3A_656, %swap3A_657] : memref<1x2048x128xf32, #tpu.memory_space<vmem>>, vector<1x2048x128xf32>
    %swap3A_659 = vector.shape_cast %swap3A_658 : vector<1x2048x128xf32> to vector<2048x128xf32>
    %swap3A_660 = vector.shape_cast %add3A_654 : vector<2048x128xf32> to vector<1x2048x128xf32>
    tpu.vector_store %arg9[%swap3A_655, %swap3A_656, %swap3A_657], %swap3A_660 {strides = array<i32>} : memref<1x2048x128xf32, #tpu.memory_space<vmem>>, vector<1x2048x128xf32>,
    return
  }
  func.func @transform_0(%arg0: i32, %arg1: i32) -> (i32, i32, i32) {
    %c0_i32 = arith.constant 0 : i32
    %c0_i32_0 = arith.constant 0 : i32
    return %arg0, %arg1, %c0_i32 : i32, i32, i32
  }
  func.func @transform_1(%arg0: i32, %arg1: i32) -> (i32, i32, i32) {
    %c0_i32 = arith.constant 0 : i32
    %c0_i32_0 = arith.constant 0 : i32
    return %arg0, %c0_i32, %arg1 : i32, i32, i32
  }
  func.func @transform_2(%arg0: i32, %arg1: i32) -> (i32, i32) {
    %c0_i32 = arith.constant 0 : i32
    %c0_i32_0 = arith.constant 0 : i32
    %c0_i32_1 = arith.constant 0 : i32
    return %c0_i32, %c0_i32_0 : i32, i32
  }
  func.func @transform_3(%arg0: i32, %arg1: i32) -> (i32, i32) {
    %c0_i32 = arith.constant 0 : i32
    %c0_i32_0 = arith.constant 0 : i32
    %c0_i32_1 = arith.constant 0 : i32
    return %c0_i32, %c0_i32_0 : i32, i32
  }
  func.func @transform_4(%arg0: i32, %arg1: i32) -> (i32, i32) {
    %c0_i32 = arith.constant 0 : i32
    %c0_i32_0 = arith.constant 0 : i32
    %c0_i32_1 = arith.constant 0 : i32
    return %c0_i32, %c0_i32_0 : i32, i32
  }
  func.func @transform_5(%arg0: i32, %arg1: i32) -> (i32, i32) {
    %c0_i32 = arith.constant 0 : i32
    %c0_i32_0 = arith.constant 0 : i32
    %c0_i32_1 = arith.constant 0 : i32
    return %c0_i32, %c0_i32_0 : i32, i32
  }
  func.func @transform_6(%arg0: i32, %arg1: i32) -> (i32, i32, i32) {
    %c0_i32 = arith.constant 0 : i32
    %c0_i32_0 = arith.constant 0 : i32
    return %arg0, %arg1, %c0_i32 : i32, i32, i32
  }
  func.func @transform_7(%arg0: i32, %arg1: i32) -> (i32, i32, i32) {
    %c0_i32 = arith.constant 0 : i32
    %c0_i32_0 = arith.constant 0 : i32
    return %arg0, %arg1, %c0_i32 : i32, i32, i32
  }
}

</mosaic_0001>

<sc_bundles>
// kernel: kernel.10.cloned.1.call-start
scs
__scs_entry_jumppad:
0x0: {  	(pc) =	sbr.rel $0x88, $3  }
0x1: {  	(tag) =	ssettag $0x0;
	lr =	simm.s32 $0x1  }
0x2: {  	[smem:$0x3F9C] =	sst lr;
	_ =	strace $0xD0000000  }
0x3: {  	_ = 	snop  }
0x4: {  	_ = 	snop  }
0x5: {  	_ = 	snop  }
0x6: {  	_ = 	snop  }
0x7: {  	_ = 	snop  }
__scs_overlays_trampoline_lowered:
0x8: {  	[smem:$0x3FAB] =	sst s0  }
0x9: {  	[smem:$0x3FAC] =	sst s1  }
0xa: {  	[smem:$0x3FAD] =	sst s2  }
0xb: {  	[smem:$0x3FAE] =	sst s3  }
0xc: {  	[smem:$0x3FAF] =	sst s4  }
0xd: {  	[smem:$0x3FB0] =	sst s5  }
0xe: {  	[smem:$0x3FB1] =	sst s6  }
0xf: {  	[smem:$0x3FB2] =	sst s7  }
0x10: {  	[smem:$0x3FB3] =	sst s8  }
0x11: {  	[smem:$0x3FB4] =	sst s9;
	s0 =	simm.s32 @!p0 $0x0  }
0x12: {  	s1 =	sld [smem:$0x3F9A];
	s0 =	simm.s32 @p0 $0x1  }
0x13: {  	[smem:$0x3FB5] =	sst s0;
	s0 =	simm.s32 @!p1 $0x0  }
0x14: {  	s2 =	sld [smem:$0x3F99];
	s0 =	simm.s32 @p1 $0x1  }
0x15: {  	[smem:$0x3FB6] =	sst s0;
	s0 =	simm.s32 @!p2 $0x0  }
0x16: {  	s3 =	sld [smem:$0x3FDB];
	s0 =	simm.s32 @p2 $0x1  }
0x17: {  	s4 =	simm.s32 $0x1BF5;
	[smem:$0x3FB8] =	sst s0  }
0x18: {  	s0 =	sld [smem:$0x3F9B];
	_ =	swait.ge [sflag:s4], $0x0  }
0x19: {  	s7 =	sld [smem:$0x3F9C]  }
0x1a: {  	s8 =	sadd.s32 $0xFFFFE003, lr  }
0x1b: {  	s9 =	sadd.s32 $0xFFFFFEF7, lr;
	s5 =	simm.s32 $0xFFFFFFFF;
	p2 =	slt.u32 s8, $0xFFFFF086  }
0x1c: {  	p1 =	slt.u32 s9, $0xF7A;
	s5 =	simm.s32 @!p2 $0x0  }
0x1d: {  	s5 =	simm.s32 @p1 $0x1;
	p0 =	seq.s32 s7, s2  }
0x1e: {  	s7 =	smul.u32 @!p0 $0xF7A, s2;
	p2 =	seq.s32 @!p0 s5, $0x0  }
0x1f: {  	s9 =	smul.u32 $0xF7A, s1;
	s8 =	simm.s32 @!p0 $0x1BF5;
	p2 =	por !p2, p0  }
0x20: {  	[sflag:s8] =	ssyncset.s32 @!p0 $0xFFFFF086;
	s6 =	sadd.s32 @!p0 s3, s7;
	s7 =	simm.s32 @!p0 $0x108  }
0x21: {  	s3 =	sadd.s32 s3, s9;
	s6 =	sadd.s32 @!p0 $0x88, s6;
	s7 =	simm.s32 @p2 $0x1082  }
0x22: {  	[simem:s7], [sflag:s8] =	dma.local @!p0 [hbm:s6], $0xF7A  }
0x23: {  	s9 =	sor.u32 $0xD0000000, s2;
	s6 =	simm.s32 $0x108;
	_ =	swait.ge @!p0 [sflag:s8], $0x0  }
0x24: {  	s3 =	sadd.s32 $0x88, s3;
	s6 =	simm.s32 @!p1 $0x1082;
	[sflag:s4] =	ssyncset.s32 $0xFFFFF086  }
0x25: {  	[simem:s6], [sflag:s4] =	dma.local [hbm:s3], $0xF7A  }
0x26: {  	[smem:$0x3F9C] =	sst s1;
	(tag) =	ssettag s2;
	_ =	strace s9  }
0x27: {  	s1 =	sld [smem:$0x3FAC]  }
0x28: {  	s2 =	sld [smem:$0x3FAD]  }
0x29: {  	s4 =	sld [smem:$0x3FAF]  }
0x2a: {  	p0 =	seq.s32 s5, $0x0;
	s5 =	sld [smem:$0x3FB0]  }
0x2b: {  	s6 =	sld [smem:$0x3FB1]  }
0x2c: {  	s7 =	sld [smem:$0x3FB2]  }
0x2d: {  	s3 =	simm.s32 $0x108;
	s8 =	sld [smem:$0x3FB3]  }
0x2e: {  	s3 =	simm.s32 @!p0 $0x1082;
	s9 =	sld [smem:$0x3FB4]  }
0x2f: {  	lr =	sadd.s32 s0, s3;
	s0 =	sld [smem:$0x3FAB]  }
0x30: {  	s3 =	sld [smem:$0x3FAE]  }
0x31: {  	[smem:$0x3FB7] =	sst s10  }
0x32: {  	s10 =	sld [smem:$0x3FB5];
	_ =	sdelay $0x3  }
0x33: {  	p0 =	seq.s32 s10, $0x1;
	s10 =	sld [smem:$0x3FB7];
	_ =	sdelay $0x3  }
0x34: {  	[smem:$0x3FB7] =	sst s10  }
0x35: {  	s10 =	sld [smem:$0x3FB6];
	_ =	sdelay $0x3  }
0x36: {  	p1 =	seq.s32 s10, $0x1;
	s10 =	sld [smem:$0x3FB7];
	_ =	sdelay $0x3  }
0x37: {  	[smem:$0x3FB7] =	sst s10  }
0x38: {  	s10 =	sld [smem:$0x3FB8]  }
0x39: {  	_ = 	snop;
	(pc) =	sbr.ind lr, $3  }
0x3a: {  	_ = 	snop  }
0x3b: {  	_ = 	snop  }
0x3c: {  	p2 =	seq.s32 s10, $0x1;
	s10 =	sld [smem:$0x3FB7]  }
0x3d: {  	_ =	shalt  }
0x3e: {  	_ =	shalt  }
0x3f: {  	_ =	shalt  }
0x40: {  	_ =	shalt  }
0x41: {  	_ =	shalt  }
0x42: {  	_ =	shalt  }
0x43: {  	_ =	shalt  }
0x44: {  	_ =	shalt  }
0x45: {  	_ =	shalt  }
0x46: {  	_ =	shalt  }
0x47: {  	_ =	shalt  }
0x48: {  	_ =	shalt  }
0x49: {  	_ =	shalt  }
0x4a: {  	_ =	shalt  }
0x4b: {  	_ =	shalt  }
0x4c: {  	_ =	shalt  }
0x4d: {  	_ =	shalt  }
0x4e: {  	_ =	shalt  }
0x4f: {  	_ =	shalt  }
0x50: {  	_ =	shalt  }
0x51: {  	_ =	shalt  }
0x52: {  	_ =	shalt  }
0x53: {  	_ =	shalt  }
0x54: {  	_ =	shalt  }
0x55: {  	_ =	shalt  }
0x56: {  	_ =	shalt  }
0x57: {  	_ =	shalt  }
0x58: {  	_ =	shalt  }
0x59: {  	_ =	shalt  }
0x5a: {  	_ =	shalt  }
0x5b: {  	_ =	shalt  }
0x5c: {  	_ =	shalt  }
0x5d: {  	_ =	shalt  }
0x5e: {  	_ =	shalt  }
0x5f: {  	_ =	shalt  }
0x60: {  	_ =	shalt  }
0x61: {  	_ =	shalt  }
0x62: {  	_ =	shalt  }
0x63: {  	_ =	shalt  }
0x64: {  	_ =	shalt  }
0x65: {  	_ =	shalt  }
0x66: {  	_ =	shalt  }
0x67: {  	_ =	shalt  }
0x68: {  	_ =	shalt  }
0x69: {  	_ =	shalt  }
0x6a: {  	_ =	shalt  }
0x6b: {  	_ =	shalt  }
0x6c: {  	_ =	shalt  }
0x6d: {  	_ =	shalt  }
0x6e: {  	_ =	shalt  }
0x6f: {  	_ =	shalt  }
0x70: {  	_ =	shalt  }
0x71: {  	_ =	shalt  }
0x72: {  	_ =	shalt  }
0x73: {  	_ =	shalt  }
0x74: {  	_ =	shalt  }
0x75: {  	_ =	shalt  }
0x76: {  	_ =	shalt  }
0x77: {  	_ =	shalt  }
0x78: {  	_ =	shalt  }
0x79: {  	_ =	shalt  }
0x7a: {  	_ =	shalt  }
0x7b: {  	_ =	shalt  }
0x7c: {  	_ =	shalt  }
0x7d: {  	_ =	shalt  }
0x7e: {  	_ =	shalt  }
0x7f: {  	_ =	shalt  }
0x80: {  	_ =	shalt  }
0x81: {  	_ =	shalt  }
0x82: {  	_ =	shalt  }
0x83: {  	_ =	shalt  }
0x84: {  	_ =	shalt  }
0x85: {  	_ =	shalt  }
0x86: {  	_ =	shalt  }
0x87: {  	_ =	shalt  }
.Lfunc_end0:
.L_simem_size_0:
called_computation_lowered:
.L_overlay_start_0:
0x88: {  	s2 =	sld [smem:$0x3FD9]  }
0x89: {  	s3 =	sld [smem:$0x3FFE];
	_ =	sdelay $0x1  }
0x8a: {  	s1 =	srdreg.scid  }
0x8b: {  	s0 =	sand.u32 $0x1, s1  }
0x8c: {  	s15 =	sshll.u32 s0, $0xA;
	s2 =	sadd.s32 s3, s2  }
0x8d: {  	s2 =	sadd.s32 s2, s15  }
0x8e: {  	[smem:$0x3FC3] =	sst s2  }
0x8f: {  	_ = 	snop  }
0x90: {  	s16 =	sld [smem:$0x3FD0];
	_ =	sdelay $0x2  }
0x91: {  	s4 =	simm.s32 $0xD;
	s5 =	simm.s32 $0x10;
	s2 =	sld [smem:$0x3FC9]  }
0x92: {  	[smem:s5], [sflag:s4] =	dma.local [hbm:s16], $0x1  }
0x93: {  	_ =	swait.eq [sflag:s4], $0x1  }
0x94: {  	[sflag:s4] =	ssyncset.done $0x0  }
0x95: {  	[sflag:s4] =	ssyncadd.s32 $0xFFFFFFFF  }
0x96: {  	s17 =	sld [smem:$0x11];
	(tm) =	ssettm $0x1  }
0x97: {  	s18 =	sld [smem:$0x3FFB];
	_ =	sdelay $0x3  }
0x98: {  	_ =	strace s18  }
0x99: {  	s3 =	sld [smem:$0x3FFC];
	_ =	sdelay $0x3  }
0x9a: {  	_ =	strace s3  }
0x9b: {  	s3 =	sld [smem:$0x3FFD];
	_ =	sdelay $0x3  }
0x9c: {  	_ =	strace s3  }
0x9d: {  	_ =	strace $0x8FFFFFFF  }
0x9e: {  	s19 =	sld [smem:$0x3FDB];
	_ =	sdelay $0x1  }
0x9f: {  	s20 =	simm.s32 $_scs_section_size  }
0xa0: {  	s6 =	simm.s32 $_size__tile_overlayer_lowered;
	s7 =	simm.s32 $_tile_overlayer_lowered  }
0xa1: {  	s8 =	simm.s32 $0x1BFF;
	s21 =	sshll.u32 s7, $0x1;
	s5 =	sadd.s32 s20, s19  }
0xa2: {  	s22 =	simm.s32 $0x0;
	s6 =	sshll.u32 s6, $0x1;
	s7 =	sadd.s32 s21, s5  }
0xa3: {  	[timem:s22], [sflag:s8] =	dma.local [hbm:s7], s6  }
0xa4: {  	_ =	swait.ge [sflag:s8], s6  }
0xa5: {  	s6 =	ssub.s32 $0x0, s6;
	[sflag:s8] =	ssyncset.done $0x0  }
0xa6: {  	[sflag:s8] =	ssyncadd.s32 s6;
	_ =	sdelay $0x1  }
0xa7: {  	s23 =	simm.s32 $0x1B8B  }
0xa8: {  	_ =	swait.ge [sflag:s23], $0x1  }
0xa9: {  	[sflag:s23] =	ssyncset.done $0x0  }
0xaa: {  	[sflag:s23] =	ssyncadd.s32 $0xFFFFFFFF  }
0xab: {  	s6 =	sld [smem:$0x0]  }
0xac: {  	s7 =	sand.u32 $0xFFFFFFFE, s1  }
0xad: {  	p0 =	sne.s32 s1, s7  }
0xae: {  	s7 =	sshll.u32 @p0 s7, $0xE  }
0xaf: {  	s7 =	sadd.s32 @p0 $0x11B8D, s7;
	s8 =	sshll.u32 @p0 s6, $0x11  }
0xb0: {  	s7 =	sor.u32 @p0 s8, s7  }
0xb1: {  	[sflag:s7] =	ssyncadd.remote.s32 @p0 $0x1;
	_ =	sdelay $0x1  }
0xb2: {  	s7 =	simm.s32 @p0 $0x1B8D  }
0xb3: {  	_ =	swait.eq @p0 [sflag:s7], $0x1  }
0xb4: {  	[sflag:s7] =	ssyncadd.s32 @p0 $0xFFFFFFFF  }
0xb5: {  	s8 =	sshll.u32 @!p0 s1, $0xE  }
0xb6: {  	s8 =	sor.u32 @!p0 $0x4000, s8;
	s7 =	simm.s32 @!p0 $0x1B8D  }
0xb7: {  	s6 =	sshll.u32 @!p0 s6, $0x11;
	s8 =	sadd.s32 @!p0 $0x11B8D, s8;
	_ =	swait.eq @!p0 [sflag:s7], $0x1  }
0xb8: {  	s6 =	sor.u32 @!p0 s6, s8;
	[sflag:s7] =	ssyncadd.s32 @!p0 $0xFFFFFFFF  }
0xb9: {  	s25 =	simm.s32 $0x1B8E;
	s24 =	sld [smem:$0x3FFE];
	[sflag:s6] =	ssyncadd.remote.s32 @!p0 $0x1  }
0xba: {  	s26 =	simm.s32 $execute0_lowered;
	[smem:$0x3FD2] =	sst s25  }
0xbb: {  	s7 =	sshll.u32 s26, $0x1;
	_ =	strace $0x8000004F;
	[dreg:$0x1] =	wrdreg $0xFFFFFFFF  }
0xbc: {  	s28 =	simm.s32 $_size_execute0_lowered;
	s5 =	sadd.s32 s5, s7;
	[dreg:$0x0] =	wrdreg $0x0  }
0xbd: {  	s7 =	sshll.u32 s28, $0x1;
	[dreg:$0x2] =	wrdreg s5  }
0xbe: {  	[dreg:$0x3] =	wrdreg s7  }
0xbf: {  	[dreg:$0x4] =	wrdreg $0xC0  }
0xc0: {  	_ =	task [dreg:s22], $0x5FFFF  }
0xc1: {  	[dreg:$0x1] =	wrdreg $0xFFFFFFFF  }
0xc2: {  	[dreg:$0x0] =	wrdreg $0x60  }
0xc3: {  	[dreg:$0x2] =	wrdreg s2  }
0xc4: {  	[dreg:$0x3] =	wrdreg s24  }
0xc5: {  	[dreg:$0x4] =	wrdreg s17  }
0xc6: {  	[dreg:$0x5] =	wrdreg $0x9  }
0xc7: {  	_ =	task.clear_ibuf [dreg:s22], $0x6FFFF;
	_ =	strace $0x9000004F  }
0xc8: {  	s29 =	simm.s32 $0x9;
	_ =	strace $0x80000051  }
0xc9: {  	_ =	swait.ge [sflag:s29], $0x1  }
0xca: {  	[sflag:s29] =	ssyncadd.s32 $0xFFFFFFFF  }
0xcb: {  	_ =	strace $0x90000051  }
0xcc: {  	_ =	sfence  }
0xcd: {  	s30 =	sld [smem:$0x0];
	_ =	sdelay $0x2  }
0xce: {  	s31 =	sshll.u32 s1, $0xD;
	s1 =	sshrl.u32 s1, $0x2  }
0xcf: {  	s4 =	sand.u32 $0x4000, s31;
	s1 =	sadd.s32 s1, s30  }
0xd0: {  	s0 =	sor.u32 s4, s0;
	s1 =	sshll.u32 s1, $0x11  }
0xd1: {  	s0 =	sor.u32 s1, s0  }
0xd2: {  	s0 =	sadd.s32 $0x8F2B, s0  }
0xd3: {  	[sflag:s0] =	ssyncadd.remote.s32 $0x1  }
0xd4: {  	_ =	sfence.sel $0xFFFF  }
0xd5: {  	[dreg:$0x0] =	wrdreg $0xFFFFFFFF;
	(pc) =	sbr.abs _section_cstart, $3  }
0xd6: {  	[dreg:$0x1] =	wrdreg $0xFFFFFFFF  }
0xd7: {  	_ =	task.clear_ibuf [dreg:s22], $0x2FFFF;
	_ =	strace $0x9FFFFFFF  }
0xd8: {  	(tm) =	ssettm $0x7FFFFFFF  }
0xd9: {  	_ =	shalt  }
tec
execute0_lowered:
.L_overlay_start_1:
0x0: {  	(tag) =	ssettag $0x1  }
0x1: {  	s1 =	rddreg [dreg:$0x0]  }
0x2: {  	s0 =	rddreg [dreg:$0x1]  }
0x3: {  	s2 =	rddreg [dreg:$0x2];
	s3 =	srdreg.scid  }
0x4: {  	s16 =	stileid.u32;
	s17 =	simm.s32 $0x0;
	s20 =	simm.s32 $0x6  }
0x5: {  	s28 =	simm.s32 $0x6180;
	s29 =	simm.s32 $0x1;
	s30 =	simm.s32 $0x2  }
0x6: {  	s31 =	simm.s32 $0x3;
	s3 =	sand.u32 $0x1, s3;
	s4 =	sshll.u32 s16, $0x1  }
0x7: {  	[smem:$0x7FF] =	sst s17;
	s8 =	sadd.s32 $0x4400, s0;
	s21 =	sand.u32 $0x8, s16  }
0x8: {  	s22 =	sshrl.u32 s16, $0x1;
	s10 =	sadd.s32 $0x500, s1;
	s11 =	sadd.s32 $0x600, s1  }
0x9: {  	s12 =	sadd.s32 $0x700, s1;
	s25 =	sshll.u32 s16, $0x10;
	p0 =	sgt.u32 s16, $0x3  }
0xa: {  	s4 =	sor.u32 s3, s4;
	s5 =	ssub.s32 $0x2, s3;
	_ =	strace $0x80000050  }
0xb: {  	s23 =	sshll.u32 s22, $0x3;
	s15 =	sshll.u32 s22, $0xB;
	s26 =	sshll.u32 s3, $0xF  }
0xc: {  	s22 =	simm.s32 $0x200;
	s6 =	sshll.u32 s4, $0xC;
	s7 =	sshrl.u32 s5, $0x1  }
0xd: {  	s13 =	sshll.u32 s4, $0xF;
	s9 =	sshll.u32 s4, $0x6;
	s4 =	sshll.u32 s4, $0xB  }
0xe: {  	s0 =	sadd.s32 s6, s0;
	s5 =	ssub.s32 s5, s7;
	s6 =	sadd.s32 s8, s21  }
0xf: {  	s14 =	sand.u32 $0xC0, s9;
	s7 =	sadd.s32 $0x200, s1;
	s9 =	sadd.s32 $0x400, s1  }
0x10: {  	s13 =	sadd.s32 s1, s13;
	s2 =	sadd.s32 s2, s4;
	[dreg:$0x4] =	wrdreg s6  }
0x11: {  	s6 =	sadd.s32 s8, s23;
	s8 =	sadd.s32 $0x300, s1;
	[dreg:$0x8] =	wrdreg s2  }
0x12: {  	s18 =	sadd.s32 $0x40, s13;
	s24 =	sadd.s32 $0x800, s13;
	[dreg:$0x5] =	wrdreg s6  }
0x13: {  	s0 =	sadd.s32 $0x3C600, s0;
	s21 =	sshrl.u32 @!p0 s14, $0x2;
	[dreg:$0x6] =	wrdreg s18  }
0x14: {  	s23 =	simm.s32 $0x400;
	s2 =	simm.s32 $0x0;
	[dreg:$0x7] =	wrdreg s24  }
0x15: {  	s6 =	sadd.s32 $0x100, s1;
	[dreg:$0x9] =	wrdreg s0;
	s18 =	smax.u32 s5, $0x1  }
0x16: {  	s0 =	sadd.s32 s25, s1;
	s24 =	simm.s32 $0x180;
	s25 =	simm.s32 $0x2180  }
0x17: {  	vm0 =	vmmov @!p0 $0xffff;
	v0 =	vmov s15;
	s19 =	sadd.s32 s26, s0;
	s26 =	simm.s32 $0x4180;
	s0 =	simm.s32 $0x4  }
.LBB2_1:
0x18: {  	s3 =	rddreg [dreg:$0x4]  }
0x19: {  	[tilespmem:s17], [sflag:$0x6] =	stream.linear.gather [hbm4b:s3+s17], $0x40, $0x38;
	[tilespmem:$0x14180] =	vst v63  }
0x1a: {  	_ =	swait.ge [sflag:s20], $0x40  }
0x1b: {  	[sflag:s20] =	ssyncset.done $0x0  }
0x1c: {  	[sflag:s20] =	ssyncadd.s32 $0xFFFFFFC0  }
0x1d: {  	v1 =	vld [tilespmem:$0x0]  }
0x1e: {  	v2 =	vld [tilespmem:$0x10]  }
0x1f: {  	s4 =	simm.s32 @!p0 $0x80;
	s3 =	simm.s32 @!p0 $0x0;
	s5 =	rddreg [dreg:$0x5];
	v3 =	vld [tilespmem:$0x20]  }
0x20: {  	v4 =	vld [tilespmem:$0x30];
	[tilespmem:s4], [sflag:$0x6] =	stream.linear.gather @!p0 [hbm4b:s5+s3], $0x40, $0x38  }
0x21: {  	s4 =	simm.s32 @!p0 $0x6  }
0x22: {  	_ =	swait.ge @!p0 [sflag:s4], $0x40  }
0x23: {  	[sflag:s4] =	ssyncset.done @!p0 $0x0  }
0x24: {  	[sflag:s4] =	ssyncadd.s32 @!p0 $0xFFFFFFC0  }
0x25: {  	v5 =	vld @!p0 [tilespmem:s21+$0x80];
	_ =	sdelay $0x4  }
0x26: {  	v6 =	vadd.s32 @!p0 v0, v5  }
0x27: {  	v7 =	vshll.u32 @!p0 v6, $0x4  }
0x28: {  	v8 =	vlaneseq.u32 @!p0;
	v5 =	vand.u32 @!p0 $0x7, v5;
	v7 =	vand.u32 @!p0 $0xFFFFFF80, v7  }
0x29: {  	v9 =	vshrl.u32 @!p0 v8, $0x3;
	v5 =	vor.u32 @!p0 v5, v7;
	v7 =	vand.u32 @!p0 $0x7, v8  }
0x2a: {  	v9 =	vmul.u32 @!p0 $0x8, v9;
	v7 =	vperm.xlane @!p0 v5, v7;
	_ =	sdelay $0x1  }
0x2b: {  	v7 =	vadd.s32 @!p0 v9, v7;
	_ =	sdelay $0x3  }
0x2c: {  	s4 =	simm.s32 @!p0 $0xC180;
	[tilespmem:$0x100] =	vst @!p0 v6  }
0x2d: {  	[tilespmem:s4], [sflag:$0x5] =	stream.indirect_vreg.gather @!p0 [hbm4b:s1+s3], $0x80, v7, vm0, $0xb8;
	[tilespmem:$0x14180] =	vst v63  }
0x2e: {  	s4 =	simm.s32 @!p0 $0xC980  }
0x2f: {  	[tilespmem:s4], [sflag:$0x5] =	stream.indirect_vreg.gather @!p0 [hbm4b:s6+s3], $0x80, v7, vm0, $0xb8;
	[tilespmem:$0x14180] =	vst v63  }
0x30: {  	s4 =	simm.s32 @!p0 $0xD180  }
0x31: {  	[tilespmem:s4], [sflag:$0x5] =	stream.indirect_vreg.gather @!p0 [hbm4b:s7+s3], $0x80, v7, vm0, $0xb8;
	[tilespmem:$0x14180] =	vst v63  }
0x32: {  	s4 =	simm.s32 @!p0 $0xD980  }
0x33: {  	[tilespmem:s4], [sflag:$0x5] =	stream.indirect_vreg.gather @!p0 [hbm4b:s8+s3], $0x80, v7, vm0, $0xb8;
	[tilespmem:$0x14180] =	vst v63  }
0x34: {  	s4 =	simm.s32 @!p0 $0xE180  }
0x35: {  	v6 =	vor.u32 @!p0 $0x8, v8;
	[tilespmem:s4], [sflag:$0x5] =	stream.indirect_vreg.gather @!p0 [hbm4b:s9+s3], $0x80, v7, vm0, $0xb8;
	[tilespmem:$0x14180] =	vst v63  }
0x36: {  	v5 =	vperm.xlane @!p0 v5, v6;
	s4 =	simm.s32 @!p0 $0xE980  }
0x37: {  	[tilespmem:s4], [sflag:$0x5] =	stream.indirect_vreg.gather @!p0 [hbm4b:s10+s3], $0x80, v7, vm0, $0xb8;
	[tilespmem:$0x14180] =	vst v63  }
0x38: {  	v5 =	vadd.s32 @!p0 v9, v5;
	s4 =	simm.s32 @!p0 $0xF180  }
0x39: {  	[tilespmem:s4], [sflag:$0x5] =	stream.indirect_vreg.gather @!p0 [hbm4b:s11+s3], $0x80, v7, vm0, $0xb8;
	[tilespmem:$0x14180] =	vst v63  }
0x3a: {  	s4 =	simm.s32 @!p0 $0xF980  }
0x3b: {  	[tilespmem:s4], [sflag:$0x5] =	stream.indirect_vreg.gather @!p0 [hbm4b:s12+s3], $0x80, v7, vm0, $0xb8;
	[tilespmem:$0x14180] =	vst v63  }
0x3c: {  	s4 =	simm.s32 @!p0 $0x10180  }
0x3d: {  	[tilespmem:s4], [sflag:$0x5] =	stream.indirect_vreg.gather @!p0 [hbm4b:s1+s3], $0x80, v5, vm0, $0xb8;
	[tilespmem:$0x14180] =	vst v63  }
0x3e: {  	s4 =	simm.s32 @!p0 $0x10980  }
0x3f: {  	[tilespmem:s4], [sflag:$0x5] =	stream.indirect_vreg.gather @!p0 [hbm4b:s6+s3], $0x80, v5, vm0, $0xb8;
	[tilespmem:$0x14180] =	vst v63  }
0x40: {  	s4 =	simm.s32 @!p0 $0x11180  }
0x41: {  	[tilespmem:s4], [sflag:$0x5] =	stream.indirect_vreg.gather @!p0 [hbm4b:s7+s3], $0x80, v5, vm0, $0xb8;
	[tilespmem:$0x14180] =	vst v63  }
0x42: {  	s4 =	simm.s32 @!p0 $0x11980  }
0x43: {  	[tilespmem:s4], [sflag:$0x5] =	stream.indirect_vreg.gather @!p0 [hbm4b:s8+s3], $0x80, v5, vm0, $0xb8;
	[tilespmem:$0x14180] =	vst v63  }
0x44: {  	s4 =	simm.s32 @!p0 $0x12180  }
0x45: {  	[tilespmem:s4], [sflag:$0x5] =	stream.indirect_vreg.gather @!p0 [hbm4b:s9+s3], $0x80, v5, vm0, $0xb8;
	[tilespmem:$0x14180] =	vst v63  }
0x46: {  	s4 =	simm.s32 @!p0 $0x12980  }
0x47: {  	v7 =	vshll.u32 v4, $0x2;
	[tilespmem:s4], [sflag:$0x5] =	stream.indirect_vreg.gather @!p0 [hbm4b:s10+s3], $0x80, v5, vm0, $0xb8;
	[tilespmem:$0x14180] =	vst v63  }
0x48: {  	v4 =	vand.u32 $0x7F, v4;
	v7 =	vand.u32 $0xFFFFFE00, v7;
	s4 =	simm.s32 @!p0 $0x13180  }
0x49: {  	v4 =	vor.u32 v4, v7;
	[tilespmem:s4], [sflag:$0x5] =	stream.indirect_vreg.gather @!p0 [hbm4b:s11+s3], $0x80, v5, vm0, $0xb8;
	[tilespmem:$0x14180] =	vst v63  }
0x4a: {  	v6 =	vshll.u32 v1, $0x2;
	v1 =	vand.u32 $0x7F, v1;
	v8 =	vor.u32 $0x80, v4;
	s4 =	simm.s32 @!p0 $0x13980  }
0x4b: {  	v12 =	vor.u32 $0x100, v4;
	v16 =	vor.u32 $0x180, v4;
	[tilespmem:s4], [sflag:$0x5] =	stream.indirect_vreg.gather @!p0 [hbm4b:s12+s3], $0x80, v5, vm0, $0xb8;
	v5 =	vand.u32 $0xFFFFFE00, v6;
	[tilespmem:$0x14180] =	vst v63  }
0x4c: {  	v6 =	vshll.u32 v2, $0x2;
	v2 =	vand.u32 $0x7F, v2;
	v1 =	vor.u32 v1, v5  }
0x4d: {  	v5 =	vand.u32 $0xFFFFFE00, v6;
	v6 =	vand.u32 $0x7F, v3;
	v3 =	vshll.u32 v3, $0x2;
	[tilespmem:s24], [sflag:$0x1] =	stream.strided.gather [hbm4b:s13+s22], $0x2000, s23, s22, $0x38;
	[tilespmem:$0x14180] =	vst v63  }
0x4e: {  	s16 =	rddreg [dreg:$0x6];
	v3 =	vand.u32 $0xFFFFFE00, v3;
	v2 =	vor.u32 v2, v5;
	v5 =	vor.u32 $0x80, v1  }
0x4f: {  	v9 =	vor.u32 $0x100, v1;
	v13 =	vor.u32 $0x180, v1;
	v3 =	vor.u32 v6, v3;
	[tilespmem:s25], [sflag:$0x2] =	stream.strided.gather [hbm4b:s16+s22], $0x2000, s23, s22, $0x38;
	[tilespmem:$0x14180] =	vst v63  }
0x50: {  	s17 =	rddreg [dreg:$0x7];
	s3 =	simm.s32 $0x8580;
	s4 =	simm.s32 $0x0;
	v6 =	vor.u32 $0x80, v2;
	v10 =	vor.u32 $0x100, v2;
	v14 =	vor.u32 $0x180, v2  }
0x51: {  	v7 =	vor.u32 $0x80, v3;
	v11 =	vor.u32 $0x100, v3;
	v15 =	vor.u32 $0x180, v3;
	[tilespmem:s26], [sflag:$0x3] =	stream.strided.gather [hbm4b:s17+s22], $0x2000, s23, s22, $0x38;
	[tilespmem:$0x14180] =	vst v63  }
.LBB2_2:
0x52: {  	s5 =	sadd.s32 s4, s19  }
0x53: {  	s5 =	sadd.s32 $0x840, s5  }
0x54: {  	[tilespmem:s28], [sflag:$0x4] =	stream.strided.gather [hbm4b:s5+s22], $0x2000, s23, s22, $0x38;
	[tilespmem:$0x14180] =	vst v63  }
0x55: {  	_ =	swait.ge [sflag:s29], $0x2000  }
0x56: {  	[sflag:s29] =	ssyncset.done $0x0  }
0x57: {  	[sflag:s29] =	ssyncadd.s32 $0xFFFFE000  }
0x58: {  	v17 =	vld.idx.msk [tilespmem:v1+s24+$0x0], $0xffff;
	_ =	sdelay $0x4  }
0x59: {  	[tilespmem:s3+$0xFFFFFC00] =	vst v17  }
0x5a: {  	v17 =	vld.idx.msk [tilespmem:v2+s24+$0x0], $0xffff;
	_ =	sdelay $0x4  }
0x5b: {  	[tilespmem:s3+$0xFFFFFC10] =	vst v17  }
0x5c: {  	v17 =	vld.idx.msk [tilespmem:v3+s24+$0x0], $0xffff;
	_ =	sdelay $0x4  }
0x5d: {  	[tilespmem:s3+$0xFFFFFC20] =	vst v17  }
0x5e: {  	v17 =	vld.idx.msk [tilespmem:v4+s24+$0x0], $0xffff;
	_ =	sdelay $0x4  }
0x5f: {  	[tilespmem:s3+$0xFFFFFC30] =	vst v17  }
0x60: {  	v17 =	vld.idx.msk [tilespmem:v5+s24+$0x0], $0xffff;
	_ =	sdelay $0x4  }
0x61: {  	[tilespmem:s3+$0xFFFFFC80] =	vst v17  }
0x62: {  	v17 =	vld.idx.msk [tilespmem:v6+s24+$0x0], $0xffff;
	_ =	sdelay $0x4  }
0x63: {  	[tilespmem:s3+$0xFFFFFC90] =	vst v17  }
0x64: {  	v17 =	vld.idx.msk [tilespmem:v7+s24+$0x0], $0xffff;
	_ =	sdelay $0x4  }
0x65: {  	[tilespmem:s3+$0xFFFFFCA0] =	vst v17  }
0x66: {  	v17 =	vld.idx.msk [tilespmem:v8+s24+$0x0], $0xffff;
	_ =	sdelay $0x4  }
0x67: {  	[tilespmem:s3+$0xFFFFFCB0] =	vst v17  }
0x68: {  	v17 =	vld.idx.msk [tilespmem:v9+s24+$0x0], $0xffff;
	_ =	sdelay $0x4  }
0x69: {  	[tilespmem:s3+$0xFFFFFD00] =	vst v17  }
0x6a: {  	v17 =	vld.idx.msk [tilespmem:v10+s24+$0x0], $0xffff;
	_ =	sdelay $0x4  }
0x6b: {  	[tilespmem:s3+$0xFFFFFD10] =	vst v17  }
0x6c: {  	v17 =	vld.idx.msk [tilespmem:v11+s24+$0x0], $0xffff;
	_ =	sdelay $0x4  }
0x6d: {  	[tilespmem:s3+$0xFFFFFD20] =	vst v17  }
0x6e: {  	v17 =	vld.idx.msk [tilespmem:v12+s24+$0x0], $0xffff;
	_ =	sdelay $0x4  }
0x6f: {  	[tilespmem:s3+$0xFFFFFD30] =	vst v17  }
0x70: {  	v17 =	vld.idx.msk [tilespmem:v13+s24+$0x0], $0xffff;
	_ =	sdelay $0x4  }
0x71: {  	[tilespmem:s3+$0xFFFFFD80] =	vst v17  }
0x72: {  	v17 =	vld.idx.msk [tilespmem:v14+s24+$0x0], $0xffff;
	_ =	sdelay $0x4  }
0x73: {  	[tilespmem:s3+$0xFFFFFD90] =	vst v17  }
0x74: {  	v17 =	vld.idx.msk [tilespmem:v15+s24+$0x0], $0xffff;
	_ =	sdelay $0x4  }
0x75: {  	[tilespmem:s3+$0xFFFFFDA0] =	vst v17  }
0x76: {  	v17 =	vld.idx.msk [tilespmem:v16+s24+$0x0], $0xffff;
	_ =	sdelay $0x2  }
0x77: {  	p1 =	seq.s32 s4, $0x7000  }
0x78: {  	s14 =	simm.s32 @!p1 $0x200;
	s5 =	sadd.s32 @!p1 s4, s19  }
0x79: {  	s15 =	simm.s32 @!p1 $0x400;
	s17 =	simm.s32 @!p1 $0x180;
	s16 =	sadd.s32 @!p1 $0x1000, s5;
	[tilespmem:s3+$0xFFFFFDB0] =	vst v17  }
0x7a: {  	[tilespmem:s17], [sflag:$0x1] =	stream.strided.gather @!p1 [hbm4b:s16+s14], $0x2000, s15, s14, $0x38;
	[tilespmem:$0x14180] =	vst v63  }
0x7b: {  	_ =	swait.ge [sflag:s30], $0x2000  }
0x7c: {  	[sflag:s30] =	ssyncset.done $0x0  }
0x7d: {  	[sflag:s30] =	ssyncadd.s32 $0xFFFFE000  }
0x7e: {  	v17 =	vld.idx.msk [tilespmem:v1+s25+$0x0], $0xffff;
	_ =	sdelay $0x4  }
0x7f: {  	[tilespmem:s3+$0xFFFFFE00] =	vst v17  }
0x80: {  	v17 =	vld.idx.msk [tilespmem:v2+s25+$0x0], $0xffff;
	_ =	sdelay $0x4  }
0x81: {  	[tilespmem:s3+$0xFFFFFE10] =	vst v17  }
0x82: {  	v17 =	vld.idx.msk [tilespmem:v3+s25+$0x0], $0xffff;
	_ =	sdelay $0x4  }
0x83: {  	[tilespmem:s3+$0xFFFFFE20] =	vst v17  }
0x84: {  	v17 =	vld.idx.msk [tilespmem:v4+s25+$0x0], $0xffff;
	_ =	sdelay $0x4  }
0x85: {  	[tilespmem:s3+$0xFFFFFE30] =	vst v17  }
0x86: {  	v17 =	vld.idx.msk [tilespmem:v5+s25+$0x0], $0xffff;
	_ =	sdelay $0x4  }
0x87: {  	[tilespmem:s3+$0xFFFFFE80] =	vst v17  }
0x88: {  	v17 =	vld.idx.msk [tilespmem:v6+s25+$0x0], $0xffff;
	_ =	sdelay $0x4  }
0x89: {  	[tilespmem:s3+$0xFFFFFE90] =	vst v17  }
0x8a: {  	v17 =	vld.idx.msk [tilespmem:v7+s25+$0x0], $0xffff;
	_ =	sdelay $0x4  }
0x8b: {  	[tilespmem:s3+$0xFFFFFEA0] =	vst v17  }
0x8c: {  	v17 =	vld.idx.msk [tilespmem:v8+s25+$0x0], $0xffff;
	_ =	sdelay $0x4  }
0x8d: {  	[tilespmem:s3+$0xFFFFFEB0] =	vst v17  }
0x8e: {  	v17 =	vld.idx.msk [tilespmem:v9+s25+$0x0], $0xffff;
	_ =	sdelay $0x4  }
0x8f: {  	[tilespmem:s3+$0xFFFFFF00] =	vst v17  }
0x90: {  	v17 =	vld.idx.msk [tilespmem:v10+s25+$0x0], $0xffff;
	_ =	sdelay $0x4  }
0x91: {  	[tilespmem:s3+$0xFFFFFF10] =	vst v17  }
0x92: {  	v17 =	vld.idx.msk [tilespmem:v11+s25+$0x0], $0xffff;
	_ =	sdelay $0x4  }
0x93: {  	[tilespmem:s3+$0xFFFFFF20] =	vst v17  }
0x94: {  	v17 =	vld.idx.msk [tilespmem:v12+s25+$0x0], $0xffff;
	_ =	sdelay $0x4  }
0x95: {  	[tilespmem:s3+$0xFFFFFF30] =	vst v17  }
0x96: {  	v17 =	vld.idx.msk [tilespmem:v13+s25+$0x0], $0xffff;
	_ =	sdelay $0x4  }
0x97: {  	[tilespmem:s3+$0xFFFFFF80] =	vst v17  }
0x98: {  	v17 =	vld.idx.msk [tilespmem:v14+s25+$0x0], $0xffff;
	_ =	sdelay $0x4  }
0x99: {  	[tilespmem:s3+$0xFFFFFF90] =	vst v17  }
0x9a: {  	v17 =	vld.idx.msk [tilespmem:v15+s25+$0x0], $0xffff;
	_ =	sdelay $0x4  }
0x9b: {  	[tilespmem:s3+$0xFFFFFFA0] =	vst v17  }
0x9c: {  	v17 =	vld.idx.msk [tilespmem:v16+s25+$0x0], $0xffff;
	_ =	sdelay $0x4  }
0x9d: {  	s16 =	sadd.s32 @!p1 $0x1040, s5;
	s17 =	simm.s32 @!p1 $0x2180;
	[tilespmem:s3+$0xFFFFFFB0] =	vst v17  }
0x9e: {  	[tilespmem:s17], [sflag:$0x2] =	stream.strided.gather @!p1 [hbm4b:s16+s14], $0x2000, s15, s14, $0x38;
	[tilespmem:$0x14180] =	vst v63  }
0x9f: {  	_ =	swait.ge [sflag:s31], $0x2000  }
0xa0: {  	[sflag:s31] =	ssyncset.done $0x0  }
0xa1: {  	[sflag:s31] =	ssyncadd.s32 $0xFFFFE000  }
0xa2: {  	v17 =	vld.idx.msk [tilespmem:v1+s26+$0x0], $0xffff;
	_ =	sdelay $0x4  }
0xa3: {  	[tilespmem:s3+$0x0] =	vst v17  }
0xa4: {  	v17 =	vld.idx.msk [tilespmem:v2+s26+$0x0], $0xffff;
	_ =	sdelay $0x4  }
0xa5: {  	[tilespmem:s3+$0x10] =	vst v17  }
0xa6: {  	v17 =	vld.idx.msk [tilespmem:v3+s26+$0x0], $0xffff;
	_ =	sdelay $0x4  }
0xa7: {  	[tilespmem:s3+$0x20] =	vst v17  }
0xa8: {  	v17 =	vld.idx.msk [tilespmem:v4+s26+$0x0], $0xffff;
	_ =	sdelay $0x4  }
0xa9: {  	[tilespmem:s3+$0x30] =	vst v17  }
0xaa: {  	v17 =	vld.idx.msk [tilespmem:v5+s26+$0x0], $0xffff;
	_ =	sdelay $0x4  }
0xab: {  	[tilespmem:s3+$0x80] =	vst v17  }
0xac: {  	v17 =	vld.idx.msk [tilespmem:v6+s26+$0x0], $0xffff;
	_ =	sdelay $0x4  }
0xad: {  	[tilespmem:s3+$0x90] =	vst v17  }
0xae: {  	v17 =	vld.idx.msk [tilespmem:v7+s26+$0x0], $0xffff;
	_ =	sdelay $0x4  }
0xaf: {  	[tilespmem:s3+$0xA0] =	vst v17  }
0xb0: {  	v17 =	vld.idx.msk [tilespmem:v8+s26+$0x0], $0xffff;
	_ =	sdelay $0x4  }
0xb1: {  	[tilespmem:s3+$0xB0] =	vst v17  }
0xb2: {  	v17 =	vld.idx.msk [tilespmem:v9+s26+$0x0], $0xffff;
	_ =	sdelay $0x4  }
0xb3: {  	[tilespmem:s3+$0x100] =	vst v17  }
0xb4: {  	v17 =	vld.idx.msk [tilespmem:v10+s26+$0x0], $0xffff;
	_ =	sdelay $0x4  }
0xb5: {  	[tilespmem:s3+$0x110] =	vst v17  }
0xb6: {  	v17 =	vld.idx.msk [tilespmem:v11+s26+$0x0], $0xffff;
	_ =	sdelay $0x4  }
0xb7: {  	[tilespmem:s3+$0x120] =	vst v17  }
0xb8: {  	v17 =	vld.idx.msk [tilespmem:v12+s26+$0x0], $0xffff;
	_ =	sdelay $0x4  }
0xb9: {  	[tilespmem:s3+$0x130] =	vst v17  }
0xba: {  	v17 =	vld.idx.msk [tilespmem:v13+s26+$0x0], $0xffff;
	_ =	sdelay $0x4  }
0xbb: {  	[tilespmem:s3+$0x180] =	vst v17  }
0xbc: {  	v17 =	vld.idx.msk [tilespmem:v14+s26+$0x0], $0xffff;
	_ =	sdelay $0x4  }
0xbd: {  	[tilespmem:s3+$0x190] =	vst v17  }
0xbe: {  	v17 =	vld.idx.msk [tilespmem:v15+s26+$0x0], $0xffff;
	_ =	sdelay $0x4  }
0xbf: {  	[tilespmem:s3+$0x1A0] =	vst v17  }
0xc0: {  	v17 =	vld.idx.msk [tilespmem:v16+s26+$0x0], $0xffff;
	_ =	sdelay $0x4  }
0xc1: {  	s5 =	sadd.s32 @!p1 $0x1800, s5;
	s16 =	simm.s32 @!p1 $0x4180;
	[tilespmem:s3+$0x1B0] =	vst v17  }
0xc2: {  	[tilespmem:s16], [sflag:$0x3] =	stream.strided.gather @!p1 [hbm4b:s5+s14], $0x2000, s15, s14, $0x38;
	[tilespmem:$0x14180] =	vst v63  }
0xc3: {  	_ =	swait.ge [sflag:s0], $0x2000  }
0xc4: {  	[sflag:s0] =	ssyncset.done $0x0  }
0xc5: {  	[sflag:s0] =	ssyncadd.s32 $0xFFFFE000  }
0xc6: {  	v17 =	vld.idx.msk [tilespmem:v1+s28+$0x0], $0xffff;
	_ =	sdelay $0x4  }
0xc7: {  	[tilespmem:s3+$0x200] =	vst v17  }
0xc8: {  	v17 =	vld.idx.msk [tilespmem:v2+s28+$0x0], $0xffff;
	_ =	sdelay $0x4  }
0xc9: {  	[tilespmem:s3+$0x210] =	vst v17  }
0xca: {  	v17 =	vld.idx.msk [tilespmem:v3+s28+$0x0], $0xffff;
	_ =	sdelay $0x4  }
0xcb: {  	[tilespmem:s3+$0x220] =	vst v17  }
0xcc: {  	v17 =	vld.idx.msk [tilespmem:v4+s28+$0x0], $0xffff;
	_ =	sdelay $0x4  }
0xcd: {  	[tilespmem:s3+$0x230] =	vst v17  }
0xce: {  	v17 =	vld.idx.msk [tilespmem:v5+s28+$0x0], $0xffff;
	_ =	sdelay $0x4  }
0xcf: {  	[tilespmem:s3+$0x280] =	vst v17  }
0xd0: {  	v17 =	vld.idx.msk [tilespmem:v6+s28+$0x0], $0xffff;
	_ =	sdelay $0x4  }
0xd1: {  	[tilespmem:s3+$0x290] =	vst v17  }
0xd2: {  	v17 =	vld.idx.msk [tilespmem:v7+s28+$0x0], $0xffff;
	_ =	sdelay $0x4  }
0xd3: {  	[tilespmem:s3+$0x2A0] =	vst v17  }
0xd4: {  	v17 =	vld.idx.msk [tilespmem:v8+s28+$0x0], $0xffff;
	_ =	sdelay $0x4  }
0xd5: {  	[tilespmem:s3+$0x2B0] =	vst v17  }
0xd6: {  	v17 =	vld.idx.msk [tilespmem:v9+s28+$0x0], $0xffff;
	_ =	sdelay $0x4  }
0xd7: {  	[tilespmem:s3+$0x300] =	vst v17  }
0xd8: {  	v17 =	vld.idx.msk [tilespmem:v10+s28+$0x0], $0xffff;
	_ =	sdelay $0x4  }
0xd9: {  	[tilespmem:s3+$0x310] =	vst v17  }
0xda: {  	v17 =	vld.idx.msk [tilespmem:v11+s28+$0x0], $0xffff;
	_ =	sdelay $0x4  }
0xdb: {  	[tilespmem:s3+$0x320] =	vst v17  }
0xdc: {  	v17 =	vld.idx.msk [tilespmem:v12+s28+$0x0], $0xffff;
	_ =	sdelay $0x4  }
0xdd: {  	[tilespmem:s3+$0x330] =	vst v17  }
0xde: {  	v17 =	vld.idx.msk [tilespmem:v13+s28+$0x0], $0xffff;
	_ =	sdelay $0x4  }
0xdf: {  	[tilespmem:s3+$0x380] =	vst v17  }
0xe0: {  	v17 =	vld.idx.msk [tilespmem:v14+s28+$0x0], $0xffff;
	_ =	sdelay $0x4  }
0xe1: {  	[tilespmem:s3+$0x390] =	vst v17  }
0xe2: {  	v17 =	vld.idx.msk [tilespmem:v15+s28+$0x0], $0xffff;
	_ =	sdelay $0x4  }
0xe3: {  	s4 =	sadd.s32 $0x1000, s4;
	[tilespmem:s3+$0x3A0] =	vst v17  }
0xe4: {  	p1 =	sne.s32 s4, $0x8000;
	v17 =	vld.idx.msk [tilespmem:v16+s28+$0x0], $0xffff  }
.Ltmp0:
0xe5: {  	_ = 	snop;
	(pc) =	sbr.rel @p1 .LBB2_2-.Ltmp0, $2  }
0xe6: {  	_ =	sdelay $0x2  }
0xe7: {  	[tilespmem:s3+$0x3B0] =	vst v17;
	s3 =	sadd.s32 $0x800, s3  }
0xe8: {  	s17 =	simm.s32 $0x0;
	s3 =	rddreg [dreg:$0x8];
	s4 =	simm.s32 $0x8180  }
0xe9: {  	[hbm4b:s3+s17] =	stream.linear.scatter [tilespmem:s4], [sflag:$0x6], $0x4000, $0x38;
	[tilespmem:$0x14180] =	vst v63  }
0xea: {  	_ =	swait.ge [sflag:s20], $0x4000  }
0xeb: {  	[sflag:s20] =	ssyncset.done $0x0  }
0xec: {  	s3 =	simm.s32 @!p0 $0x5;
	[sflag:s20] =	ssyncadd.s32 $0xFFFFC000  }
0xed: {  	s2 =	sadd.s32 $0x1, s2;
	_ =	swait.ge @!p0 [sflag:s3], $0x8000  }
0xee: {  	s4 =	simm.s32 @!p0 $0xC180;
	p1 =	sne.s32 s2, s18;
	[sflag:s3] =	ssyncset.done @!p0 $0x0  }
0xef: {  	s5 =	rddreg [dreg:$0x9];
	[sflag:s3] =	ssyncadd.s32 @!p0 $0xFFFF8000;
	s3 =	simm.s32 @!p0 $0x0  }
0xf0: {  	[hbm4b:s5+s3] =	stream.linear.scatter @!p0 [tilespmem:s4], [sflag:$0x6], $0x8000, $0x38;
	[tilespmem:$0x14180] =	vst v63  }
.Ltmp1:
0xf1: {  	_ = 	snop;
	(pc) =	sbr.rel @p1 .LBB2_1-.Ltmp1, $4  }
0xf2: {  	s3 =	simm.s32 @!p0 $0x6  }
0xf3: {  	_ =	swait.ge @!p0 [sflag:s3], $0x8000  }
0xf4: {  	[sflag:s3] =	ssyncset.done @!p0 $0x0  }
0xf5: {  	[sflag:s3] =	ssyncadd.s32 @!p0 $0xFFFF8000  }
0xf6: {  	_ =	sfence.sel $0x180000  }
0xf7: {  	[bflag:$0x0] =	sbarrier.arrive $0xFFFF  }
0xf8: {  	_ =	strace $0x90000050  }
0xf9: {  	s0 =	stileid.u32;
	[bflag:$0x2] =	sbarrier.arrive $0xFFFF  }
0xfa: {  	p0 =	sne.s32 s0, $0x0;
	s0 =	rddreg [dreg:$0x3]  }
0xfb: {  	s0 =	sadd.s32 @!p0 $0x100000, s0  }
0xfc: {  	[sflag:s0] =	ssyncadd.tile.s32 @!p0 $0x1;
	_ =	shalt  }
.Lfunc_end2:
_tile_overlayer_lowered:
.L_overlay_start_2:
0xfd: {  	(tag) =	ssettag $0x2  }
0xfe: {  	s0 =	rddreg [dreg:$0x0];
	s2 =	stileid.u32  }
0xff: {  	s1 =	rddreg [dreg:$0x1];
	p0 =	sne.s32 s2, $0x0  }
0x100: {  	s3 =	rddreg [dreg:$0x2];
	[bflag:$0x3] =	sbarrier.arrive $0xFFFF;
	s2 =	simm.s32 @!p0 $0x1C06  }
0x101: {  	[timem:s3], [sflag:s2] =	dma.local @!p0 [hbm:s0], s1  }
0x102: {  	s0 =	simm.s32 @!p0 $0x6  }
0x103: {  	_ =	swait.ge @!p0 [sflag:s0], s1  }
0x104: {  	s1 =	ssub.s32 @!p0 $0x0, s1;
	[sflag:s0] =	ssyncset.done @!p0 $0x0  }
0x105: {  	[sflag:s0] =	ssyncadd.s32 @!p0 s1  }
0x106: {  	[bflag:$0x3] =	sbarrier.arrive $0xFFFF  }
0x107: {  	_ =	shalt  }

// kernel: kernel.13.cloned.1.call-start
scs
__scs_entry_jumppad:
0x0: {  	(pc) =	sbr.rel $0x88, $3  }
0x1: {  	(tag) =	ssettag $0x0;
	lr =	simm.s32 $0x1  }
0x2: {  	[smem:$0x3F9C] =	sst lr;
	_ =	strace $0xD0000000  }
0x3: {  	_ = 	snop  }
0x4: {  	_ = 	snop  }
0x5: {  	_ = 	snop  }
0x6: {  	_ = 	snop  }
0x7: {  	_ = 	snop  }
__scs_overlays_trampoline_lowered:
0x8: {  	[smem:$0x3FAB] =	sst s0  }
0x9: {  	[smem:$0x3FAC] =	sst s1  }
0xa: {  	[smem:$0x3FAD] =	sst s2  }
0xb: {  	[smem:$0x3FAE] =	sst s3  }
0xc: {  	[smem:$0x3FAF] =	sst s4  }
0xd: {  	[smem:$0x3FB0] =	sst s5  }
0xe: {  	[smem:$0x3FB1] =	sst s6  }
0xf: {  	[smem:$0x3FB2] =	sst s7  }
0x10: {  	[smem:$0x3FB3] =	sst s8  }
0x11: {  	[smem:$0x3FB4] =	sst s9;
	s0 =	simm.s32 @!p0 $0x0  }
0x12: {  	s1 =	sld [smem:$0x3F9A];
	s0 =	simm.s32 @p0 $0x1  }
0x13: {  	[smem:$0x3FB5] =	sst s0;
	s0 =	simm.s32 @!p1 $0x0  }
0x14: {  	s2 =	sld [smem:$0x3F99];
	s0 =	simm.s32 @p1 $0x1  }
0x15: {  	[smem:$0x3FB6] =	sst s0;
	s0 =	simm.s32 @!p2 $0x0  }
0x16: {  	s3 =	sld [smem:$0x3FDB];
	s0 =	simm.s32 @p2 $0x1  }
0x17: {  	s4 =	simm.s32 $0x1BF5;
	[smem:$0x3FB8] =	sst s0  }
0x18: {  	s0 =	sld [smem:$0x3F9B];
	_ =	swait.ge [sflag:s4], $0x0  }
0x19: {  	s7 =	sld [smem:$0x3F9C]  }
0x1a: {  	s8 =	sadd.s32 $0xFFFFE003, lr  }
0x1b: {  	s9 =	sadd.s32 $0xFFFFFEF7, lr;
	s5 =	simm.s32 $0xFFFFFFFF;
	p2 =	slt.u32 s8, $0xFFFFF086  }
0x1c: {  	p1 =	slt.u32 s9, $0xF7A;
	s5 =	simm.s32 @!p2 $0x0  }
0x1d: {  	s5 =	simm.s32 @p1 $0x1;
	p0 =	seq.s32 s7, s2  }
0x1e: {  	s7 =	smul.u32 @!p0 $0xF7A, s2;
	p2 =	seq.s32 @!p0 s5, $0x0  }
0x1f: {  	s9 =	smul.u32 $0xF7A, s1;
	s8 =	simm.s32 @!p0 $0x1BF5;
	p2 =	por !p2, p0  }
0x20: {  	[sflag:s8] =	ssyncset.s32 @!p0 $0xFFFFF086;
	s6 =	sadd.s32 @!p0 s3, s7;
	s7 =	simm.s32 @!p0 $0x108  }
0x21: {  	s3 =	sadd.s32 s3, s9;
	s6 =	sadd.s32 @!p0 $0x88, s6;
	s7 =	simm.s32 @p2 $0x1082  }
0x22: {  	[simem:s7], [sflag:s8] =	dma.local @!p0 [hbm:s6], $0xF7A  }
0x23: {  	s9 =	sor.u32 $0xD0000000, s2;
	s6 =	simm.s32 $0x108;
	_ =	swait.ge @!p0 [sflag:s8], $0x0  }
0x24: {  	s3 =	sadd.s32 $0x88, s3;
	s6 =	simm.s32 @!p1 $0x1082;
	[sflag:s4] =	ssyncset.s32 $0xFFFFF086  }
0x25: {  	[simem:s6], [sflag:s4] =	dma.local [hbm:s3], $0xF7A  }
0x26: {  	[smem:$0x3F9C] =	sst s1;
	(tag) =	ssettag s2;
	_ =	strace s9  }
0x27: {  	s1 =	sld [smem:$0x3FAC]  }
0x28: {  	s2 =	sld [smem:$0x3FAD]  }
0x29: {  	s4 =	sld [smem:$0x3FAF]  }
0x2a: {  	p0 =	seq.s32 s5, $0x0;
	s5 =	sld [smem:$0x3FB0]  }
0x2b: {  	s6 =	sld [smem:$0x3FB1]  }
0x2c: {  	s7 =	sld [smem:$0x3FB2]  }
0x2d: {  	s3 =	simm.s32 $0x108;
	s8 =	sld [smem:$0x3FB3]  }
0x2e: {  	s3 =	simm.s32 @!p0 $0x1082;
	s9 =	sld [smem:$0x3FB4]  }
0x2f: {  	lr =	sadd.s32 s0, s3;
	s0 =	sld [smem:$0x3FAB]  }
0x30: {  	s3 =	sld [smem:$0x3FAE]  }
0x31: {  	[smem:$0x3FB7] =	sst s10  }
0x32: {  	s10 =	sld [smem:$0x3FB5];
	_ =	sdelay $0x3  }
0x33: {  	p0 =	seq.s32 s10, $0x1;
	s10 =	sld [smem:$0x3FB7];
	_ =	sdelay $0x3  }
0x34: {  	[smem:$0x3FB7] =	sst s10  }
0x35: {  	s10 =	sld [smem:$0x3FB6];
	_ =	sdelay $0x3  }
0x36: {  	p1 =	seq.s32 s10, $0x1;
	s10 =	sld [smem:$0x3FB7];
	_ =	sdelay $0x3  }
0x37: {  	[smem:$0x3FB7] =	sst s10  }
0x38: {  	s10 =	sld [smem:$0x3FB8]  }
0x39: {  	_ = 	snop;
	(pc) =	sbr.ind lr, $3  }
0x3a: {  	_ = 	snop  }
0x3b: {  	_ = 	snop  }
0x3c: {  	p2 =	seq.s32 s10, $0x1;
	s10 =	sld [smem:$0x3FB7]  }
0x3d: {  	_ =	shalt  }
0x3e: {  	_ =	shalt  }
0x3f: {  	_ =	shalt  }
0x40: {  	_ =	shalt  }
0x41: {  	_ =	shalt  }
0x42: {  	_ =	shalt  }
0x43: {  	_ =	shalt  }
0x44: {  	_ =	shalt  }
0x45: {  	_ =	shalt  }
0x46: {  	_ =	shalt  }
0x47: {  	_ =	shalt  }
0x48: {  	_ =	shalt  }
0x49: {  	_ =	shalt  }
0x4a: {  	_ =	shalt  }
0x4b: {  	_ =	shalt  }
0x4c: {  	_ =	shalt  }
0x4d: {  	_ =	shalt  }
0x4e: {  	_ =	shalt  }
0x4f: {  	_ =	shalt  }
0x50: {  	_ =	shalt  }
0x51: {  	_ =	shalt  }
0x52: {  	_ =	shalt  }
0x53: {  	_ =	shalt  }
0x54: {  	_ =	shalt  }
0x55: {  	_ =	shalt  }
0x56: {  	_ =	shalt  }
0x57: {  	_ =	shalt  }
0x58: {  	_ =	shalt  }
0x59: {  	_ =	shalt  }
0x5a: {  	_ =	shalt  }
0x5b: {  	_ =	shalt  }
0x5c: {  	_ =	shalt  }
0x5d: {  	_ =	shalt  }
0x5e: {  	_ =	shalt  }
0x5f: {  	_ =	shalt  }
0x60: {  	_ =	shalt  }
0x61: {  	_ =	shalt  }
0x62: {  	_ =	shalt  }
0x63: {  	_ =	shalt  }
0x64: {  	_ =	shalt  }
0x65: {  	_ =	shalt  }
0x66: {  	_ =	shalt  }
0x67: {  	_ =	shalt  }
0x68: {  	_ =	shalt  }
0x69: {  	_ =	shalt  }
0x6a: {  	_ =	shalt  }
0x6b: {  	_ =	shalt  }
0x6c: {  	_ =	shalt  }
0x6d: {  	_ =	shalt  }
0x6e: {  	_ =	shalt  }
0x6f: {  	_ =	shalt  }
0x70: {  	_ =	shalt  }
0x71: {  	_ =	shalt  }
0x72: {  	_ =	shalt  }
0x73: {  	_ =	shalt  }
0x74: {  	_ =	shalt  }
0x75: {  	_ =	shalt  }
0x76: {  	_ =	shalt  }
0x77: {  	_ =	shalt  }
0x78: {  	_ =	shalt  }
0x79: {  	_ =	shalt  }
0x7a: {  	_ =	shalt  }
0x7b: {  	_ =	shalt  }
0x7c: {  	_ =	shalt  }
0x7d: {  	_ =	shalt  }
0x7e: {  	_ =	shalt  }
0x7f: {  	_ =	shalt  }
0x80: {  	_ =	shalt  }
0x81: {  	_ =	shalt  }
0x82: {  	_ =	shalt  }
0x83: {  	_ =	shalt  }
0x84: {  	_ =	shalt  }
0x85: {  	_ =	shalt  }
0x86: {  	_ =	shalt  }
0x87: {  	_ =	shalt  }
.Lfunc_end0:
.L_simem_size_0:
called_computation.1_lowered:
.L_overlay_start_0:
0x88: {  	s2 =	sld [smem:$0x3FD9]  }
0x89: {  	s3 =	sld [smem:$0x3FFE];
	_ =	sdelay $0x1  }
0x8a: {  	s1 =	srdreg.scid  }
0x8b: {  	s0 =	sand.u32 $0x1, s1  }
0x8c: {  	s15 =	sshll.u32 s0, $0xA;
	s2 =	sadd.s32 s3, s2  }
0x8d: {  	s2 =	sadd.s32 s2, s15  }
0x8e: {  	[smem:$0x3FC3] =	sst s2  }
0x8f: {  	_ = 	snop  }
0x90: {  	s16 =	sld [smem:$0x3FD0];
	_ =	sdelay $0x2  }
0x91: {  	s4 =	simm.s32 $0xD;
	s5 =	simm.s32 $0x10;
	s2 =	sld [smem:$0x3FC9]  }
0x92: {  	[smem:s5], [sflag:s4] =	dma.local [hbm:s16], $0x1  }
0x93: {  	_ =	swait.eq [sflag:s4], $0x1  }
0x94: {  	[sflag:s4] =	ssyncset.done $0x0  }
0x95: {  	[sflag:s4] =	ssyncadd.s32 $0xFFFFFFFF  }
0x96: {  	s17 =	sld [smem:$0x10];
	(tm) =	ssettm $0x1  }
0x97: {  	s18 =	sld [smem:$0x3FFB];
	_ =	sdelay $0x3  }
0x98: {  	_ =	strace s18  }
0x99: {  	s3 =	sld [smem:$0x3FFC];
	_ =	sdelay $0x3  }
0x9a: {  	_ =	strace s3  }
0x9b: {  	s3 =	sld [smem:$0x3FFD];
	_ =	sdelay $0x3  }
0x9c: {  	_ =	strace s3  }
0x9d: {  	_ =	strace $0x8FFFFFFF  }
0x9e: {  	s19 =	sld [smem:$0x3FDB];
	_ =	sdelay $0x1  }
0x9f: {  	s20 =	simm.s32 $_scs_section_size  }
0xa0: {  	s6 =	simm.s32 $_size__tile_overlayer_lowered;
	s7 =	simm.s32 $_tile_overlayer_lowered  }
0xa1: {  	s8 =	simm.s32 $0x1BFF;
	s21 =	sshll.u32 s7, $0x1;
	s5 =	sadd.s32 s20, s19  }
0xa2: {  	s22 =	simm.s32 $0x0;
	s6 =	sshll.u32 s6, $0x1;
	s7 =	sadd.s32 s21, s5  }
0xa3: {  	[timem:s22], [sflag:s8] =	dma.local [hbm:s7], s6  }
0xa4: {  	_ =	swait.ge [sflag:s8], s6  }
0xa5: {  	s6 =	ssub.s32 $0x0, s6;
	[sflag:s8] =	ssyncset.done $0x0  }
0xa6: {  	[sflag:s8] =	ssyncadd.s32 s6;
	_ =	sdelay $0x1  }
0xa7: {  	s23 =	simm.s32 $0x1B8B  }
0xa8: {  	_ =	swait.ge [sflag:s23], $0x1  }
0xa9: {  	[sflag:s23] =	ssyncset.done $0x0  }
0xaa: {  	[sflag:s23] =	ssyncadd.s32 $0xFFFFFFFF  }
0xab: {  	s6 =	sld [smem:$0x0]  }
0xac: {  	s7 =	sand.u32 $0xFFFFFFFE, s1  }
0xad: {  	p0 =	sne.s32 s1, s7  }
0xae: {  	s7 =	sshll.u32 @p0 s7, $0xE  }
0xaf: {  	s7 =	sadd.s32 @p0 $0x11B8D, s7;
	s8 =	sshll.u32 @p0 s6, $0x11  }
0xb0: {  	s7 =	sor.u32 @p0 s8, s7  }
0xb1: {  	[sflag:s7] =	ssyncadd.remote.s32 @p0 $0x1;
	_ =	sdelay $0x1  }
0xb2: {  	s7 =	simm.s32 @p0 $0x1B8D  }
0xb3: {  	_ =	swait.eq @p0 [sflag:s7], $0x1  }
0xb4: {  	[sflag:s7] =	ssyncadd.s32 @p0 $0xFFFFFFFF  }
0xb5: {  	s8 =	sshll.u32 @!p0 s1, $0xE  }
0xb6: {  	s8 =	sor.u32 @!p0 $0x4000, s8;
	s7 =	simm.s32 @!p0 $0x1B8D  }
0xb7: {  	s6 =	sshll.u32 @!p0 s6, $0x11;
	s8 =	sadd.s32 @!p0 $0x11B8D, s8;
	_ =	swait.eq @!p0 [sflag:s7], $0x1  }
0xb8: {  	s6 =	sor.u32 @!p0 s6, s8;
	[sflag:s7] =	ssyncadd.s32 @!p0 $0xFFFFFFFF  }
0xb9: {  	s25 =	simm.s32 $0x1B8E;
	s24 =	sld [smem:$0x3FFE];
	[sflag:s6] =	ssyncadd.remote.s32 @!p0 $0x1  }
0xba: {  	s26 =	simm.s32 $execute0_lowered;
	[smem:$0x3FD2] =	sst s25  }
0xbb: {  	s7 =	sshll.u32 s26, $0x1;
	_ =	strace $0x8000004C;
	[dreg:$0x1] =	wrdreg $0xFFFFFFFF  }
0xbc: {  	s28 =	simm.s32 $_size_execute0_lowered;
	s5 =	sadd.s32 s5, s7;
	[dreg:$0x0] =	wrdreg $0x0  }
0xbd: {  	s7 =	sshll.u32 s28, $0x1;
	[dreg:$0x2] =	wrdreg s5  }
0xbe: {  	[dreg:$0x3] =	wrdreg s7  }
0xbf: {  	[dreg:$0x4] =	wrdreg $0xC0  }
0xc0: {  	_ =	task [dreg:s22], $0x5FFFF  }
0xc1: {  	[dreg:$0x1] =	wrdreg $0xFFFFFFFF  }
0xc2: {  	[dreg:$0x0] =	wrdreg $0x60  }
0xc3: {  	[dreg:$0x2] =	wrdreg s2  }
0xc4: {  	[dreg:$0x3] =	wrdreg s24  }
0xc5: {  	[dreg:$0x4] =	wrdreg s17  }
0xc6: {  	[dreg:$0x5] =	wrdreg $0xA  }
0xc7: {  	_ =	task.clear_ibuf [dreg:s22], $0x6FFFF;
	_ =	strace $0x9000004C  }
0xc8: {  	s29 =	simm.s32 $0xA;
	_ =	strace $0x8000004E  }
0xc9: {  	_ =	swait.ge [sflag:s29], $0x1  }
0xca: {  	[sflag:s29] =	ssyncadd.s32 $0xFFFFFFFF  }
0xcb: {  	_ =	strace $0x9000004E  }
0xcc: {  	_ =	sfence  }
0xcd: {  	s30 =	sld [smem:$0x0];
	_ =	sdelay $0x2  }
0xce: {  	s31 =	sshll.u32 s1, $0xD;
	s1 =	sshrl.u32 s1, $0x2  }
0xcf: {  	s4 =	sand.u32 $0x4000, s31;
	s1 =	sadd.s32 s1, s30  }
0xd0: {  	s0 =	sor.u32 s4, s0;
	s1 =	sshll.u32 s1, $0x11  }
0xd1: {  	s0 =	sor.u32 s1, s0  }
0xd2: {  	s0 =	sadd.s32 $0x8F2B, s0  }
0xd3: {  	[sflag:s0] =	ssyncadd.remote.s32 $0x1  }
0xd4: {  	_ =	sfence.sel $0xFFFF  }
0xd5: {  	[dreg:$0x0] =	wrdreg $0xFFFFFFFF;
	(pc) =	sbr.abs _section_cstart, $3  }
0xd6: {  	[dreg:$0x1] =	wrdreg $0xFFFFFFFF  }
0xd7: {  	_ =	task.clear_ibuf [dreg:s22], $0x2FFFF;
	_ =	strace $0x9FFFFFFF  }
0xd8: {  	(tm) =	ssettm $0x7FFFFFFF  }
0xd9: {  	_ =	shalt  }
tec
execute0_lowered:
.L_overlay_start_1:
0x0: {  	(tag) =	ssettag $0x1  }
0x1: {  	s1 =	rddreg [dreg:$0x0]  }
0x2: {  	s0 =	rddreg [dreg:$0x1]  }
0x3: {  	s2 =	rddreg [dreg:$0x2];
	s4 =	simm.s32 $0x0  }
0x4: {  	s3 =	srdreg.scid;
	s19 =	stileid.u32;
	s28 =	simm.s32 $0x6180  }
0x5: {  	s29 =	simm.s32 $0x1;
	s30 =	simm.s32 $0x2;
	s31 =	simm.s32 $0x3  }
0x6: {  	[smem:$0x7FF] =	sst s4;
	s3 =	sand.u32 $0x1, s3;
	s18 =	sshll.u32 s19, $0x1  }
0x7: {  	s5 =	sadd.s32 $0x4400, s0;
	s8 =	sshrl.u32 s19, $0x1;
	s21 =	sand.u32 $0x8, s19  }
0x8: {  	s9 =	sadd.s32 $0x400, s1;
	s10 =	sadd.s32 $0x500, s1;
	s11 =	sadd.s32 $0x600, s1  }
0x9: {  	s25 =	sshll.u32 s19, $0x10;
	p0 =	sgt.u32 s19, $0x3;
	_ =	strace $0x8000004D  }
0xa: {  	s4 =	sor.u32 s3, s18;
	s7 =	ssub.s32 $0x2, s3;
	s22 =	sor.u32 $0x2, s8  }
0xb: {  	s26 =	sshll.u32 s3, $0xF;
	s6 =	sshll.u32 s4, $0xC;
	s20 =	sshrl.u32 s7, $0x1  }
0xc: {  	s12 =	sshll.u32 s4, $0xF;
	s8 =	sshll.u32 s22, $0x3;
	s23 =	sshll.u32 s4, $0x6  }
0xd: {  	s14 =	sshll.u32 s22, $0xB;
	s4 =	sshll.u32 s4, $0xB;
	s22 =	simm.s32 $0x200  }
0xe: {  	s0 =	sadd.s32 s6, s0;
	s13 =	ssub.s32 s7, s20;
	s6 =	sadd.s32 s21, s5  }
0xf: {  	s5 =	sadd.s32 s5, s8;
	s7 =	sadd.s32 $0x200, s1;
	s8 =	sadd.s32 $0x300, s1  }
0x10: {  	s15 =	sadd.s32 s12, s1;
	s12 =	sadd.s32 $0x700, s1;
	s20 =	simm.s32 $0x6  }
0x11: {  	[dreg:$0x5] =	wrdreg s5;
	s5 =	sand.u32 $0xC0, s23;
	s16 =	sadd.s32 $0x100000, s15  }
0x12: {  	s6 =	sadd.s32 $0x10, s6;
	s24 =	sadd.s32 $0x100040, s15;
	s15 =	sadd.s32 $0x100800, s15  }
0x13: {  	s17 =	sadd.s32 $0x34600, s0;
	s18 =	smax.u32 s13, $0x1;
	[dreg:$0x4] =	wrdreg s6  }
0x14: {  	s0 =	sadd.s32 s25, s1;
	s23 =	simm.s32 $0x400;
	[dreg:$0x6] =	wrdreg s16  }
0x15: {  	s25 =	simm.s32 $0x2180;
	s6 =	sadd.s32 $0x100, s1;
	[dreg:$0x7] =	wrdreg s24  }
0x16: {  	[dreg:$0x8] =	wrdreg s15;
	s16 =	sadd.s32 s2, s4;
	s4 =	simm.s32 $0x0  }
0x17: {  	s19 =	sadd.s32 s26, s0;
	s21 =	sshrl.u32 @!p0 s5, $0x2;
	s24 =	simm.s32 $0x180  }
0x18: {  	vm0 =	vmmov @!p0 $0xffff;
	v0 =	vmov s14;
	s26 =	simm.s32 $0x4180;
	s0 =	simm.s32 $0x4;
	s2 =	simm.s32 $0x0  }
.LBB2_1:
0x19: {  	s1 =	rddreg [dreg:$0x4]  }
0x1a: {  	[tilespmem:s4], [sflag:$0x6] =	stream.linear.gather [hbm4b:s1+s4], $0x40, $0x38;
	[tilespmem:$0x14180] =	vst v63  }
0x1b: {  	_ =	swait.ge [sflag:s20], $0x40  }
0x1c: {  	[sflag:s20] =	ssyncset.done $0x0  }
0x1d: {  	[sflag:s20] =	ssyncadd.s32 $0xFFFFFFC0  }
0x1e: {  	v1 =	vld [tilespmem:$0x0]  }
0x1f: {  	v2 =	vld [tilespmem:$0x10]  }
0x20: {  	s3 =	simm.s32 @!p0 $0x0;
	s4 =	simm.s32 @!p0 $0x80;
	s1 =	rddreg [dreg:$0x5];
	v3 =	vld [tilespmem:$0x20]  }
0x21: {  	v4 =	vld [tilespmem:$0x30];
	[tilespmem:s4], [sflag:$0x6] =	stream.linear.gather @!p0 [hbm4b:s1+s3], $0x40, $0x38  }
0x22: {  	s4 =	simm.s32 @!p0 $0x6  }
0x23: {  	_ =	swait.ge @!p0 [sflag:s4], $0x40  }
0x24: {  	[sflag:s4] =	ssyncset.done @!p0 $0x0  }
0x25: {  	[sflag:s4] =	ssyncadd.s32 @!p0 $0xFFFFFFC0  }
0x26: {  	v5 =	vld @!p0 [tilespmem:s21+$0x80];
	_ =	sdelay $0x4  }
0x27: {  	v6 =	vadd.s32 @!p0 v0, v5  }
0x28: {  	v7 =	vshll.u32 @!p0 v6, $0x4  }
0x29: {  	v8 =	vlaneseq.u32 @!p0;
	v5 =	vand.u32 @!p0 $0x7, v5;
	v7 =	vand.u32 @!p0 $0xFFFFFF80, v7  }
0x2a: {  	v9 =	vshrl.u32 @!p0 v8, $0x3;
	v5 =	vor.u32 @!p0 v5, v7;
	v7 =	vand.u32 @!p0 $0x7, v8  }
0x2b: {  	v9 =	vmul.u32 @!p0 $0x8, v9;
	v7 =	vperm.xlane @!p0 v5, v7;
	_ =	sdelay $0x1  }
0x2c: {  	v7 =	vadd.s32 @!p0 v9, v7;
	_ =	sdelay $0x3  }
0x2d: {  	s4 =	simm.s32 @!p0 $0xC180;
	s1 =	rddreg [dreg:$0x0];
	[tilespmem:$0x100] =	vst @!p0 v6  }
0x2e: {  	[tilespmem:s4], [sflag:$0x5] =	stream.indirect_vreg.gather @!p0 [hbm4b:s1+s3], $0x80, v7, vm0, $0xb8;
	[tilespmem:$0x14180] =	vst v63  }
0x2f: {  	s4 =	simm.s32 @!p0 $0xC980  }
0x30: {  	[tilespmem:s4], [sflag:$0x5] =	stream.indirect_vreg.gather @!p0 [hbm4b:s6+s3], $0x80, v7, vm0, $0xb8;
	[tilespmem:$0x14180] =	vst v63  }
0x31: {  	s4 =	simm.s32 @!p0 $0xD180  }
0x32: {  	[tilespmem:s4], [sflag:$0x5] =	stream.indirect_vreg.gather @!p0 [hbm4b:s7+s3], $0x80, v7, vm0, $0xb8;
	[tilespmem:$0x14180] =	vst v63  }
0x33: {  	s4 =	simm.s32 @!p0 $0xD980  }
0x34: {  	[tilespmem:s4], [sflag:$0x5] =	stream.indirect_vreg.gather @!p0 [hbm4b:s8+s3], $0x80, v7, vm0, $0xb8;
	[tilespmem:$0x14180] =	vst v63  }
0x35: {  	s4 =	simm.s32 @!p0 $0xE180  }
0x36: {  	v6 =	vor.u32 @!p0 $0x8, v8;
	[tilespmem:s4], [sflag:$0x5] =	stream.indirect_vreg.gather @!p0 [hbm4b:s9+s3], $0x80, v7, vm0, $0xb8;
	[tilespmem:$0x14180] =	vst v63  }
0x37: {  	v5 =	vperm.xlane @!p0 v5, v6;
	s4 =	simm.s32 @!p0 $0xE980  }
0x38: {  	[tilespmem:s4], [sflag:$0x5] =	stream.indirect_vreg.gather @!p0 [hbm4b:s10+s3], $0x80, v7, vm0, $0xb8;
	[tilespmem:$0x14180] =	vst v63  }
0x39: {  	v5 =	vadd.s32 @!p0 v9, v5;
	s4 =	simm.s32 @!p0 $0xF180  }
0x3a: {  	[tilespmem:s4], [sflag:$0x5] =	stream.indirect_vreg.gather @!p0 [hbm4b:s11+s3], $0x80, v7, vm0, $0xb8;
	[tilespmem:$0x14180] =	vst v63  }
0x3b: {  	s4 =	simm.s32 @!p0 $0xF980  }
0x3c: {  	[tilespmem:s4], [sflag:$0x5] =	stream.indirect_vreg.gather @!p0 [hbm4b:s12+s3], $0x80, v7, vm0, $0xb8;
	[tilespmem:$0x14180] =	vst v63  }
0x3d: {  	s4 =	simm.s32 @!p0 $0x10180  }
0x3e: {  	[tilespmem:s4], [sflag:$0x5] =	stream.indirect_vreg.gather @!p0 [hbm4b:s1+s3], $0x80, v5, vm0, $0xb8;
	[tilespmem:$0x14180] =	vst v63  }
0x3f: {  	s4 =	simm.s32 @!p0 $0x10980  }
0x40: {  	[tilespmem:s4], [sflag:$0x5] =	stream.indirect_vreg.gather @!p0 [hbm4b:s6+s3], $0x80, v5, vm0, $0xb8;
	[tilespmem:$0x14180] =	vst v63  }
0x41: {  	s4 =	simm.s32 @!p0 $0x11180  }
0x42: {  	[tilespmem:s4], [sflag:$0x5] =	stream.indirect_vreg.gather @!p0 [hbm4b:s7+s3], $0x80, v5, vm0, $0xb8;
	[tilespmem:$0x14180] =	vst v63  }
0x43: {  	s4 =	simm.s32 @!p0 $0x11980  }
0x44: {  	[tilespmem:s4], [sflag:$0x5] =	stream.indirect_vreg.gather @!p0 [hbm4b:s8+s3], $0x80, v5, vm0, $0xb8;
	[tilespmem:$0x14180] =	vst v63  }
0x45: {  	s4 =	simm.s32 @!p0 $0x12180  }
0x46: {  	[tilespmem:s4], [sflag:$0x5] =	stream.indirect_vreg.gather @!p0 [hbm4b:s9+s3], $0x80, v5, vm0, $0xb8;
	[tilespmem:$0x14180] =	vst v63  }
0x47: {  	s4 =	simm.s32 @!p0 $0x12980  }
0x48: {  	v7 =	vshll.u32 v4, $0x2;
	[tilespmem:s4], [sflag:$0x5] =	stream.indirect_vreg.gather @!p0 [hbm4b:s10+s3], $0x80, v5, vm0, $0xb8;
	[tilespmem:$0x14180] =	vst v63  }
0x49: {  	v4 =	vand.u32 $0x7F, v4;
	v7 =	vand.u32 $0xFFFFFE00, v7;
	s4 =	simm.s32 @!p0 $0x13180  }
0x4a: {  	v4 =	vor.u32 v4, v7;
	[tilespmem:s4], [sflag:$0x5] =	stream.indirect_vreg.gather @!p0 [hbm4b:s11+s3], $0x80, v5, vm0, $0xb8;
	[tilespmem:$0x14180] =	vst v63  }
0x4b: {  	v6 =	vshll.u32 v1, $0x2;
	v1 =	vand.u32 $0x7F, v1;
	v8 =	vor.u32 $0x80, v4;
	s4 =	simm.s32 @!p0 $0x13980  }
0x4c: {  	v12 =	vor.u32 $0x100, v4;
	v16 =	vor.u32 $0x180, v4;
	[tilespmem:s4], [sflag:$0x5] =	stream.indirect_vreg.gather @!p0 [hbm4b:s12+s3], $0x80, v5, vm0, $0xb8;
	v5 =	vand.u32 $0xFFFFFE00, v6;
	[tilespmem:$0x14180] =	vst v63  }
0x4d: {  	s13 =	rddreg [dreg:$0x6];
	v6 =	vshll.u32 v2, $0x2;
	v2 =	vand.u32 $0x7F, v2;
	v1 =	vor.u32 v1, v5  }
0x4e: {  	v5 =	vand.u32 $0xFFFFFE00, v6;
	v6 =	vand.u32 $0x7F, v3;
	v3 =	vshll.u32 v3, $0x2;
	[tilespmem:s24], [sflag:$0x1] =	stream.strided.gather [hbm4b:s13+s22], $0x2000, s23, s22, $0x38;
	[tilespmem:$0x14180] =	vst v63  }
0x4f: {  	s14 =	rddreg [dreg:$0x7];
	v3 =	vand.u32 $0xFFFFFE00, v3;
	v2 =	vor.u32 v2, v5;
	v5 =	vor.u32 $0x80, v1  }
0x50: {  	v9 =	vor.u32 $0x100, v1;
	v13 =	vor.u32 $0x180, v1;
	v3 =	vor.u32 v6, v3;
	[tilespmem:s25], [sflag:$0x2] =	stream.strided.gather [hbm4b:s14+s22], $0x2000, s23, s22, $0x38;
	[tilespmem:$0x14180] =	vst v63  }
0x51: {  	s15 =	rddreg [dreg:$0x8];
	s3 =	simm.s32 $0x8580;
	s4 =	simm.s32 $0x0;
	v6 =	vor.u32 $0x80, v2;
	v10 =	vor.u32 $0x100, v2;
	v14 =	vor.u32 $0x180, v2  }
0x52: {  	v7 =	vor.u32 $0x80, v3;
	v11 =	vor.u32 $0x100, v3;
	v15 =	vor.u32 $0x180, v3;
	[tilespmem:s26], [sflag:$0x3] =	stream.strided.gather [hbm4b:s15+s22], $0x2000, s23, s22, $0x38;
	[tilespmem:$0x14180] =	vst v63  }
.LBB2_2:
0x53: {  	s5 =	sadd.s32 s4, s19  }
0x54: {  	s5 =	sadd.s32 $0x100840, s5  }
0x55: {  	[tilespmem:s28], [sflag:$0x4] =	stream.strided.gather [hbm4b:s5+s22], $0x2000, s23, s22, $0x38;
	[tilespmem:$0x14180] =	vst v63  }
0x56: {  	_ =	swait.ge [sflag:s29], $0x2000  }
0x57: {  	[sflag:s29] =	ssyncset.done $0x0  }
0x58: {  	[sflag:s29] =	ssyncadd.s32 $0xFFFFE000  }
0x59: {  	v17 =	vld.idx.msk [tilespmem:v1+s24+$0x0], $0xffff;
	_ =	sdelay $0x4  }
0x5a: {  	[tilespmem:s3+$0xFFFFFC00] =	vst v17  }
0x5b: {  	v17 =	vld.idx.msk [tilespmem:v2+s24+$0x0], $0xffff;
	_ =	sdelay $0x4  }
0x5c: {  	[tilespmem:s3+$0xFFFFFC10] =	vst v17  }
0x5d: {  	v17 =	vld.idx.msk [tilespmem:v3+s24+$0x0], $0xffff;
	_ =	sdelay $0x4  }
0x5e: {  	[tilespmem:s3+$0xFFFFFC20] =	vst v17  }
0x5f: {  	v17 =	vld.idx.msk [tilespmem:v4+s24+$0x0], $0xffff;
	_ =	sdelay $0x4  }
0x60: {  	[tilespmem:s3+$0xFFFFFC30] =	vst v17  }
0x61: {  	v17 =	vld.idx.msk [tilespmem:v5+s24+$0x0], $0xffff;
	_ =	sdelay $0x4  }
0x62: {  	[tilespmem:s3+$0xFFFFFC80] =	vst v17  }
0x63: {  	v17 =	vld.idx.msk [tilespmem:v6+s24+$0x0], $0xffff;
	_ =	sdelay $0x4  }
0x64: {  	[tilespmem:s3+$0xFFFFFC90] =	vst v17  }
0x65: {  	v17 =	vld.idx.msk [tilespmem:v7+s24+$0x0], $0xffff;
	_ =	sdelay $0x4  }
0x66: {  	[tilespmem:s3+$0xFFFFFCA0] =	vst v17  }
0x67: {  	v17 =	vld.idx.msk [tilespmem:v8+s24+$0x0], $0xffff;
	_ =	sdelay $0x4  }
0x68: {  	[tilespmem:s3+$0xFFFFFCB0] =	vst v17  }
0x69: {  	v17 =	vld.idx.msk [tilespmem:v9+s24+$0x0], $0xffff;
	_ =	sdelay $0x4  }
0x6a: {  	[tilespmem:s3+$0xFFFFFD00] =	vst v17  }
0x6b: {  	v17 =	vld.idx.msk [tilespmem:v10+s24+$0x0], $0xffff;
	_ =	sdelay $0x4  }
0x6c: {  	[tilespmem:s3+$0xFFFFFD10] =	vst v17  }
0x6d: {  	v17 =	vld.idx.msk [tilespmem:v11+s24+$0x0], $0xffff;
	_ =	sdelay $0x4  }
0x6e: {  	[tilespmem:s3+$0xFFFFFD20] =	vst v17  }
0x6f: {  	v17 =	vld.idx.msk [tilespmem:v12+s24+$0x0], $0xffff;
	_ =	sdelay $0x4  }
0x70: {  	[tilespmem:s3+$0xFFFFFD30] =	vst v17  }
0x71: {  	v17 =	vld.idx.msk [tilespmem:v13+s24+$0x0], $0xffff;
	_ =	sdelay $0x4  }
0x72: {  	[tilespmem:s3+$0xFFFFFD80] =	vst v17  }
0x73: {  	v17 =	vld.idx.msk [tilespmem:v14+s24+$0x0], $0xffff;
	_ =	sdelay $0x4  }
0x74: {  	[tilespmem:s3+$0xFFFFFD90] =	vst v17  }
0x75: {  	v17 =	vld.idx.msk [tilespmem:v15+s24+$0x0], $0xffff;
	_ =	sdelay $0x4  }
0x76: {  	[tilespmem:s3+$0xFFFFFDA0] =	vst v17  }
0x77: {  	v17 =	vld.idx.msk [tilespmem:v16+s24+$0x0], $0xffff;
	_ =	sdelay $0x2  }
0x78: {  	p1 =	seq.s32 s4, $0x7000  }
0x79: {  	s13 =	simm.s32 @!p1 $0x200;
	s5 =	sadd.s32 @!p1 s4, s19  }
0x7a: {  	s14 =	simm.s32 @!p1 $0x400;
	s15 =	simm.s32 @!p1 $0x180;
	s1 =	sadd.s32 @!p1 $0x101000, s5;
	[tilespmem:s3+$0xFFFFFDB0] =	vst v17  }
0x7b: {  	[tilespmem:s15], [sflag:$0x1] =	stream.strided.gather @!p1 [hbm4b:s1+s13], $0x2000, s14, s13, $0x38;
	[tilespmem:$0x14180] =	vst v63  }
0x7c: {  	_ =	swait.ge [sflag:s30], $0x2000  }
0x7d: {  	[sflag:s30] =	ssyncset.done $0x0  }
0x7e: {  	[sflag:s30] =	ssyncadd.s32 $0xFFFFE000  }
0x7f: {  	v17 =	vld.idx.msk [tilespmem:v1+s25+$0x0], $0xffff;
	_ =	sdelay $0x4  }
0x80: {  	[tilespmem:s3+$0xFFFFFE00] =	vst v17  }
0x81: {  	v17 =	vld.idx.msk [tilespmem:v2+s25+$0x0], $0xffff;
	_ =	sdelay $0x4  }
0x82: {  	[tilespmem:s3+$0xFFFFFE10] =	vst v17  }
0x83: {  	v17 =	vld.idx.msk [tilespmem:v3+s25+$0x0], $0xffff;
	_ =	sdelay $0x4  }
0x84: {  	[tilespmem:s3+$0xFFFFFE20] =	vst v17  }
0x85: {  	v17 =	vld.idx.msk [tilespmem:v4+s25+$0x0], $0xffff;
	_ =	sdelay $0x4  }
0x86: {  	[tilespmem:s3+$0xFFFFFE30] =	vst v17  }
0x87: {  	v17 =	vld.idx.msk [tilespmem:v5+s25+$0x0], $0xffff;
	_ =	sdelay $0x4  }
0x88: {  	[tilespmem:s3+$0xFFFFFE80] =	vst v17  }
0x89: {  	v17 =	vld.idx.msk [tilespmem:v6+s25+$0x0], $0xffff;
	_ =	sdelay $0x4  }
0x8a: {  	[tilespmem:s3+$0xFFFFFE90] =	vst v17  }
0x8b: {  	v17 =	vld.idx.msk [tilespmem:v7+s25+$0x0], $0xffff;
	_ =	sdelay $0x4  }
0x8c: {  	[tilespmem:s3+$0xFFFFFEA0] =	vst v17  }
0x8d: {  	v17 =	vld.idx.msk [tilespmem:v8+s25+$0x0], $0xffff;
	_ =	sdelay $0x4  }
0x8e: {  	[tilespmem:s3+$0xFFFFFEB0] =	vst v17  }
0x8f: {  	v17 =	vld.idx.msk [tilespmem:v9+s25+$0x0], $0xffff;
	_ =	sdelay $0x4  }
0x90: {  	[tilespmem:s3+$0xFFFFFF00] =	vst v17  }
0x91: {  	v17 =	vld.idx.msk [tilespmem:v10+s25+$0x0], $0xffff;
	_ =	sdelay $0x4  }
0x92: {  	[tilespmem:s3+$0xFFFFFF10] =	vst v17  }
0x93: {  	v17 =	vld.idx.msk [tilespmem:v11+s25+$0x0], $0xffff;
	_ =	sdelay $0x4  }
0x94: {  	[tilespmem:s3+$0xFFFFFF20] =	vst v17  }
0x95: {  	v17 =	vld.idx.msk [tilespmem:v12+s25+$0x0], $0xffff;
	_ =	sdelay $0x4  }
0x96: {  	[tilespmem:s3+$0xFFFFFF30] =	vst v17  }
0x97: {  	v17 =	vld.idx.msk [tilespmem:v13+s25+$0x0], $0xffff;
	_ =	sdelay $0x4  }
0x98: {  	[tilespmem:s3+$0xFFFFFF80] =	vst v17  }
0x99: {  	v17 =	vld.idx.msk [tilespmem:v14+s25+$0x0], $0xffff;
	_ =	sdelay $0x4  }
0x9a: {  	[tilespmem:s3+$0xFFFFFF90] =	vst v17  }
0x9b: {  	v17 =	vld.idx.msk [tilespmem:v15+s25+$0x0], $0xffff;
	_ =	sdelay $0x4  }
0x9c: {  	[tilespmem:s3+$0xFFFFFFA0] =	vst v17  }
0x9d: {  	v17 =	vld.idx.msk [tilespmem:v16+s25+$0x0], $0xffff;
	_ =	sdelay $0x4  }
0x9e: {  	s1 =	sadd.s32 @!p1 $0x101040, s5;
	s15 =	simm.s32 @!p1 $0x2180;
	[tilespmem:s3+$0xFFFFFFB0] =	vst v17  }
0x9f: {  	[tilespmem:s15], [sflag:$0x2] =	stream.strided.gather @!p1 [hbm4b:s1+s13], $0x2000, s14, s13, $0x38;
	[tilespmem:$0x14180] =	vst v63  }
0xa0: {  	_ =	swait.ge [sflag:s31], $0x2000  }
0xa1: {  	[sflag:s31] =	ssyncset.done $0x0  }
0xa2: {  	[sflag:s31] =	ssyncadd.s32 $0xFFFFE000  }
0xa3: {  	v17 =	vld.idx.msk [tilespmem:v1+s26+$0x0], $0xffff;
	_ =	sdelay $0x4  }
0xa4: {  	[tilespmem:s3+$0x0] =	vst v17  }
0xa5: {  	v17 =	vld.idx.msk [tilespmem:v2+s26+$0x0], $0xffff;
	_ =	sdelay $0x4  }
0xa6: {  	[tilespmem:s3+$0x10] =	vst v17  }
0xa7: {  	v17 =	vld.idx.msk [tilespmem:v3+s26+$0x0], $0xffff;
	_ =	sdelay $0x4  }
0xa8: {  	[tilespmem:s3+$0x20] =	vst v17  }
0xa9: {  	v17 =	vld.idx.msk [tilespmem:v4+s26+$0x0], $0xffff;
	_ =	sdelay $0x4  }
0xaa: {  	[tilespmem:s3+$0x30] =	vst v17  }
0xab: {  	v17 =	vld.idx.msk [tilespmem:v5+s26+$0x0], $0xffff;
	_ =	sdelay $0x4  }
0xac: {  	[tilespmem:s3+$0x80] =	vst v17  }
0xad: {  	v17 =	vld.idx.msk [tilespmem:v6+s26+$0x0], $0xffff;
	_ =	sdelay $0x4  }
0xae: {  	[tilespmem:s3+$0x90] =	vst v17  }
0xaf: {  	v17 =	vld.idx.msk [tilespmem:v7+s26+$0x0], $0xffff;
	_ =	sdelay $0x4  }
0xb0: {  	[tilespmem:s3+$0xA0] =	vst v17  }
0xb1: {  	v17 =	vld.idx.msk [tilespmem:v8+s26+$0x0], $0xffff;
	_ =	sdelay $0x4  }
0xb2: {  	[tilespmem:s3+$0xB0] =	vst v17  }
0xb3: {  	v17 =	vld.idx.msk [tilespmem:v9+s26+$0x0], $0xffff;
	_ =	sdelay $0x4  }
0xb4: {  	[tilespmem:s3+$0x100] =	vst v17  }
0xb5: {  	v17 =	vld.idx.msk [tilespmem:v10+s26+$0x0], $0xffff;
	_ =	sdelay $0x4  }
0xb6: {  	[tilespmem:s3+$0x110] =	vst v17  }
0xb7: {  	v17 =	vld.idx.msk [tilespmem:v11+s26+$0x0], $0xffff;
	_ =	sdelay $0x4  }
0xb8: {  	[tilespmem:s3+$0x120] =	vst v17  }
0xb9: {  	v17 =	vld.idx.msk [tilespmem:v12+s26+$0x0], $0xffff;
	_ =	sdelay $0x4  }
0xba: {  	[tilespmem:s3+$0x130] =	vst v17  }
0xbb: {  	v17 =	vld.idx.msk [tilespmem:v13+s26+$0x0], $0xffff;
	_ =	sdelay $0x4  }
0xbc: {  	[tilespmem:s3+$0x180] =	vst v17  }
0xbd: {  	v17 =	vld.idx.msk [tilespmem:v14+s26+$0x0], $0xffff;
	_ =	sdelay $0x4  }
0xbe: {  	[tilespmem:s3+$0x190] =	vst v17  }
0xbf: {  	v17 =	vld.idx.msk [tilespmem:v15+s26+$0x0], $0xffff;
	_ =	sdelay $0x4  }
0xc0: {  	[tilespmem:s3+$0x1A0] =	vst v17  }
0xc1: {  	v17 =	vld.idx.msk [tilespmem:v16+s26+$0x0], $0xffff;
	_ =	sdelay $0x4  }
0xc2: {  	s1 =	sadd.s32 @!p1 $0x101800, s5;
	s5 =	simm.s32 @!p1 $0x4180;
	[tilespmem:s3+$0x1B0] =	vst v17  }
0xc3: {  	[tilespmem:s5], [sflag:$0x3] =	stream.strided.gather @!p1 [hbm4b:s1+s13], $0x2000, s14, s13, $0x38;
	[tilespmem:$0x14180] =	vst v63  }
0xc4: {  	_ =	swait.ge [sflag:s0], $0x2000  }
0xc5: {  	[sflag:s0] =	ssyncset.done $0x0  }
0xc6: {  	[sflag:s0] =	ssyncadd.s32 $0xFFFFE000  }
0xc7: {  	v17 =	vld.idx.msk [tilespmem:v1+s28+$0x0], $0xffff;
	_ =	sdelay $0x4  }
0xc8: {  	[tilespmem:s3+$0x200] =	vst v17  }
0xc9: {  	v17 =	vld.idx.msk [tilespmem:v2+s28+$0x0], $0xffff;
	_ =	sdelay $0x4  }
0xca: {  	[tilespmem:s3+$0x210] =	vst v17  }
0xcb: {  	v17 =	vld.idx.msk [tilespmem:v3+s28+$0x0], $0xffff;
	_ =	sdelay $0x4  }
0xcc: {  	[tilespmem:s3+$0x220] =	vst v17  }
0xcd: {  	v17 =	vld.idx.msk [tilespmem:v4+s28+$0x0], $0xffff;
	_ =	sdelay $0x4  }
0xce: {  	[tilespmem:s3+$0x230] =	vst v17  }
0xcf: {  	v17 =	vld.idx.msk [tilespmem:v5+s28+$0x0], $0xffff;
	_ =	sdelay $0x4  }
0xd0: {  	[tilespmem:s3+$0x280] =	vst v17  }
0xd1: {  	v17 =	vld.idx.msk [tilespmem:v6+s28+$0x0], $0xffff;
	_ =	sdelay $0x4  }
0xd2: {  	[tilespmem:s3+$0x290] =	vst v17  }
0xd3: {  	v17 =	vld.idx.msk [tilespmem:v7+s28+$0x0], $0xffff;
	_ =	sdelay $0x4  }
0xd4: {  	[tilespmem:s3+$0x2A0] =	vst v17  }
0xd5: {  	v17 =	vld.idx.msk [tilespmem:v8+s28+$0x0], $0xffff;
	_ =	sdelay $0x4  }
0xd6: {  	[tilespmem:s3+$0x2B0] =	vst v17  }
0xd7: {  	v17 =	vld.idx.msk [tilespmem:v9+s28+$0x0], $0xffff;
	_ =	sdelay $0x4  }
0xd8: {  	[tilespmem:s3+$0x300] =	vst v17  }
0xd9: {  	v17 =	vld.idx.msk [tilespmem:v10+s28+$0x0], $0xffff;
	_ =	sdelay $0x4  }
0xda: {  	[tilespmem:s3+$0x310] =	vst v17  }
0xdb: {  	v17 =	vld.idx.msk [tilespmem:v11+s28+$0x0], $0xffff;
	_ =	sdelay $0x4  }
0xdc: {  	[tilespmem:s3+$0x320] =	vst v17  }
0xdd: {  	v17 =	vld.idx.msk [tilespmem:v12+s28+$0x0], $0xffff;
	_ =	sdelay $0x4  }
0xde: {  	[tilespmem:s3+$0x330] =	vst v17  }
0xdf: {  	v17 =	vld.idx.msk [tilespmem:v13+s28+$0x0], $0xffff;
	_ =	sdelay $0x4  }
0xe0: {  	[tilespmem:s3+$0x380] =	vst v17  }
0xe1: {  	v17 =	vld.idx.msk [tilespmem:v14+s28+$0x0], $0xffff;
	_ =	sdelay $0x4  }
0xe2: {  	[tilespmem:s3+$0x390] =	vst v17  }
0xe3: {  	v17 =	vld.idx.msk [tilespmem:v15+s28+$0x0], $0xffff;
	_ =	sdelay $0x4  }
0xe4: {  	s4 =	sadd.s32 $0x1000, s4;
	[tilespmem:s3+$0x3A0] =	vst v17  }
0xe5: {  	p1 =	sne.s32 s4, $0x8000;
	v17 =	vld.idx.msk [tilespmem:v16+s28+$0x0], $0xffff  }
.Ltmp0:
0xe6: {  	_ = 	snop;
	(pc) =	sbr.rel @p1 .LBB2_2-.Ltmp0, $2  }
0xe7: {  	_ =	sdelay $0x2  }
0xe8: {  	[tilespmem:s3+$0x3B0] =	vst v17;
	s3 =	sadd.s32 $0x800, s3  }
0xe9: {  	s4 =	simm.s32 $0x0;
	s1 =	simm.s32 $0x8180  }
0xea: {  	[hbm4b:s16+s4] =	stream.linear.scatter [tilespmem:s1], [sflag:$0x6], $0x4000, $0x38;
	[tilespmem:$0x14180] =	vst v63  }
0xeb: {  	_ =	swait.ge [sflag:s20], $0x4000  }
0xec: {  	[sflag:s20] =	ssyncset.done $0x0  }
0xed: {  	s1 =	simm.s32 @!p0 $0x5;
	[sflag:s20] =	ssyncadd.s32 $0xFFFFC000  }
0xee: {  	_ =	swait.ge @!p0 [sflag:s1], $0x8000  }
0xef: {  	s3 =	simm.s32 @!p0 $0xC180;
	s2 =	sadd.s32 $0x1, s2;
	[sflag:s1] =	ssyncset.done @!p0 $0x0  }
0xf0: {  	p1 =	sne.s32 s2, s18;
	[sflag:s1] =	ssyncadd.s32 @!p0 $0xFFFF8000;
	s1 =	simm.s32 @!p0 $0x0  }
0xf1: {  	[hbm4b:s17+s1] =	stream.linear.scatter @!p0 [tilespmem:s3], [sflag:$0x6], $0x8000, $0x38;
	[tilespmem:$0x14180] =	vst v63  }
.Ltmp1:
0xf2: {  	_ = 	snop;
	(pc) =	sbr.rel @p1 .LBB2_1-.Ltmp1, $4  }
0xf3: {  	s1 =	simm.s32 @!p0 $0x6  }
0xf4: {  	_ =	swait.ge @!p0 [sflag:s1], $0x8000  }
0xf5: {  	[sflag:s1] =	ssyncset.done @!p0 $0x0  }
0xf6: {  	[sflag:s1] =	ssyncadd.s32 @!p0 $0xFFFF8000  }
0xf7: {  	_ =	sfence.sel $0x180000  }
0xf8: {  	[bflag:$0x0] =	sbarrier.arrive $0xFFFF  }
0xf9: {  	_ =	strace $0x9000004D  }
0xfa: {  	s0 =	stileid.u32;
	[bflag:$0x2] =	sbarrier.arrive $0xFFFF  }
0xfb: {  	p0 =	sne.s32 s0, $0x0;
	s0 =	rddreg [dreg:$0x3]  }
0xfc: {  	s0 =	sadd.s32 @!p0 $0x100000, s0  }
0xfd: {  	[sflag:s0] =	ssyncadd.tile.s32 @!p0 $0x1;
	_ =	shalt  }
.Lfunc_end2:
_tile_overlayer_lowered:
.L_overlay_start_2:
0xfe: {  	(tag) =	ssettag $0x2  }
0xff: {  	s0 =	rddreg [dreg:$0x0];
	s2 =	stileid.u32  }
0x100: {  	s1 =	rddreg [dreg:$0x1];
	p0 =	sne.s32 s2, $0x0  }
0x101: {  	s3 =	rddreg [dreg:$0x2];
	[bflag:$0x3] =	sbarrier.arrive $0xFFFF;
	s2 =	simm.s32 @!p0 $0x1C06  }
0x102: {  	[timem:s3], [sflag:s2] =	dma.local @!p0 [hbm:s0], s1  }
0x103: {  	s0 =	simm.s32 @!p0 $0x6  }
0x104: {  	_ =	swait.ge @!p0 [sflag:s0], s1  }
0x105: {  	s1 =	ssub.s32 @!p0 $0x0, s1;
	[sflag:s0] =	ssyncset.done @!p0 $0x0  }
0x106: {  	[sflag:s0] =	ssyncadd.s32 @!p0 s1  }
0x107: {  	[bflag:$0x3] =	sbarrier.arrive $0xFFFF  }
0x108: {  	_ =	shalt  }

// kernel: kernel.16.cloned.1.call-start
scs
__scs_entry_jumppad:
0x0: {  	(pc) =	sbr.rel $0x88, $3  }
0x1: {  	(tag) =	ssettag $0x0;
	lr =	simm.s32 $0x1  }
0x2: {  	[smem:$0x3F9C] =	sst lr;
	_ =	strace $0xD0000000  }
0x3: {  	_ = 	snop  }
0x4: {  	_ = 	snop  }
0x5: {  	_ = 	snop  }
0x6: {  	_ = 	snop  }
0x7: {  	_ = 	snop  }
__scs_overlays_trampoline_lowered:
0x8: {  	[smem:$0x3FAB] =	sst s0  }
0x9: {  	[smem:$0x3FAC] =	sst s1  }
0xa: {  	[smem:$0x3FAD] =	sst s2  }
0xb: {  	[smem:$0x3FAE] =	sst s3  }
0xc: {  	[smem:$0x3FAF] =	sst s4  }
0xd: {  	[smem:$0x3FB0] =	sst s5  }
0xe: {  	[smem:$0x3FB1] =	sst s6  }
0xf: {  	[smem:$0x3FB2] =	sst s7  }
0x10: {  	[smem:$0x3FB3] =	sst s8  }
0x11: {  	[smem:$0x3FB4] =	sst s9;
	s0 =	simm.s32 @!p0 $0x0  }
0x12: {  	s1 =	sld [smem:$0x3F9A];
	s0 =	simm.s32 @p0 $0x1  }
0x13: {  	[smem:$0x3FB5] =	sst s0;
	s0 =	simm.s32 @!p1 $0x0  }
0x14: {  	s2 =	sld [smem:$0x3F99];
	s0 =	simm.s32 @p1 $0x1  }
0x15: {  	[smem:$0x3FB6] =	sst s0;
	s0 =	simm.s32 @!p2 $0x0  }
0x16: {  	s3 =	sld [smem:$0x3FDB];
	s0 =	simm.s32 @p2 $0x1  }
0x17: {  	s4 =	simm.s32 $0x1BF5;
	[smem:$0x3FB8] =	sst s0  }
0x18: {  	s0 =	sld [smem:$0x3F9B];
	_ =	swait.ge [sflag:s4], $0x0  }
0x19: {  	s7 =	sld [smem:$0x3F9C]  }
0x1a: {  	s8 =	sadd.s32 $0xFFFFE003, lr  }
0x1b: {  	s9 =	sadd.s32 $0xFFFFFEF7, lr;
	s5 =	simm.s32 $0xFFFFFFFF;
	p2 =	slt.u32 s8, $0xFFFFF086  }
0x1c: {  	p1 =	slt.u32 s9, $0xF7A;
	s5 =	simm.s32 @!p2 $0x0  }
0x1d: {  	s5 =	simm.s32 @p1 $0x1;
	p0 =	seq.s32 s7, s2  }
0x1e: {  	s7 =	smul.u32 @!p0 $0xF7A, s2;
	p2 =	seq.s32 @!p0 s5, $0x0  }
0x1f: {  	s9 =	smul.u32 $0xF7A, s1;
	s8 =	simm.s32 @!p0 $0x1BF5;
	p2 =	por !p2, p0  }
0x20: {  	[sflag:s8] =	ssyncset.s32 @!p0 $0xFFFFF086;
	s6 =	sadd.s32 @!p0 s3, s7;
	s7 =	simm.s32 @!p0 $0x108  }
0x21: {  	s3 =	sadd.s32 s3, s9;
	s6 =	sadd.s32 @!p0 $0x88, s6;
	s7 =	simm.s32 @p2 $0x1082  }
0x22: {  	[simem:s7], [sflag:s8] =	dma.local @!p0 [hbm:s6], $0xF7A  }
0x23: {  	s9 =	sor.u32 $0xD0000000, s2;
	s6 =	simm.s32 $0x108;
	_ =	swait.ge @!p0 [sflag:s8], $0x0  }
0x24: {  	s3 =	sadd.s32 $0x88, s3;
	s6 =	simm.s32 @!p1 $0x1082;
	[sflag:s4] =	ssyncset.s32 $0xFFFFF086  }
0x25: {  	[simem:s6], [sflag:s4] =	dma.local [hbm:s3], $0xF7A  }
0x26: {  	[smem:$0x3F9C] =	sst s1;
	(tag) =	ssettag s2;
	_ =	strace s9  }
0x27: {  	s1 =	sld [smem:$0x3FAC]  }
0x28: {  	s2 =	sld [smem:$0x3FAD]  }
0x29: {  	s4 =	sld [smem:$0x3FAF]  }
0x2a: {  	p0 =	seq.s32 s5, $0x0;
	s5 =	sld [smem:$0x3FB0]  }
0x2b: {  	s6 =	sld [smem:$0x3FB1]  }
0x2c: {  	s7 =	sld [smem:$0x3FB2]  }
0x2d: {  	s3 =	simm.s32 $0x108;
	s8 =	sld [smem:$0x3FB3]  }
0x2e: {  	s3 =	simm.s32 @!p0 $0x1082;
	s9 =	sld [smem:$0x3FB4]  }
0x2f: {  	lr =	sadd.s32 s0, s3;
	s0 =	sld [smem:$0x3FAB]  }
0x30: {  	s3 =	sld [smem:$0x3FAE]  }
0x31: {  	[smem:$0x3FB7] =	sst s10  }
0x32: {  	s10 =	sld [smem:$0x3FB5];
	_ =	sdelay $0x3  }
0x33: {  	p0 =	seq.s32 s10, $0x1;
	s10 =	sld [smem:$0x3FB7];
	_ =	sdelay $0x3  }
0x34: {  	[smem:$0x3FB7] =	sst s10  }
0x35: {  	s10 =	sld [smem:$0x3FB6];
	_ =	sdelay $0x3  }
0x36: {  	p1 =	seq.s32 s10, $0x1;
	s10 =	sld [smem:$0x3FB7];
	_ =	sdelay $0x3  }
0x37: {  	[smem:$0x3FB7] =	sst s10  }
0x38: {  	s10 =	sld [smem:$0x3FB8]  }
0x39: {  	_ = 	snop;
	(pc) =	sbr.ind lr, $3  }
0x3a: {  	_ = 	snop  }
0x3b: {  	_ = 	snop  }
0x3c: {  	p2 =	seq.s32 s10, $0x1;
	s10 =	sld [smem:$0x3FB7]  }
0x3d: {  	_ =	shalt  }
0x3e: {  	_ =	shalt  }
0x3f: {  	_ =	shalt  }
0x40: {  	_ =	shalt  }
0x41: {  	_ =	shalt  }
0x42: {  	_ =	shalt  }
0x43: {  	_ =	shalt  }
0x44: {  	_ =	shalt  }
0x45: {  	_ =	shalt  }
0x46: {  	_ =	shalt  }
0x47: {  	_ =	shalt  }
0x48: {  	_ =	shalt  }
0x49: {  	_ =	shalt  }
0x4a: {  	_ =	shalt  }
0x4b: {  	_ =	shalt  }
0x4c: {  	_ =	shalt  }
0x4d: {  	_ =	shalt  }
0x4e: {  	_ =	shalt  }
0x4f: {  	_ =	shalt  }
0x50: {  	_ =	shalt  }
0x51: {  	_ =	shalt  }
0x52: {  	_ =	shalt  }
0x53: {  	_ =	shalt  }
0x54: {  	_ =	shalt  }
0x55: {  	_ =	shalt  }
0x56: {  	_ =	shalt  }
0x57: {  	_ =	shalt  }
0x58: {  	_ =	shalt  }
0x59: {  	_ =	shalt  }
0x5a: {  	_ =	shalt  }
0x5b: {  	_ =	shalt  }
0x5c: {  	_ =	shalt  }
0x5d: {  	_ =	shalt  }
0x5e: {  	_ =	shalt  }
0x5f: {  	_ =	shalt  }
0x60: {  	_ =	shalt  }
0x61: {  	_ =	shalt  }
0x62: {  	_ =	shalt  }
0x63: {  	_ =	shalt  }
0x64: {  	_ =	shalt  }
0x65: {  	_ =	shalt  }
0x66: {  	_ =	shalt  }
0x67: {  	_ =	shalt  }
0x68: {  	_ =	shalt  }
0x69: {  	_ =	shalt  }
0x6a: {  	_ =	shalt  }
0x6b: {  	_ =	shalt  }
0x6c: {  	_ =	shalt  }
0x6d: {  	_ =	shalt  }
0x6e: {  	_ =	shalt  }
0x6f: {  	_ =	shalt  }
0x70: {  	_ =	shalt  }
0x71: {  	_ =	shalt  }
0x72: {  	_ =	shalt  }
0x73: {  	_ =	shalt  }
0x74: {  	_ =	shalt  }
0x75: {  	_ =	shalt  }
0x76: {  	_ =	shalt  }
0x77: {  	_ =	shalt  }
0x78: {  	_ =	shalt  }
0x79: {  	_ =	shalt  }
0x7a: {  	_ =	shalt  }
0x7b: {  	_ =	shalt  }
0x7c: {  	_ =	shalt  }
0x7d: {  	_ =	shalt  }
0x7e: {  	_ =	shalt  }
0x7f: {  	_ =	shalt  }
0x80: {  	_ =	shalt  }
0x81: {  	_ =	shalt  }
0x82: {  	_ =	shalt  }
0x83: {  	_ =	shalt  }
0x84: {  	_ =	shalt  }
0x85: {  	_ =	shalt  }
0x86: {  	_ =	shalt  }
0x87: {  	_ =	shalt  }
.Lfunc_end0:
.L_simem_size_0:
called_computation.2_lowered:
.L_overlay_start_0:
0x88: {  	s2 =	sld [smem:$0x3FD9]  }
0x89: {  	s3 =	sld [smem:$0x3FFE];
	_ =	sdelay $0x1  }
0x8a: {  	s1 =	srdreg.scid  }
0x8b: {  	s0 =	sand.u32 $0x1, s1  }
0x8c: {  	s17 =	sshll.u32 s0, $0xA;
	s2 =	sadd.s32 s3, s2  }
0x8d: {  	s2 =	sadd.s32 s2, s17  }
0x8e: {  	[smem:$0x3FC3] =	sst s2  }
0x8f: {  	_ = 	snop  }
0x90: {  	s18 =	sld [smem:$0x3FC9];
	(tm) =	ssettm $0x1  }
0x91: {  	s19 =	sld [smem:$0x3FFB];
	_ =	sdelay $0x3  }
0x92: {  	_ =	strace s19  }
0x93: {  	s2 =	sld [smem:$0x3FFC];
	_ =	sdelay $0x3  }
0x94: {  	_ =	strace s2  }
0x95: {  	s2 =	sld [smem:$0x3FFD];
	_ =	sdelay $0x3  }
0x96: {  	_ =	strace s2  }
0x97: {  	_ =	strace $0x8FFFFFFF  }
0x98: {  	s20 =	sld [smem:$0x3FDB];
	_ =	sdelay $0x1  }
0x99: {  	s4 =	simm.s32 $_scs_section_size  }
0x9a: {  	s5 =	simm.s32 $_size__tile_overlayer_lowered;
	s6 =	simm.s32 $_tile_overlayer_lowered  }
0x9b: {  	s7 =	simm.s32 $0x1BFF;
	s21 =	sshll.u32 s6, $0x1;
	s4 =	sadd.s32 s4, s20  }
0x9c: {  	s22 =	simm.s32 $0x0;
	s5 =	sshll.u32 s5, $0x1;
	s6 =	sadd.s32 s21, s4  }
0x9d: {  	[timem:s22], [sflag:s7] =	dma.local [hbm:s6], s5  }
0x9e: {  	_ =	swait.ge [sflag:s7], s5  }
0x9f: {  	s5 =	ssub.s32 $0x0, s5;
	[sflag:s7] =	ssyncset.done $0x0  }
0xa0: {  	[sflag:s7] =	ssyncadd.s32 s5;
	_ =	sdelay $0x1  }
0xa1: {  	s23 =	simm.s32 $0x1B8B  }
0xa2: {  	_ =	swait.ge [sflag:s23], $0x1  }
0xa3: {  	[sflag:s23] =	ssyncset.done $0x0  }
0xa4: {  	[sflag:s23] =	ssyncadd.s32 $0xFFFFFFFF  }
0xa5: {  	s5 =	sld [smem:$0x0]  }
0xa6: {  	s6 =	sand.u32 $0xFFFFFFFE, s1  }
0xa7: {  	p0 =	sne.s32 s1, s6  }
0xa8: {  	s6 =	sshll.u32 @p0 s6, $0xE  }
0xa9: {  	s6 =	sadd.s32 @p0 $0x11B8D, s6;
	s7 =	sshll.u32 @p0 s5, $0x11  }
0xaa: {  	s6 =	sor.u32 @p0 s7, s6  }
0xab: {  	[sflag:s6] =	ssyncadd.remote.s32 @p0 $0x1;
	_ =	sdelay $0x1  }
0xac: {  	s6 =	simm.s32 @p0 $0x1B8D  }
0xad: {  	_ =	swait.eq @p0 [sflag:s6], $0x1  }
0xae: {  	[sflag:s6] =	ssyncadd.s32 @p0 $0xFFFFFFFF  }
0xaf: {  	s7 =	sshll.u32 @!p0 s1, $0xE  }
0xb0: {  	s7 =	sor.u32 @!p0 $0x4000, s7;
	s6 =	simm.s32 @!p0 $0x1B8D  }
0xb1: {  	s5 =	sshll.u32 @!p0 s5, $0x11;
	s7 =	sadd.s32 @!p0 $0x11B8D, s7;
	_ =	swait.eq @!p0 [sflag:s6], $0x1  }
0xb2: {  	s5 =	sor.u32 @!p0 s5, s7;
	[sflag:s6] =	ssyncadd.s32 @!p0 $0xFFFFFFFF  }
0xb3: {  	s25 =	simm.s32 $0x1B8E;
	s24 =	sld [smem:$0x3FFE];
	[sflag:s5] =	ssyncadd.remote.s32 @!p0 $0x1  }
0xb4: {  	s26 =	simm.s32 $execute0_lowered;
	[smem:$0x3FD2] =	sst s25  }
0xb5: {  	s6 =	sshll.u32 s26, $0x1;
	_ =	strace $0x80000049;
	[dreg:$0x1] =	wrdreg $0xFFFFFFFF  }
0xb6: {  	s28 =	simm.s32 $_size_execute0_lowered;
	s4 =	sadd.s32 s4, s6;
	[dreg:$0x0] =	wrdreg $0x0  }
0xb7: {  	s6 =	sshll.u32 s28, $0x1;
	[dreg:$0x2] =	wrdreg s4  }
0xb8: {  	[dreg:$0x3] =	wrdreg s6  }
0xb9: {  	[dreg:$0x4] =	wrdreg $0xC0  }
0xba: {  	_ =	task [dreg:s22], $0x5FFFF  }
0xbb: {  	[dreg:$0x1] =	wrdreg $0xFFFFFFFF  }
0xbc: {  	[dreg:$0x0] =	wrdreg $0x60  }
0xbd: {  	[dreg:$0x2] =	wrdreg s18  }
0xbe: {  	[dreg:$0x3] =	wrdreg s24  }
0xbf: {  	[dreg:$0x4] =	wrdreg $0xB  }
0xc0: {  	_ =	task.clear_ibuf [dreg:s22], $0x5FFFF;
	_ =	strace $0x90000049  }
0xc1: {  	s29 =	simm.s32 $0xB;
	_ =	strace $0x8000004B  }
0xc2: {  	_ =	swait.ge [sflag:s29], $0x1  }
0xc3: {  	[sflag:s29] =	ssyncadd.s32 $0xFFFFFFFF  }
0xc4: {  	_ =	strace $0x9000004B  }
0xc5: {  	_ =	sfence  }
0xc6: {  	s30 =	sld [smem:$0x0];
	_ =	sdelay $0x2  }
0xc7: {  	s31 =	sshll.u32 s1, $0xD;
	s1 =	sshrl.u32 s1, $0x2  }
0xc8: {  	s4 =	sand.u32 $0x4000, s31;
	s1 =	sadd.s32 s1, s30  }
0xc9: {  	s0 =	sor.u32 s4, s0;
	s1 =	sshll.u32 s1, $0x11  }
0xca: {  	s0 =	sor.u32 s1, s0  }
0xcb: {  	s0 =	sadd.s32 $0x8F2B, s0  }
0xcc: {  	[sflag:s0] =	ssyncadd.remote.s32 $0x1  }
0xcd: {  	_ =	sfence.sel $0xFFFF  }
0xce: {  	[dreg:$0x0] =	wrdreg $0xFFFFFFFF;
	(pc) =	sbr.abs _section_cstart, $3  }
0xcf: {  	[dreg:$0x1] =	wrdreg $0xFFFFFFFF  }
0xd0: {  	_ =	task.clear_ibuf [dreg:s22], $0x2FFFF;
	_ =	strace $0x9FFFFFFF  }
0xd1: {  	(tm) =	ssettm $0x7FFFFFFF  }
tec
execute0_lowered:
.L_overlay_start_1:
0x0: {  	(tag) =	ssettag $0x1  }
0x1: {  	s1 =	rddreg [dreg:$0x0]  }
0x2: {  	s0 =	rddreg [dreg:$0x1];
	s3 =	simm.s32 $0x0;
	s2 =	srdreg.scid  }
0x3: {  	s15 =	stileid.u32;
	s28 =	simm.s32 $0x6180;
	s29 =	simm.s32 $0x1  }
0x4: {  	s30 =	simm.s32 $0x2;
	s31 =	simm.s32 $0x3;
	[smem:$0x7FF] =	sst s3  }
0x5: {  	s2 =	sand.u32 $0x1, s2;
	s20 =	sshll.u32 s15, $0x1;
	s4 =	sadd.s32 $0x4400, s0  }
0x6: {  	s22 =	sand.u32 $0x8, s15;
	s23 =	sshrl.u32 s15, $0x1;
	s8 =	sadd.s32 $0x300, s1  }
0x7: {  	s9 =	sadd.s32 $0x400, s1;
	s10 =	sadd.s32 $0x500, s1;
	s12 =	sadd.s32 $0x700, s1  }
0x8: {  	s26 =	sshll.u32 s15, $0x10;
	p0 =	sgt.u32 s15, $0x3;
	_ =	strace $0x8000004A  }
0x9: {  	s3 =	sor.u32 s2, s20;
	s7 =	ssub.s32 $0x2, s2;
	s2 =	sshll.u32 s2, $0xF  }
0xa: {  	s20 =	simm.s32 $0x6;
	s5 =	sshll.u32 s3, $0xB;
	s6 =	sshll.u32 s3, $0xC  }
0xb: {  	s21 =	sshrl.u32 s7, $0x1;
	s11 =	sshll.u32 s3, $0xF;
	s3 =	sshll.u32 s3, $0x6  }
0xc: {  	s5 =	sadd.s32 s5, s0;
	s0 =	sadd.s32 s6, s0;
	s13 =	ssub.s32 s7, s21  }
0xd: {  	s6 =	sadd.s32 s22, s4;
	s7 =	sor.u32 $0x4, s23;
	s3 =	sand.u32 $0xC0, s3  }
0xe: {  	s14 =	sadd.s32 s11, s1;
	s11 =	sadd.s32 $0x600, s1;
	s22 =	simm.s32 $0x200  }
0xf: {  	s23 =	simm.s32 $0x400;
	s6 =	sadd.s32 $0x20, s6;
	s16 =	sadd.s32 $0x200040, s14  }
0x10: {  	s24 =	sshll.u32 s7, $0x3;
	s25 =	sadd.s32 $0x200000, s14;
	s14 =	sadd.s32 $0x200800, s14  }
0x11: {  	s17 =	sadd.s32 $0x2C600, s0;
	s18 =	smax.u32 s13, $0x1;
	[dreg:$0x3] =	wrdreg s6  }
0x12: {  	s0 =	sadd.s32 s26, s1;
	s21 =	sshrl.u32 @!p0 s3, $0x2;
	[dreg:$0x5] =	wrdreg s16  }
0x13: {  	s26 =	simm.s32 $0x4180;
	s4 =	sadd.s32 s4, s24;
	[dreg:$0x6] =	wrdreg s25  }
0x14: {  	s6 =	sadd.s32 $0x100, s1;
	[dreg:$0x7] =	wrdreg s14;
	s16 =	sadd.s32 $0x1C600, s5  }
0x15: {  	s19 =	sadd.s32 s2, s0;
	s24 =	simm.s32 $0x180;
	s25 =	simm.s32 $0x2180  }
0x16: {  	s0 =	simm.s32 $0x4;
	[dreg:$0x4] =	wrdreg s4;
	s4 =	sshll.u32 s7, $0xB  }
0x17: {  	vm0 =	vmmov @!p0 $0xffff;
	s2 =	simm.s32 $0x0;
	s7 =	sadd.s32 $0x200, s1;
	v0 =	vmov s4;
	s4 =	simm.s32 $0x0  }
.LBB2_1:
0x18: {  	s1 =	rddreg [dreg:$0x3]  }
0x19: {  	[tilespmem:s4], [sflag:$0x6] =	stream.linear.gather [hbm4b:s1+s4], $0x40, $0x38;
	[tilespmem:$0x14180] =	vst v63  }
0x1a: {  	_ =	swait.ge [sflag:s20], $0x40  }
0x1b: {  	[sflag:s20] =	ssyncset.done $0x0  }
0x1c: {  	[sflag:s20] =	ssyncadd.s32 $0xFFFFFFC0  }
0x1d: {  	v1 =	vld [tilespmem:$0x0]  }
0x1e: {  	v2 =	vld [tilespmem:$0x10]  }
0x1f: {  	s3 =	simm.s32 @!p0 $0x0;
	s4 =	simm.s32 @!p0 $0x80;
	s1 =	rddreg [dreg:$0x4];
	v3 =	vld [tilespmem:$0x20]  }
0x20: {  	v4 =	vld [tilespmem:$0x30];
	[tilespmem:s4], [sflag:$0x6] =	stream.linear.gather @!p0 [hbm4b:s1+s3], $0x40, $0x38  }
0x21: {  	s4 =	simm.s32 @!p0 $0x6  }
0x22: {  	_ =	swait.ge @!p0 [sflag:s4], $0x40  }
0x23: {  	[sflag:s4] =	ssyncset.done @!p0 $0x0  }
0x24: {  	[sflag:s4] =	ssyncadd.s32 @!p0 $0xFFFFFFC0  }
0x25: {  	v5 =	vld @!p0 [tilespmem:s21+$0x80];
	_ =	sdelay $0x4  }
0x26: {  	v6 =	vadd.s32 @!p0 v0, v5  }
0x27: {  	v7 =	vshll.u32 @!p0 v6, $0x4  }
0x28: {  	v8 =	vlaneseq.u32 @!p0;
	v5 =	vand.u32 @!p0 $0x7, v5;
	v7 =	vand.u32 @!p0 $0xFFFFFF80, v7  }
0x29: {  	v9 =	vshrl.u32 @!p0 v8, $0x3;
	v5 =	vor.u32 @!p0 v5, v7;
	v7 =	vand.u32 @!p0 $0x7, v8  }
0x2a: {  	v9 =	vmul.u32 @!p0 $0x8, v9;
	v7 =	vperm.xlane @!p0 v5, v7;
	_ =	sdelay $0x1  }
0x2b: {  	v7 =	vadd.s32 @!p0 v9, v7;
	_ =	sdelay $0x3  }
0x2c: {  	s4 =	simm.s32 @!p0 $0xC180;
	s1 =	rddreg [dreg:$0x0];
	[tilespmem:$0x100] =	vst @!p0 v6  }
0x2d: {  	[tilespmem:s4], [sflag:$0x5] =	stream.indirect_vreg.gather @!p0 [hbm4b:s1+s3], $0x80, v7, vm0, $0xb8;
	[tilespmem:$0x14180] =	vst v63  }
0x2e: {  	s4 =	simm.s32 @!p0 $0xC980  }
0x2f: {  	[tilespmem:s4], [sflag:$0x5] =	stream.indirect_vreg.gather @!p0 [hbm4b:s6+s3], $0x80, v7, vm0, $0xb8;
	[tilespmem:$0x14180] =	vst v63  }
0x30: {  	s4 =	simm.s32 @!p0 $0xD180  }
0x31: {  	[tilespmem:s4], [sflag:$0x5] =	stream.indirect_vreg.gather @!p0 [hbm4b:s7+s3], $0x80, v7, vm0, $0xb8;
	[tilespmem:$0x14180] =	vst v63  }
0x32: {  	s4 =	simm.s32 @!p0 $0xD980  }
0x33: {  	[tilespmem:s4], [sflag:$0x5] =	stream.indirect_vreg.gather @!p0 [hbm4b:s8+s3], $0x80, v7, vm0, $0xb8;
	[tilespmem:$0x14180] =	vst v63  }
0x34: {  	s4 =	simm.s32 @!p0 $0xE180  }
0x35: {  	v6 =	vor.u32 @!p0 $0x8, v8;
	[tilespmem:s4], [sflag:$0x5] =	stream.indirect_vreg.gather @!p0 [hbm4b:s9+s3], $0x80, v7, vm0, $0xb8;
	[tilespmem:$0x14180] =	vst v63  }
0x36: {  	v5 =	vperm.xlane @!p0 v5, v6;
	s4 =	simm.s32 @!p0 $0xE980  }
0x37: {  	[tilespmem:s4], [sflag:$0x5] =	stream.indirect_vreg.gather @!p0 [hbm4b:s10+s3], $0x80, v7, vm0, $0xb8;
	[tilespmem:$0x14180] =	vst v63  }
0x38: {  	v5 =	vadd.s32 @!p0 v9, v5;
	s4 =	simm.s32 @!p0 $0xF180  }
0x39: {  	[tilespmem:s4], [sflag:$0x5] =	stream.indirect_vreg.gather @!p0 [hbm4b:s11+s3], $0x80, v7, vm0, $0xb8;
	[tilespmem:$0x14180] =	vst v63  }
0x3a: {  	s4 =	simm.s32 @!p0 $0xF980  }
0x3b: {  	[tilespmem:s4], [sflag:$0x5] =	stream.indirect_vreg.gather @!p0 [hbm4b:s12+s3], $0x80, v7, vm0, $0xb8;
	[tilespmem:$0x14180] =	vst v63  }
0x3c: {  	s4 =	simm.s32 @!p0 $0x10180  }
0x3d: {  	[tilespmem:s4], [sflag:$0x5] =	stream.indirect_vreg.gather @!p0 [hbm4b:s1+s3], $0x80, v5, vm0, $0xb8;
	[tilespmem:$0x14180] =	vst v63  }
0x3e: {  	s4 =	simm.s32 @!p0 $0x10980  }
0x3f: {  	[tilespmem:s4], [sflag:$0x5] =	stream.indirect_vreg.gather @!p0 [hbm4b:s6+s3], $0x80, v5, vm0, $0xb8;
	[tilespmem:$0x14180] =	vst v63  }
0x40: {  	s4 =	simm.s32 @!p0 $0x11180  }
0x41: {  	[tilespmem:s4], [sflag:$0x5] =	stream.indirect_vreg.gather @!p0 [hbm4b:s7+s3], $0x80, v5, vm0, $0xb8;
	[tilespmem:$0x14180] =	vst v63  }
0x42: {  	s4 =	simm.s32 @!p0 $0x11980  }
0x43: {  	[tilespmem:s4], [sflag:$0x5] =	stream.indirect_vreg.gather @!p0 [hbm4b:s8+s3], $0x80, v5, vm0, $0xb8;
	[tilespmem:$0x14180] =	vst v63  }
0x44: {  	s4 =	simm.s32 @!p0 $0x12180  }
0x45: {  	[tilespmem:s4], [sflag:$0x5] =	stream.indirect_vreg.gather @!p0 [hbm4b:s9+s3], $0x80, v5, vm0, $0xb8;
	[tilespmem:$0x14180] =	vst v63  }
0x46: {  	s4 =	simm.s32 @!p0 $0x12980  }
0x47: {  	v7 =	vshll.u32 v4, $0x2;
	[tilespmem:s4], [sflag:$0x5] =	stream.indirect_vreg.gather @!p0 [hbm4b:s10+s3], $0x80, v5, vm0, $0xb8;
	[tilespmem:$0x14180] =	vst v63  }
0x48: {  	v4 =	vand.u32 $0x7F, v4;
	v7 =	vand.u32 $0xFFFFFE00, v7;
	s4 =	simm.s32 @!p0 $0x13180  }
0x49: {  	v4 =	vor.u32 v4, v7;
	[tilespmem:s4], [sflag:$0x5] =	stream.indirect_vreg.gather @!p0 [hbm4b:s11+s3], $0x80, v5, vm0, $0xb8;
	[tilespmem:$0x14180] =	vst v63  }
0x4a: {  	v6 =	vshll.u32 v1, $0x2;
	v1 =	vand.u32 $0x7F, v1;
	v8 =	vor.u32 $0x80, v4;
	s4 =	simm.s32 @!p0 $0x13980  }
0x4b: {  	v12 =	vor.u32 $0x100, v4;
	v16 =	vor.u32 $0x180, v4;
	[tilespmem:s4], [sflag:$0x5] =	stream.indirect_vreg.gather @!p0 [hbm4b:s12+s3], $0x80, v5, vm0, $0xb8;
	v5 =	vand.u32 $0xFFFFFE00, v6;
	[tilespmem:$0x14180] =	vst v63  }
0x4c: {  	s13 =	rddreg [dreg:$0x6];
	v6 =	vshll.u32 v2, $0x2;
	v2 =	vand.u32 $0x7F, v2;
	v1 =	vor.u32 v1, v5  }
0x4d: {  	v5 =	vand.u32 $0xFFFFFE00, v6;
	v6 =	vand.u32 $0x7F, v3;
	v3 =	vshll.u32 v3, $0x2;
	[tilespmem:s24], [sflag:$0x1] =	stream.strided.gather [hbm4b:s13+s22], $0x2000, s23, s22, $0x38;
	[tilespmem:$0x14180] =	vst v63  }
0x4e: {  	s14 =	rddreg [dreg:$0x5];
	v3 =	vand.u32 $0xFFFFFE00, v3;
	v2 =	vor.u32 v2, v5;
	v5 =	vor.u32 $0x80, v1  }
0x4f: {  	v9 =	vor.u32 $0x100, v1;
	v13 =	vor.u32 $0x180, v1;
	v3 =	vor.u32 v6, v3;
	[tilespmem:s25], [sflag:$0x2] =	stream.strided.gather [hbm4b:s14+s22], $0x2000, s23, s22, $0x38;
	[tilespmem:$0x14180] =	vst v63  }
0x50: {  	s15 =	rddreg [dreg:$0x7];
	s3 =	simm.s32 $0x8580;
	s4 =	simm.s32 $0x0;
	v6 =	vor.u32 $0x80, v2;
	v10 =	vor.u32 $0x100, v2;
	v14 =	vor.u32 $0x180, v2  }
0x51: {  	v7 =	vor.u32 $0x80, v3;
	v11 =	vor.u32 $0x100, v3;
	v15 =	vor.u32 $0x180, v3;
	[tilespmem:s26], [sflag:$0x3] =	stream.strided.gather [hbm4b:s15+s22], $0x2000, s23, s22, $0x38;
	[tilespmem:$0x14180] =	vst v63  }
.LBB2_2:
0x52: {  	s5 =	sadd.s32 s4, s19  }
0x53: {  	s5 =	sadd.s32 $0x200840, s5  }
0x54: {  	[tilespmem:s28], [sflag:$0x4] =	stream.strided.gather [hbm4b:s5+s22], $0x2000, s23, s22, $0x38;
	[tilespmem:$0x14180] =	vst v63  }
0x55: {  	_ =	swait.ge [sflag:s29], $0x2000  }
0x56: {  	[sflag:s29] =	ssyncset.done $0x0  }
0x57: {  	[sflag:s29] =	ssyncadd.s32 $0xFFFFE000  }
0x58: {  	v17 =	vld.idx.msk [tilespmem:v1+s24+$0x0], $0xffff;
	_ =	sdelay $0x4  }
0x59: {  	[tilespmem:s3+$0xFFFFFC00] =	vst v17  }
0x5a: {  	v17 =	vld.idx.msk [tilespmem:v2+s24+$0x0], $0xffff;
	_ =	sdelay $0x4  }
0x5b: {  	[tilespmem:s3+$0xFFFFFC10] =	vst v17  }
0x5c: {  	v17 =	vld.idx.msk [tilespmem:v3+s24+$0x0], $0xffff;
	_ =	sdelay $0x4  }
0x5d: {  	[tilespmem:s3+$0xFFFFFC20] =	vst v17  }
0x5e: {  	v17 =	vld.idx.msk [tilespmem:v4+s24+$0x0], $0xffff;
	_ =	sdelay $0x4  }
0x5f: {  	[tilespmem:s3+$0xFFFFFC30] =	vst v17  }
0x60: {  	v17 =	vld.idx.msk [tilespmem:v5+s24+$0x0], $0xffff;
	_ =	sdelay $0x4  }
0x61: {  	[tilespmem:s3+$0xFFFFFC80] =	vst v17  }
0x62: {  	v17 =	vld.idx.msk [tilespmem:v6+s24+$0x0], $0xffff;
	_ =	sdelay $0x4  }
0x63: {  	[tilespmem:s3+$0xFFFFFC90] =	vst v17  }
0x64: {  	v17 =	vld.idx.msk [tilespmem:v7+s24+$0x0], $0xffff;
	_ =	sdelay $0x4  }
0x65: {  	[tilespmem:s3+$0xFFFFFCA0] =	vst v17  }
0x66: {  	v17 =	vld.idx.msk [tilespmem:v8+s24+$0x0], $0xffff;
	_ =	sdelay $0x4  }
0x67: {  	[tilespmem:s3+$0xFFFFFCB0] =	vst v17  }
0x68: {  	v17 =	vld.idx.msk [tilespmem:v9+s24+$0x0], $0xffff;
	_ =	sdelay $0x4  }
0x69: {  	[tilespmem:s3+$0xFFFFFD00] =	vst v17  }
0x6a: {  	v17 =	vld.idx.msk [tilespmem:v10+s24+$0x0], $0xffff;
	_ =	sdelay $0x4  }
0x6b: {  	[tilespmem:s3+$0xFFFFFD10] =	vst v17  }
0x6c: {  	v17 =	vld.idx.msk [tilespmem:v11+s24+$0x0], $0xffff;
	_ =	sdelay $0x4  }
0x6d: {  	[tilespmem:s3+$0xFFFFFD20] =	vst v17  }
0x6e: {  	v17 =	vld.idx.msk [tilespmem:v12+s24+$0x0], $0xffff;
	_ =	sdelay $0x4  }
0x6f: {  	[tilespmem:s3+$0xFFFFFD30] =	vst v17  }
0x70: {  	v17 =	vld.idx.msk [tilespmem:v13+s24+$0x0], $0xffff;
	_ =	sdelay $0x4  }
0x71: {  	[tilespmem:s3+$0xFFFFFD80] =	vst v17  }
0x72: {  	v17 =	vld.idx.msk [tilespmem:v14+s24+$0x0], $0xffff;
	_ =	sdelay $0x4  }
0x73: {  	[tilespmem:s3+$0xFFFFFD90] =	vst v17  }
0x74: {  	v17 =	vld.idx.msk [tilespmem:v15+s24+$0x0], $0xffff;
	_ =	sdelay $0x4  }
0x75: {  	[tilespmem:s3+$0xFFFFFDA0] =	vst v17  }
0x76: {  	v17 =	vld.idx.msk [tilespmem:v16+s24+$0x0], $0xffff;
	_ =	sdelay $0x2  }
0x77: {  	p1 =	seq.s32 s4, $0x7000  }
0x78: {  	s13 =	simm.s32 @!p1 $0x200;
	s5 =	sadd.s32 @!p1 s4, s19  }
0x79: {  	s14 =	simm.s32 @!p1 $0x400;
	s15 =	simm.s32 @!p1 $0x180;
	s1 =	sadd.s32 @!p1 $0x201000, s5;
	[tilespmem:s3+$0xFFFFFDB0] =	vst v17  }
0x7a: {  	[tilespmem:s15], [sflag:$0x1] =	stream.strided.gather @!p1 [hbm4b:s1+s13], $0x2000, s14, s13, $0x38;
	[tilespmem:$0x14180] =	vst v63  }
0x7b: {  	_ =	swait.ge [sflag:s30], $0x2000  }
0x7c: {  	[sflag:s30] =	ssyncset.done $0x0  }
0x7d: {  	[sflag:s30] =	ssyncadd.s32 $0xFFFFE000  }
0x7e: {  	v17 =	vld.idx.msk [tilespmem:v1+s25+$0x0], $0xffff;
	_ =	sdelay $0x4  }
0x7f: {  	[tilespmem:s3+$0xFFFFFE00] =	vst v17  }
0x80: {  	v17 =	vld.idx.msk [tilespmem:v2+s25+$0x0], $0xffff;
	_ =	sdelay $0x4  }
0x81: {  	[tilespmem:s3+$0xFFFFFE10] =	vst v17  }
0x82: {  	v17 =	vld.idx.msk [tilespmem:v3+s25+$0x0], $0xffff;
	_ =	sdelay $0x4  }
0x83: {  	[tilespmem:s3+$0xFFFFFE20] =	vst v17  }
0x84: {  	v17 =	vld.idx.msk [tilespmem:v4+s25+$0x0], $0xffff;
	_ =	sdelay $0x4  }
0x85: {  	[tilespmem:s3+$0xFFFFFE30] =	vst v17  }
0x86: {  	v17 =	vld.idx.msk [tilespmem:v5+s25+$0x0], $0xffff;
	_ =	sdelay $0x4  }
0x87: {  	[tilespmem:s3+$0xFFFFFE80] =	vst v17  }
0x88: {  	v17 =	vld.idx.msk [tilespmem:v6+s25+$0x0], $0xffff;
	_ =	sdelay $0x4  }
0x89: {  	[tilespmem:s3+$0xFFFFFE90] =	vst v17  }
0x8a: {  	v17 =	vld.idx.msk [tilespmem:v7+s25+$0x0], $0xffff;
	_ =	sdelay $0x4  }
0x8b: {  	[tilespmem:s3+$0xFFFFFEA0] =	vst v17  }
0x8c: {  	v17 =	vld.idx.msk [tilespmem:v8+s25+$0x0], $0xffff;
	_ =	sdelay $0x4  }
0x8d: {  	[tilespmem:s3+$0xFFFFFEB0] =	vst v17  }
0x8e: {  	v17 =	vld.idx.msk [tilespmem:v9+s25+$0x0], $0xffff;
	_ =	sdelay $0x4  }
0x8f: {  	[tilespmem:s3+$0xFFFFFF00] =	vst v17  }
0x90: {  	v17 =	vld.idx.msk [tilespmem:v10+s25+$0x0], $0xffff;
	_ =	sdelay $0x4  }
0x91: {  	[tilespmem:s3+$0xFFFFFF10] =	vst v17  }
0x92: {  	v17 =	vld.idx.msk [tilespmem:v11+s25+$0x0], $0xffff;
	_ =	sdelay $0x4  }
0x93: {  	[tilespmem:s3+$0xFFFFFF20] =	vst v17  }
0x94: {  	v17 =	vld.idx.msk [tilespmem:v12+s25+$0x0], $0xffff;
	_ =	sdelay $0x4  }
0x95: {  	[tilespmem:s3+$0xFFFFFF30] =	vst v17  }
0x96: {  	v17 =	vld.idx.msk [tilespmem:v13+s25+$0x0], $0xffff;
	_ =	sdelay $0x4  }
0x97: {  	[tilespmem:s3+$0xFFFFFF80] =	vst v17  }
0x98: {  	v17 =	vld.idx.msk [tilespmem:v14+s25+$0x0], $0xffff;
	_ =	sdelay $0x4  }
0x99: {  	[tilespmem:s3+$0xFFFFFF90] =	vst v17  }
0x9a: {  	v17 =	vld.idx.msk [tilespmem:v15+s25+$0x0], $0xffff;
	_ =	sdelay $0x4  }
0x9b: {  	[tilespmem:s3+$0xFFFFFFA0] =	vst v17  }
0x9c: {  	v17 =	vld.idx.msk [tilespmem:v16+s25+$0x0], $0xffff;
	_ =	sdelay $0x4  }
0x9d: {  	s1 =	sadd.s32 @!p1 $0x201040, s5;
	s15 =	simm.s32 @!p1 $0x2180;
	[tilespmem:s3+$0xFFFFFFB0] =	vst v17  }
0x9e: {  	[tilespmem:s15], [sflag:$0x2] =	stream.strided.gather @!p1 [hbm4b:s1+s13], $0x2000, s14, s13, $0x38;
	[tilespmem:$0x14180] =	vst v63  }
0x9f: {  	_ =	swait.ge [sflag:s31], $0x2000  }
0xa0: {  	[sflag:s31] =	ssyncset.done $0x0  }
0xa1: {  	[sflag:s31] =	ssyncadd.s32 $0xFFFFE000  }
0xa2: {  	v17 =	vld.idx.msk [tilespmem:v1+s26+$0x0], $0xffff;
	_ =	sdelay $0x4  }
0xa3: {  	[tilespmem:s3+$0x0] =	vst v17  }
0xa4: {  	v17 =	vld.idx.msk [tilespmem:v2+s26+$0x0], $0xffff;
	_ =	sdelay $0x4  }
0xa5: {  	[tilespmem:s3+$0x10] =	vst v17  }
0xa6: {  	v17 =	vld.idx.msk [tilespmem:v3+s26+$0x0], $0xffff;
	_ =	sdelay $0x4  }
0xa7: {  	[tilespmem:s3+$0x20] =	vst v17  }
0xa8: {  	v17 =	vld.idx.msk [tilespmem:v4+s26+$0x0], $0xffff;
	_ =	sdelay $0x4  }
0xa9: {  	[tilespmem:s3+$0x30] =	vst v17  }
0xaa: {  	v17 =	vld.idx.msk [tilespmem:v5+s26+$0x0], $0xffff;
	_ =	sdelay $0x4  }
0xab: {  	[tilespmem:s3+$0x80] =	vst v17  }
0xac: {  	v17 =	vld.idx.msk [tilespmem:v6+s26+$0x0], $0xffff;
	_ =	sdelay $0x4  }
0xad: {  	[tilespmem:s3+$0x90] =	vst v17  }
0xae: {  	v17 =	vld.idx.msk [tilespmem:v7+s26+$0x0], $0xffff;
	_ =	sdelay $0x4  }
0xaf: {  	[tilespmem:s3+$0xA0] =	vst v17  }
0xb0: {  	v17 =	vld.idx.msk [tilespmem:v8+s26+$0x0], $0xffff;
	_ =	sdelay $0x4  }
0xb1: {  	[tilespmem:s3+$0xB0] =	vst v17  }
0xb2: {  	v17 =	vld.idx.msk [tilespmem:v9+s26+$0x0], $0xffff;
	_ =	sdelay $0x4  }
0xb3: {  	[tilespmem:s3+$0x100] =	vst v17  }
0xb4: {  	v17 =	vld.idx.msk [tilespmem:v10+s26+$0x0], $0xffff;
	_ =	sdelay $0x4  }
0xb5: {  	[tilespmem:s3+$0x110] =	vst v17  }
0xb6: {  	v17 =	vld.idx.msk [tilespmem:v11+s26+$0x0], $0xffff;
	_ =	sdelay $0x4  }
0xb7: {  	[tilespmem:s3+$0x120] =	vst v17  }
0xb8: {  	v17 =	vld.idx.msk [tilespmem:v12+s26+$0x0], $0xffff;
	_ =	sdelay $0x4  }
0xb9: {  	[tilespmem:s3+$0x130] =	vst v17  }
0xba: {  	v17 =	vld.idx.msk [tilespmem:v13+s26+$0x0], $0xffff;
	_ =	sdelay $0x4  }
0xbb: {  	[tilespmem:s3+$0x180] =	vst v17  }
0xbc: {  	v17 =	vld.idx.msk [tilespmem:v14+s26+$0x0], $0xffff;
	_ =	sdelay $0x4  }
0xbd: {  	[tilespmem:s3+$0x190] =	vst v17  }
0xbe: {  	v17 =	vld.idx.msk [tilespmem:v15+s26+$0x0], $0xffff;
	_ =	sdelay $0x4  }
0xbf: {  	[tilespmem:s3+$0x1A0] =	vst v17  }
0xc0: {  	v17 =	vld.idx.msk [tilespmem:v16+s26+$0x0], $0xffff;
	_ =	sdelay $0x4  }
0xc1: {  	s1 =	sadd.s32 @!p1 $0x201800, s5;
	s5 =	simm.s32 @!p1 $0x4180;
	[tilespmem:s3+$0x1B0] =	vst v17  }
0xc2: {  	[tilespmem:s5], [sflag:$0x3] =	stream.strided.gather @!p1 [hbm4b:s1+s13], $0x2000, s14, s13, $0x38;
	[tilespmem:$0x14180] =	vst v63  }
0xc3: {  	_ =	swait.ge [sflag:s0], $0x2000  }
0xc4: {  	[sflag:s0] =	ssyncset.done $0x0  }
0xc5: {  	[sflag:s0] =	ssyncadd.s32 $0xFFFFE000  }
0xc6: {  	v17 =	vld.idx.msk [tilespmem:v1+s28+$0x0], $0xffff;
	_ =	sdelay $0x4  }
0xc7: {  	[tilespmem:s3+$0x200] =	vst v17  }
0xc8: {  	v17 =	vld.idx.msk [tilespmem:v2+s28+$0x0], $0xffff;
	_ =	sdelay $0x4  }
0xc9: {  	[tilespmem:s3+$0x210] =	vst v17  }
0xca: {  	v17 =	vld.idx.msk [tilespmem:v3+s28+$0x0], $0xffff;
	_ =	sdelay $0x4  }
0xcb: {  	[tilespmem:s3+$0x220] =	vst v17  }
0xcc: {  	v17 =	vld.idx.msk [tilespmem:v4+s28+$0x0], $0xffff;
	_ =	sdelay $0x4  }
0xcd: {  	[tilespmem:s3+$0x230] =	vst v17  }
0xce: {  	v17 =	vld.idx.msk [tilespmem:v5+s28+$0x0], $0xffff;
	_ =	sdelay $0x4  }
0xcf: {  	[tilespmem:s3+$0x280] =	vst v17  }
0xd0: {  	v17 =	vld.idx.msk [tilespmem:v6+s28+$0x0], $0xffff;
	_ =	sdelay $0x4  }
0xd1: {  	[tilespmem:s3+$0x290] =	vst v17  }
0xd2: {  	v17 =	vld.idx.msk [tilespmem:v7+s28+$0x0], $0xffff;
	_ =	sdelay $0x4  }
0xd3: {  	[tilespmem:s3+$0x2A0] =	vst v17  }
0xd4: {  	v17 =	vld.idx.msk [tilespmem:v8+s28+$0x0], $0xffff;
	_ =	sdelay $0x4  }
0xd5: {  	[tilespmem:s3+$0x2B0] =	vst v17  }
0xd6: {  	v17 =	vld.idx.msk [tilespmem:v9+s28+$0x0], $0xffff;
	_ =	sdelay $0x4  }
0xd7: {  	[tilespmem:s3+$0x300] =	vst v17  }
0xd8: {  	v17 =	vld.idx.msk [tilespmem:v10+s28+$0x0], $0xffff;
	_ =	sdelay $0x4  }
0xd9: {  	[tilespmem:s3+$0x310] =	vst v17  }
0xda: {  	v17 =	vld.idx.msk [tilespmem:v11+s28+$0x0], $0xffff;
	_ =	sdelay $0x4  }
0xdb: {  	[tilespmem:s3+$0x320] =	vst v17  }
0xdc: {  	v17 =	vld.idx.msk [tilespmem:v12+s28+$0x0], $0xffff;
	_ =	sdelay $0x4  }
0xdd: {  	[tilespmem:s3+$0x330] =	vst v17  }
0xde: {  	v17 =	vld.idx.msk [tilespmem:v13+s28+$0x0], $0xffff;
	_ =	sdelay $0x4  }
0xdf: {  	[tilespmem:s3+$0x380] =	vst v17  }
0xe0: {  	v17 =	vld.idx.msk [tilespmem:v14+s28+$0x0], $0xffff;
	_ =	sdelay $0x4  }
0xe1: {  	[tilespmem:s3+$0x390] =	vst v17  }
0xe2: {  	v17 =	vld.idx.msk [tilespmem:v15+s28+$0x0], $0xffff;
	_ =	sdelay $0x4  }
0xe3: {  	s4 =	sadd.s32 $0x1000, s4;
	[tilespmem:s3+$0x3A0] =	vst v17  }
0xe4: {  	p1 =	sne.s32 s4, $0x8000;
	v17 =	vld.idx.msk [tilespmem:v16+s28+$0x0], $0xffff  }
.Ltmp0:
0xe5: {  	_ = 	snop;
	(pc) =	sbr.rel @p1 .LBB2_2-.Ltmp0, $2  }
0xe6: {  	_ =	sdelay $0x2  }
0xe7: {  	[tilespmem:s3+$0x3B0] =	vst v17;
	s3 =	sadd.s32 $0x800, s3  }
0xe8: {  	s4 =	simm.s32 $0x0;
	s1 =	simm.s32 $0x8180  }
0xe9: {  	[hbm4b:s16+s4] =	stream.linear.scatter [tilespmem:s1], [sflag:$0x6], $0x4000, $0x38;
	[tilespmem:$0x14180] =	vst v63  }
0xea: {  	_ =	swait.ge [sflag:s20], $0x4000  }
0xeb: {  	[sflag:s20] =	ssyncset.done $0x0  }
0xec: {  	s1 =	simm.s32 @!p0 $0x5;
	[sflag:s20] =	ssyncadd.s32 $0xFFFFC000  }
0xed: {  	_ =	swait.ge @!p0 [sflag:s1], $0x8000  }
0xee: {  	s3 =	simm.s32 @!p0 $0xC180;
	s2 =	sadd.s32 $0x1, s2;
	[sflag:s1] =	ssyncset.done @!p0 $0x0  }
0xef: {  	p1 =	sne.s32 s2, s18;
	[sflag:s1] =	ssyncadd.s32 @!p0 $0xFFFF8000;
	s1 =	simm.s32 @!p0 $0x0  }
0xf0: {  	[hbm4b:s17+s1] =	stream.linear.scatter @!p0 [tilespmem:s3], [sflag:$0x6], $0x8000, $0x38;
	[tilespmem:$0x14180] =	vst v63  }
.Ltmp1:
0xf1: {  	_ = 	snop;
	(pc) =	sbr.rel @p1 .LBB2_1-.Ltmp1, $4  }
0xf2: {  	s1 =	simm.s32 @!p0 $0x6  }
0xf3: {  	_ =	swait.ge @!p0 [sflag:s1], $0x8000  }
0xf4: {  	[sflag:s1] =	ssyncset.done @!p0 $0x0  }
0xf5: {  	[sflag:s1] =	ssyncadd.s32 @!p0 $0xFFFF8000  }
0xf6: {  	_ =	sfence.sel $0x180000  }
0xf7: {  	[bflag:$0x0] =	sbarrier.arrive $0xFFFF  }
0xf8: {  	_ =	strace $0x9000004A  }
0xf9: {  	s0 =	stileid.u32;
	[bflag:$0x2] =	sbarrier.arrive $0xFFFF  }
0xfa: {  	p0 =	sne.s32 s0, $0x0;
	s0 =	rddreg [dreg:$0x2]  }
0xfb: {  	s0 =	sadd.s32 @!p0 $0x100000, s0  }
0xfc: {  	[sflag:s0] =	ssyncadd.tile.s32 @!p0 $0x1;
	_ =	shalt  }
.Lfunc_end2:
_tile_overlayer_lowered:
.L_overlay_start_2:
0xfd: {  	(tag) =	ssettag $0x2  }
0xfe: {  	s0 =	rddreg [dreg:$0x0];
	s2 =	stileid.u32  }
0xff: {  	s1 =	rddreg [dreg:$0x1];
	p0 =	sne.s32 s2, $0x0  }
0x100: {  	s3 =	rddreg [dreg:$0x2];
	[bflag:$0x3] =	sbarrier.arrive $0xFFFF;
	s2 =	simm.s32 @!p0 $0x1C06  }
0x101: {  	[timem:s3], [sflag:s2] =	dma.local @!p0 [hbm:s0], s1  }
0x102: {  	s0 =	simm.s32 @!p0 $0x6  }
0x103: {  	_ =	swait.ge @!p0 [sflag:s0], s1  }
0x104: {  	s1 =	ssub.s32 @!p0 $0x0, s1;
	[sflag:s0] =	ssyncset.done @!p0 $0x0  }
0x105: {  	[sflag:s0] =	ssyncadd.s32 @!p0 s1  }
0x106: {  	[bflag:$0x3] =	sbarrier.arrive $0xFFFF  }
0x107: {  	_ =	shalt  }

// kernel: kernel.19.cloned.1.call-start
scs
__scs_entry_jumppad:
0x0: {  	(pc) =	sbr.rel $0x88, $3  }
0x1: {  	(tag) =	ssettag $0x0;
	lr =	simm.s32 $0x1  }
0x2: {  	[smem:$0x3F9C] =	sst lr;
	_ =	strace $0xD0000000  }
0x3: {  	_ = 	snop  }
0x4: {  	_ = 	snop  }
0x5: {  	_ = 	snop  }
0x6: {  	_ = 	snop  }
0x7: {  	_ = 	snop  }
__scs_overlays_trampoline_lowered:
0x8: {  	[smem:$0x3FAB] =	sst s0  }
0x9: {  	[smem:$0x3FAC] =	sst s1  }
0xa: {  	[smem:$0x3FAD] =	sst s2  }
0xb: {  	[smem:$0x3FAE] =	sst s3  }
0xc: {  	[smem:$0x3FAF] =	sst s4  }
0xd: {  	[smem:$0x3FB0] =	sst s5  }
0xe: {  	[smem:$0x3FB1] =	sst s6  }
0xf: {  	[smem:$0x3FB2] =	sst s7  }
0x10: {  	[smem:$0x3FB3] =	sst s8  }
0x11: {  	[smem:$0x3FB4] =	sst s9;
	s0 =	simm.s32 @!p0 $0x0  }
0x12: {  	s1 =	sld [smem:$0x3F9A];
	s0 =	simm.s32 @p0 $0x1  }
0x13: {  	[smem:$0x3FB5] =	sst s0;
	s0 =	simm.s32 @!p1 $0x0  }
0x14: {  	s2 =	sld [smem:$0x3F99];
	s0 =	simm.s32 @p1 $0x1  }
0x15: {  	[smem:$0x3FB6] =	sst s0;
	s0 =	simm.s32 @!p2 $0x0  }
0x16: {  	s3 =	sld [smem:$0x3FDB];
	s0 =	simm.s32 @p2 $0x1  }
0x17: {  	s4 =	simm.s32 $0x1BF5;
	[smem:$0x3FB8] =	sst s0  }
0x18: {  	s0 =	sld [smem:$0x3F9B];
	_ =	swait.ge [sflag:s4], $0x0  }
0x19: {  	s7 =	sld [smem:$0x3F9C]  }
0x1a: {  	s8 =	sadd.s32 $0xFFFFE003, lr  }
0x1b: {  	s9 =	sadd.s32 $0xFFFFFEF7, lr;
	s5 =	simm.s32 $0xFFFFFFFF;
	p2 =	slt.u32 s8, $0xFFFFF086  }
0x1c: {  	p1 =	slt.u32 s9, $0xF7A;
	s5 =	simm.s32 @!p2 $0x0  }
0x1d: {  	s5 =	simm.s32 @p1 $0x1;
	p0 =	seq.s32 s7, s2  }
0x1e: {  	s7 =	smul.u32 @!p0 $0xF7A, s2;
	p2 =	seq.s32 @!p0 s5, $0x0  }
0x1f: {  	s9 =	smul.u32 $0xF7A, s1;
	s8 =	simm.s32 @!p0 $0x1BF5;
	p2 =	por !p2, p0  }
0x20: {  	[sflag:s8] =	ssyncset.s32 @!p0 $0xFFFFF086;
	s6 =	sadd.s32 @!p0 s3, s7;
	s7 =	simm.s32 @!p0 $0x108  }
0x21: {  	s3 =	sadd.s32 s3, s9;
	s6 =	sadd.s32 @!p0 $0x88, s6;
	s7 =	simm.s32 @p2 $0x1082  }
0x22: {  	[simem:s7], [sflag:s8] =	dma.local @!p0 [hbm:s6], $0xF7A  }
0x23: {  	s9 =	sor.u32 $0xD0000000, s2;
	s6 =	simm.s32 $0x108;
	_ =	swait.ge @!p0 [sflag:s8], $0x0  }
0x24: {  	s3 =	sadd.s32 $0x88, s3;
	s6 =	simm.s32 @!p1 $0x1082;
	[sflag:s4] =	ssyncset.s32 $0xFFFFF086  }
0x25: {  	[simem:s6], [sflag:s4] =	dma.local [hbm:s3], $0xF7A  }
0x26: {  	[smem:$0x3F9C] =	sst s1;
	(tag) =	ssettag s2;
	_ =	strace s9  }
0x27: {  	s1 =	sld [smem:$0x3FAC]  }
0x28: {  	s2 =	sld [smem:$0x3FAD]  }
0x29: {  	s4 =	sld [smem:$0x3FAF]  }
0x2a: {  	p0 =	seq.s32 s5, $0x0;
	s5 =	sld [smem:$0x3FB0]  }
0x2b: {  	s6 =	sld [smem:$0x3FB1]  }
0x2c: {  	s7 =	sld [smem:$0x3FB2]  }
0x2d: {  	s3 =	simm.s32 $0x108;
	s8 =	sld [smem:$0x3FB3]  }
0x2e: {  	s3 =	simm.s32 @!p0 $0x1082;
	s9 =	sld [smem:$0x3FB4]  }
0x2f: {  	lr =	sadd.s32 s0, s3;
	s0 =	sld [smem:$0x3FAB]  }
0x30: {  	s3 =	sld [smem:$0x3FAE]  }
0x31: {  	[smem:$0x3FB7] =	sst s10  }
0x32: {  	s10 =	sld [smem:$0x3FB5];
	_ =	sdelay $0x3  }
0x33: {  	p0 =	seq.s32 s10, $0x1;
	s10 =	sld [smem:$0x3FB7];
	_ =	sdelay $0x3  }
0x34: {  	[smem:$0x3FB7] =	sst s10  }
0x35: {  	s10 =	sld [smem:$0x3FB6];
	_ =	sdelay $0x3  }
0x36: {  	p1 =	seq.s32 s10, $0x1;
	s10 =	sld [smem:$0x3FB7];
	_ =	sdelay $0x3  }
0x37: {  	[smem:$0x3FB7] =	sst s10  }
0x38: {  	s10 =	sld [smem:$0x3FB8]  }
0x39: {  	_ = 	snop;
	(pc) =	sbr.ind lr, $3  }
0x3a: {  	_ = 	snop  }
0x3b: {  	_ = 	snop  }
0x3c: {  	p2 =	seq.s32 s10, $0x1;
	s10 =	sld [smem:$0x3FB7]  }
0x3d: {  	_ =	shalt  }
0x3e: {  	_ =	shalt  }
0x3f: {  	_ =	shalt  }
0x40: {  	_ =	shalt  }
0x41: {  	_ =	shalt  }
0x42: {  	_ =	shalt  }
0x43: {  	_ =	shalt  }
0x44: {  	_ =	shalt  }
0x45: {  	_ =	shalt  }
0x46: {  	_ =	shalt  }
0x47: {  	_ =	shalt  }
0x48: {  	_ =	shalt  }
0x49: {  	_ =	shalt  }
0x4a: {  	_ =	shalt  }
0x4b: {  	_ =	shalt  }
0x4c: {  	_ =	shalt  }
0x4d: {  	_ =	shalt  }
0x4e: {  	_ =	shalt  }
0x4f: {  	_ =	shalt  }
0x50: {  	_ =	shalt  }
0x51: {  	_ =	shalt  }
0x52: {  	_ =	shalt  }
0x53: {  	_ =	shalt  }
0x54: {  	_ =	shalt  }
0x55: {  	_ =	shalt  }
0x56: {  	_ =	shalt  }
0x57: {  	_ =	shalt  }
0x58: {  	_ =	shalt  }
0x59: {  	_ =	shalt  }
0x5a: {  	_ =	shalt  }
0x5b: {  	_ =	shalt  }
0x5c: {  	_ =	shalt  }
0x5d: {  	_ =	shalt  }
0x5e: {  	_ =	shalt  }
0x5f: {  	_ =	shalt  }
0x60: {  	_ =	shalt  }
0x61: {  	_ =	shalt  }
0x62: {  	_ =	shalt  }
0x63: {  	_ =	shalt  }
0x64: {  	_ =	shalt  }
0x65: {  	_ =	shalt  }
0x66: {  	_ =	shalt  }
0x67: {  	_ =	shalt  }
0x68: {  	_ =	shalt  }
0x69: {  	_ =	shalt  }
0x6a: {  	_ =	shalt  }
0x6b: {  	_ =	shalt  }
0x6c: {  	_ =	shalt  }
0x6d: {  	_ =	shalt  }
0x6e: {  	_ =	shalt  }
0x6f: {  	_ =	shalt  }
0x70: {  	_ =	shalt  }
0x71: {  	_ =	shalt  }
0x72: {  	_ =	shalt  }
0x73: {  	_ =	shalt  }
0x74: {  	_ =	shalt  }
0x75: {  	_ =	shalt  }
0x76: {  	_ =	shalt  }
0x77: {  	_ =	shalt  }
0x78: {  	_ =	shalt  }
0x79: {  	_ =	shalt  }
0x7a: {  	_ =	shalt  }
0x7b: {  	_ =	shalt  }
0x7c: {  	_ =	shalt  }
0x7d: {  	_ =	shalt  }
0x7e: {  	_ =	shalt  }
0x7f: {  	_ =	shalt  }
0x80: {  	_ =	shalt  }
0x81: {  	_ =	shalt  }
0x82: {  	_ =	shalt  }
0x83: {  	_ =	shalt  }
0x84: {  	_ =	shalt  }
0x85: {  	_ =	shalt  }
0x86: {  	_ =	shalt  }
0x87: {  	_ =	shalt  }
.Lfunc_end0:
.L_simem_size_0:
called_computation.3_lowered:
.L_overlay_start_0:
0x88: {  	s2 =	sld [smem:$0x3FD9]  }
0x89: {  	s3 =	sld [smem:$0x3FFE];
	_ =	sdelay $0x1  }
0x8a: {  	s1 =	srdreg.scid  }
0x8b: {  	s0 =	sand.u32 $0x1, s1  }
0x8c: {  	s17 =	sshll.u32 s0, $0xA;
	s2 =	sadd.s32 s3, s2  }
0x8d: {  	s2 =	sadd.s32 s2, s17  }
0x8e: {  	[smem:$0x3FC3] =	sst s2  }
0x8f: {  	_ = 	snop  }
0x90: {  	s2 =	sld [smem:$0x3FC9];
	(tm) =	ssettm $0x1  }
0x91: {  	s18 =	sld [smem:$0x3FFB];
	_ =	sdelay $0x3  }
0x92: {  	_ =	strace s18  }
0x93: {  	s3 =	sld [smem:$0x3FFC];
	_ =	sdelay $0x3  }
0x94: {  	_ =	strace s3  }
0x95: {  	s3 =	sld [smem:$0x3FFD];
	_ =	sdelay $0x3  }
0x96: {  	_ =	strace s3  }
0x97: {  	_ =	strace $0x8FFFFFFF  }
0x98: {  	s19 =	sld [smem:$0x3FDB];
	_ =	sdelay $0x1  }
0x99: {  	s4 =	simm.s32 $_scs_section_size  }
0x9a: {  	s5 =	simm.s32 $_size__tile_overlayer_lowered;
	s6 =	simm.s32 $_tile_overlayer_lowered  }
0x9b: {  	s22 =	simm.s32 $0x1BFF;
	s21 =	sshll.u32 s6, $0x1;
	s3 =	sadd.s32 s4, s19  }
0x9c: {  	s7 =	simm.s32 $0x0;
	s20 =	sshll.u32 s5, $0x1;
	s5 =	sadd.s32 s21, s3  }
0x9d: {  	[timem:s7], [sflag:s22] =	dma.local [hbm:s5], s20  }
0x9e: {  	_ =	swait.ge [sflag:s22], s20  }
0x9f: {  	s4 =	ssub.s32 $0x0, s20;
	[sflag:s22] =	ssyncset.done $0x0  }
0xa0: {  	[sflag:s22] =	ssyncadd.s32 s4;
	_ =	sdelay $0x1  }
0xa1: {  	s23 =	simm.s32 $0x1B8B  }
0xa2: {  	_ =	swait.ge [sflag:s23], $0x1  }
0xa3: {  	[sflag:s23] =	ssyncset.done $0x0  }
0xa4: {  	s25 =	simm.s32 $0x1B8E;
	s24 =	sld [smem:$0x3FFE];
	[sflag:s23] =	ssyncadd.s32 $0xFFFFFFFF  }
0xa5: {  	s26 =	simm.s32 $execute0_lowered;
	[smem:$0x3FD2] =	sst s25  }
0xa6: {  	s5 =	sshll.u32 s26, $0x1;
	_ =	strace $0x80000046;
	[dreg:$0x1] =	wrdreg $0xFFFFFFFF  }
0xa7: {  	s28 =	simm.s32 $_size_execute0_lowered;
	s3 =	sadd.s32 s3, s5;
	[dreg:$0x0] =	wrdreg $0x0  }
0xa8: {  	s5 =	sshll.u32 s28, $0x1;
	[dreg:$0x2] =	wrdreg s3  }
0xa9: {  	[dreg:$0x3] =	wrdreg s5  }
0xaa: {  	[dreg:$0x4] =	wrdreg $0xC0  }
0xab: {  	_ =	task [dreg:s7], $0x5FFFF  }
0xac: {  	[dreg:$0x1] =	wrdreg $0xFFFFFFFF  }
0xad: {  	[dreg:$0x0] =	wrdreg $0x60  }
0xae: {  	[dreg:$0x2] =	wrdreg s2  }
0xaf: {  	[dreg:$0x3] =	wrdreg s24  }
0xb0: {  	[dreg:$0x4] =	wrdreg $0xC  }
0xb1: {  	_ =	task.clear_ibuf [dreg:s7], $0x5FFFF;
	_ =	strace $0x90000046  }
0xb2: {  	s29 =	simm.s32 $0xC;
	_ =	strace $0x80000048  }
0xb3: {  	_ =	swait.ge [sflag:s29], $0x1  }
0xb4: {  	[sflag:s29] =	ssyncadd.s32 $0xFFFFFFFF  }
0xb5: {  	_ =	strace $0x90000048  }
0xb6: {  	_ =	sfence  }
0xb7: {  	s30 =	sld [smem:$0x0];
	_ =	sdelay $0x2  }
0xb8: {  	s31 =	sshll.u32 s1, $0xD;
	s1 =	sshrl.u32 s1, $0x2  }
0xb9: {  	s3 =	sand.u32 $0x4000, s31;
	s1 =	sadd.s32 s1, s30  }
0xba: {  	s0 =	sor.u32 s3, s0;
	s1 =	sshll.u32 s1, $0x11  }
0xbb: {  	s0 =	sor.u32 s1, s0  }
0xbc: {  	s0 =	sadd.s32 $0x8F2B, s0  }
0xbd: {  	[sflag:s0] =	ssyncadd.remote.s32 $0x1  }
0xbe: {  	_ =	sfence.sel $0xFFFF  }
0xbf: {  	[dreg:$0x0] =	wrdreg $0xFFFFFFFF;
	(pc) =	sbr.abs _section_cstart, $3  }
0xc0: {  	[dreg:$0x1] =	wrdreg $0xFFFFFFFF  }
0xc1: {  	_ =	task.clear_ibuf [dreg:s7], $0x2FFFF;
	_ =	strace $0x9FFFFFFF  }
0xc2: {  	(tm) =	ssettm $0x7FFFFFFF  }
0xc3: {  	_ =	shalt  }
tec
execute0_lowered:
.L_overlay_start_1:
0x0: {  	(tag) =	ssettag $0x1  }
0x1: {  	s1 =	rddreg [dreg:$0x0]  }
0x2: {  	s0 =	rddreg [dreg:$0x1];
	s3 =	simm.s32 $0x0;
	s2 =	srdreg.scid  }
0x3: {  	s15 =	stileid.u32;
	s28 =	simm.s32 $0x6180;
	s29 =	simm.s32 $0x1  }
0x4: {  	s30 =	simm.s32 $0x2;
	s31 =	simm.s32 $0x3;
	[smem:$0x7FF] =	sst s3  }
0x5: {  	s2 =	sand.u32 $0x1, s2;
	s20 =	sshll.u32 s15, $0x1;
	s4 =	sadd.s32 $0x4400, s0  }
0x6: {  	s22 =	sand.u32 $0x8, s15;
	s23 =	sshrl.u32 s15, $0x1;
	s8 =	sadd.s32 $0x300, s1  }
0x7: {  	s9 =	sadd.s32 $0x400, s1;
	s10 =	sadd.s32 $0x500, s1;
	s12 =	sadd.s32 $0x700, s1  }
0x8: {  	s26 =	sshll.u32 s15, $0x10;
	p0 =	sgt.u32 s15, $0x3;
	_ =	strace $0x80000047  }
0x9: {  	s3 =	sor.u32 s2, s20;
	s7 =	ssub.s32 $0x2, s2;
	s2 =	sshll.u32 s2, $0xF  }
0xa: {  	s20 =	simm.s32 $0x6;
	s5 =	sshll.u32 s3, $0xB;
	s6 =	sshll.u32 s3, $0xC  }
0xb: {  	s21 =	sshrl.u32 s7, $0x1;
	s11 =	sshll.u32 s3, $0xF;
	s3 =	sshll.u32 s3, $0x6  }
0xc: {  	s5 =	sadd.s32 s5, s0;
	s0 =	sadd.s32 s6, s0;
	s13 =	ssub.s32 s7, s21  }
0xd: {  	s6 =	sadd.s32 s22, s4;
	s7 =	sor.u32 $0x6, s23;
	s3 =	sand.u32 $0xC0, s3  }
0xe: {  	s14 =	sadd.s32 s11, s1;
	s11 =	sadd.s32 $0x600, s1;
	s22 =	simm.s32 $0x200  }
0xf: {  	s23 =	simm.s32 $0x400;
	s6 =	sadd.s32 $0x30, s6;
	s16 =	sadd.s32 $0x300040, s14  }
0x10: {  	s24 =	sshll.u32 s7, $0x3;
	s25 =	sadd.s32 $0x300000, s14;
	s14 =	sadd.s32 $0x300800, s14  }
0x11: {  	s17 =	sadd.s32 $0x14600, s0;
	s18 =	smax.u32 s13, $0x1;
	[dreg:$0x3] =	wrdreg s6  }
0x12: {  	s0 =	sadd.s32 s26, s1;
	s21 =	sshrl.u32 @!p0 s3, $0x2;
	[dreg:$0x5] =	wrdreg s16  }
0x13: {  	s26 =	simm.s32 $0x4180;
	s4 =	sadd.s32 s4, s24;
	[dreg:$0x6] =	wrdreg s25  }
0x14: {  	s6 =	sadd.s32 $0x100, s1;
	[dreg:$0x7] =	wrdreg s14;
	s16 =	sadd.s32 $0x4600, s5  }
0x15: {  	s19 =	sadd.s32 s2, s0;
	s24 =	simm.s32 $0x180;
	s25 =	simm.s32 $0x2180  }
0x16: {  	s0 =	simm.s32 $0x4;
	[dreg:$0x4] =	wrdreg s4;
	s4 =	sshll.u32 s7, $0xB  }
0x17: {  	vm0 =	vmmov @!p0 $0xffff;
	s2 =	simm.s32 $0x0;
	s7 =	sadd.s32 $0x200, s1;
	v0 =	vmov s4;
	s4 =	simm.s32 $0x0  }
.LBB2_1:
0x18: {  	s1 =	rddreg [dreg:$0x3]  }
0x19: {  	[tilespmem:s4], [sflag:$0x6] =	stream.linear.gather [hbm4b:s1+s4], $0x40, $0x38;
	[tilespmem:$0x14180] =	vst v63  }
0x1a: {  	_ =	swait.ge [sflag:s20], $0x40  }
0x1b: {  	[sflag:s20] =	ssyncset.done $0x0  }
0x1c: {  	[sflag:s20] =	ssyncadd.s32 $0xFFFFFFC0  }
0x1d: {  	v1 =	vld [tilespmem:$0x0]  }
0x1e: {  	v2 =	vld [tilespmem:$0x10]  }
0x1f: {  	s3 =	simm.s32 @!p0 $0x0;
	s4 =	simm.s32 @!p0 $0x80;
	s1 =	rddreg [dreg:$0x4];
	v3 =	vld [tilespmem:$0x20]  }
0x20: {  	v4 =	vld [tilespmem:$0x30];
	[tilespmem:s4], [sflag:$0x6] =	stream.linear.gather @!p0 [hbm4b:s1+s3], $0x40, $0x38  }
0x21: {  	s4 =	simm.s32 @!p0 $0x6  }
0x22: {  	_ =	swait.ge @!p0 [sflag:s4], $0x40  }
0x23: {  	[sflag:s4] =	ssyncset.done @!p0 $0x0  }
0x24: {  	[sflag:s4] =	ssyncadd.s32 @!p0 $0xFFFFFFC0  }
0x25: {  	v5 =	vld @!p0 [tilespmem:s21+$0x80];
	_ =	sdelay $0x4  }
0x26: {  	v6 =	vadd.s32 @!p0 v0, v5  }
0x27: {  	v7 =	vshll.u32 @!p0 v6, $0x4  }
0x28: {  	v8 =	vlaneseq.u32 @!p0;
	v5 =	vand.u32 @!p0 $0x7, v5;
	v7 =	vand.u32 @!p0 $0xFFFFFF80, v7  }
0x29: {  	v9 =	vshrl.u32 @!p0 v8, $0x3;
	v5 =	vor.u32 @!p0 v5, v7;
	v7 =	vand.u32 @!p0 $0x7, v8  }
0x2a: {  	v9 =	vmul.u32 @!p0 $0x8, v9;
	v7 =	vperm.xlane @!p0 v5, v7;
	_ =	sdelay $0x1  }
0x2b: {  	v7 =	vadd.s32 @!p0 v9, v7;
	_ =	sdelay $0x3  }
0x2c: {  	s4 =	simm.s32 @!p0 $0xC180;
	s1 =	rddreg [dreg:$0x0];
	[tilespmem:$0x100] =	vst @!p0 v6  }
0x2d: {  	[tilespmem:s4], [sflag:$0x5] =	stream.indirect_vreg.gather @!p0 [hbm4b:s1+s3], $0x80, v7, vm0, $0xb8;
	[tilespmem:$0x14180] =	vst v63  }
0x2e: {  	s4 =	simm.s32 @!p0 $0xC980  }
0x2f: {  	[tilespmem:s4], [sflag:$0x5] =	stream.indirect_vreg.gather @!p0 [hbm4b:s6+s3], $0x80, v7, vm0, $0xb8;
	[tilespmem:$0x14180] =	vst v63  }
0x30: {  	s4 =	simm.s32 @!p0 $0xD180  }
0x31: {  	[tilespmem:s4], [sflag:$0x5] =	stream.indirect_vreg.gather @!p0 [hbm4b:s7+s3], $0x80, v7, vm0, $0xb8;
	[tilespmem:$0x14180] =	vst v63  }
0x32: {  	s4 =	simm.s32 @!p0 $0xD980  }
0x33: {  	[tilespmem:s4], [sflag:$0x5] =	stream.indirect_vreg.gather @!p0 [hbm4b:s8+s3], $0x80, v7, vm0, $0xb8;
	[tilespmem:$0x14180] =	vst v63  }
0x34: {  	s4 =	simm.s32 @!p0 $0xE180  }
0x35: {  	v6 =	vor.u32 @!p0 $0x8, v8;
	[tilespmem:s4], [sflag:$0x5] =	stream.indirect_vreg.gather @!p0 [hbm4b:s9+s3], $0x80, v7, vm0, $0xb8;
	[tilespmem:$0x14180] =	vst v63  }
0x36: {  	v5 =	vperm.xlane @!p0 v5, v6;
	s4 =	simm.s32 @!p0 $0xE980  }
0x37: {  	[tilespmem:s4], [sflag:$0x5] =	stream.indirect_vreg.gather @!p0 [hbm4b:s10+s3], $0x80, v7, vm0, $0xb8;
	[tilespmem:$0x14180] =	vst v63  }
0x38: {  	v5 =	vadd.s32 @!p0 v9, v5;
	s4 =	simm.s32 @!p0 $0xF180  }
0x39: {  	[tilespmem:s4], [sflag:$0x5] =	stream.indirect_vreg.gather @!p0 [hbm4b:s11+s3], $0x80, v7, vm0, $0xb8;
	[tilespmem:$0x14180] =	vst v63  }
0x3a: {  	s4 =	simm.s32 @!p0 $0xF980  }
0x3b: {  	[tilespmem:s4], [sflag:$0x5] =	stream.indirect_vreg.gather @!p0 [hbm4b:s12+s3], $0x80, v7, vm0, $0xb8;
	[tilespmem:$0x14180] =	vst v63  }
0x3c: {  	s4 =	simm.s32 @!p0 $0x10180  }
0x3d: {  	[tilespmem:s4], [sflag:$0x5] =	stream.indirect_vreg.gather @!p0 [hbm4b:s1+s3], $0x80, v5, vm0, $0xb8;
	[tilespmem:$0x14180] =	vst v63  }
0x3e: {  	s4 =	simm.s32 @!p0 $0x10980  }
0x3f: {  	[tilespmem:s4], [sflag:$0x5] =	stream.indirect_vreg.gather @!p0 [hbm4b:s6+s3], $0x80, v5, vm0, $0xb8;
	[tilespmem:$0x14180] =	vst v63  }
0x40: {  	s4 =	simm.s32 @!p0 $0x11180  }
0x41: {  	[tilespmem:s4], [sflag:$0x5] =	stream.indirect_vreg.gather @!p0 [hbm4b:s7+s3], $0x80, v5, vm0, $0xb8;
	[tilespmem:$0x14180] =	vst v63  }
0x42: {  	s4 =	simm.s32 @!p0 $0x11980  }
0x43: {  	[tilespmem:s4], [sflag:$0x5] =	stream.indirect_vreg.gather @!p0 [hbm4b:s8+s3], $0x80, v5, vm0, $0xb8;
	[tilespmem:$0x14180] =	vst v63  }
0x44: {  	s4 =	simm.s32 @!p0 $0x12180  }
0x45: {  	[tilespmem:s4], [sflag:$0x5] =	stream.indirect_vreg.gather @!p0 [hbm4b:s9+s3], $0x80, v5, vm0, $0xb8;
	[tilespmem:$0x14180] =	vst v63  }
0x46: {  	s4 =	simm.s32 @!p0 $0x12980  }
0x47: {  	v7 =	vshll.u32 v4, $0x2;
	[tilespmem:s4], [sflag:$0x5] =	stream.indirect_vreg.gather @!p0 [hbm4b:s10+s3], $0x80, v5, vm0, $0xb8;
	[tilespmem:$0x14180] =	vst v63  }
0x48: {  	v4 =	vand.u32 $0x7F, v4;
	v7 =	vand.u32 $0xFFFFFE00, v7;
	s4 =	simm.s32 @!p0 $0x13180  }
0x49: {  	v4 =	vor.u32 v4, v7;
	[tilespmem:s4], [sflag:$0x5] =	stream.indirect_vreg.gather @!p0 [hbm4b:s11+s3], $0x80, v5, vm0, $0xb8;
	[tilespmem:$0x14180] =	vst v63  }
0x4a: {  	v6 =	vshll.u32 v1, $0x2;
	v1 =	vand.u32 $0x7F, v1;
	v8 =	vor.u32 $0x80, v4;
	s4 =	simm.s32 @!p0 $0x13980  }
0x4b: {  	v12 =	vor.u32 $0x100, v4;
	v16 =	vor.u32 $0x180, v4;
	[tilespmem:s4], [sflag:$0x5] =	stream.indirect_vreg.gather @!p0 [hbm4b:s12+s3], $0x80, v5, vm0, $0xb8;
	v5 =	vand.u32 $0xFFFFFE00, v6;
	[tilespmem:$0x14180] =	vst v63  }
0x4c: {  	s13 =	rddreg [dreg:$0x6];
	v6 =	vshll.u32 v2, $0x2;
	v2 =	vand.u32 $0x7F, v2;
	v1 =	vor.u32 v1, v5  }
0x4d: {  	v5 =	vand.u32 $0xFFFFFE00, v6;
	v6 =	vand.u32 $0x7F, v3;
	v3 =	vshll.u32 v3, $0x2;
	[tilespmem:s24], [sflag:$0x1] =	stream.strided.gather [hbm4b:s13+s22], $0x2000, s23, s22, $0x38;
	[tilespmem:$0x14180] =	vst v63  }
0x4e: {  	s14 =	rddreg [dreg:$0x5];
	v3 =	vand.u32 $0xFFFFFE00, v3;
	v2 =	vor.u32 v2, v5;
	v5 =	vor.u32 $0x80, v1  }
0x4f: {  	v9 =	vor.u32 $0x100, v1;
	v13 =	vor.u32 $0x180, v1;
	v3 =	vor.u32 v6, v3;
	[tilespmem:s25], [sflag:$0x2] =	stream.strided.gather [hbm4b:s14+s22], $0x2000, s23, s22, $0x38;
	[tilespmem:$0x14180] =	vst v63  }
0x50: {  	s15 =	rddreg [dreg:$0x7];
	s3 =	simm.s32 $0x8580;
	s4 =	simm.s32 $0x0;
	v6 =	vor.u32 $0x80, v2;
	v10 =	vor.u32 $0x100, v2;
	v14 =	vor.u32 $0x180, v2  }
0x51: {  	v7 =	vor.u32 $0x80, v3;
	v11 =	vor.u32 $0x100, v3;
	v15 =	vor.u32 $0x180, v3;
	[tilespmem:s26], [sflag:$0x3] =	stream.strided.gather [hbm4b:s15+s22], $0x2000, s23, s22, $0x38;
	[tilespmem:$0x14180] =	vst v63  }
.LBB2_2:
0x52: {  	s5 =	sadd.s32 s4, s19  }
0x53: {  	s5 =	sadd.s32 $0x300840, s5  }
0x54: {  	[tilespmem:s28], [sflag:$0x4] =	stream.strided.gather [hbm4b:s5+s22], $0x2000, s23, s22, $0x38;
	[tilespmem:$0x14180] =	vst v63  }
0x55: {  	_ =	swait.ge [sflag:s29], $0x2000  }
0x56: {  	[sflag:s29] =	ssyncset.done $0x0  }
0x57: {  	[sflag:s29] =	ssyncadd.s32 $0xFFFFE000  }
0x58: {  	v17 =	vld.idx.msk [tilespmem:v1+s24+$0x0], $0xffff;
	_ =	sdelay $0x4  }
0x59: {  	[tilespmem:s3+$0xFFFFFC00] =	vst v17  }
0x5a: {  	v17 =	vld.idx.msk [tilespmem:v2+s24+$0x0], $0xffff;
	_ =	sdelay $0x4  }
0x5b: {  	[tilespmem:s3+$0xFFFFFC10] =	vst v17  }
0x5c: {  	v17 =	vld.idx.msk [tilespmem:v3+s24+$0x0], $0xffff;
	_ =	sdelay $0x4  }
0x5d: {  	[tilespmem:s3+$0xFFFFFC20] =	vst v17  }
0x5e: {  	v17 =	vld.idx.msk [tilespmem:v4+s24+$0x0], $0xffff;
	_ =	sdelay $0x4  }
0x5f: {  	[tilespmem:s3+$0xFFFFFC30] =	vst v17  }
0x60: {  	v17 =	vld.idx.msk [tilespmem:v5+s24+$0x0], $0xffff;
	_ =	sdelay $0x4  }
0x61: {  	[tilespmem:s3+$0xFFFFFC80] =	vst v17  }
0x62: {  	v17 =	vld.idx.msk [tilespmem:v6+s24+$0x0], $0xffff;
	_ =	sdelay $0x4  }
0x63: {  	[tilespmem:s3+$0xFFFFFC90] =	vst v17  }
0x64: {  	v17 =	vld.idx.msk [tilespmem:v7+s24+$0x0], $0xffff;
	_ =	sdelay $0x4  }
0x65: {  	[tilespmem:s3+$0xFFFFFCA0] =	vst v17  }
0x66: {  	v17 =	vld.idx.msk [tilespmem:v8+s24+$0x0], $0xffff;
	_ =	sdelay $0x4  }
0x67: {  	[tilespmem:s3+$0xFFFFFCB0] =	vst v17  }
0x68: {  	v17 =	vld.idx.msk [tilespmem:v9+s24+$0x0], $0xffff;
	_ =	sdelay $0x4  }
0x69: {  	[tilespmem:s3+$0xFFFFFD00] =	vst v17  }
0x6a: {  	v17 =	vld.idx.msk [tilespmem:v10+s24+$0x0], $0xffff;
	_ =	sdelay $0x4  }
0x6b: {  	[tilespmem:s3+$0xFFFFFD10] =	vst v17  }
0x6c: {  	v17 =	vld.idx.msk [tilespmem:v11+s24+$0x0], $0xffff;
	_ =	sdelay $0x4  }
0x6d: {  	[tilespmem:s3+$0xFFFFFD20] =	vst v17  }
0x6e: {  	v17 =	vld.idx.msk [tilespmem:v12+s24+$0x0], $0xffff;
	_ =	sdelay $0x4  }
0x6f: {  	[tilespmem:s3+$0xFFFFFD30] =	vst v17  }
0x70: {  	v17 =	vld.idx.msk [tilespmem:v13+s24+$0x0], $0xffff;
	_ =	sdelay $0x4  }
0x71: {  	[tilespmem:s3+$0xFFFFFD80] =	vst v17  }
0x72: {  	v17 =	vld.idx.msk [tilespmem:v14+s24+$0x0], $0xffff;
	_ =	sdelay $0x4  }
0x73: {  	[tilespmem:s3+$0xFFFFFD90] =	vst v17  }
0x74: {  	v17 =	vld.idx.msk [tilespmem:v15+s24+$0x0], $0xffff;
	_ =	sdelay $0x4  }
0x75: {  	[tilespmem:s3+$0xFFFFFDA0] =	vst v17  }
0x76: {  	v17 =	vld.idx.msk [tilespmem:v16+s24+$0x0], $0xffff;
	_ =	sdelay $0x2  }
0x77: {  	p1 =	seq.s32 s4, $0x7000  }
0x78: {  	s13 =	simm.s32 @!p1 $0x200;
	s5 =	sadd.s32 @!p1 s4, s19  }
0x79: {  	s14 =	simm.s32 @!p1 $0x400;
	s15 =	simm.s32 @!p1 $0x180;
	s1 =	sadd.s32 @!p1 $0x301000, s5;
	[tilespmem:s3+$0xFFFFFDB0] =	vst v17  }
0x7a: {  	[tilespmem:s15], [sflag:$0x1] =	stream.strided.gather @!p1 [hbm4b:s1+s13], $0x2000, s14, s13, $0x38;
	[tilespmem:$0x14180] =	vst v63  }
0x7b: {  	_ =	swait.ge [sflag:s30], $0x2000  }
0x7c: {  	[sflag:s30] =	ssyncset.done $0x0  }
0x7d: {  	[sflag:s30] =	ssyncadd.s32 $0xFFFFE000  }
0x7e: {  	v17 =	vld.idx.msk [tilespmem:v1+s25+$0x0], $0xffff;
	_ =	sdelay $0x4  }
0x7f: {  	[tilespmem:s3+$0xFFFFFE00] =	vst v17  }
0x80: {  	v17 =	vld.idx.msk [tilespmem:v2+s25+$0x0], $0xffff;
	_ =	sdelay $0x4  }
0x81: {  	[tilespmem:s3+$0xFFFFFE10] =	vst v17  }
0x82: {  	v17 =	vld.idx.msk [tilespmem:v3+s25+$0x0], $0xffff;
	_ =	sdelay $0x4  }
0x83: {  	[tilespmem:s3+$0xFFFFFE20] =	vst v17  }
0x84: {  	v17 =	vld.idx.msk [tilespmem:v4+s25+$0x0], $0xffff;
	_ =	sdelay $0x4  }
0x85: {  	[tilespmem:s3+$0xFFFFFE30] =	vst v17  }
0x86: {  	v17 =	vld.idx.msk [tilespmem:v5+s25+$0x0], $0xffff;
	_ =	sdelay $0x4  }
0x87: {  	[tilespmem:s3+$0xFFFFFE80] =	vst v17  }
0x88: {  	v17 =	vld.idx.msk [tilespmem:v6+s25+$0x0], $0xffff;
	_ =	sdelay $0x4  }
0x89: {  	[tilespmem:s3+$0xFFFFFE90] =	vst v17  }
0x8a: {  	v17 =	vld.idx.msk [tilespmem:v7+s25+$0x0], $0xffff;
	_ =	sdelay $0x4  }
0x8b: {  	[tilespmem:s3+$0xFFFFFEA0] =	vst v17  }
0x8c: {  	v17 =	vld.idx.msk [tilespmem:v8+s25+$0x0], $0xffff;
	_ =	sdelay $0x4  }
0x8d: {  	[tilespmem:s3+$0xFFFFFEB0] =	vst v17  }
0x8e: {  	v17 =	vld.idx.msk [tilespmem:v9+s25+$0x0], $0xffff;
	_ =	sdelay $0x4  }
0x8f: {  	[tilespmem:s3+$0xFFFFFF00] =	vst v17  }
0x90: {  	v17 =	vld.idx.msk [tilespmem:v10+s25+$0x0], $0xffff;
	_ =	sdelay $0x4  }
0x91: {  	[tilespmem:s3+$0xFFFFFF10] =	vst v17  }
0x92: {  	v17 =	vld.idx.msk [tilespmem:v11+s25+$0x0], $0xffff;
	_ =	sdelay $0x4  }
0x93: {  	[tilespmem:s3+$0xFFFFFF20] =	vst v17  }
0x94: {  	v17 =	vld.idx.msk [tilespmem:v12+s25+$0x0], $0xffff;
	_ =	sdelay $0x4  }
0x95: {  	[tilespmem:s3+$0xFFFFFF30] =	vst v17  }
0x96: {  	v17 =	vld.idx.msk [tilespmem:v13+s25+$0x0], $0xffff;
	_ =	sdelay $0x4  }
0x97: {  	[tilespmem:s3+$0xFFFFFF80] =	vst v17  }
0x98: {  	v17 =	vld.idx.msk [tilespmem:v14+s25+$0x0], $0xffff;
	_ =	sdelay $0x4  }
0x99: {  	[tilespmem:s3+$0xFFFFFF90] =	vst v17  }
0x9a: {  	v17 =	vld.idx.msk [tilespmem:v15+s25+$0x0], $0xffff;
	_ =	sdelay $0x4  }
0x9b: {  	[tilespmem:s3+$0xFFFFFFA0] =	vst v17  }
0x9c: {  	v17 =	vld.idx.msk [tilespmem:v16+s25+$0x0], $0xffff;
	_ =	sdelay $0x4  }
0x9d: {  	s1 =	sadd.s32 @!p1 $0x301040, s5;
	s15 =	simm.s32 @!p1 $0x2180;
	[tilespmem:s3+$0xFFFFFFB0] =	vst v17  }
0x9e: {  	[tilespmem:s15], [sflag:$0x2] =	stream.strided.gather @!p1 [hbm4b:s1+s13], $0x2000, s14, s13, $0x38;
	[tilespmem:$0x14180] =	vst v63  }
0x9f: {  	_ =	swait.ge [sflag:s31], $0x2000  }
0xa0: {  	[sflag:s31] =	ssyncset.done $0x0  }
0xa1: {  	[sflag:s31] =	ssyncadd.s32 $0xFFFFE000  }
0xa2: {  	v17 =	vld.idx.msk [tilespmem:v1+s26+$0x0], $0xffff;
	_ =	sdelay $0x4  }
0xa3: {  	[tilespmem:s3+$0x0] =	vst v17  }
0xa4: {  	v17 =	vld.idx.msk [tilespmem:v2+s26+$0x0], $0xffff;
	_ =	sdelay $0x4  }
0xa5: {  	[tilespmem:s3+$0x10] =	vst v17  }
0xa6: {  	v17 =	vld.idx.msk [tilespmem:v3+s26+$0x0], $0xffff;
	_ =	sdelay $0x4  }
0xa7: {  	[tilespmem:s3+$0x20] =	vst v17  }
0xa8: {  	v17 =	vld.idx.msk [tilespmem:v4+s26+$0x0], $0xffff;
	_ =	sdelay $0x4  }
0xa9: {  	[tilespmem:s3+$0x30] =	vst v17  }
0xaa: {  	v17 =	vld.idx.msk [tilespmem:v5+s26+$0x0], $0xffff;
	_ =	sdelay $0x4  }
0xab: {  	[tilespmem:s3+$0x80] =	vst v17  }
0xac: {  	v17 =	vld.idx.msk [tilespmem:v6+s26+$0x0], $0xffff;
	_ =	sdelay $0x4  }
0xad: {  	[tilespmem:s3+$0x90] =	vst v17  }
0xae: {  	v17 =	vld.idx.msk [tilespmem:v7+s26+$0x0], $0xffff;
	_ =	sdelay $0x4  }
0xaf: {  	[tilespmem:s3+$0xA0] =	vst v17  }
0xb0: {  	v17 =	vld.idx.msk [tilespmem:v8+s26+$0x0], $0xffff;
	_ =	sdelay $0x4  }
0xb1: {  	[tilespmem:s3+$0xB0] =	vst v17  }
0xb2: {  	v17 =	vld.idx.msk [tilespmem:v9+s26+$0x0], $0xffff;
	_ =	sdelay $0x4  }
0xb3: {  	[tilespmem:s3+$0x100] =	vst v17  }
0xb4: {  	v17 =	vld.idx.msk [tilespmem:v10+s26+$0x0], $0xffff;
	_ =	sdelay $0x4  }
0xb5: {  	[tilespmem:s3+$0x110] =	vst v17  }
0xb6: {  	v17 =	vld.idx.msk [tilespmem:v11+s26+$0x0], $0xffff;
	_ =	sdelay $0x4  }
0xb7: {  	[tilespmem:s3+$0x120] =	vst v17  }
0xb8: {  	v17 =	vld.idx.msk [tilespmem:v12+s26+$0x0], $0xffff;
	_ =	sdelay $0x4  }
0xb9: {  	[tilespmem:s3+$0x130] =	vst v17  }
0xba: {  	v17 =	vld.idx.msk [tilespmem:v13+s26+$0x0], $0xffff;
	_ =	sdelay $0x4  }
0xbb: {  	[tilespmem:s3+$0x180] =	vst v17  }
0xbc: {  	v17 =	vld.idx.msk [tilespmem:v14+s26+$0x0], $0xffff;
	_ =	sdelay $0x4  }
0xbd: {  	[tilespmem:s3+$0x190] =	vst v17  }
0xbe: {  	v17 =	vld.idx.msk [tilespmem:v15+s26+$0x0], $0xffff;
	_ =	sdelay $0x4  }
0xbf: {  	[tilespmem:s3+$0x1A0] =	vst v17  }
0xc0: {  	v17 =	vld.idx.msk [tilespmem:v16+s26+$0x0], $0xffff;
	_ =	sdelay $0x4  }
0xc1: {  	s1 =	sadd.s32 @!p1 $0x301800, s5;
	s5 =	simm.s32 @!p1 $0x4180;
	[tilespmem:s3+$0x1B0] =	vst v17  }
0xc2: {  	[tilespmem:s5], [sflag:$0x3] =	stream.strided.gather @!p1 [hbm4b:s1+s13], $0x2000, s14, s13, $0x38;
	[tilespmem:$0x14180] =	vst v63  }
0xc3: {  	_ =	swait.ge [sflag:s0], $0x2000  }
0xc4: {  	[sflag:s0] =	ssyncset.done $0x0  }
0xc5: {  	[sflag:s0] =	ssyncadd.s32 $0xFFFFE000  }
0xc6: {  	v17 =	vld.idx.msk [tilespmem:v1+s28+$0x0], $0xffff;
	_ =	sdelay $0x4  }
0xc7: {  	[tilespmem:s3+$0x200] =	vst v17  }
0xc8: {  	v17 =	vld.idx.msk [tilespmem:v2+s28+$0x0], $0xffff;
	_ =	sdelay $0x4  }
0xc9: {  	[tilespmem:s3+$0x210] =	vst v17  }
0xca: {  	v17 =	vld.idx.msk [tilespmem:v3+s28+$0x0], $0xffff;
	_ =	sdelay $0x4  }
0xcb: {  	[tilespmem:s3+$0x220] =	vst v17  }
0xcc: {  	v17 =	vld.idx.msk [tilespmem:v4+s28+$0x0], $0xffff;
	_ =	sdelay $0x4  }
0xcd: {  	[tilespmem:s3+$0x230] =	vst v17  }
0xce: {  	v17 =	vld.idx.msk [tilespmem:v5+s28+$0x0], $0xffff;
	_ =	sdelay $0x4  }
0xcf: {  	[tilespmem:s3+$0x280] =	vst v17  }
0xd0: {  	v17 =	vld.idx.msk [tilespmem:v6+s28+$0x0], $0xffff;
	_ =	sdelay $0x4  }
0xd1: {  	[tilespmem:s3+$0x290] =	vst v17  }
0xd2: {  	v17 =	vld.idx.msk [tilespmem:v7+s28+$0x0], $0xffff;
	_ =	sdelay $0x4  }
0xd3: {  	[tilespmem:s3+$0x2A0] =	vst v17  }
0xd4: {  	v17 =	vld.idx.msk [tilespmem:v8+s28+$0x0], $0xffff;
	_ =	sdelay $0x4  }
0xd5: {  	[tilespmem:s3+$0x2B0] =	vst v17  }
0xd6: {  	v17 =	vld.idx.msk [tilespmem:v9+s28+$0x0], $0xffff;
	_ =	sdelay $0x4  }
0xd7: {  	[tilespmem:s3+$0x300] =	vst v17  }
0xd8: {  	v17 =	vld.idx.msk [tilespmem:v10+s28+$0x0], $0xffff;
	_ =	sdelay $0x4  }
0xd9: {  	[tilespmem:s3+$0x310] =	vst v17  }
0xda: {  	v17 =	vld.idx.msk [tilespmem:v11+s28+$0x0], $0xffff;
	_ =	sdelay $0x4  }
0xdb: {  	[tilespmem:s3+$0x320] =	vst v17  }
0xdc: {  	v17 =	vld.idx.msk [tilespmem:v12+s28+$0x0], $0xffff;
	_ =	sdelay $0x4  }
0xdd: {  	[tilespmem:s3+$0x330] =	vst v17  }
0xde: {  	v17 =	vld.idx.msk [tilespmem:v13+s28+$0x0], $0xffff;
	_ =	sdelay $0x4  }
0xdf: {  	[tilespmem:s3+$0x380] =	vst v17  }
0xe0: {  	v17 =	vld.idx.msk [tilespmem:v14+s28+$0x0], $0xffff;
	_ =	sdelay $0x4  }
0xe1: {  	[tilespmem:s3+$0x390] =	vst v17  }
0xe2: {  	v17 =	vld.idx.msk [tilespmem:v15+s28+$0x0], $0xffff;
	_ =	sdelay $0x4  }
0xe3: {  	s4 =	sadd.s32 $0x1000, s4;
	[tilespmem:s3+$0x3A0] =	vst v17  }
0xe4: {  	p1 =	sne.s32 s4, $0x8000;
	v17 =	vld.idx.msk [tilespmem:v16+s28+$0x0], $0xffff  }
.Ltmp0:
0xe5: {  	_ = 	snop;
	(pc) =	sbr.rel @p1 .LBB2_2-.Ltmp0, $2  }
0xe6: {  	_ =	sdelay $0x2  }
0xe7: {  	[tilespmem:s3+$0x3B0] =	vst v17;
	s3 =	sadd.s32 $0x800, s3  }
0xe8: {  	s4 =	simm.s32 $0x0;
	s1 =	simm.s32 $0x8180  }
0xe9: {  	[hbm4b:s16+s4] =	stream.linear.scatter [tilespmem:s1], [sflag:$0x6], $0x4000, $0x38;
	[tilespmem:$0x14180] =	vst v63  }
0xea: {  	_ =	swait.ge [sflag:s20], $0x4000  }
0xeb: {  	[sflag:s20] =	ssyncset.done $0x0  }
0xec: {  	s1 =	simm.s32 @!p0 $0x5;
	[sflag:s20] =	ssyncadd.s32 $0xFFFFC000  }
0xed: {  	_ =	swait.ge @!p0 [sflag:s1], $0x8000  }
0xee: {  	s3 =	simm.s32 @!p0 $0xC180;
	s2 =	sadd.s32 $0x1, s2;
	[sflag:s1] =	ssyncset.done @!p0 $0x0  }
0xef: {  	p1 =	sne.s32 s2, s18;
	[sflag:s1] =	ssyncadd.s32 @!p0 $0xFFFF8000;
	s1 =	simm.s32 @!p0 $0x0  }
0xf0: {  	[hbm4b:s17+s1] =	stream.linear.scatter @!p0 [tilespmem:s3], [sflag:$0x6], $0x8000, $0x38;
	[tilespmem:$0x14180] =	vst v63  }
.Ltmp1:
0xf1: {  	_ = 	snop;
	(pc) =	sbr.rel @p1 .LBB2_1-.Ltmp1, $4  }
0xf2: {  	s1 =	simm.s32 @!p0 $0x6  }
0xf3: {  	_ =	swait.ge @!p0 [sflag:s1], $0x8000  }
0xf4: {  	[sflag:s1] =	ssyncset.done @!p0 $0x0  }
0xf5: {  	[sflag:s1] =	ssyncadd.s32 @!p0 $0xFFFF8000  }
0xf6: {  	_ =	sfence.sel $0x180000  }
0xf7: {  	[bflag:$0x0] =	sbarrier.arrive $0xFFFF  }
0xf8: {  	_ =	strace $0x90000047  }
0xf9: {  	s0 =	stileid.u32;
	[bflag:$0x2] =	sbarrier.arrive $0xFFFF  }
0xfa: {  	p0 =	sne.s32 s0, $0x0;
	s0 =	rddreg [dreg:$0x2]  }
0xfb: {  	s0 =	sadd.s32 @!p0 $0x100000, s0  }
0xfc: {  	[sflag:s0] =	ssyncadd.tile.s32 @!p0 $0x1;
	_ =	shalt  }
.Lfunc_end2:
_tile_overlayer_lowered:
.L_overlay_start_2:
0xfd: {  	(tag) =	ssettag $0x2  }
0xfe: {  	s0 =	rddreg [dreg:$0x0];
	s2 =	stileid.u32  }
0xff: {  	s1 =	rddreg [dreg:$0x1];
	p0 =	sne.s32 s2, $0x0  }
0x100: {  	s3 =	rddreg [dreg:$0x2];
	[bflag:$0x3] =	sbarrier.arrive $0xFFFF;
	s2 =	simm.s32 @!p0 $0x1C06  }
0x101: {  	[timem:s3], [sflag:s2] =	dma.local @!p0 [hbm:s0], s1  }
0x102: {  	s0 =	simm.s32 @!p0 $0x6  }
0x103: {  	_ =	swait.ge @!p0 [sflag:s0], s1  }
0x104: {  	s1 =	ssub.s32 @!p0 $0x0, s1;
	[sflag:s0] =	ssyncset.done @!p0 $0x0  }
0x105: {  	[sflag:s0] =	ssyncadd.s32 @!p0 s1  }
0x106: {  	[bflag:$0x3] =	sbarrier.arrive $0xFFFF  }
0x107: {  	_ =	shalt  }

</sc_bundles>
